<compile_context>
chip_gen: v7x
topology: tpu7x:2x2x1
jax: 0.10.2.dev20260603
libtpu: 0.0.44.dev20260713+nightly
codegen_flags: <defaults>
</compile_context>

<pallas_src>
import functools

import jax
import jax.numpy as jnp
from jax import lax
from jax.experimental import pallas as pl
from jax.experimental.pallas import tpu as pltpu
from jax.experimental.pallas import tpu_sc as plsc

B, L, D = 4096, 200, 128
CHUNKS = ((0, 104), (104, 96))
NBUF = 3
NC, NS = 2, 16
NW = NC * NS
RPW = B // NW

_mesh = plsc.VectorSubcoreMesh(core_axis_name="c", subcore_axis_name="s")


@functools.partial(
    pl.kernel,
    out_type=jax.ShapeDtypeStruct((B, L, D), jnp.float32),
    mesh=_mesh,
    scratch_types=[
        pltpu.VMEM((4 * L,), jnp.int32),
        pltpu.VMEM((L, D), jnp.float32),
        pltpu.VMEM((NBUF, L, D), jnp.float32),
        pltpu.SemaphoreType.DMA,
        pltpu.SemaphoreType.DMA,
        pltpu.SemaphoreType.DMA,
        pltpu.SemaphoreType.DMA,
        pltpu.SemaphoreType.DMA,
        pltpu.SemaphoreType.DMA,
        pltpu.SemaphoreType.DMA,
        pltpu.SemaphoreType.DMA,
        pltpu.SemaphoreType.DMA,
    ],
)
def _embed(ids_hbm, pos_hbm, posres_hbm, table_hbm, out_hbm,
           idx_v, tmpl_v, dest_v, g0, g1, g2, o0, o1, o2, i0, i1, i2):
    gsem = (g0, g1, g2)
    osem = (o0, o1, o2)
    isem = (i0, i1, i2)
    wid = lax.axis_index("s") * NC + lax.axis_index("c")
    row0 = wid * RPW

    pltpu.sync_copy(posres_hbm.at[pl.ds(0, L)], tmpl_v)
    pltpu.sync_copy(pos_hbm.at[pl.ds(0, 24)], dest_v.at[0, pl.ds(0, 24)])
    for j in range(20):
        for k in range(D // 16):
            tmpl_v[j, pl.ds(16 * k, 16)] = dest_v[0, j, pl.ds(16 * k, 16)]

    def idx_load(r, p):
        pltpu.async_copy(
            ids_hbm.at[pl.ds((row0 + r) * L, L)],
            idx_v.at[pl.ds((r & 3) * L, L)],
            isem[p],
        )

    def wait_idx(r, p):
        pltpu.make_async_copy(
            ids_hbm.at[pl.ds(0, L)], idx_v.at[pl.ds(0, L)], isem[p]
        ).wait()

    def gathers(i, b):
        base = (i & 3) * L
        for off, ln in CHUNKS:
            pltpu.async_copy(
                table_hbm.at[idx_v.at[pl.ds(base + off, ln)]],
                dest_v.at[b, pl.ds(off, ln)],
                gsem[b],
            )

    def wait_g(b):
        pltpu.make_async_copy(out_hbm.at[0], dest_v.at[b], gsem[b]).wait()

    def add_tmpl(b):
        @plsc.parallel_loop(0, L, 2, unroll=4)
        def _(j):
            for r in (0, 1):
                for k in range(D // 16):
                    t = tmpl_v[j + r, pl.ds(16 * k, 16)]
                    plsc.addupdate(dest_v.at[b, j + r, pl.ds(16 * k, 16)], t)

    def put_out(i, b):
        pltpu.async_copy(dest_v.at[b, pl.ds(0, 96)],
                         out_hbm.at[row0 + i, pl.ds(0, 96)], osem[b])
        pltpu.async_copy(dest_v.at[b, pl.ds(96, 104)],
                         out_hbm.at[row0 + i, pl.ds(96, 104)], osem[b])

    def wait_o(b):
        pltpu.make_async_copy(dest_v.at[b], out_hbm.at[0], osem[b]).wait()

    pltpu.sync_copy(ids_hbm.at[pl.ds(row0 * L, L)], idx_v.at[pl.ds(0, L)])
    gathers(0, 0)
    idx_load(1, 1)

    def outer(g, carry):
        for r in range(NBUF):
            i = NBUF * g + r
            nb = (r + 1) % NBUF
            nxt = i + 1

            @pl.when(nxt < RPW)
            def _():
                @pl.when(nxt >= NBUF)
                def _():
                    wait_o(nb)

                wait_idx(nxt, nb)
                gathers(nxt, nb)

                @pl.when(nxt + 1 < RPW)
                def _():
                    idx_load(nxt + 1, (r + 2) % NBUF)

            @pl.when(i < RPW)
            def _():
                wait_g(r)
                add_tmpl(r)
                put_out(i, r)
        return carry

    lax.fori_loop(0, (RPW + NBUF - 1) // NBUF, outer, 0)
    wait_o(0)
    wait_o(1)
    wait_o(2)


def kernel(input_ids, token_embedding, position_embedding, position_embedding_res):
    ids = input_ids.astype(jnp.int32).reshape(B * L)
    return _embed(ids, position_embedding, position_embedding_res, token_embedding)

# --- scband reference (transcript-rebuilt; emitter-appended) ---
"""Pipeline reference for scband-extend-text-embeddings-77369540870737 (READ-ONLY COPY).

The authoritative reference and input builder live on the scoring server;
editing this copy changes nothing except your own understanding.
"""

import jax, jax.numpy as jnp
import numpy as np

VOCAB = 1000000
EMBED_DIM = 128
BATCH = 4096
SEQ = 200
MAX_POS = 248


def setup_inputs(seed: int = 0) -> dict:
    key = jax.random.key(seed)
    k1, k2, k3, k4 = jax.random.split(key, 4)
    input_ids = jax.random.randint(k1, (BATCH, SEQ), 0, VOCAB, dtype=jnp.int64 if jax.config.jax_enable_x64 else jnp.int32)
    token_embedding = jax.random.normal(k2, (VOCAB, EMBED_DIM), dtype=jnp.float32) * 0.02
    position_embedding = jax.random.normal(k3, (MAX_POS, EMBED_DIM), dtype=jnp.float32) * 0.01
    position_embedding_res = jax.random.normal(k4, (MAX_POS, EMBED_DIM), dtype=jnp.float32) * 0.01
    return {
        "input_ids": input_ids,
        "token_embedding": token_embedding,
        "position_embedding": position_embedding,
        "position_embedding_res": position_embedding_res,
    }


def reference(input_ids, token_embedding, position_embedding, position_embedding_res):
    # token embedding lookup (gather)
    inputs_embeds = jnp.take(token_embedding, input_ids, axis=0)  # [B, L, D]
    input_len = inputs_embeds.shape[1]
    # fixed masks: first 20 positions use position_embedding, the rest use position_embedding_res
    mask1 = jnp.zeros((MAX_POS, 1), dtype=jnp.float32).at[:20, :].set(1.0)
    mask2 = jnp.zeros((MAX_POS, 1), dtype=jnp.float32).at[20:, :].set(1.0)
    position_embeddings = (
        position_embedding[:input_len] * mask1[:input_len]
        + position_embedding_res[:input_len] * mask2[:input_len]
    ).astype(inputs_embeds.dtype)
    embeddings = inputs_embeds + position_embeddings[None, :, :]
    return embeddings

if __name__ == "__main__":
    import jax
    _d = setup_inputs()
    print(jax.jit(kernel)(*tuple(_d.values())))

</pallas_src>

<mosaic_0001>
#map = affine_map<(d0, d1) -> (0)>
#map1 = affine_map<(d0, d1) -> (0, 0)>
#map2 = affine_map<(d0, d1) -> (0, 0, 0)>
module attributes {stable_mosaic.version = 14 : i64} {
  func.func @_embed(%arg0: i32, %arg1: i32, %arg2: memref<819200xi32, #tpu.memory_space<hbm>>, %arg3: memref<248x128xf32, #tpu.memory_space<hbm>>, %arg4: memref<248x128xf32, #tpu.memory_space<hbm>>, %arg5: memref<1000000x128xf32, #tpu.memory_space<hbm>>, %arg6: memref<4096x200x128xf32, #tpu.memory_space<hbm>>, %arg7: memref<800xi32, #tpu.memory_space<vmem>>, %arg8: memref<200x128xf32, #tpu.memory_space<vmem>>, %arg9: memref<3x200x128xf32, #tpu.memory_space<vmem>>, %arg10: memref<!tpu.dma_semaphore, #tpu.memory_space<semaphore_mem>>, %arg11: memref<!tpu.dma_semaphore, #tpu.memory_space<semaphore_mem>>, %arg12: memref<!tpu.dma_semaphore, #tpu.memory_space<semaphore_mem>>, %arg13: memref<!tpu.dma_semaphore, #tpu.memory_space<semaphore_mem>>, %arg14: memref<!tpu.dma_semaphore, #tpu.memory_space<semaphore_mem>>, %arg15: memref<!tpu.dma_semaphore, #tpu.memory_space<semaphore_mem>>, %arg16: memref<!tpu.dma_semaphore, #tpu.memory_space<semaphore_mem>>, %arg17: memref<!tpu.dma_semaphore, #tpu.memory_space<semaphore_mem>>, %arg18: memref<!tpu.dma_semaphore, #tpu.memory_space<semaphore_mem>>) attributes {dimension_semantics = [#tpu.dimension_semantics<core_parallel>, #tpu.dimension_semantics<subcore_parallel>], iteration_bounds = array<i64: 2, 16>, scalar_prefetch = 0 : i64, scratch_operands = 12 : i64, tpu.core_type = #tpu.core_type<sc_vector_subcore>, window_params = [{transform_indices = #map}, {transform_indices = #map1}, {transform_indices = #map1}, {transform_indices = #map1}, {transform_indices = #map2}]} {
    %mul3A = arith.constant 2 : i32
    %mul3A_0 = arith.muli %arg1, %mul3A : i32
    %add3A = arith.addi %mul3A_0, %arg0 : i32
    %mul3A_1 = arith.constant 128 : i32
    %mul3A_2 = arith.muli %add3A, %mul3A_1 : i32
    "tpu.region"() ({
      %run_scoped3A_2170 = tpu.sem_alloc : memref<!tpu.dma_semaphore, #tpu.memory_space<semaphore_mem>>
      %dma_start3A_2171 = arith.constant 0 : i32
      %dma_start3A_2172 = arith.constant 0 : i32
      %dma_start3A_2173 = tpu.memref_slice %arg4[%dma_start3A_2171, %dma_start3A_2172] : memref<248x128xf32, #tpu.memory_space<hbm>> -> memref<200x128xf32, #tpu.memory_space<hbm>>
      %dma_start3A_2174 = arith.constant 0 : i32
      %dma_start3A_2175 = arith.constant 0 : i32
      %dma_start3A_2176 = tpu.memref_slice %arg4[%dma_start3A_2174, %dma_start3A_2175] : memref<248x128xf32, #tpu.memory_space<hbm>> -> memref<200x128xf32, #tpu.memory_space<hbm>>
      tpu.enqueue_dma source(%dma_start3A_2176 : memref<200x128xf32, #tpu.memory_space<hbm>>) target(%arg8 : memref<200x128xf32, #tpu.memory_space<vmem>>) target_semaphore(%run_scoped3A_2170 : memref<!tpu.dma_semaphore, #tpu.memory_space<semaphore_mem>>)
      %dma_wait3A_2177 = arith.constant 0 : i32
      %dma_wait3A_2178 = arith.constant 0 : i32
      %dma_wait3A_2179 = tpu.memref_slice %arg4[%dma_wait3A_2177, %dma_wait3A_2178] : memref<248x128xf32, #tpu.memory_space<hbm>> -> memref<200x128xf32, #tpu.memory_space<hbm>>
      %dma_wait3A_2180 = arith.constant 0 : i32
      %dma_wait3A_2181 = arith.constant 0 : i32
      %dma_wait3A_2182 = tpu.memref_slice %arg4[%dma_wait3A_2180, %dma_wait3A_2181] : memref<248x128xf32, #tpu.memory_space<hbm>> -> memref<200x128xf32, #tpu.memory_space<hbm>>
      tpu.wait_dma2 semaphore(%run_scoped3A_2170 : memref<!tpu.dma_semaphore, #tpu.memory_space<semaphore_mem>>) src(%dma_wait3A_2182 : memref<200x128xf32, #tpu.memory_space<hbm>>) dst(%arg8 : memref<200x128xf32, #tpu.memory_space<vmem>>)
      tpu.yield
    }) : () -> ()
    %run_scoped3A = arith.constant 0 : i32
    "tpu.region"() ({
      %run_scoped3A_2170 = tpu.sem_alloc : memref<!tpu.dma_semaphore, #tpu.memory_space<semaphore_mem>>
      %dma_start3A_2171 = arith.constant 0 : i32
      %dma_start3A_2172 = arith.constant 0 : i32
      %dma_start3A_2173 = tpu.memref_slice %arg9[%run_scoped3A, %dma_start3A_2171, %dma_start3A_2172] : memref<3x200x128xf32, #tpu.memory_space<vmem>> -> memref<1x24x128xf32, #tpu.memory_space<vmem>>
      %dma_start3A_2174 = tpu.memref_squeeze %dma_start3A_2173 : memref<1x24x128xf32, #tpu.memory_space<vmem>> -> memref<24x128xf32, #tpu.memory_space<vmem>>
      %dma_start3A_2175 = arith.constant 0 : i32
      %dma_start3A_2176 = arith.constant 0 : i32
      %dma_start3A_2177 = tpu.memref_slice %arg3[%dma_start3A_2175, %dma_start3A_2176] : memref<248x128xf32, #tpu.memory_space<hbm>> -> memref<24x128xf32, #tpu.memory_space<hbm>>
      %dma_start3A_2178 = arith.constant 0 : i32
      %dma_start3A_2179 = arith.constant 0 : i32
      %dma_start3A_2180 = tpu.memref_slice %arg9[%run_scoped3A, %dma_start3A_2178, %dma_start3A_2179] : memref<3x200x128xf32, #tpu.memory_space<vmem>> -> memref<1x24x128xf32, #tpu.memory_space<vmem>>
      %dma_start3A_2181 = tpu.memref_squeeze %dma_start3A_2180 : memref<1x24x128xf32, #tpu.memory_space<vmem>> -> memref<24x128xf32, #tpu.memory_space<vmem>>
      %dma_start3A_2182 = arith.constant 0 : i32
      %dma_start3A_2183 = arith.constant 0 : i32
      %dma_start3A_2184 = tpu.memref_slice %arg3[%dma_start3A_2182, %dma_start3A_2183] : memref<248x128xf32, #tpu.memory_space<hbm>> -> memref<24x128xf32, #tpu.memory_space<hbm>>
      tpu.enqueue_dma source(%dma_start3A_2184 : memref<24x128xf32, #tpu.memory_space<hbm>>) target(%dma_start3A_2181 : memref<24x128xf32, #tpu.memory_space<vmem>>) target_semaphore(%run_scoped3A_2170 : memref<!tpu.dma_semaphore, #tpu.memory_space<semaphore_mem>>)
      %dma_wait3A_2185 = arith.constant 0 : i32
      %dma_wait3A_2186 = arith.constant 0 : i32
      %dma_wait3A_2187 = tpu.memref_slice %arg9[%run_scoped3A, %dma_wait3A_2185, %dma_wait3A_2186] : memref<3x200x128xf32, #tpu.memory_space<vmem>> -> memref<1x24x128xf32, #tpu.memory_space<vmem>>
      %dma_wait3A_2188 = tpu.memref_squeeze %dma_wait3A_2187 : memref<1x24x128xf32, #tpu.memory_space<vmem>> -> memref<24x128xf32, #tpu.memory_space<vmem>>
      %dma_wait3A_2189 = arith.constant 0 : i32
      %dma_wait3A_2190 = arith.constant 0 : i32
      %dma_wait3A_2191 = tpu.memref_slice %arg3[%dma_wait3A_2189, %dma_wait3A_2190] : memref<248x128xf32, #tpu.memory_space<hbm>> -> memref<24x128xf32, #tpu.memory_space<hbm>>
      %dma_wait3A_2192 = arith.constant 0 : i32
      %dma_wait3A_2193 = arith.constant 0 : i32
      %dma_wait3A_2194 = tpu.memref_slice %arg9[%run_scoped3A, %dma_wait3A_2192, %dma_wait3A_2193] : memref<3x200x128xf32, #tpu.memory_space<vmem>> -> memref<1x24x128xf32, #tpu.memory_space<vmem>>
      %dma_wait3A_2195 = tpu.memref_squeeze %dma_wait3A_2194 : memref<1x24x128xf32, #tpu.memory_space<vmem>> -> memref<24x128xf32, #tpu.memory_space<vmem>>
      %dma_wait3A_2196 = arith.constant 0 : i32
      %dma_wait3A_2197 = arith.constant 0 : i32
      %dma_wait3A_2198 = tpu.memref_slice %arg3[%dma_wait3A_2196, %dma_wait3A_2197] : memref<248x128xf32, #tpu.memory_space<hbm>> -> memref<24x128xf32, #tpu.memory_space<hbm>>
      tpu.wait_dma2 semaphore(%run_scoped3A_2170 : memref<!tpu.dma_semaphore, #tpu.memory_space<semaphore_mem>>) src(%dma_wait3A_2198 : memref<24x128xf32, #tpu.memory_space<hbm>>) dst(%dma_wait3A_2195 : memref<24x128xf32, #tpu.memory_space<vmem>>)
      tpu.yield
    }) : () -> ()
    %get3A = arith.constant 0 : i32
    %get3A_3 = arith.constant 0 : i32
    %get3A_4 = arith.index_cast %get3A : i32 to index
    %get3A_5 = arith.index_cast %get3A_3 : i32 to index
    %get3A_6 = arith.constant 0 : index
    %get3A_7 = tpu.vector_load %arg9[%get3A_4, %get3A_5, %get3A_6] {strides = array<i32>} : memref<3x200x128xf32, #tpu.memory_space<vmem>>, vector<1x1x16xf32>,
    %get3A_8 = vector.shape_cast %get3A_7 : vector<1x1x16xf32> to vector<16xf32>
    %swap3A = arith.constant 0 : i32
    %swap3A_9 = arith.index_cast %swap3A : i32 to index
    %swap3A_10 = arith.constant 0 : index
    %swap3A_11 = tpu.vector_load %arg8[%swap3A_9, %swap3A_10] {strides = array<i32>} : memref<200x128xf32, #tpu.memory_space<vmem>>, vector<1x16xf32>,
    %swap3A_12 = vector.shape_cast %swap3A_11 : vector<1x16xf32> to vector<16xf32>
    %swap3A_13 = vector.shape_cast %get3A_8 : vector<16xf32> to vector<1x16xf32>
    tpu.vector_store %arg8[%swap3A_9, %swap3A_10], %swap3A_13 {strides = array<i32>} : memref<200x128xf32, #tpu.memory_space<vmem>>, vector<1x16xf32>,
    %get3A_14 = arith.constant 0 : i32
    %get3A_15 = arith.constant 0 : i32
    %get3A_16 = arith.index_cast %get3A_14 : i32 to index
    %get3A_17 = arith.index_cast %get3A_15 : i32 to index
    %get3A_18 = arith.constant 16 : index
    %get3A_19 = tpu.vector_load %arg9[%get3A_16, %get3A_17, %get3A_18] {strides = array<i32>} : memref<3x200x128xf32, #tpu.memory_space<vmem>>, vector<1x1x16xf32>,
    %get3A_20 = vector.shape_cast %get3A_19 : vector<1x1x16xf32> to vector<16xf32>
    %swap3A_21 = arith.constant 0 : i32
    %swap3A_22 = arith.index_cast %swap3A_21 : i32 to index
    %swap3A_23 = arith.constant 16 : index
    %swap3A_24 = tpu.vector_load %arg8[%swap3A_22, %swap3A_23] {strides = array<i32>} : memref<200x128xf32, #tpu.memory_space<vmem>>, vector<1x16xf32>,
    %swap3A_25 = vector.shape_cast %swap3A_24 : vector<1x16xf32> to vector<16xf32>
    %swap3A_26 = vector.shape_cast %get3A_20 : vector<16xf32> to vector<1x16xf32>
    tpu.vector_store %arg8[%swap3A_22, %swap3A_23], %swap3A_26 {strides = array<i32>} : memref<200x128xf32, #tpu.memory_space<vmem>>, vector<1x16xf32>,
    %get3A_27 = arith.constant 0 : i32
    %get3A_28 = arith.constant 0 : i32
    %get3A_29 = arith.index_cast %get3A_27 : i32 to index
    %get3A_30 = arith.index_cast %get3A_28 : i32 to index
    %get3A_31 = arith.constant 32 : index
    %get3A_32 = tpu.vector_load %arg9[%get3A_29, %get3A_30, %get3A_31] {strides = array<i32>} : memref<3x200x128xf32, #tpu.memory_space<vmem>>, vector<1x1x16xf32>,
    %get3A_33 = vector.shape_cast %get3A_32 : vector<1x1x16xf32> to vector<16xf32>
    %swap3A_34 = arith.constant 0 : i32
    %swap3A_35 = arith.index_cast %swap3A_34 : i32 to index
    %swap3A_36 = arith.constant 32 : index
    %swap3A_37 = tpu.vector_load %arg8[%swap3A_35, %swap3A_36] {strides = array<i32>} : memref<200x128xf32, #tpu.memory_space<vmem>>, vector<1x16xf32>,
    %swap3A_38 = vector.shape_cast %swap3A_37 : vector<1x16xf32> to vector<16xf32>
    %swap3A_39 = vector.shape_cast %get3A_33 : vector<16xf32> to vector<1x16xf32>
    tpu.vector_store %arg8[%swap3A_35, %swap3A_36], %swap3A_39 {strides = array<i32>} : memref<200x128xf32, #tpu.memory_space<vmem>>, vector<1x16xf32>,
    %get3A_40 = arith.constant 0 : i32
    %get3A_41 = arith.constant 0 : i32
    %get3A_42 = arith.index_cast %get3A_40 : i32 to index
    %get3A_43 = arith.index_cast %get3A_41 : i32 to index
    %get3A_44 = arith.constant 48 : index
    %get3A_45 = tpu.vector_load %arg9[%get3A_42, %get3A_43, %get3A_44] {strides = array<i32>} : memref<3x200x128xf32, #tpu.memory_space<vmem>>, vector<1x1x16xf32>,
    %get3A_46 = vector.shape_cast %get3A_45 : vector<1x1x16xf32> to vector<16xf32>
    %swap3A_47 = arith.constant 0 : i32
    %swap3A_48 = arith.index_cast %swap3A_47 : i32 to index
    %swap3A_49 = arith.constant 48 : index
    %swap3A_50 = tpu.vector_load %arg8[%swap3A_48, %swap3A_49] {strides = array<i32>} : memref<200x128xf32, #tpu.memory_space<vmem>>, vector<1x16xf32>,
    %swap3A_51 = vector.shape_cast %swap3A_50 : vector<1x16xf32> to vector<16xf32>
    %swap3A_52 = vector.shape_cast %get3A_46 : vector<16xf32> to vector<1x16xf32>
    tpu.vector_store %arg8[%swap3A_48, %swap3A_49], %swap3A_52 {strides = array<i32>} : memref<200x128xf32, #tpu.memory_space<vmem>>, vector<1x16xf32>,
    %get3A_53 = arith.constant 0 : i32
    %get3A_54 = arith.constant 0 : i32
    %get3A_55 = arith.index_cast %get3A_53 : i32 to index
    %get3A_56 = arith.index_cast %get3A_54 : i32 to index
    %get3A_57 = arith.constant 64 : index
    %get3A_58 = tpu.vector_load %arg9[%get3A_55, %get3A_56, %get3A_57] {strides = array<i32>} : memref<3x200x128xf32, #tpu.memory_space<vmem>>, vector<1x1x16xf32>,
    %get3A_59 = vector.shape_cast %get3A_58 : vector<1x1x16xf32> to vector<16xf32>
    %swap3A_60 = arith.constant 0 : i32
    %swap3A_61 = arith.index_cast %swap3A_60 : i32 to index
    %swap3A_62 = arith.constant 64 : index
    %swap3A_63 = tpu.vector_load %arg8[%swap3A_61, %swap3A_62] {strides = array<i32>} : memref<200x128xf32, #tpu.memory_space<vmem>>, vector<1x16xf32>,
    %swap3A_64 = vector.shape_cast %swap3A_63 : vector<1x16xf32> to vector<16xf32>
    %swap3A_65 = vector.shape_cast %get3A_59 : vector<16xf32> to vector<1x16xf32>
    tpu.vector_store %arg8[%swap3A_61, %swap3A_62], %swap3A_65 {strides = array<i32>} : memref<200x128xf32, #tpu.memory_space<vmem>>, vector<1x16xf32>,
    %get3A_66 = arith.constant 0 : i32
    %get3A_67 = arith.constant 0 : i32
    %get3A_68 = arith.index_cast %get3A_66 : i32 to index
    %get3A_69 = arith.index_cast %get3A_67 : i32 to index
    %get3A_70 = arith.constant 80 : index
    %get3A_71 = tpu.vector_load %arg9[%get3A_68, %get3A_69, %get3A_70] {strides = array<i32>} : memref<3x200x128xf32, #tpu.memory_space<vmem>>, vector<1x1x16xf32>,
    %get3A_72 = vector.shape_cast %get3A_71 : vector<1x1x16xf32> to vector<16xf32>
    %swap3A_73 = arith.constant 0 : i32
    %swap3A_74 = arith.index_cast %swap3A_73 : i32 to index
    %swap3A_75 = arith.constant 80 : index
    %swap3A_76 = tpu.vector_load %arg8[%swap3A_74, %swap3A_75] {strides = array<i32>} : memref<200x128xf32, #tpu.memory_space<vmem>>, vector<1x16xf32>,
    %swap3A_77 = vector.shape_cast %swap3A_76 : vector<1x16xf32> to vector<16xf32>
    %swap3A_78 = vector.shape_cast %get3A_72 : vector<16xf32> to vector<1x16xf32>
    tpu.vector_store %arg8[%swap3A_74, %swap3A_75], %swap3A_78 {strides = array<i32>} : memref<200x128xf32, #tpu.memory_space<vmem>>, vector<1x16xf32>,
    %get3A_79 = arith.constant 0 : i32
    %get3A_80 = arith.constant 0 : i32
    %get3A_81 = arith.index_cast %get3A_79 : i32 to index
    %get3A_82 = arith.index_cast %get3A_80 : i32 to index
    %get3A_83 = arith.constant 96 : index
    %get3A_84 = tpu.vector_load %arg9[%get3A_81, %get3A_82, %get3A_83] {strides = array<i32>} : memref<3x200x128xf32, #tpu.memory_space<vmem>>, vector<1x1x16xf32>,
    %get3A_85 = vector.shape_cast %get3A_84 : vector<1x1x16xf32> to vector<16xf32>
    %swap3A_86 = arith.constant 0 : i32
    %swap3A_87 = arith.index_cast %swap3A_86 : i32 to index
    %swap3A_88 = arith.constant 96 : index
    %swap3A_89 = tpu.vector_load %arg8[%swap3A_87, %swap3A_88] {strides = array<i32>} : memref<200x128xf32, #tpu.memory_space<vmem>>, vector<1x16xf32>,
    %swap3A_90 = vector.shape_cast %swap3A_89 : vector<1x16xf32> to vector<16xf32>
    %swap3A_91 = vector.shape_cast %get3A_85 : vector<16xf32> to vector<1x16xf32>
    tpu.vector_store %arg8[%swap3A_87, %swap3A_88], %swap3A_91 {strides = array<i32>} : memref<200x128xf32, #tpu.memory_space<vmem>>, vector<1x16xf32>,
    %get3A_92 = arith.constant 0 : i32
    %get3A_93 = arith.constant 0 : i32
    %get3A_94 = arith.index_cast %get3A_92 : i32 to index
    %get3A_95 = arith.index_cast %get3A_93 : i32 to index
    %get3A_96 = arith.constant 112 : index
    %get3A_97 = tpu.vector_load %arg9[%get3A_94, %get3A_95, %get3A_96] {strides = array<i32>} : memref<3x200x128xf32, #tpu.memory_space<vmem>>, vector<1x1x16xf32>,
    %get3A_98 = vector.shape_cast %get3A_97 : vector<1x1x16xf32> to vector<16xf32>
    %swap3A_99 = arith.constant 0 : i32
    %swap3A_100 = arith.index_cast %swap3A_99 : i32 to index
    %swap3A_101 = arith.constant 112 : index
    %swap3A_102 = tpu.vector_load %arg8[%swap3A_100, %swap3A_101] {strides = array<i32>} : memref<200x128xf32, #tpu.memory_space<vmem>>, vector<1x16xf32>,
    %swap3A_103 = vector.shape_cast %swap3A_102 : vector<1x16xf32> to vector<16xf32>
    %swap3A_104 = vector.shape_cast %get3A_98 : vector<16xf32> to vector<1x16xf32>
    tpu.vector_store %arg8[%swap3A_100, %swap3A_101], %swap3A_104 {strides = array<i32>} : memref<200x128xf32, #tpu.memory_space<vmem>>, vector<1x16xf32>,
    %get3A_105 = arith.constant 0 : i32
    %get3A_106 = arith.constant 1 : i32
    %get3A_107 = arith.index_cast %get3A_105 : i32 to index
    %get3A_108 = arith.index_cast %get3A_106 : i32 to index
    %get3A_109 = arith.constant 0 : index
    %get3A_110 = tpu.vector_load %arg9[%get3A_107, %get3A_108, %get3A_109] {strides = array<i32>} : memref<3x200x128xf32, #tpu.memory_space<vmem>>, vector<1x1x16xf32>,
    %get3A_111 = vector.shape_cast %get3A_110 : vector<1x1x16xf32> to vector<16xf32>
    %swap3A_112 = arith.constant 1 : i32
    %swap3A_113 = arith.index_cast %swap3A_112 : i32 to index
    %swap3A_114 = arith.constant 0 : index
    %swap3A_115 = tpu.vector_load %arg8[%swap3A_113, %swap3A_114] {strides = array<i32>} : memref<200x128xf32, #tpu.memory_space<vmem>>, vector<1x16xf32>,
    %swap3A_116 = vector.shape_cast %swap3A_115 : vector<1x16xf32> to vector<16xf32>
    %swap3A_117 = vector.shape_cast %get3A_111 : vector<16xf32> to vector<1x16xf32>
    tpu.vector_store %arg8[%swap3A_113, %swap3A_114], %swap3A_117 {strides = array<i32>} : memref<200x128xf32, #tpu.memory_space<vmem>>, vector<1x16xf32>,
    %get3A_118 = arith.constant 0 : i32
    %get3A_119 = arith.constant 1 : i32
    %get3A_120 = arith.index_cast %get3A_118 : i32 to index
    %get3A_121 = arith.index_cast %get3A_119 : i32 to index
    %get3A_122 = arith.constant 16 : index
    %get3A_123 = tpu.vector_load %arg9[%get3A_120, %get3A_121, %get3A_122] {strides = array<i32>} : memref<3x200x128xf32, #tpu.memory_space<vmem>>, vector<1x1x16xf32>,
    %get3A_124 = vector.shape_cast %get3A_123 : vector<1x1x16xf32> to vector<16xf32>
    %swap3A_125 = arith.constant 1 : i32
    %swap3A_126 = arith.index_cast %swap3A_125 : i32 to index
    %swap3A_127 = arith.constant 16 : index
    %swap3A_128 = tpu.vector_load %arg8[%swap3A_126, %swap3A_127] {strides = array<i32>} : memref<200x128xf32, #tpu.memory_space<vmem>>, vector<1x16xf32>,
    %swap3A_129 = vector.shape_cast %swap3A_128 : vector<1x16xf32> to vector<16xf32>
    %swap3A_130 = vector.shape_cast %get3A_124 : vector<16xf32> to vector<1x16xf32>
    tpu.vector_store %arg8[%swap3A_126, %swap3A_127], %swap3A_130 {strides = array<i32>} : memref<200x128xf32, #tpu.memory_space<vmem>>, vector<1x16xf32>,
    %get3A_131 = arith.constant 0 : i32
    %get3A_132 = arith.constant 1 : i32
    %get3A_133 = arith.index_cast %get3A_131 : i32 to index
    %get3A_134 = arith.index_cast %get3A_132 : i32 to index
    %get3A_135 = arith.constant 32 : index
    %get3A_136 = tpu.vector_load %arg9[%get3A_133, %get3A_134, %get3A_135] {strides = array<i32>} : memref<3x200x128xf32, #tpu.memory_space<vmem>>, vector<1x1x16xf32>,
    %get3A_137 = vector.shape_cast %get3A_136 : vector<1x1x16xf32> to vector<16xf32>
    %swap3A_138 = arith.constant 1 : i32
    %swap3A_139 = arith.index_cast %swap3A_138 : i32 to index
    %swap3A_140 = arith.constant 32 : index
    %swap3A_141 = tpu.vector_load %arg8[%swap3A_139, %swap3A_140] {strides = array<i32>} : memref<200x128xf32, #tpu.memory_space<vmem>>, vector<1x16xf32>,
    %swap3A_142 = vector.shape_cast %swap3A_141 : vector<1x16xf32> to vector<16xf32>
    %swap3A_143 = vector.shape_cast %get3A_137 : vector<16xf32> to vector<1x16xf32>
    tpu.vector_store %arg8[%swap3A_139, %swap3A_140], %swap3A_143 {strides = array<i32>} : memref<200x128xf32, #tpu.memory_space<vmem>>, vector<1x16xf32>,
    %get3A_144 = arith.constant 0 : i32
    %get3A_145 = arith.constant 1 : i32
    %get3A_146 = arith.index_cast %get3A_144 : i32 to index
    %get3A_147 = arith.index_cast %get3A_145 : i32 to index
    %get3A_148 = arith.constant 48 : index
    %get3A_149 = tpu.vector_load %arg9[%get3A_146, %get3A_147, %get3A_148] {strides = array<i32>} : memref<3x200x128xf32, #tpu.memory_space<vmem>>, vector<1x1x16xf32>,
    %get3A_150 = vector.shape_cast %get3A_149 : vector<1x1x16xf32> to vector<16xf32>
    %swap3A_151 = arith.constant 1 : i32
    %swap3A_152 = arith.index_cast %swap3A_151 : i32 to index
    %swap3A_153 = arith.constant 48 : index
    %swap3A_154 = tpu.vector_load %arg8[%swap3A_152, %swap3A_153] {strides = array<i32>} : memref<200x128xf32, #tpu.memory_space<vmem>>, vector<1x16xf32>,
    %swap3A_155 = vector.shape_cast %swap3A_154 : vector<1x16xf32> to vector<16xf32>
    %swap3A_156 = vector.shape_cast %get3A_150 : vector<16xf32> to vector<1x16xf32>
    tpu.vector_store %arg8[%swap3A_152, %swap3A_153], %swap3A_156 {strides = array<i32>} : memref<200x128xf32, #tpu.memory_space<vmem>>, vector<1x16xf32>,
    %get3A_157 = arith.constant 0 : i32
    %get3A_158 = arith.constant 1 : i32
    %get3A_159 = arith.index_cast %get3A_157 : i32 to index
    %get3A_160 = arith.index_cast %get3A_158 : i32 to index
    %get3A_161 = arith.constant 64 : index
    %get3A_162 = tpu.vector_load %arg9[%get3A_159, %get3A_160, %get3A_161] {strides = array<i32>} : memref<3x200x128xf32, #tpu.memory_space<vmem>>, vector<1x1x16xf32>,
    %get3A_163 = vector.shape_cast %get3A_162 : vector<1x1x16xf32> to vector<16xf32>
    %swap3A_164 = arith.constant 1 : i32
    %swap3A_165 = arith.index_cast %swap3A_164 : i32 to index
    %swap3A_166 = arith.constant 64 : index
    %swap3A_167 = tpu.vector_load %arg8[%swap3A_165, %swap3A_166] {strides = array<i32>} : memref<200x128xf32, #tpu.memory_space<vmem>>, vector<1x16xf32>,
    %swap3A_168 = vector.shape_cast %swap3A_167 : vector<1x16xf32> to vector<16xf32>
    %swap3A_169 = vector.shape_cast %get3A_163 : vector<16xf32> to vector<1x16xf32>
    tpu.vector_store %arg8[%swap3A_165, %swap3A_166], %swap3A_169 {strides = array<i32>} : memref<200x128xf32, #tpu.memory_space<vmem>>, vector<1x16xf32>,
    %get3A_170 = arith.constant 0 : i32
    %get3A_171 = arith.constant 1 : i32
    %get3A_172 = arith.index_cast %get3A_170 : i32 to index
    %get3A_173 = arith.index_cast %get3A_171 : i32 to index
    %get3A_174 = arith.constant 80 : index
    %get3A_175 = tpu.vector_load %arg9[%get3A_172, %get3A_173, %get3A_174] {strides = array<i32>} : memref<3x200x128xf32, #tpu.memory_space<vmem>>, vector<1x1x16xf32>,
    %get3A_176 = vector.shape_cast %get3A_175 : vector<1x1x16xf32> to vector<16xf32>
    %swap3A_177 = arith.constant 1 : i32
    %swap3A_178 = arith.index_cast %swap3A_177 : i32 to index
    %swap3A_179 = arith.constant 80 : index
    %swap3A_180 = tpu.vector_load %arg8[%swap3A_178, %swap3A_179] {strides = array<i32>} : memref<200x128xf32, #tpu.memory_space<vmem>>, vector<1x16xf32>,
    %swap3A_181 = vector.shape_cast %swap3A_180 : vector<1x16xf32> to vector<16xf32>
    %swap3A_182 = vector.shape_cast %get3A_176 : vector<16xf32> to vector<1x16xf32>
    tpu.vector_store %arg8[%swap3A_178, %swap3A_179], %swap3A_182 {strides = array<i32>} : memref<200x128xf32, #tpu.memory_space<vmem>>, vector<1x16xf32>,
    %get3A_183 = arith.constant 0 : i32
    %get3A_184 = arith.constant 1 : i32
    %get3A_185 = arith.index_cast %get3A_183 : i32 to index
    %get3A_186 = arith.index_cast %get3A_184 : i32 to index
    %get3A_187 = arith.constant 96 : index
    %get3A_188 = tpu.vector_load %arg9[%get3A_185, %get3A_186, %get3A_187] {strides = array<i32>} : memref<3x200x128xf32, #tpu.memory_space<vmem>>, vector<1x1x16xf32>,
    %get3A_189 = vector.shape_cast %get3A_188 : vector<1x1x16xf32> to vector<16xf32>
    %swap3A_190 = arith.constant 1 : i32
    %swap3A_191 = arith.index_cast %swap3A_190 : i32 to index
    %swap3A_192 = arith.constant 96 : index
    %swap3A_193 = tpu.vector_load %arg8[%swap3A_191, %swap3A_192] {strides = array<i32>} : memref<200x128xf32, #tpu.memory_space<vmem>>, vector<1x16xf32>,
    %swap3A_194 = vector.shape_cast %swap3A_193 : vector<1x16xf32> to vector<16xf32>
    %swap3A_195 = vector.shape_cast %get3A_189 : vector<16xf32> to vector<1x16xf32>
    tpu.vector_store %arg8[%swap3A_191, %swap3A_192], %swap3A_195 {strides = array<i32>} : memref<200x128xf32, #tpu.memory_space<vmem>>, vector<1x16xf32>,
    %get3A_196 = arith.constant 0 : i32
    %get3A_197 = arith.constant 1 : i32
    %get3A_198 = arith.index_cast %get3A_196 : i32 to index
    %get3A_199 = arith.index_cast %get3A_197 : i32 to index
    %get3A_200 = arith.constant 112 : index
    %get3A_201 = tpu.vector_load %arg9[%get3A_198, %get3A_199, %get3A_200] {strides = array<i32>} : memref<3x200x128xf32, #tpu.memory_space<vmem>>, vector<1x1x16xf32>,
    %get3A_202 = vector.shape_cast %get3A_201 : vector<1x1x16xf32> to vector<16xf32>
    %swap3A_203 = arith.constant 1 : i32
    %swap3A_204 = arith.index_cast %swap3A_203 : i32 to index
    %swap3A_205 = arith.constant 112 : index
    %swap3A_206 = tpu.vector_load %arg8[%swap3A_204, %swap3A_205] {strides = array<i32>} : memref<200x128xf32, #tpu.memory_space<vmem>>, vector<1x16xf32>,
    %swap3A_207 = vector.shape_cast %swap3A_206 : vector<1x16xf32> to vector<16xf32>
    %swap3A_208 = vector.shape_cast %get3A_202 : vector<16xf32> to vector<1x16xf32>
    tpu.vector_store %arg8[%swap3A_204, %swap3A_205], %swap3A_208 {strides = array<i32>} : memref<200x128xf32, #tpu.memory_space<vmem>>, vector<1x16xf32>,
    %get3A_209 = arith.constant 0 : i32
    %get3A_210 = arith.constant 2 : i32
    %get3A_211 = arith.index_cast %get3A_209 : i32 to index
    %get3A_212 = arith.index_cast %get3A_210 : i32 to index
    %get3A_213 = arith.constant 0 : index
    %get3A_214 = tpu.vector_load %arg9[%get3A_211, %get3A_212, %get3A_213] {strides = array<i32>} : memref<3x200x128xf32, #tpu.memory_space<vmem>>, vector<1x1x16xf32>,
    %get3A_215 = vector.shape_cast %get3A_214 : vector<1x1x16xf32> to vector<16xf32>
    %swap3A_216 = arith.constant 2 : i32
    %swap3A_217 = arith.index_cast %swap3A_216 : i32 to index
    %swap3A_218 = arith.constant 0 : index
    %swap3A_219 = tpu.vector_load %arg8[%swap3A_217, %swap3A_218] {strides = array<i32>} : memref<200x128xf32, #tpu.memory_space<vmem>>, vector<1x16xf32>,
    %swap3A_220 = vector.shape_cast %swap3A_219 : vector<1x16xf32> to vector<16xf32>
    %swap3A_221 = vector.shape_cast %get3A_215 : vector<16xf32> to vector<1x16xf32>
    tpu.vector_store %arg8[%swap3A_217, %swap3A_218], %swap3A_221 {strides = array<i32>} : memref<200x128xf32, #tpu.memory_space<vmem>>, vector<1x16xf32>,
    %get3A_222 = arith.constant 0 : i32
    %get3A_223 = arith.constant 2 : i32
    %get3A_224 = arith.index_cast %get3A_222 : i32 to index
    %get3A_225 = arith.index_cast %get3A_223 : i32 to index
    %get3A_226 = arith.constant 16 : index
    %get3A_227 = tpu.vector_load %arg9[%get3A_224, %get3A_225, %get3A_226] {strides = array<i32>} : memref<3x200x128xf32, #tpu.memory_space<vmem>>, vector<1x1x16xf32>,
    %get3A_228 = vector.shape_cast %get3A_227 : vector<1x1x16xf32> to vector<16xf32>
    %swap3A_229 = arith.constant 2 : i32
    %swap3A_230 = arith.index_cast %swap3A_229 : i32 to index
    %swap3A_231 = arith.constant 16 : index
    %swap3A_232 = tpu.vector_load %arg8[%swap3A_230, %swap3A_231] {strides = array<i32>} : memref<200x128xf32, #tpu.memory_space<vmem>>, vector<1x16xf32>,
    %swap3A_233 = vector.shape_cast %swap3A_232 : vector<1x16xf32> to vector<16xf32>
    %swap3A_234 = vector.shape_cast %get3A_228 : vector<16xf32> to vector<1x16xf32>
    tpu.vector_store %arg8[%swap3A_230, %swap3A_231], %swap3A_234 {strides = array<i32>} : memref<200x128xf32, #tpu.memory_space<vmem>>, vector<1x16xf32>,
    %get3A_235 = arith.constant 0 : i32
    %get3A_236 = arith.constant 2 : i32
    %get3A_237 = arith.index_cast %get3A_235 : i32 to index
    %get3A_238 = arith.index_cast %get3A_236 : i32 to index
    %get3A_239 = arith.constant 32 : index
    %get3A_240 = tpu.vector_load %arg9[%get3A_237, %get3A_238, %get3A_239] {strides = array<i32>} : memref<3x200x128xf32, #tpu.memory_space<vmem>>, vector<1x1x16xf32>,
    %get3A_241 = vector.shape_cast %get3A_240 : vector<1x1x16xf32> to vector<16xf32>
    %swap3A_242 = arith.constant 2 : i32
    %swap3A_243 = arith.index_cast %swap3A_242 : i32 to index
    %swap3A_244 = arith.constant 32 : index
    %swap3A_245 = tpu.vector_load %arg8[%swap3A_243, %swap3A_244] {strides = array<i32>} : memref<200x128xf32, #tpu.memory_space<vmem>>, vector<1x16xf32>,
    %swap3A_246 = vector.shape_cast %swap3A_245 : vector<1x16xf32> to vector<16xf32>
    %swap3A_247 = vector.shape_cast %get3A_241 : vector<16xf32> to vector<1x16xf32>
    tpu.vector_store %arg8[%swap3A_243, %swap3A_244], %swap3A_247 {strides = array<i32>} : memref<200x128xf32, #tpu.memory_space<vmem>>, vector<1x16xf32>,
    %get3A_248 = arith.constant 0 : i32
    %get3A_249 = arith.constant 2 : i32
    %get3A_250 = arith.index_cast %get3A_248 : i32 to index
    %get3A_251 = arith.index_cast %get3A_249 : i32 to index
    %get3A_252 = arith.constant 48 : index
    %get3A_253 = tpu.vector_load %arg9[%get3A_250, %get3A_251, %get3A_252] {strides = array<i32>} : memref<3x200x128xf32, #tpu.memory_space<vmem>>, vector<1x1x16xf32>,
    %get3A_254 = vector.shape_cast %get3A_253 : vector<1x1x16xf32> to vector<16xf32>
    %swap3A_255 = arith.constant 2 : i32
    %swap3A_256 = arith.index_cast %swap3A_255 : i32 to index
    %swap3A_257 = arith.constant 48 : index
    %swap3A_258 = tpu.vector_load %arg8[%swap3A_256, %swap3A_257] {strides = array<i32>} : memref<200x128xf32, #tpu.memory_space<vmem>>, vector<1x16xf32>,
    %swap3A_259 = vector.shape_cast %swap3A_258 : vector<1x16xf32> to vector<16xf32>
    %swap3A_260 = vector.shape_cast %get3A_254 : vector<16xf32> to vector<1x16xf32>
    tpu.vector_store %arg8[%swap3A_256, %swap3A_257], %swap3A_260 {strides = array<i32>} : memref<200x128xf32, #tpu.memory_space<vmem>>, vector<1x16xf32>,
    %get3A_261 = arith.constant 0 : i32
    %get3A_262 = arith.constant 2 : i32
    %get3A_263 = arith.index_cast %get3A_261 : i32 to index
    %get3A_264 = arith.index_cast %get3A_262 : i32 to index
    %get3A_265 = arith.constant 64 : index
    %get3A_266 = tpu.vector_load %arg9[%get3A_263, %get3A_264, %get3A_265] {strides = array<i32>} : memref<3x200x128xf32, #tpu.memory_space<vmem>>, vector<1x1x16xf32>,
    %get3A_267 = vector.shape_cast %get3A_266 : vector<1x1x16xf32> to vector<16xf32>
    %swap3A_268 = arith.constant 2 : i32
    %swap3A_269 = arith.index_cast %swap3A_268 : i32 to index
    %swap3A_270 = arith.constant 64 : index
    %swap3A_271 = tpu.vector_load %arg8[%swap3A_269, %swap3A_270] {strides = array<i32>} : memref<200x128xf32, #tpu.memory_space<vmem>>, vector<1x16xf32>,
    %swap3A_272 = vector.shape_cast %swap3A_271 : vector<1x16xf32> to vector<16xf32>
    %swap3A_273 = vector.shape_cast %get3A_267 : vector<16xf32> to vector<1x16xf32>
    tpu.vector_store %arg8[%swap3A_269, %swap3A_270], %swap3A_273 {strides = array<i32>} : memref<200x128xf32, #tpu.memory_space<vmem>>, vector<1x16xf32>,
    %get3A_274 = arith.constant 0 : i32
    %get3A_275 = arith.constant 2 : i32
    %get3A_276 = arith.index_cast %get3A_274 : i32 to index
    %get3A_277 = arith.index_cast %get3A_275 : i32 to index
    %get3A_278 = arith.constant 80 : index
    %get3A_279 = tpu.vector_load %arg9[%get3A_276, %get3A_277, %get3A_278] {strides = array<i32>} : memref<3x200x128xf32, #tpu.memory_space<vmem>>, vector<1x1x16xf32>,
    %get3A_280 = vector.shape_cast %get3A_279 : vector<1x1x16xf32> to vector<16xf32>
    %swap3A_281 = arith.constant 2 : i32
    %swap3A_282 = arith.index_cast %swap3A_281 : i32 to index
    %swap3A_283 = arith.constant 80 : index
    %swap3A_284 = tpu.vector_load %arg8[%swap3A_282, %swap3A_283] {strides = array<i32>} : memref<200x128xf32, #tpu.memory_space<vmem>>, vector<1x16xf32>,
    %swap3A_285 = vector.shape_cast %swap3A_284 : vector<1x16xf32> to vector<16xf32>
    %swap3A_286 = vector.shape_cast %get3A_280 : vector<16xf32> to vector<1x16xf32>
    tpu.vector_store %arg8[%swap3A_282, %swap3A_283], %swap3A_286 {strides = array<i32>} : memref<200x128xf32, #tpu.memory_space<vmem>>, vector<1x16xf32>,
    %get3A_287 = arith.constant 0 : i32
    %get3A_288 = arith.constant 2 : i32
    %get3A_289 = arith.index_cast %get3A_287 : i32 to index
    %get3A_290 = arith.index_cast %get3A_288 : i32 to index
    %get3A_291 = arith.constant 96 : index
    %get3A_292 = tpu.vector_load %arg9[%get3A_289, %get3A_290, %get3A_291] {strides = array<i32>} : memref<3x200x128xf32, #tpu.memory_space<vmem>>, vector<1x1x16xf32>,
    %get3A_293 = vector.shape_cast %get3A_292 : vector<1x1x16xf32> to vector<16xf32>
    %swap3A_294 = arith.constant 2 : i32
    %swap3A_295 = arith.index_cast %swap3A_294 : i32 to index
    %swap3A_296 = arith.constant 96 : index
    %swap3A_297 = tpu.vector_load %arg8[%swap3A_295, %swap3A_296] {strides = array<i32>} : memref<200x128xf32, #tpu.memory_space<vmem>>, vector<1x16xf32>,
    %swap3A_298 = vector.shape_cast %swap3A_297 : vector<1x16xf32> to vector<16xf32>
    %swap3A_299 = vector.shape_cast %get3A_293 : vector<16xf32> to vector<1x16xf32>
    tpu.vector_store %arg8[%swap3A_295, %swap3A_296], %swap3A_299 {strides = array<i32>} : memref<200x128xf32, #tpu.memory_space<vmem>>, vector<1x16xf32>,
    %get3A_300 = arith.constant 0 : i32
    %get3A_301 = arith.constant 2 : i32
    %get3A_302 = arith.index_cast %get3A_300 : i32 to index
    %get3A_303 = arith.index_cast %get3A_301 : i32 to index
    %get3A_304 = arith.constant 112 : index
    %get3A_305 = tpu.vector_load %arg9[%get3A_302, %get3A_303, %get3A_304] {strides = array<i32>} : memref<3x200x128xf32, #tpu.memory_space<vmem>>, vector<1x1x16xf32>,
    %get3A_306 = vector.shape_cast %get3A_305 : vector<1x1x16xf32> to vector<16xf32>
    %swap3A_307 = arith.constant 2 : i32
    %swap3A_308 = arith.index_cast %swap3A_307 : i32 to index
    %swap3A_309 = arith.constant 112 : index
    %swap3A_310 = tpu.vector_load %arg8[%swap3A_308, %swap3A_309] {strides = array<i32>} : memref<200x128xf32, #tpu.memory_space<vmem>>, vector<1x16xf32>,
    %swap3A_311 = vector.shape_cast %swap3A_310 : vector<1x16xf32> to vector<16xf32>
    %swap3A_312 = vector.shape_cast %get3A_306 : vector<16xf32> to vector<1x16xf32>
    tpu.vector_store %arg8[%swap3A_308, %swap3A_309], %swap3A_312 {strides = array<i32>} : memref<200x128xf32, #tpu.memory_space<vmem>>, vector<1x16xf32>,
    %get3A_313 = arith.constant 0 : i32
    %get3A_314 = arith.constant 3 : i32
    %get3A_315 = arith.index_cast %get3A_313 : i32 to index
    %get3A_316 = arith.index_cast %get3A_314 : i32 to index
    %get3A_317 = arith.constant 0 : index
    %get3A_318 = tpu.vector_load %arg9[%get3A_315, %get3A_316, %get3A_317] {strides = array<i32>} : memref<3x200x128xf32, #tpu.memory_space<vmem>>, vector<1x1x16xf32>,
    %get3A_319 = vector.shape_cast %get3A_318 : vector<1x1x16xf32> to vector<16xf32>
    %swap3A_320 = arith.constant 3 : i32
    %swap3A_321 = arith.index_cast %swap3A_320 : i32 to index
    %swap3A_322 = arith.constant 0 : index
    %swap3A_323 = tpu.vector_load %arg8[%swap3A_321, %swap3A_322] {strides = array<i32>} : memref<200x128xf32, #tpu.memory_space<vmem>>, vector<1x16xf32>,
    %swap3A_324 = vector.shape_cast %swap3A_323 : vector<1x16xf32> to vector<16xf32>
    %swap3A_325 = vector.shape_cast %get3A_319 : vector<16xf32> to vector<1x16xf32>
    tpu.vector_store %arg8[%swap3A_321, %swap3A_322], %swap3A_325 {strides = array<i32>} : memref<200x128xf32, #tpu.memory_space<vmem>>, vector<1x16xf32>,
    %get3A_326 = arith.constant 0 : i32
    %get3A_327 = arith.constant 3 : i32
    %get3A_328 = arith.index_cast %get3A_326 : i32 to index
    %get3A_329 = arith.index_cast %get3A_327 : i32 to index
    %get3A_330 = arith.constant 16 : index
    %get3A_331 = tpu.vector_load %arg9[%get3A_328, %get3A_329, %get3A_330] {strides = array<i32>} : memref<3x200x128xf32, #tpu.memory_space<vmem>>, vector<1x1x16xf32>,
    %get3A_332 = vector.shape_cast %get3A_331 : vector<1x1x16xf32> to vector<16xf32>
    %swap3A_333 = arith.constant 3 : i32
    %swap3A_334 = arith.index_cast %swap3A_333 : i32 to index
    %swap3A_335 = arith.constant 16 : index
    %swap3A_336 = tpu.vector_load %arg8[%swap3A_334, %swap3A_335] {strides = array<i32>} : memref<200x128xf32, #tpu.memory_space<vmem>>, vector<1x16xf32>,
    %swap3A_337 = vector.shape_cast %swap3A_336 : vector<1x16xf32> to vector<16xf32>
    %swap3A_338 = vector.shape_cast %get3A_332 : vector<16xf32> to vector<1x16xf32>
    tpu.vector_store %arg8[%swap3A_334, %swap3A_335], %swap3A_338 {strides = array<i32>} : memref<200x128xf32, #tpu.memory_space<vmem>>, vector<1x16xf32>,
    %get3A_339 = arith.constant 0 : i32
    %get3A_340 = arith.constant 3 : i32
    %get3A_341 = arith.index_cast %get3A_339 : i32 to index
    %get3A_342 = arith.index_cast %get3A_340 : i32 to index
    %get3A_343 = arith.constant 32 : index
    %get3A_344 = tpu.vector_load %arg9[%get3A_341, %get3A_342, %get3A_343] {strides = array<i32>} : memref<3x200x128xf32, #tpu.memory_space<vmem>>, vector<1x1x16xf32>,
    %get3A_345 = vector.shape_cast %get3A_344 : vector<1x1x16xf32> to vector<16xf32>
    %swap3A_346 = arith.constant 3 : i32
    %swap3A_347 = arith.index_cast %swap3A_346 : i32 to index
    %swap3A_348 = arith.constant 32 : index
    %swap3A_349 = tpu.vector_load %arg8[%swap3A_347, %swap3A_348] {strides = array<i32>} : memref<200x128xf32, #tpu.memory_space<vmem>>, vector<1x16xf32>,
    %swap3A_350 = vector.shape_cast %swap3A_349 : vector<1x16xf32> to vector<16xf32>
    %swap3A_351 = vector.shape_cast %get3A_345 : vector<16xf32> to vector<1x16xf32>
    tpu.vector_store %arg8[%swap3A_347, %swap3A_348], %swap3A_351 {strides = array<i32>} : memref<200x128xf32, #tpu.memory_space<vmem>>, vector<1x16xf32>,
    %get3A_352 = arith.constant 0 : i32
    %get3A_353 = arith.constant 3 : i32
    %get3A_354 = arith.index_cast %get3A_352 : i32 to index
    %get3A_355 = arith.index_cast %get3A_353 : i32 to index
    %get3A_356 = arith.constant 48 : index
    %get3A_357 = tpu.vector_load %arg9[%get3A_354, %get3A_355, %get3A_356] {strides = array<i32>} : memref<3x200x128xf32, #tpu.memory_space<vmem>>, vector<1x1x16xf32>,
    %get3A_358 = vector.shape_cast %get3A_357 : vector<1x1x16xf32> to vector<16xf32>
    %swap3A_359 = arith.constant 3 : i32
    %swap3A_360 = arith.index_cast %swap3A_359 : i32 to index
    %swap3A_361 = arith.constant 48 : index
    %swap3A_362 = tpu.vector_load %arg8[%swap3A_360, %swap3A_361] {strides = array<i32>} : memref<200x128xf32, #tpu.memory_space<vmem>>, vector<1x16xf32>,
    %swap3A_363 = vector.shape_cast %swap3A_362 : vector<1x16xf32> to vector<16xf32>
    %swap3A_364 = vector.shape_cast %get3A_358 : vector<16xf32> to vector<1x16xf32>
    tpu.vector_store %arg8[%swap3A_360, %swap3A_361], %swap3A_364 {strides = array<i32>} : memref<200x128xf32, #tpu.memory_space<vmem>>, vector<1x16xf32>,
    %get3A_365 = arith.constant 0 : i32
    %get3A_366 = arith.constant 3 : i32
    %get3A_367 = arith.index_cast %get3A_365 : i32 to index
    %get3A_368 = arith.index_cast %get3A_366 : i32 to index
    %get3A_369 = arith.constant 64 : index
    %get3A_370 = tpu.vector_load %arg9[%get3A_367, %get3A_368, %get3A_369] {strides = array<i32>} : memref<3x200x128xf32, #tpu.memory_space<vmem>>, vector<1x1x16xf32>,
    %get3A_371 = vector.shape_cast %get3A_370 : vector<1x1x16xf32> to vector<16xf32>
    %swap3A_372 = arith.constant 3 : i32
    %swap3A_373 = arith.index_cast %swap3A_372 : i32 to index
    %swap3A_374 = arith.constant 64 : index
    %swap3A_375 = tpu.vector_load %arg8[%swap3A_373, %swap3A_374] {strides = array<i32>} : memref<200x128xf32, #tpu.memory_space<vmem>>, vector<1x16xf32>,
    %swap3A_376 = vector.shape_cast %swap3A_375 : vector<1x16xf32> to vector<16xf32>
    %swap3A_377 = vector.shape_cast %get3A_371 : vector<16xf32> to vector<1x16xf32>
    tpu.vector_store %arg8[%swap3A_373, %swap3A_374], %swap3A_377 {strides = array<i32>} : memref<200x128xf32, #tpu.memory_space<vmem>>, vector<1x16xf32>,
    %get3A_378 = arith.constant 0 : i32
    %get3A_379 = arith.constant 3 : i32
    %get3A_380 = arith.index_cast %get3A_378 : i32 to index
    %get3A_381 = arith.index_cast %get3A_379 : i32 to index
    %get3A_382 = arith.constant 80 : index
    %get3A_383 = tpu.vector_load %arg9[%get3A_380, %get3A_381, %get3A_382] {strides = array<i32>} : memref<3x200x128xf32, #tpu.memory_space<vmem>>, vector<1x1x16xf32>,
    %get3A_384 = vector.shape_cast %get3A_383 : vector<1x1x16xf32> to vector<16xf32>
    %swap3A_385 = arith.constant 3 : i32
    %swap3A_386 = arith.index_cast %swap3A_385 : i32 to index
    %swap3A_387 = arith.constant 80 : index
    %swap3A_388 = tpu.vector_load %arg8[%swap3A_386, %swap3A_387] {strides = array<i32>} : memref<200x128xf32, #tpu.memory_space<vmem>>, vector<1x16xf32>,
    %swap3A_389 = vector.shape_cast %swap3A_388 : vector<1x16xf32> to vector<16xf32>
    %swap3A_390 = vector.shape_cast %get3A_384 : vector<16xf32> to vector<1x16xf32>
    tpu.vector_store %arg8[%swap3A_386, %swap3A_387], %swap3A_390 {strides = array<i32>} : memref<200x128xf32, #tpu.memory_space<vmem>>, vector<1x16xf32>,
    %get3A_391 = arith.constant 0 : i32
    %get3A_392 = arith.constant 3 : i32
    %get3A_393 = arith.index_cast %get3A_391 : i32 to index
    %get3A_394 = arith.index_cast %get3A_392 : i32 to index
    %get3A_395 = arith.constant 96 : index
    %get3A_396 = tpu.vector_load %arg9[%get3A_393, %get3A_394, %get3A_395] {strides = array<i32>} : memref<3x200x128xf32, #tpu.memory_space<vmem>>, vector<1x1x16xf32>,
    %get3A_397 = vector.shape_cast %get3A_396 : vector<1x1x16xf32> to vector<16xf32>
    %swap3A_398 = arith.constant 3 : i32
    %swap3A_399 = arith.index_cast %swap3A_398 : i32 to index
    %swap3A_400 = arith.constant 96 : index
    %swap3A_401 = tpu.vector_load %arg8[%swap3A_399, %swap3A_400] {strides = array<i32>} : memref<200x128xf32, #tpu.memory_space<vmem>>, vector<1x16xf32>,
    %swap3A_402 = vector.shape_cast %swap3A_401 : vector<1x16xf32> to vector<16xf32>
    %swap3A_403 = vector.shape_cast %get3A_397 : vector<16xf32> to vector<1x16xf32>
    tpu.vector_store %arg8[%swap3A_399, %swap3A_400], %swap3A_403 {strides = array<i32>} : memref<200x128xf32, #tpu.memory_space<vmem>>, vector<1x16xf32>,
    %get3A_404 = arith.constant 0 : i32
    %get3A_405 = arith.constant 3 : i32
    %get3A_406 = arith.index_cast %get3A_404 : i32 to index
    %get3A_407 = arith.index_cast %get3A_405 : i32 to index
    %get3A_408 = arith.constant 112 : index
    %get3A_409 = tpu.vector_load %arg9[%get3A_406, %get3A_407, %get3A_408] {strides = array<i32>} : memref<3x200x128xf32, #tpu.memory_space<vmem>>, vector<1x1x16xf32>,
    %get3A_410 = vector.shape_cast %get3A_409 : vector<1x1x16xf32> to vector<16xf32>
    %swap3A_411 = arith.constant 3 : i32
    %swap3A_412 = arith.index_cast %swap3A_411 : i32 to index
    %swap3A_413 = arith.constant 112 : index
    %swap3A_414 = tpu.vector_load %arg8[%swap3A_412, %swap3A_413] {strides = array<i32>} : memref<200x128xf32, #tpu.memory_space<vmem>>, vector<1x16xf32>,
    %swap3A_415 = vector.shape_cast %swap3A_414 : vector<1x16xf32> to vector<16xf32>
    %swap3A_416 = vector.shape_cast %get3A_410 : vector<16xf32> to vector<1x16xf32>
    tpu.vector_store %arg8[%swap3A_412, %swap3A_413], %swap3A_416 {strides = array<i32>} : memref<200x128xf32, #tpu.memory_space<vmem>>, vector<1x16xf32>,
    %get3A_417 = arith.constant 0 : i32
    %get3A_418 = arith.constant 4 : i32
    %get3A_419 = arith.index_cast %get3A_417 : i32 to index
    %get3A_420 = arith.index_cast %get3A_418 : i32 to index
    %get3A_421 = arith.constant 0 : index
    %get3A_422 = tpu.vector_load %arg9[%get3A_419, %get3A_420, %get3A_421] {strides = array<i32>} : memref<3x200x128xf32, #tpu.memory_space<vmem>>, vector<1x1x16xf32>,
    %get3A_423 = vector.shape_cast %get3A_422 : vector<1x1x16xf32> to vector<16xf32>
    %swap3A_424 = arith.constant 4 : i32
    %swap3A_425 = arith.index_cast %swap3A_424 : i32 to index
    %swap3A_426 = arith.constant 0 : index
    %swap3A_427 = tpu.vector_load %arg8[%swap3A_425, %swap3A_426] {strides = array<i32>} : memref<200x128xf32, #tpu.memory_space<vmem>>, vector<1x16xf32>,
    %swap3A_428 = vector.shape_cast %swap3A_427 : vector<1x16xf32> to vector<16xf32>
    %swap3A_429 = vector.shape_cast %get3A_423 : vector<16xf32> to vector<1x16xf32>
    tpu.vector_store %arg8[%swap3A_425, %swap3A_426], %swap3A_429 {strides = array<i32>} : memref<200x128xf32, #tpu.memory_space<vmem>>, vector<1x16xf32>,
    %get3A_430 = arith.constant 0 : i32
    %get3A_431 = arith.constant 4 : i32
    %get3A_432 = arith.index_cast %get3A_430 : i32 to index
    %get3A_433 = arith.index_cast %get3A_431 : i32 to index
    %get3A_434 = arith.constant 16 : index
    %get3A_435 = tpu.vector_load %arg9[%get3A_432, %get3A_433, %get3A_434] {strides = array<i32>} : memref<3x200x128xf32, #tpu.memory_space<vmem>>, vector<1x1x16xf32>,
    %get3A_436 = vector.shape_cast %get3A_435 : vector<1x1x16xf32> to vector<16xf32>
    %swap3A_437 = arith.constant 4 : i32
    %swap3A_438 = arith.index_cast %swap3A_437 : i32 to index
    %swap3A_439 = arith.constant 16 : index
    %swap3A_440 = tpu.vector_load %arg8[%swap3A_438, %swap3A_439] {strides = array<i32>} : memref<200x128xf32, #tpu.memory_space<vmem>>, vector<1x16xf32>,
    %swap3A_441 = vector.shape_cast %swap3A_440 : vector<1x16xf32> to vector<16xf32>
    %swap3A_442 = vector.shape_cast %get3A_436 : vector<16xf32> to vector<1x16xf32>
    tpu.vector_store %arg8[%swap3A_438, %swap3A_439], %swap3A_442 {strides = array<i32>} : memref<200x128xf32, #tpu.memory_space<vmem>>, vector<1x16xf32>,
    %get3A_443 = arith.constant 0 : i32
    %get3A_444 = arith.constant 4 : i32
    %get3A_445 = arith.index_cast %get3A_443 : i32 to index
    %get3A_446 = arith.index_cast %get3A_444 : i32 to index
    %get3A_447 = arith.constant 32 : index
    %get3A_448 = tpu.vector_load %arg9[%get3A_445, %get3A_446, %get3A_447] {strides = array<i32>} : memref<3x200x128xf32, #tpu.memory_space<vmem>>, vector<1x1x16xf32>,
    %get3A_449 = vector.shape_cast %get3A_448 : vector<1x1x16xf32> to vector<16xf32>
    %swap3A_450 = arith.constant 4 : i32
    %swap3A_451 = arith.index_cast %swap3A_450 : i32 to index
    %swap3A_452 = arith.constant 32 : index
    %swap3A_453 = tpu.vector_load %arg8[%swap3A_451, %swap3A_452] {strides = array<i32>} : memref<200x128xf32, #tpu.memory_space<vmem>>, vector<1x16xf32>,
    %swap3A_454 = vector.shape_cast %swap3A_453 : vector<1x16xf32> to vector<16xf32>
    %swap3A_455 = vector.shape_cast %get3A_449 : vector<16xf32> to vector<1x16xf32>
    tpu.vector_store %arg8[%swap3A_451, %swap3A_452], %swap3A_455 {strides = array<i32>} : memref<200x128xf32, #tpu.memory_space<vmem>>, vector<1x16xf32>,
    %get3A_456 = arith.constant 0 : i32
    %get3A_457 = arith.constant 4 : i32
    %get3A_458 = arith.index_cast %get3A_456 : i32 to index
    %get3A_459 = arith.index_cast %get3A_457 : i32 to index
    %get3A_460 = arith.constant 48 : index
    %get3A_461 = tpu.vector_load %arg9[%get3A_458, %get3A_459, %get3A_460] {strides = array<i32>} : memref<3x200x128xf32, #tpu.memory_space<vmem>>, vector<1x1x16xf32>,
    %get3A_462 = vector.shape_cast %get3A_461 : vector<1x1x16xf32> to vector<16xf32>
    %swap3A_463 = arith.constant 4 : i32
    %swap3A_464 = arith.index_cast %swap3A_463 : i32 to index
    %swap3A_465 = arith.constant 48 : index
    %swap3A_466 = tpu.vector_load %arg8[%swap3A_464, %swap3A_465] {strides = array<i32>} : memref<200x128xf32, #tpu.memory_space<vmem>>, vector<1x16xf32>,
    %swap3A_467 = vector.shape_cast %swap3A_466 : vector<1x16xf32> to vector<16xf32>
    %swap3A_468 = vector.shape_cast %get3A_462 : vector<16xf32> to vector<1x16xf32>
    tpu.vector_store %arg8[%swap3A_464, %swap3A_465], %swap3A_468 {strides = array<i32>} : memref<200x128xf32, #tpu.memory_space<vmem>>, vector<1x16xf32>,
    %get3A_469 = arith.constant 0 : i32
    %get3A_470 = arith.constant 4 : i32
    %get3A_471 = arith.index_cast %get3A_469 : i32 to index
    %get3A_472 = arith.index_cast %get3A_470 : i32 to index
    %get3A_473 = arith.constant 64 : index
    %get3A_474 = tpu.vector_load %arg9[%get3A_471, %get3A_472, %get3A_473] {strides = array<i32>} : memref<3x200x128xf32, #tpu.memory_space<vmem>>, vector<1x1x16xf32>,
    %get3A_475 = vector.shape_cast %get3A_474 : vector<1x1x16xf32> to vector<16xf32>
    %swap3A_476 = arith.constant 4 : i32
    %swap3A_477 = arith.index_cast %swap3A_476 : i32 to index
    %swap3A_478 = arith.constant 64 : index
    %swap3A_479 = tpu.vector_load %arg8[%swap3A_477, %swap3A_478] {strides = array<i32>} : memref<200x128xf32, #tpu.memory_space<vmem>>, vector<1x16xf32>,
    %swap3A_480 = vector.shape_cast %swap3A_479 : vector<1x16xf32> to vector<16xf32>
    %swap3A_481 = vector.shape_cast %get3A_475 : vector<16xf32> to vector<1x16xf32>
    tpu.vector_store %arg8[%swap3A_477, %swap3A_478], %swap3A_481 {strides = array<i32>} : memref<200x128xf32, #tpu.memory_space<vmem>>, vector<1x16xf32>,
    %get3A_482 = arith.constant 0 : i32
    %get3A_483 = arith.constant 4 : i32
    %get3A_484 = arith.index_cast %get3A_482 : i32 to index
    %get3A_485 = arith.index_cast %get3A_483 : i32 to index
    %get3A_486 = arith.constant 80 : index
    %get3A_487 = tpu.vector_load %arg9[%get3A_484, %get3A_485, %get3A_486] {strides = array<i32>} : memref<3x200x128xf32, #tpu.memory_space<vmem>>, vector<1x1x16xf32>,
    %get3A_488 = vector.shape_cast %get3A_487 : vector<1x1x16xf32> to vector<16xf32>
    %swap3A_489 = arith.constant 4 : i32
    %swap3A_490 = arith.index_cast %swap3A_489 : i32 to index
    %swap3A_491 = arith.constant 80 : index
    %swap3A_492 = tpu.vector_load %arg8[%swap3A_490, %swap3A_491] {strides = array<i32>} : memref<200x128xf32, #tpu.memory_space<vmem>>, vector<1x16xf32>,
    %swap3A_493 = vector.shape_cast %swap3A_492 : vector<1x16xf32> to vector<16xf32>
    %swap3A_494 = vector.shape_cast %get3A_488 : vector<16xf32> to vector<1x16xf32>
    tpu.vector_store %arg8[%swap3A_490, %swap3A_491], %swap3A_494 {strides = array<i32>} : memref<200x128xf32, #tpu.memory_space<vmem>>, vector<1x16xf32>,
    %get3A_495 = arith.constant 0 : i32
    %get3A_496 = arith.constant 4 : i32
    %get3A_497 = arith.index_cast %get3A_495 : i32 to index
    %get3A_498 = arith.index_cast %get3A_496 : i32 to index
    %get3A_499 = arith.constant 96 : index
    %get3A_500 = tpu.vector_load %arg9[%get3A_497, %get3A_498, %get3A_499] {strides = array<i32>} : memref<3x200x128xf32, #tpu.memory_space<vmem>>, vector<1x1x16xf32>,
    %get3A_501 = vector.shape_cast %get3A_500 : vector<1x1x16xf32> to vector<16xf32>
    %swap3A_502 = arith.constant 4 : i32
    %swap3A_503 = arith.index_cast %swap3A_502 : i32 to index
    %swap3A_504 = arith.constant 96 : index
    %swap3A_505 = tpu.vector_load %arg8[%swap3A_503, %swap3A_504] {strides = array<i32>} : memref<200x128xf32, #tpu.memory_space<vmem>>, vector<1x16xf32>,
    %swap3A_506 = vector.shape_cast %swap3A_505 : vector<1x16xf32> to vector<16xf32>
    %swap3A_507 = vector.shape_cast %get3A_501 : vector<16xf32> to vector<1x16xf32>
    tpu.vector_store %arg8[%swap3A_503, %swap3A_504], %swap3A_507 {strides = array<i32>} : memref<200x128xf32, #tpu.memory_space<vmem>>, vector<1x16xf32>,
    %get3A_508 = arith.constant 0 : i32
    %get3A_509 = arith.constant 4 : i32
    %get3A_510 = arith.index_cast %get3A_508 : i32 to index
    %get3A_511 = arith.index_cast %get3A_509 : i32 to index
    %get3A_512 = arith.constant 112 : index
    %get3A_513 = tpu.vector_load %arg9[%get3A_510, %get3A_511, %get3A_512] {strides = array<i32>} : memref<3x200x128xf32, #tpu.memory_space<vmem>>, vector<1x1x16xf32>,
    %get3A_514 = vector.shape_cast %get3A_513 : vector<1x1x16xf32> to vector<16xf32>
    %swap3A_515 = arith.constant 4 : i32
    %swap3A_516 = arith.index_cast %swap3A_515 : i32 to index
    %swap3A_517 = arith.constant 112 : index
    %swap3A_518 = tpu.vector_load %arg8[%swap3A_516, %swap3A_517] {strides = array<i32>} : memref<200x128xf32, #tpu.memory_space<vmem>>, vector<1x16xf32>,
    %swap3A_519 = vector.shape_cast %swap3A_518 : vector<1x16xf32> to vector<16xf32>
    %swap3A_520 = vector.shape_cast %get3A_514 : vector<16xf32> to vector<1x16xf32>
    tpu.vector_store %arg8[%swap3A_516, %swap3A_517], %swap3A_520 {strides = array<i32>} : memref<200x128xf32, #tpu.memory_space<vmem>>, vector<1x16xf32>,
    %get3A_521 = arith.constant 0 : i32
    %get3A_522 = arith.constant 5 : i32
    %get3A_523 = arith.index_cast %get3A_521 : i32 to index
    %get3A_524 = arith.index_cast %get3A_522 : i32 to index
    %get3A_525 = arith.constant 0 : index
    %get3A_526 = tpu.vector_load %arg9[%get3A_523, %get3A_524, %get3A_525] {strides = array<i32>} : memref<3x200x128xf32, #tpu.memory_space<vmem>>, vector<1x1x16xf32>,
    %get3A_527 = vector.shape_cast %get3A_526 : vector<1x1x16xf32> to vector<16xf32>
    %swap3A_528 = arith.constant 5 : i32
    %swap3A_529 = arith.index_cast %swap3A_528 : i32 to index
    %swap3A_530 = arith.constant 0 : index
    %swap3A_531 = tpu.vector_load %arg8[%swap3A_529, %swap3A_530] {strides = array<i32>} : memref<200x128xf32, #tpu.memory_space<vmem>>, vector<1x16xf32>,
    %swap3A_532 = vector.shape_cast %swap3A_531 : vector<1x16xf32> to vector<16xf32>
    %swap3A_533 = vector.shape_cast %get3A_527 : vector<16xf32> to vector<1x16xf32>
    tpu.vector_store %arg8[%swap3A_529, %swap3A_530], %swap3A_533 {strides = array<i32>} : memref<200x128xf32, #tpu.memory_space<vmem>>, vector<1x16xf32>,
    %get3A_534 = arith.constant 0 : i32
    %get3A_535 = arith.constant 5 : i32
    %get3A_536 = arith.index_cast %get3A_534 : i32 to index
    %get3A_537 = arith.index_cast %get3A_535 : i32 to index
    %get3A_538 = arith.constant 16 : index
    %get3A_539 = tpu.vector_load %arg9[%get3A_536, %get3A_537, %get3A_538] {strides = array<i32>} : memref<3x200x128xf32, #tpu.memory_space<vmem>>, vector<1x1x16xf32>,
    %get3A_540 = vector.shape_cast %get3A_539 : vector<1x1x16xf32> to vector<16xf32>
    %swap3A_541 = arith.constant 5 : i32
    %swap3A_542 = arith.index_cast %swap3A_541 : i32 to index
    %swap3A_543 = arith.constant 16 : index
    %swap3A_544 = tpu.vector_load %arg8[%swap3A_542, %swap3A_543] {strides = array<i32>} : memref<200x128xf32, #tpu.memory_space<vmem>>, vector<1x16xf32>,
    %swap3A_545 = vector.shape_cast %swap3A_544 : vector<1x16xf32> to vector<16xf32>
    %swap3A_546 = vector.shape_cast %get3A_540 : vector<16xf32> to vector<1x16xf32>
    tpu.vector_store %arg8[%swap3A_542, %swap3A_543], %swap3A_546 {strides = array<i32>} : memref<200x128xf32, #tpu.memory_space<vmem>>, vector<1x16xf32>,
    %get3A_547 = arith.constant 0 : i32
    %get3A_548 = arith.constant 5 : i32
    %get3A_549 = arith.index_cast %get3A_547 : i32 to index
    %get3A_550 = arith.index_cast %get3A_548 : i32 to index
    %get3A_551 = arith.constant 32 : index
    %get3A_552 = tpu.vector_load %arg9[%get3A_549, %get3A_550, %get3A_551] {strides = array<i32>} : memref<3x200x128xf32, #tpu.memory_space<vmem>>, vector<1x1x16xf32>,
    %get3A_553 = vector.shape_cast %get3A_552 : vector<1x1x16xf32> to vector<16xf32>
    %swap3A_554 = arith.constant 5 : i32
    %swap3A_555 = arith.index_cast %swap3A_554 : i32 to index
    %swap3A_556 = arith.constant 32 : index
    %swap3A_557 = tpu.vector_load %arg8[%swap3A_555, %swap3A_556] {strides = array<i32>} : memref<200x128xf32, #tpu.memory_space<vmem>>, vector<1x16xf32>,
    %swap3A_558 = vector.shape_cast %swap3A_557 : vector<1x16xf32> to vector<16xf32>
    %swap3A_559 = vector.shape_cast %get3A_553 : vector<16xf32> to vector<1x16xf32>
    tpu.vector_store %arg8[%swap3A_555, %swap3A_556], %swap3A_559 {strides = array<i32>} : memref<200x128xf32, #tpu.memory_space<vmem>>, vector<1x16xf32>,
    %get3A_560 = arith.constant 0 : i32
    %get3A_561 = arith.constant 5 : i32
    %get3A_562 = arith.index_cast %get3A_560 : i32 to index
    %get3A_563 = arith.index_cast %get3A_561 : i32 to index
    %get3A_564 = arith.constant 48 : index
    %get3A_565 = tpu.vector_load %arg9[%get3A_562, %get3A_563, %get3A_564] {strides = array<i32>} : memref<3x200x128xf32, #tpu.memory_space<vmem>>, vector<1x1x16xf32>,
    %get3A_566 = vector.shape_cast %get3A_565 : vector<1x1x16xf32> to vector<16xf32>
    %swap3A_567 = arith.constant 5 : i32
    %swap3A_568 = arith.index_cast %swap3A_567 : i32 to index
    %swap3A_569 = arith.constant 48 : index
    %swap3A_570 = tpu.vector_load %arg8[%swap3A_568, %swap3A_569] {strides = array<i32>} : memref<200x128xf32, #tpu.memory_space<vmem>>, vector<1x16xf32>,
    %swap3A_571 = vector.shape_cast %swap3A_570 : vector<1x16xf32> to vector<16xf32>
    %swap3A_572 = vector.shape_cast %get3A_566 : vector<16xf32> to vector<1x16xf32>
    tpu.vector_store %arg8[%swap3A_568, %swap3A_569], %swap3A_572 {strides = array<i32>} : memref<200x128xf32, #tpu.memory_space<vmem>>, vector<1x16xf32>,
    %get3A_573 = arith.constant 0 : i32
    %get3A_574 = arith.constant 5 : i32
    %get3A_575 = arith.index_cast %get3A_573 : i32 to index
    %get3A_576 = arith.index_cast %get3A_574 : i32 to index
    %get3A_577 = arith.constant 64 : index
    %get3A_578 = tpu.vector_load %arg9[%get3A_575, %get3A_576, %get3A_577] {strides = array<i32>} : memref<3x200x128xf32, #tpu.memory_space<vmem>>, vector<1x1x16xf32>,
    %get3A_579 = vector.shape_cast %get3A_578 : vector<1x1x16xf32> to vector<16xf32>
    %swap3A_580 = arith.constant 5 : i32
    %swap3A_581 = arith.index_cast %swap3A_580 : i32 to index
    %swap3A_582 = arith.constant 64 : index
    %swap3A_583 = tpu.vector_load %arg8[%swap3A_581, %swap3A_582] {strides = array<i32>} : memref<200x128xf32, #tpu.memory_space<vmem>>, vector<1x16xf32>,
    %swap3A_584 = vector.shape_cast %swap3A_583 : vector<1x16xf32> to vector<16xf32>
    %swap3A_585 = vector.shape_cast %get3A_579 : vector<16xf32> to vector<1x16xf32>
    tpu.vector_store %arg8[%swap3A_581, %swap3A_582], %swap3A_585 {strides = array<i32>} : memref<200x128xf32, #tpu.memory_space<vmem>>, vector<1x16xf32>,
    %get3A_586 = arith.constant 0 : i32
    %get3A_587 = arith.constant 5 : i32
    %get3A_588 = arith.index_cast %get3A_586 : i32 to index
    %get3A_589 = arith.index_cast %get3A_587 : i32 to index
    %get3A_590 = arith.constant 80 : index
    %get3A_591 = tpu.vector_load %arg9[%get3A_588, %get3A_589, %get3A_590] {strides = array<i32>} : memref<3x200x128xf32, #tpu.memory_space<vmem>>, vector<1x1x16xf32>,
    %get3A_592 = vector.shape_cast %get3A_591 : vector<1x1x16xf32> to vector<16xf32>
    %swap3A_593 = arith.constant 5 : i32
    %swap3A_594 = arith.index_cast %swap3A_593 : i32 to index
    %swap3A_595 = arith.constant 80 : index
    %swap3A_596 = tpu.vector_load %arg8[%swap3A_594, %swap3A_595] {strides = array<i32>} : memref<200x128xf32, #tpu.memory_space<vmem>>, vector<1x16xf32>,
    %swap3A_597 = vector.shape_cast %swap3A_596 : vector<1x16xf32> to vector<16xf32>
    %swap3A_598 = vector.shape_cast %get3A_592 : vector<16xf32> to vector<1x16xf32>
    tpu.vector_store %arg8[%swap3A_594, %swap3A_595], %swap3A_598 {strides = array<i32>} : memref<200x128xf32, #tpu.memory_space<vmem>>, vector<1x16xf32>,
    %get3A_599 = arith.constant 0 : i32
    %get3A_600 = arith.constant 5 : i32
    %get3A_601 = arith.index_cast %get3A_599 : i32 to index
    %get3A_602 = arith.index_cast %get3A_600 : i32 to index
    %get3A_603 = arith.constant 96 : index
    %get3A_604 = tpu.vector_load %arg9[%get3A_601, %get3A_602, %get3A_603] {strides = array<i32>} : memref<3x200x128xf32, #tpu.memory_space<vmem>>, vector<1x1x16xf32>,
    %get3A_605 = vector.shape_cast %get3A_604 : vector<1x1x16xf32> to vector<16xf32>
    %swap3A_606 = arith.constant 5 : i32
    %swap3A_607 = arith.index_cast %swap3A_606 : i32 to index
    %swap3A_608 = arith.constant 96 : index
    %swap3A_609 = tpu.vector_load %arg8[%swap3A_607, %swap3A_608] {strides = array<i32>} : memref<200x128xf32, #tpu.memory_space<vmem>>, vector<1x16xf32>,
    %swap3A_610 = vector.shape_cast %swap3A_609 : vector<1x16xf32> to vector<16xf32>
    %swap3A_611 = vector.shape_cast %get3A_605 : vector<16xf32> to vector<1x16xf32>
    tpu.vector_store %arg8[%swap3A_607, %swap3A_608], %swap3A_611 {strides = array<i32>} : memref<200x128xf32, #tpu.memory_space<vmem>>, vector<1x16xf32>,
    %get3A_612 = arith.constant 0 : i32
    %get3A_613 = arith.constant 5 : i32
    %get3A_614 = arith.index_cast %get3A_612 : i32 to index
    %get3A_615 = arith.index_cast %get3A_613 : i32 to index
    %get3A_616 = arith.constant 112 : index
    %get3A_617 = tpu.vector_load %arg9[%get3A_614, %get3A_615, %get3A_616] {strides = array<i32>} : memref<3x200x128xf32, #tpu.memory_space<vmem>>, vector<1x1x16xf32>,
    %get3A_618 = vector.shape_cast %get3A_617 : vector<1x1x16xf32> to vector<16xf32>
    %swap3A_619 = arith.constant 5 : i32
    %swap3A_620 = arith.index_cast %swap3A_619 : i32 to index
    %swap3A_621 = arith.constant 112 : index
    %swap3A_622 = tpu.vector_load %arg8[%swap3A_620, %swap3A_621] {strides = array<i32>} : memref<200x128xf32, #tpu.memory_space<vmem>>, vector<1x16xf32>,
    %swap3A_623 = vector.shape_cast %swap3A_622 : vector<1x16xf32> to vector<16xf32>
    %swap3A_624 = vector.shape_cast %get3A_618 : vector<16xf32> to vector<1x16xf32>
    tpu.vector_store %arg8[%swap3A_620, %swap3A_621], %swap3A_624 {strides = array<i32>} : memref<200x128xf32, #tpu.memory_space<vmem>>, vector<1x16xf32>,
    %get3A_625 = arith.constant 0 : i32
    %get3A_626 = arith.constant 6 : i32
    %get3A_627 = arith.index_cast %get3A_625 : i32 to index
    %get3A_628 = arith.index_cast %get3A_626 : i32 to index
    %get3A_629 = arith.constant 0 : index
    %get3A_630 = tpu.vector_load %arg9[%get3A_627, %get3A_628, %get3A_629] {strides = array<i32>} : memref<3x200x128xf32, #tpu.memory_space<vmem>>, vector<1x1x16xf32>,
    %get3A_631 = vector.shape_cast %get3A_630 : vector<1x1x16xf32> to vector<16xf32>
    %swap3A_632 = arith.constant 6 : i32
    %swap3A_633 = arith.index_cast %swap3A_632 : i32 to index
    %swap3A_634 = arith.constant 0 : index
    %swap3A_635 = tpu.vector_load %arg8[%swap3A_633, %swap3A_634] {strides = array<i32>} : memref<200x128xf32, #tpu.memory_space<vmem>>, vector<1x16xf32>,
    %swap3A_636 = vector.shape_cast %swap3A_635 : vector<1x16xf32> to vector<16xf32>
    %swap3A_637 = vector.shape_cast %get3A_631 : vector<16xf32> to vector<1x16xf32>
    tpu.vector_store %arg8[%swap3A_633, %swap3A_634], %swap3A_637 {strides = array<i32>} : memref<200x128xf32, #tpu.memory_space<vmem>>, vector<1x16xf32>,
    %get3A_638 = arith.constant 0 : i32
    %get3A_639 = arith.constant 6 : i32
    %get3A_640 = arith.index_cast %get3A_638 : i32 to index
    %get3A_641 = arith.index_cast %get3A_639 : i32 to index
    %get3A_642 = arith.constant 16 : index
    %get3A_643 = tpu.vector_load %arg9[%get3A_640, %get3A_641, %get3A_642] {strides = array<i32>} : memref<3x200x128xf32, #tpu.memory_space<vmem>>, vector<1x1x16xf32>,
    %get3A_644 = vector.shape_cast %get3A_643 : vector<1x1x16xf32> to vector<16xf32>
    %swap3A_645 = arith.constant 6 : i32
    %swap3A_646 = arith.index_cast %swap3A_645 : i32 to index
    %swap3A_647 = arith.constant 16 : index
    %swap3A_648 = tpu.vector_load %arg8[%swap3A_646, %swap3A_647] {strides = array<i32>} : memref<200x128xf32, #tpu.memory_space<vmem>>, vector<1x16xf32>,
    %swap3A_649 = vector.shape_cast %swap3A_648 : vector<1x16xf32> to vector<16xf32>
    %swap3A_650 = vector.shape_cast %get3A_644 : vector<16xf32> to vector<1x16xf32>
    tpu.vector_store %arg8[%swap3A_646, %swap3A_647], %swap3A_650 {strides = array<i32>} : memref<200x128xf32, #tpu.memory_space<vmem>>, vector<1x16xf32>,
    %get3A_651 = arith.constant 0 : i32
    %get3A_652 = arith.constant 6 : i32
    %get3A_653 = arith.index_cast %get3A_651 : i32 to index
    %get3A_654 = arith.index_cast %get3A_652 : i32 to index
    %get3A_655 = arith.constant 32 : index
    %get3A_656 = tpu.vector_load %arg9[%get3A_653, %get3A_654, %get3A_655] {strides = array<i32>} : memref<3x200x128xf32, #tpu.memory_space<vmem>>, vector<1x1x16xf32>,
    %get3A_657 = vector.shape_cast %get3A_656 : vector<1x1x16xf32> to vector<16xf32>
    %swap3A_658 = arith.constant 6 : i32
    %swap3A_659 = arith.index_cast %swap3A_658 : i32 to index
    %swap3A_660 = arith.constant 32 : index
    %swap3A_661 = tpu.vector_load %arg8[%swap3A_659, %swap3A_660] {strides = array<i32>} : memref<200x128xf32, #tpu.memory_space<vmem>>, vector<1x16xf32>,
    %swap3A_662 = vector.shape_cast %swap3A_661 : vector<1x16xf32> to vector<16xf32>
    %swap3A_663 = vector.shape_cast %get3A_657 : vector<16xf32> to vector<1x16xf32>
    tpu.vector_store %arg8[%swap3A_659, %swap3A_660], %swap3A_663 {strides = array<i32>} : memref<200x128xf32, #tpu.memory_space<vmem>>, vector<1x16xf32>,
    %get3A_664 = arith.constant 0 : i32
    %get3A_665 = arith.constant 6 : i32
    %get3A_666 = arith.index_cast %get3A_664 : i32 to index
    %get3A_667 = arith.index_cast %get3A_665 : i32 to index
    %get3A_668 = arith.constant 48 : index
    %get3A_669 = tpu.vector_load %arg9[%get3A_666, %get3A_667, %get3A_668] {strides = array<i32>} : memref<3x200x128xf32, #tpu.memory_space<vmem>>, vector<1x1x16xf32>,
    %get3A_670 = vector.shape_cast %get3A_669 : vector<1x1x16xf32> to vector<16xf32>
    %swap3A_671 = arith.constant 6 : i32
    %swap3A_672 = arith.index_cast %swap3A_671 : i32 to index
    %swap3A_673 = arith.constant 48 : index
    %swap3A_674 = tpu.vector_load %arg8[%swap3A_672, %swap3A_673] {strides = array<i32>} : memref<200x128xf32, #tpu.memory_space<vmem>>, vector<1x16xf32>,
    %swap3A_675 = vector.shape_cast %swap3A_674 : vector<1x16xf32> to vector<16xf32>
    %swap3A_676 = vector.shape_cast %get3A_670 : vector<16xf32> to vector<1x16xf32>
    tpu.vector_store %arg8[%swap3A_672, %swap3A_673], %swap3A_676 {strides = array<i32>} : memref<200x128xf32, #tpu.memory_space<vmem>>, vector<1x16xf32>,
    %get3A_677 = arith.constant 0 : i32
    %get3A_678 = arith.constant 6 : i32
    %get3A_679 = arith.index_cast %get3A_677 : i32 to index
    %get3A_680 = arith.index_cast %get3A_678 : i32 to index
    %get3A_681 = arith.constant 64 : index
    %get3A_682 = tpu.vector_load %arg9[%get3A_679, %get3A_680, %get3A_681] {strides = array<i32>} : memref<3x200x128xf32, #tpu.memory_space<vmem>>, vector<1x1x16xf32>,
    %get3A_683 = vector.shape_cast %get3A_682 : vector<1x1x16xf32> to vector<16xf32>
    %swap3A_684 = arith.constant 6 : i32
    %swap3A_685 = arith.index_cast %swap3A_684 : i32 to index
    %swap3A_686 = arith.constant 64 : index
    %swap3A_687 = tpu.vector_load %arg8[%swap3A_685, %swap3A_686] {strides = array<i32>} : memref<200x128xf32, #tpu.memory_space<vmem>>, vector<1x16xf32>,
    %swap3A_688 = vector.shape_cast %swap3A_687 : vector<1x16xf32> to vector<16xf32>
    %swap3A_689 = vector.shape_cast %get3A_683 : vector<16xf32> to vector<1x16xf32>
    tpu.vector_store %arg8[%swap3A_685, %swap3A_686], %swap3A_689 {strides = array<i32>} : memref<200x128xf32, #tpu.memory_space<vmem>>, vector<1x16xf32>,
    %get3A_690 = arith.constant 0 : i32
    %get3A_691 = arith.constant 6 : i32
    %get3A_692 = arith.index_cast %get3A_690 : i32 to index
    %get3A_693 = arith.index_cast %get3A_691 : i32 to index
    %get3A_694 = arith.constant 80 : index
    %get3A_695 = tpu.vector_load %arg9[%get3A_692, %get3A_693, %get3A_694] {strides = array<i32>} : memref<3x200x128xf32, #tpu.memory_space<vmem>>, vector<1x1x16xf32>,
    %get3A_696 = vector.shape_cast %get3A_695 : vector<1x1x16xf32> to vector<16xf32>
    %swap3A_697 = arith.constant 6 : i32
    %swap3A_698 = arith.index_cast %swap3A_697 : i32 to index
    %swap3A_699 = arith.constant 80 : index
    %swap3A_700 = tpu.vector_load %arg8[%swap3A_698, %swap3A_699] {strides = array<i32>} : memref<200x128xf32, #tpu.memory_space<vmem>>, vector<1x16xf32>,
    %swap3A_701 = vector.shape_cast %swap3A_700 : vector<1x16xf32> to vector<16xf32>
    %swap3A_702 = vector.shape_cast %get3A_696 : vector<16xf32> to vector<1x16xf32>
    tpu.vector_store %arg8[%swap3A_698, %swap3A_699], %swap3A_702 {strides = array<i32>} : memref<200x128xf32, #tpu.memory_space<vmem>>, vector<1x16xf32>,
    %get3A_703 = arith.constant 0 : i32
    %get3A_704 = arith.constant 6 : i32
    %get3A_705 = arith.index_cast %get3A_703 : i32 to index
    %get3A_706 = arith.index_cast %get3A_704 : i32 to index
    %get3A_707 = arith.constant 96 : index
    %get3A_708 = tpu.vector_load %arg9[%get3A_705, %get3A_706, %get3A_707] {strides = array<i32>} : memref<3x200x128xf32, #tpu.memory_space<vmem>>, vector<1x1x16xf32>,
    %get3A_709 = vector.shape_cast %get3A_708 : vector<1x1x16xf32> to vector<16xf32>
    %swap3A_710 = arith.constant 6 : i32
    %swap3A_711 = arith.index_cast %swap3A_710 : i32 to index
    %swap3A_712 = arith.constant 96 : index
    %swap3A_713 = tpu.vector_load %arg8[%swap3A_711, %swap3A_712] {strides = array<i32>} : memref<200x128xf32, #tpu.memory_space<vmem>>, vector<1x16xf32>,
    %swap3A_714 = vector.shape_cast %swap3A_713 : vector<1x16xf32> to vector<16xf32>
    %swap3A_715 = vector.shape_cast %get3A_709 : vector<16xf32> to vector<1x16xf32>
    tpu.vector_store %arg8[%swap3A_711, %swap3A_712], %swap3A_715 {strides = array<i32>} : memref<200x128xf32, #tpu.memory_space<vmem>>, vector<1x16xf32>,
    %get3A_716 = arith.constant 0 : i32
    %get3A_717 = arith.constant 6 : i32
    %get3A_718 = arith.index_cast %get3A_716 : i32 to index
    %get3A_719 = arith.index_cast %get3A_717 : i32 to index
    %get3A_720 = arith.constant 112 : index
    %get3A_721 = tpu.vector_load %arg9[%get3A_718, %get3A_719, %get3A_720] {strides = array<i32>} : memref<3x200x128xf32, #tpu.memory_space<vmem>>, vector<1x1x16xf32>,
    %get3A_722 = vector.shape_cast %get3A_721 : vector<1x1x16xf32> to vector<16xf32>
    %swap3A_723 = arith.constant 6 : i32
    %swap3A_724 = arith.index_cast %swap3A_723 : i32 to index
    %swap3A_725 = arith.constant 112 : index
    %swap3A_726 = tpu.vector_load %arg8[%swap3A_724, %swap3A_725] {strides = array<i32>} : memref<200x128xf32, #tpu.memory_space<vmem>>, vector<1x16xf32>,
    %swap3A_727 = vector.shape_cast %swap3A_726 : vector<1x16xf32> to vector<16xf32>
    %swap3A_728 = vector.shape_cast %get3A_722 : vector<16xf32> to vector<1x16xf32>
    tpu.vector_store %arg8[%swap3A_724, %swap3A_725], %swap3A_728 {strides = array<i32>} : memref<200x128xf32, #tpu.memory_space<vmem>>, vector<1x16xf32>,
    %get3A_729 = arith.constant 0 : i32
    %get3A_730 = arith.constant 7 : i32
    %get3A_731 = arith.index_cast %get3A_729 : i32 to index
    %get3A_732 = arith.index_cast %get3A_730 : i32 to index
    %get3A_733 = arith.constant 0 : index
    %get3A_734 = tpu.vector_load %arg9[%get3A_731, %get3A_732, %get3A_733] {strides = array<i32>} : memref<3x200x128xf32, #tpu.memory_space<vmem>>, vector<1x1x16xf32>,
    %get3A_735 = vector.shape_cast %get3A_734 : vector<1x1x16xf32> to vector<16xf32>
    %swap3A_736 = arith.constant 7 : i32
    %swap3A_737 = arith.index_cast %swap3A_736 : i32 to index
    %swap3A_738 = arith.constant 0 : index
    %swap3A_739 = tpu.vector_load %arg8[%swap3A_737, %swap3A_738] {strides = array<i32>} : memref<200x128xf32, #tpu.memory_space<vmem>>, vector<1x16xf32>,
    %swap3A_740 = vector.shape_cast %swap3A_739 : vector<1x16xf32> to vector<16xf32>
    %swap3A_741 = vector.shape_cast %get3A_735 : vector<16xf32> to vector<1x16xf32>
    tpu.vector_store %arg8[%swap3A_737, %swap3A_738], %swap3A_741 {strides = array<i32>} : memref<200x128xf32, #tpu.memory_space<vmem>>, vector<1x16xf32>,
    %get3A_742 = arith.constant 0 : i32
    %get3A_743 = arith.constant 7 : i32
    %get3A_744 = arith.index_cast %get3A_742 : i32 to index
    %get3A_745 = arith.index_cast %get3A_743 : i32 to index
    %get3A_746 = arith.constant 16 : index
    %get3A_747 = tpu.vector_load %arg9[%get3A_744, %get3A_745, %get3A_746] {strides = array<i32>} : memref<3x200x128xf32, #tpu.memory_space<vmem>>, vector<1x1x16xf32>,
    %get3A_748 = vector.shape_cast %get3A_747 : vector<1x1x16xf32> to vector<16xf32>
    %swap3A_749 = arith.constant 7 : i32
    %swap3A_750 = arith.index_cast %swap3A_749 : i32 to index
    %swap3A_751 = arith.constant 16 : index
    %swap3A_752 = tpu.vector_load %arg8[%swap3A_750, %swap3A_751] {strides = array<i32>} : memref<200x128xf32, #tpu.memory_space<vmem>>, vector<1x16xf32>,
    %swap3A_753 = vector.shape_cast %swap3A_752 : vector<1x16xf32> to vector<16xf32>
    %swap3A_754 = vector.shape_cast %get3A_748 : vector<16xf32> to vector<1x16xf32>
    tpu.vector_store %arg8[%swap3A_750, %swap3A_751], %swap3A_754 {strides = array<i32>} : memref<200x128xf32, #tpu.memory_space<vmem>>, vector<1x16xf32>,
    %get3A_755 = arith.constant 0 : i32
    %get3A_756 = arith.constant 7 : i32
    %get3A_757 = arith.index_cast %get3A_755 : i32 to index
    %get3A_758 = arith.index_cast %get3A_756 : i32 to index
    %get3A_759 = arith.constant 32 : index
    %get3A_760 = tpu.vector_load %arg9[%get3A_757, %get3A_758, %get3A_759] {strides = array<i32>} : memref<3x200x128xf32, #tpu.memory_space<vmem>>, vector<1x1x16xf32>,
    %get3A_761 = vector.shape_cast %get3A_760 : vector<1x1x16xf32> to vector<16xf32>
    %swap3A_762 = arith.constant 7 : i32
    %swap3A_763 = arith.index_cast %swap3A_762 : i32 to index
    %swap3A_764 = arith.constant 32 : index
    %swap3A_765 = tpu.vector_load %arg8[%swap3A_763, %swap3A_764] {strides = array<i32>} : memref<200x128xf32, #tpu.memory_space<vmem>>, vector<1x16xf32>,
    %swap3A_766 = vector.shape_cast %swap3A_765 : vector<1x16xf32> to vector<16xf32>
    %swap3A_767 = vector.shape_cast %get3A_761 : vector<16xf32> to vector<1x16xf32>
    tpu.vector_store %arg8[%swap3A_763, %swap3A_764], %swap3A_767 {strides = array<i32>} : memref<200x128xf32, #tpu.memory_space<vmem>>, vector<1x16xf32>,
    %get3A_768 = arith.constant 0 : i32
    %get3A_769 = arith.constant 7 : i32
    %get3A_770 = arith.index_cast %get3A_768 : i32 to index
    %get3A_771 = arith.index_cast %get3A_769 : i32 to index
    %get3A_772 = arith.constant 48 : index
    %get3A_773 = tpu.vector_load %arg9[%get3A_770, %get3A_771, %get3A_772] {strides = array<i32>} : memref<3x200x128xf32, #tpu.memory_space<vmem>>, vector<1x1x16xf32>,
    %get3A_774 = vector.shape_cast %get3A_773 : vector<1x1x16xf32> to vector<16xf32>
    %swap3A_775 = arith.constant 7 : i32
    %swap3A_776 = arith.index_cast %swap3A_775 : i32 to index
    %swap3A_777 = arith.constant 48 : index
    %swap3A_778 = tpu.vector_load %arg8[%swap3A_776, %swap3A_777] {strides = array<i32>} : memref<200x128xf32, #tpu.memory_space<vmem>>, vector<1x16xf32>,
    %swap3A_779 = vector.shape_cast %swap3A_778 : vector<1x16xf32> to vector<16xf32>
    %swap3A_780 = vector.shape_cast %get3A_774 : vector<16xf32> to vector<1x16xf32>
    tpu.vector_store %arg8[%swap3A_776, %swap3A_777], %swap3A_780 {strides = array<i32>} : memref<200x128xf32, #tpu.memory_space<vmem>>, vector<1x16xf32>,
    %get3A_781 = arith.constant 0 : i32
    %get3A_782 = arith.constant 7 : i32
    %get3A_783 = arith.index_cast %get3A_781 : i32 to index
    %get3A_784 = arith.index_cast %get3A_782 : i32 to index
    %get3A_785 = arith.constant 64 : index
    %get3A_786 = tpu.vector_load %arg9[%get3A_783, %get3A_784, %get3A_785] {strides = array<i32>} : memref<3x200x128xf32, #tpu.memory_space<vmem>>, vector<1x1x16xf32>,
    %get3A_787 = vector.shape_cast %get3A_786 : vector<1x1x16xf32> to vector<16xf32>
    %swap3A_788 = arith.constant 7 : i32
    %swap3A_789 = arith.index_cast %swap3A_788 : i32 to index
    %swap3A_790 = arith.constant 64 : index
    %swap3A_791 = tpu.vector_load %arg8[%swap3A_789, %swap3A_790] {strides = array<i32>} : memref<200x128xf32, #tpu.memory_space<vmem>>, vector<1x16xf32>,
    %swap3A_792 = vector.shape_cast %swap3A_791 : vector<1x16xf32> to vector<16xf32>
    %swap3A_793 = vector.shape_cast %get3A_787 : vector<16xf32> to vector<1x16xf32>
    tpu.vector_store %arg8[%swap3A_789, %swap3A_790], %swap3A_793 {strides = array<i32>} : memref<200x128xf32, #tpu.memory_space<vmem>>, vector<1x16xf32>,
    %get3A_794 = arith.constant 0 : i32
    %get3A_795 = arith.constant 7 : i32
    %get3A_796 = arith.index_cast %get3A_794 : i32 to index
    %get3A_797 = arith.index_cast %get3A_795 : i32 to index
    %get3A_798 = arith.constant 80 : index
    %get3A_799 = tpu.vector_load %arg9[%get3A_796, %get3A_797, %get3A_798] {strides = array<i32>} : memref<3x200x128xf32, #tpu.memory_space<vmem>>, vector<1x1x16xf32>,
    %get3A_800 = vector.shape_cast %get3A_799 : vector<1x1x16xf32> to vector<16xf32>
    %swap3A_801 = arith.constant 7 : i32
    %swap3A_802 = arith.index_cast %swap3A_801 : i32 to index
    %swap3A_803 = arith.constant 80 : index
    %swap3A_804 = tpu.vector_load %arg8[%swap3A_802, %swap3A_803] {strides = array<i32>} : memref<200x128xf32, #tpu.memory_space<vmem>>, vector<1x16xf32>,
    %swap3A_805 = vector.shape_cast %swap3A_804 : vector<1x16xf32> to vector<16xf32>
    %swap3A_806 = vector.shape_cast %get3A_800 : vector<16xf32> to vector<1x16xf32>
    tpu.vector_store %arg8[%swap3A_802, %swap3A_803], %swap3A_806 {strides = array<i32>} : memref<200x128xf32, #tpu.memory_space<vmem>>, vector<1x16xf32>,
    %get3A_807 = arith.constant 0 : i32
    %get3A_808 = arith.constant 7 : i32
    %get3A_809 = arith.index_cast %get3A_807 : i32 to index
    %get3A_810 = arith.index_cast %get3A_808 : i32 to index
    %get3A_811 = arith.constant 96 : index
    %get3A_812 = tpu.vector_load %arg9[%get3A_809, %get3A_810, %get3A_811] {strides = array<i32>} : memref<3x200x128xf32, #tpu.memory_space<vmem>>, vector<1x1x16xf32>,
    %get3A_813 = vector.shape_cast %get3A_812 : vector<1x1x16xf32> to vector<16xf32>
    %swap3A_814 = arith.constant 7 : i32
    %swap3A_815 = arith.index_cast %swap3A_814 : i32 to index
    %swap3A_816 = arith.constant 96 : index
    %swap3A_817 = tpu.vector_load %arg8[%swap3A_815, %swap3A_816] {strides = array<i32>} : memref<200x128xf32, #tpu.memory_space<vmem>>, vector<1x16xf32>,
    %swap3A_818 = vector.shape_cast %swap3A_817 : vector<1x16xf32> to vector<16xf32>
    %swap3A_819 = vector.shape_cast %get3A_813 : vector<16xf32> to vector<1x16xf32>
    tpu.vector_store %arg8[%swap3A_815, %swap3A_816], %swap3A_819 {strides = array<i32>} : memref<200x128xf32, #tpu.memory_space<vmem>>, vector<1x16xf32>,
    %get3A_820 = arith.constant 0 : i32
    %get3A_821 = arith.constant 7 : i32
    %get3A_822 = arith.index_cast %get3A_820 : i32 to index
    %get3A_823 = arith.index_cast %get3A_821 : i32 to index
    %get3A_824 = arith.constant 112 : index
    %get3A_825 = tpu.vector_load %arg9[%get3A_822, %get3A_823, %get3A_824] {strides = array<i32>} : memref<3x200x128xf32, #tpu.memory_space<vmem>>, vector<1x1x16xf32>,
    %get3A_826 = vector.shape_cast %get3A_825 : vector<1x1x16xf32> to vector<16xf32>
    %swap3A_827 = arith.constant 7 : i32
    %swap3A_828 = arith.index_cast %swap3A_827 : i32 to index
    %swap3A_829 = arith.constant 112 : index
    %swap3A_830 = tpu.vector_load %arg8[%swap3A_828, %swap3A_829] {strides = array<i32>} : memref<200x128xf32, #tpu.memory_space<vmem>>, vector<1x16xf32>,
    %swap3A_831 = vector.shape_cast %swap3A_830 : vector<1x16xf32> to vector<16xf32>
    %swap3A_832 = vector.shape_cast %get3A_826 : vector<16xf32> to vector<1x16xf32>
    tpu.vector_store %arg8[%swap3A_828, %swap3A_829], %swap3A_832 {strides = array<i32>} : memref<200x128xf32, #tpu.memory_space<vmem>>, vector<1x16xf32>,
    %get3A_833 = arith.constant 0 : i32
    %get3A_834 = arith.constant 8 : i32
    %get3A_835 = arith.index_cast %get3A_833 : i32 to index
    %get3A_836 = arith.index_cast %get3A_834 : i32 to index
    %get3A_837 = arith.constant 0 : index
    %get3A_838 = tpu.vector_load %arg9[%get3A_835, %get3A_836, %get3A_837] {strides = array<i32>} : memref<3x200x128xf32, #tpu.memory_space<vmem>>, vector<1x1x16xf32>,
    %get3A_839 = vector.shape_cast %get3A_838 : vector<1x1x16xf32> to vector<16xf32>
    %swap3A_840 = arith.constant 8 : i32
    %swap3A_841 = arith.index_cast %swap3A_840 : i32 to index
    %swap3A_842 = arith.constant 0 : index
    %swap3A_843 = tpu.vector_load %arg8[%swap3A_841, %swap3A_842] {strides = array<i32>} : memref<200x128xf32, #tpu.memory_space<vmem>>, vector<1x16xf32>,
    %swap3A_844 = vector.shape_cast %swap3A_843 : vector<1x16xf32> to vector<16xf32>
    %swap3A_845 = vector.shape_cast %get3A_839 : vector<16xf32> to vector<1x16xf32>
    tpu.vector_store %arg8[%swap3A_841, %swap3A_842], %swap3A_845 {strides = array<i32>} : memref<200x128xf32, #tpu.memory_space<vmem>>, vector<1x16xf32>,
    %get3A_846 = arith.constant 0 : i32
    %get3A_847 = arith.constant 8 : i32
    %get3A_848 = arith.index_cast %get3A_846 : i32 to index
    %get3A_849 = arith.index_cast %get3A_847 : i32 to index
    %get3A_850 = arith.constant 16 : index
    %get3A_851 = tpu.vector_load %arg9[%get3A_848, %get3A_849, %get3A_850] {strides = array<i32>} : memref<3x200x128xf32, #tpu.memory_space<vmem>>, vector<1x1x16xf32>,
    %get3A_852 = vector.shape_cast %get3A_851 : vector<1x1x16xf32> to vector<16xf32>
    %swap3A_853 = arith.constant 8 : i32
    %swap3A_854 = arith.index_cast %swap3A_853 : i32 to index
    %swap3A_855 = arith.constant 16 : index
    %swap3A_856 = tpu.vector_load %arg8[%swap3A_854, %swap3A_855] {strides = array<i32>} : memref<200x128xf32, #tpu.memory_space<vmem>>, vector<1x16xf32>,
    %swap3A_857 = vector.shape_cast %swap3A_856 : vector<1x16xf32> to vector<16xf32>
    %swap3A_858 = vector.shape_cast %get3A_852 : vector<16xf32> to vector<1x16xf32>
    tpu.vector_store %arg8[%swap3A_854, %swap3A_855], %swap3A_858 {strides = array<i32>} : memref<200x128xf32, #tpu.memory_space<vmem>>, vector<1x16xf32>,
    %get3A_859 = arith.constant 0 : i32
    %get3A_860 = arith.constant 8 : i32
    %get3A_861 = arith.index_cast %get3A_859 : i32 to index
    %get3A_862 = arith.index_cast %get3A_860 : i32 to index
    %get3A_863 = arith.constant 32 : index
    %get3A_864 = tpu.vector_load %arg9[%get3A_861, %get3A_862, %get3A_863] {strides = array<i32>} : memref<3x200x128xf32, #tpu.memory_space<vmem>>, vector<1x1x16xf32>,
    %get3A_865 = vector.shape_cast %get3A_864 : vector<1x1x16xf32> to vector<16xf32>
    %swap3A_866 = arith.constant 8 : i32
    %swap3A_867 = arith.index_cast %swap3A_866 : i32 to index
    %swap3A_868 = arith.constant 32 : index
    %swap3A_869 = tpu.vector_load %arg8[%swap3A_867, %swap3A_868] {strides = array<i32>} : memref<200x128xf32, #tpu.memory_space<vmem>>, vector<1x16xf32>,
    %swap3A_870 = vector.shape_cast %swap3A_869 : vector<1x16xf32> to vector<16xf32>
    %swap3A_871 = vector.shape_cast %get3A_865 : vector<16xf32> to vector<1x16xf32>
    tpu.vector_store %arg8[%swap3A_867, %swap3A_868], %swap3A_871 {strides = array<i32>} : memref<200x128xf32, #tpu.memory_space<vmem>>, vector<1x16xf32>,
    %get3A_872 = arith.constant 0 : i32
    %get3A_873 = arith.constant 8 : i32
    %get3A_874 = arith.index_cast %get3A_872 : i32 to index
    %get3A_875 = arith.index_cast %get3A_873 : i32 to index
    %get3A_876 = arith.constant 48 : index
    %get3A_877 = tpu.vector_load %arg9[%get3A_874, %get3A_875, %get3A_876] {strides = array<i32>} : memref<3x200x128xf32, #tpu.memory_space<vmem>>, vector<1x1x16xf32>,
    %get3A_878 = vector.shape_cast %get3A_877 : vector<1x1x16xf32> to vector<16xf32>
    %swap3A_879 = arith.constant 8 : i32
    %swap3A_880 = arith.index_cast %swap3A_879 : i32 to index
    %swap3A_881 = arith.constant 48 : index
    %swap3A_882 = tpu.vector_load %arg8[%swap3A_880, %swap3A_881] {strides = array<i32>} : memref<200x128xf32, #tpu.memory_space<vmem>>, vector<1x16xf32>,
    %swap3A_883 = vector.shape_cast %swap3A_882 : vector<1x16xf32> to vector<16xf32>
    %swap3A_884 = vector.shape_cast %get3A_878 : vector<16xf32> to vector<1x16xf32>
    tpu.vector_store %arg8[%swap3A_880, %swap3A_881], %swap3A_884 {strides = array<i32>} : memref<200x128xf32, #tpu.memory_space<vmem>>, vector<1x16xf32>,
    %get3A_885 = arith.constant 0 : i32
    %get3A_886 = arith.constant 8 : i32
    %get3A_887 = arith.index_cast %get3A_885 : i32 to index
    %get3A_888 = arith.index_cast %get3A_886 : i32 to index
    %get3A_889 = arith.constant 64 : index
    %get3A_890 = tpu.vector_load %arg9[%get3A_887, %get3A_888, %get3A_889] {strides = array<i32>} : memref<3x200x128xf32, #tpu.memory_space<vmem>>, vector<1x1x16xf32>,
    %get3A_891 = vector.shape_cast %get3A_890 : vector<1x1x16xf32> to vector<16xf32>
    %swap3A_892 = arith.constant 8 : i32
    %swap3A_893 = arith.index_cast %swap3A_892 : i32 to index
    %swap3A_894 = arith.constant 64 : index
    %swap3A_895 = tpu.vector_load %arg8[%swap3A_893, %swap3A_894] {strides = array<i32>} : memref<200x128xf32, #tpu.memory_space<vmem>>, vector<1x16xf32>,
    %swap3A_896 = vector.shape_cast %swap3A_895 : vector<1x16xf32> to vector<16xf32>
    %swap3A_897 = vector.shape_cast %get3A_891 : vector<16xf32> to vector<1x16xf32>
    tpu.vector_store %arg8[%swap3A_893, %swap3A_894], %swap3A_897 {strides = array<i32>} : memref<200x128xf32, #tpu.memory_space<vmem>>, vector<1x16xf32>,
    %get3A_898 = arith.constant 0 : i32
    %get3A_899 = arith.constant 8 : i32
    %get3A_900 = arith.index_cast %get3A_898 : i32 to index
    %get3A_901 = arith.index_cast %get3A_899 : i32 to index
    %get3A_902 = arith.constant 80 : index
    %get3A_903 = tpu.vector_load %arg9[%get3A_900, %get3A_901, %get3A_902] {strides = array<i32>} : memref<3x200x128xf32, #tpu.memory_space<vmem>>, vector<1x1x16xf32>,
    %get3A_904 = vector.shape_cast %get3A_903 : vector<1x1x16xf32> to vector<16xf32>
    %swap3A_905 = arith.constant 8 : i32
    %swap3A_906 = arith.index_cast %swap3A_905 : i32 to index
    %swap3A_907 = arith.constant 80 : index
    %swap3A_908 = tpu.vector_load %arg8[%swap3A_906, %swap3A_907] {strides = array<i32>} : memref<200x128xf32, #tpu.memory_space<vmem>>, vector<1x16xf32>,
    %swap3A_909 = vector.shape_cast %swap3A_908 : vector<1x16xf32> to vector<16xf32>
    %swap3A_910 = vector.shape_cast %get3A_904 : vector<16xf32> to vector<1x16xf32>
    tpu.vector_store %arg8[%swap3A_906, %swap3A_907], %swap3A_910 {strides = array<i32>} : memref<200x128xf32, #tpu.memory_space<vmem>>, vector<1x16xf32>,
    %get3A_911 = arith.constant 0 : i32
    %get3A_912 = arith.constant 8 : i32
    %get3A_913 = arith.index_cast %get3A_911 : i32 to index
    %get3A_914 = arith.index_cast %get3A_912 : i32 to index
    %get3A_915 = arith.constant 96 : index
    %get3A_916 = tpu.vector_load %arg9[%get3A_913, %get3A_914, %get3A_915] {strides = array<i32>} : memref<3x200x128xf32, #tpu.memory_space<vmem>>, vector<1x1x16xf32>,
    %get3A_917 = vector.shape_cast %get3A_916 : vector<1x1x16xf32> to vector<16xf32>
    %swap3A_918 = arith.constant 8 : i32
    %swap3A_919 = arith.index_cast %swap3A_918 : i32 to index
    %swap3A_920 = arith.constant 96 : index
    %swap3A_921 = tpu.vector_load %arg8[%swap3A_919, %swap3A_920] {strides = array<i32>} : memref<200x128xf32, #tpu.memory_space<vmem>>, vector<1x16xf32>,
    %swap3A_922 = vector.shape_cast %swap3A_921 : vector<1x16xf32> to vector<16xf32>
    %swap3A_923 = vector.shape_cast %get3A_917 : vector<16xf32> to vector<1x16xf32>
    tpu.vector_store %arg8[%swap3A_919, %swap3A_920], %swap3A_923 {strides = array<i32>} : memref<200x128xf32, #tpu.memory_space<vmem>>, vector<1x16xf32>,
    %get3A_924 = arith.constant 0 : i32
    %get3A_925 = arith.constant 8 : i32
    %get3A_926 = arith.index_cast %get3A_924 : i32 to index
    %get3A_927 = arith.index_cast %get3A_925 : i32 to index
    %get3A_928 = arith.constant 112 : index
    %get3A_929 = tpu.vector_load %arg9[%get3A_926, %get3A_927, %get3A_928] {strides = array<i32>} : memref<3x200x128xf32, #tpu.memory_space<vmem>>, vector<1x1x16xf32>,
    %get3A_930 = vector.shape_cast %get3A_929 : vector<1x1x16xf32> to vector<16xf32>
    %swap3A_931 = arith.constant 8 : i32
    %swap3A_932 = arith.index_cast %swap3A_931 : i32 to index
    %swap3A_933 = arith.constant 112 : index
    %swap3A_934 = tpu.vector_load %arg8[%swap3A_932, %swap3A_933] {strides = array<i32>} : memref<200x128xf32, #tpu.memory_space<vmem>>, vector<1x16xf32>,
    %swap3A_935 = vector.shape_cast %swap3A_934 : vector<1x16xf32> to vector<16xf32>
    %swap3A_936 = vector.shape_cast %get3A_930 : vector<16xf32> to vector<1x16xf32>
    tpu.vector_store %arg8[%swap3A_932, %swap3A_933], %swap3A_936 {strides = array<i32>} : memref<200x128xf32, #tpu.memory_space<vmem>>, vector<1x16xf32>,
    %get3A_937 = arith.constant 0 : i32
    %get3A_938 = arith.constant 9 : i32
    %get3A_939 = arith.index_cast %get3A_937 : i32 to index
    %get3A_940 = arith.index_cast %get3A_938 : i32 to index
    %get3A_941 = arith.constant 0 : index
    %get3A_942 = tpu.vector_load %arg9[%get3A_939, %get3A_940, %get3A_941] {strides = array<i32>} : memref<3x200x128xf32, #tpu.memory_space<vmem>>, vector<1x1x16xf32>,
    %get3A_943 = vector.shape_cast %get3A_942 : vector<1x1x16xf32> to vector<16xf32>
    %swap3A_944 = arith.constant 9 : i32
    %swap3A_945 = arith.index_cast %swap3A_944 : i32 to index
    %swap3A_946 = arith.constant 0 : index
    %swap3A_947 = tpu.vector_load %arg8[%swap3A_945, %swap3A_946] {strides = array<i32>} : memref<200x128xf32, #tpu.memory_space<vmem>>, vector<1x16xf32>,
    %swap3A_948 = vector.shape_cast %swap3A_947 : vector<1x16xf32> to vector<16xf32>
    %swap3A_949 = vector.shape_cast %get3A_943 : vector<16xf32> to vector<1x16xf32>
    tpu.vector_store %arg8[%swap3A_945, %swap3A_946], %swap3A_949 {strides = array<i32>} : memref<200x128xf32, #tpu.memory_space<vmem>>, vector<1x16xf32>,
    %get3A_950 = arith.constant 0 : i32
    %get3A_951 = arith.constant 9 : i32
    %get3A_952 = arith.index_cast %get3A_950 : i32 to index
    %get3A_953 = arith.index_cast %get3A_951 : i32 to index
    %get3A_954 = arith.constant 16 : index
    %get3A_955 = tpu.vector_load %arg9[%get3A_952, %get3A_953, %get3A_954] {strides = array<i32>} : memref<3x200x128xf32, #tpu.memory_space<vmem>>, vector<1x1x16xf32>,
    %get3A_956 = vector.shape_cast %get3A_955 : vector<1x1x16xf32> to vector<16xf32>
    %swap3A_957 = arith.constant 9 : i32
    %swap3A_958 = arith.index_cast %swap3A_957 : i32 to index
    %swap3A_959 = arith.constant 16 : index
    %swap3A_960 = tpu.vector_load %arg8[%swap3A_958, %swap3A_959] {strides = array<i32>} : memref<200x128xf32, #tpu.memory_space<vmem>>, vector<1x16xf32>,
    %swap3A_961 = vector.shape_cast %swap3A_960 : vector<1x16xf32> to vector<16xf32>
    %swap3A_962 = vector.shape_cast %get3A_956 : vector<16xf32> to vector<1x16xf32>
    tpu.vector_store %arg8[%swap3A_958, %swap3A_959], %swap3A_962 {strides = array<i32>} : memref<200x128xf32, #tpu.memory_space<vmem>>, vector<1x16xf32>,
    %get3A_963 = arith.constant 0 : i32
    %get3A_964 = arith.constant 9 : i32
    %get3A_965 = arith.index_cast %get3A_963 : i32 to index
    %get3A_966 = arith.index_cast %get3A_964 : i32 to index
    %get3A_967 = arith.constant 32 : index
    %get3A_968 = tpu.vector_load %arg9[%get3A_965, %get3A_966, %get3A_967] {strides = array<i32>} : memref<3x200x128xf32, #tpu.memory_space<vmem>>, vector<1x1x16xf32>,
    %get3A_969 = vector.shape_cast %get3A_968 : vector<1x1x16xf32> to vector<16xf32>
    %swap3A_970 = arith.constant 9 : i32
    %swap3A_971 = arith.index_cast %swap3A_970 : i32 to index
    %swap3A_972 = arith.constant 32 : index
    %swap3A_973 = tpu.vector_load %arg8[%swap3A_971, %swap3A_972] {strides = array<i32>} : memref<200x128xf32, #tpu.memory_space<vmem>>, vector<1x16xf32>,
    %swap3A_974 = vector.shape_cast %swap3A_973 : vector<1x16xf32> to vector<16xf32>
    %swap3A_975 = vector.shape_cast %get3A_969 : vector<16xf32> to vector<1x16xf32>
    tpu.vector_store %arg8[%swap3A_971, %swap3A_972], %swap3A_975 {strides = array<i32>} : memref<200x128xf32, #tpu.memory_space<vmem>>, vector<1x16xf32>,
    %get3A_976 = arith.constant 0 : i32
    %get3A_977 = arith.constant 9 : i32
    %get3A_978 = arith.index_cast %get3A_976 : i32 to index
    %get3A_979 = arith.index_cast %get3A_977 : i32 to index
    %get3A_980 = arith.constant 48 : index
    %get3A_981 = tpu.vector_load %arg9[%get3A_978, %get3A_979, %get3A_980] {strides = array<i32>} : memref<3x200x128xf32, #tpu.memory_space<vmem>>, vector<1x1x16xf32>,
    %get3A_982 = vector.shape_cast %get3A_981 : vector<1x1x16xf32> to vector<16xf32>
    %swap3A_983 = arith.constant 9 : i32
    %swap3A_984 = arith.index_cast %swap3A_983 : i32 to index
    %swap3A_985 = arith.constant 48 : index
    %swap3A_986 = tpu.vector_load %arg8[%swap3A_984, %swap3A_985] {strides = array<i32>} : memref<200x128xf32, #tpu.memory_space<vmem>>, vector<1x16xf32>,
    %swap3A_987 = vector.shape_cast %swap3A_986 : vector<1x16xf32> to vector<16xf32>
    %swap3A_988 = vector.shape_cast %get3A_982 : vector<16xf32> to vector<1x16xf32>
    tpu.vector_store %arg8[%swap3A_984, %swap3A_985], %swap3A_988 {strides = array<i32>} : memref<200x128xf32, #tpu.memory_space<vmem>>, vector<1x16xf32>,
    %get3A_989 = arith.constant 0 : i32
    %get3A_990 = arith.constant 9 : i32
    %get3A_991 = arith.index_cast %get3A_989 : i32 to index
    %get3A_992 = arith.index_cast %get3A_990 : i32 to index
    %get3A_993 = arith.constant 64 : index
    %get3A_994 = tpu.vector_load %arg9[%get3A_991, %get3A_992, %get3A_993] {strides = array<i32>} : memref<3x200x128xf32, #tpu.memory_space<vmem>>, vector<1x1x16xf32>,
    %get3A_995 = vector.shape_cast %get3A_994 : vector<1x1x16xf32> to vector<16xf32>
    %swap3A_996 = arith.constant 9 : i32
    %swap3A_997 = arith.index_cast %swap3A_996 : i32 to index
    %swap3A_998 = arith.constant 64 : index
    %swap3A_999 = tpu.vector_load %arg8[%swap3A_997, %swap3A_998] {strides = array<i32>} : memref<200x128xf32, #tpu.memory_space<vmem>>, vector<1x16xf32>,
    %swap3A_1000 = vector.shape_cast %swap3A_999 : vector<1x16xf32> to vector<16xf32>
    %swap3A_1001 = vector.shape_cast %get3A_995 : vector<16xf32> to vector<1x16xf32>
    tpu.vector_store %arg8[%swap3A_997, %swap3A_998], %swap3A_1001 {strides = array<i32>} : memref<200x128xf32, #tpu.memory_space<vmem>>, vector<1x16xf32>,
    %get3A_1002 = arith.constant 0 : i32
    %get3A_1003 = arith.constant 9 : i32
    %get3A_1004 = arith.index_cast %get3A_1002 : i32 to index
    %get3A_1005 = arith.index_cast %get3A_1003 : i32 to index
    %get3A_1006 = arith.constant 80 : index
    %get3A_1007 = tpu.vector_load %arg9[%get3A_1004, %get3A_1005, %get3A_1006] {strides = array<i32>} : memref<3x200x128xf32, #tpu.memory_space<vmem>>, vector<1x1x16xf32>,
    %get3A_1008 = vector.shape_cast %get3A_1007 : vector<1x1x16xf32> to vector<16xf32>
    %swap3A_1009 = arith.constant 9 : i32
    %swap3A_1010 = arith.index_cast %swap3A_1009 : i32 to index
    %swap3A_1011 = arith.constant 80 : index
    %swap3A_1012 = tpu.vector_load %arg8[%swap3A_1010, %swap3A_1011] {strides = array<i32>} : memref<200x128xf32, #tpu.memory_space<vmem>>, vector<1x16xf32>,
    %swap3A_1013 = vector.shape_cast %swap3A_1012 : vector<1x16xf32> to vector<16xf32>
    %swap3A_1014 = vector.shape_cast %get3A_1008 : vector<16xf32> to vector<1x16xf32>
    tpu.vector_store %arg8[%swap3A_1010, %swap3A_1011], %swap3A_1014 {strides = array<i32>} : memref<200x128xf32, #tpu.memory_space<vmem>>, vector<1x16xf32>,
    %get3A_1015 = arith.constant 0 : i32
    %get3A_1016 = arith.constant 9 : i32
    %get3A_1017 = arith.index_cast %get3A_1015 : i32 to index
    %get3A_1018 = arith.index_cast %get3A_1016 : i32 to index
    %get3A_1019 = arith.constant 96 : index
    %get3A_1020 = tpu.vector_load %arg9[%get3A_1017, %get3A_1018, %get3A_1019] {strides = array<i32>} : memref<3x200x128xf32, #tpu.memory_space<vmem>>, vector<1x1x16xf32>,
    %get3A_1021 = vector.shape_cast %get3A_1020 : vector<1x1x16xf32> to vector<16xf32>
    %swap3A_1022 = arith.constant 9 : i32
    %swap3A_1023 = arith.index_cast %swap3A_1022 : i32 to index
    %swap3A_1024 = arith.constant 96 : index
    %swap3A_1025 = tpu.vector_load %arg8[%swap3A_1023, %swap3A_1024] {strides = array<i32>} : memref<200x128xf32, #tpu.memory_space<vmem>>, vector<1x16xf32>,
    %swap3A_1026 = vector.shape_cast %swap3A_1025 : vector<1x16xf32> to vector<16xf32>
    %swap3A_1027 = vector.shape_cast %get3A_1021 : vector<16xf32> to vector<1x16xf32>
    tpu.vector_store %arg8[%swap3A_1023, %swap3A_1024], %swap3A_1027 {strides = array<i32>} : memref<200x128xf32, #tpu.memory_space<vmem>>, vector<1x16xf32>,
    %get3A_1028 = arith.constant 0 : i32
    %get3A_1029 = arith.constant 9 : i32
    %get3A_1030 = arith.index_cast %get3A_1028 : i32 to index
    %get3A_1031 = arith.index_cast %get3A_1029 : i32 to index
    %get3A_1032 = arith.constant 112 : index
    %get3A_1033 = tpu.vector_load %arg9[%get3A_1030, %get3A_1031, %get3A_1032] {strides = array<i32>} : memref<3x200x128xf32, #tpu.memory_space<vmem>>, vector<1x1x16xf32>,
    %get3A_1034 = vector.shape_cast %get3A_1033 : vector<1x1x16xf32> to vector<16xf32>
    %swap3A_1035 = arith.constant 9 : i32
    %swap3A_1036 = arith.index_cast %swap3A_1035 : i32 to index
    %swap3A_1037 = arith.constant 112 : index
    %swap3A_1038 = tpu.vector_load %arg8[%swap3A_1036, %swap3A_1037] {strides = array<i32>} : memref<200x128xf32, #tpu.memory_space<vmem>>, vector<1x16xf32>,
    %swap3A_1039 = vector.shape_cast %swap3A_1038 : vector<1x16xf32> to vector<16xf32>
    %swap3A_1040 = vector.shape_cast %get3A_1034 : vector<16xf32> to vector<1x16xf32>
    tpu.vector_store %arg8[%swap3A_1036, %swap3A_1037], %swap3A_1040 {strides = array<i32>} : memref<200x128xf32, #tpu.memory_space<vmem>>, vector<1x16xf32>,
    %get3A_1041 = arith.constant 0 : i32
    %get3A_1042 = arith.constant 10 : i32
    %get3A_1043 = arith.index_cast %get3A_1041 : i32 to index
    %get3A_1044 = arith.index_cast %get3A_1042 : i32 to index
    %get3A_1045 = arith.constant 0 : index
    %get3A_1046 = tpu.vector_load %arg9[%get3A_1043, %get3A_1044, %get3A_1045] {strides = array<i32>} : memref<3x200x128xf32, #tpu.memory_space<vmem>>, vector<1x1x16xf32>,
    %get3A_1047 = vector.shape_cast %get3A_1046 : vector<1x1x16xf32> to vector<16xf32>
    %swap3A_1048 = arith.constant 10 : i32
    %swap3A_1049 = arith.index_cast %swap3A_1048 : i32 to index
    %swap3A_1050 = arith.constant 0 : index
    %swap3A_1051 = tpu.vector_load %arg8[%swap3A_1049, %swap3A_1050] {strides = array<i32>} : memref<200x128xf32, #tpu.memory_space<vmem>>, vector<1x16xf32>,
    %swap3A_1052 = vector.shape_cast %swap3A_1051 : vector<1x16xf32> to vector<16xf32>
    %swap3A_1053 = vector.shape_cast %get3A_1047 : vector<16xf32> to vector<1x16xf32>
    tpu.vector_store %arg8[%swap3A_1049, %swap3A_1050], %swap3A_1053 {strides = array<i32>} : memref<200x128xf32, #tpu.memory_space<vmem>>, vector<1x16xf32>,
    %get3A_1054 = arith.constant 0 : i32
    %get3A_1055 = arith.constant 10 : i32
    %get3A_1056 = arith.index_cast %get3A_1054 : i32 to index
    %get3A_1057 = arith.index_cast %get3A_1055 : i32 to index
    %get3A_1058 = arith.constant 16 : index
    %get3A_1059 = tpu.vector_load %arg9[%get3A_1056, %get3A_1057, %get3A_1058] {strides = array<i32>} : memref<3x200x128xf32, #tpu.memory_space<vmem>>, vector<1x1x16xf32>,
    %get3A_1060 = vector.shape_cast %get3A_1059 : vector<1x1x16xf32> to vector<16xf32>
    %swap3A_1061 = arith.constant 10 : i32
    %swap3A_1062 = arith.index_cast %swap3A_1061 : i32 to index
    %swap3A_1063 = arith.constant 16 : index
    %swap3A_1064 = tpu.vector_load %arg8[%swap3A_1062, %swap3A_1063] {strides = array<i32>} : memref<200x128xf32, #tpu.memory_space<vmem>>, vector<1x16xf32>,
    %swap3A_1065 = vector.shape_cast %swap3A_1064 : vector<1x16xf32> to vector<16xf32>
    %swap3A_1066 = vector.shape_cast %get3A_1060 : vector<16xf32> to vector<1x16xf32>
    tpu.vector_store %arg8[%swap3A_1062, %swap3A_1063], %swap3A_1066 {strides = array<i32>} : memref<200x128xf32, #tpu.memory_space<vmem>>, vector<1x16xf32>,
    %get3A_1067 = arith.constant 0 : i32
    %get3A_1068 = arith.constant 10 : i32
    %get3A_1069 = arith.index_cast %get3A_1067 : i32 to index
    %get3A_1070 = arith.index_cast %get3A_1068 : i32 to index
    %get3A_1071 = arith.constant 32 : index
    %get3A_1072 = tpu.vector_load %arg9[%get3A_1069, %get3A_1070, %get3A_1071] {strides = array<i32>} : memref<3x200x128xf32, #tpu.memory_space<vmem>>, vector<1x1x16xf32>,
    %get3A_1073 = vector.shape_cast %get3A_1072 : vector<1x1x16xf32> to vector<16xf32>
    %swap3A_1074 = arith.constant 10 : i32
    %swap3A_1075 = arith.index_cast %swap3A_1074 : i32 to index
    %swap3A_1076 = arith.constant 32 : index
    %swap3A_1077 = tpu.vector_load %arg8[%swap3A_1075, %swap3A_1076] {strides = array<i32>} : memref<200x128xf32, #tpu.memory_space<vmem>>, vector<1x16xf32>,
    %swap3A_1078 = vector.shape_cast %swap3A_1077 : vector<1x16xf32> to vector<16xf32>
    %swap3A_1079 = vector.shape_cast %get3A_1073 : vector<16xf32> to vector<1x16xf32>
    tpu.vector_store %arg8[%swap3A_1075, %swap3A_1076], %swap3A_1079 {strides = array<i32>} : memref<200x128xf32, #tpu.memory_space<vmem>>, vector<1x16xf32>,
    %get3A_1080 = arith.constant 0 : i32
    %get3A_1081 = arith.constant 10 : i32
    %get3A_1082 = arith.index_cast %get3A_1080 : i32 to index
    %get3A_1083 = arith.index_cast %get3A_1081 : i32 to index
    %get3A_1084 = arith.constant 48 : index
    %get3A_1085 = tpu.vector_load %arg9[%get3A_1082, %get3A_1083, %get3A_1084] {strides = array<i32>} : memref<3x200x128xf32, #tpu.memory_space<vmem>>, vector<1x1x16xf32>,
    %get3A_1086 = vector.shape_cast %get3A_1085 : vector<1x1x16xf32> to vector<16xf32>
    %swap3A_1087 = arith.constant 10 : i32
    %swap3A_1088 = arith.index_cast %swap3A_1087 : i32 to index
    %swap3A_1089 = arith.constant 48 : index
    %swap3A_1090 = tpu.vector_load %arg8[%swap3A_1088, %swap3A_1089] {strides = array<i32>} : memref<200x128xf32, #tpu.memory_space<vmem>>, vector<1x16xf32>,
    %swap3A_1091 = vector.shape_cast %swap3A_1090 : vector<1x16xf32> to vector<16xf32>
    %swap3A_1092 = vector.shape_cast %get3A_1086 : vector<16xf32> to vector<1x16xf32>
    tpu.vector_store %arg8[%swap3A_1088, %swap3A_1089], %swap3A_1092 {strides = array<i32>} : memref<200x128xf32, #tpu.memory_space<vmem>>, vector<1x16xf32>,
    %get3A_1093 = arith.constant 0 : i32
    %get3A_1094 = arith.constant 10 : i32
    %get3A_1095 = arith.index_cast %get3A_1093 : i32 to index
    %get3A_1096 = arith.index_cast %get3A_1094 : i32 to index
    %get3A_1097 = arith.constant 64 : index
    %get3A_1098 = tpu.vector_load %arg9[%get3A_1095, %get3A_1096, %get3A_1097] {strides = array<i32>} : memref<3x200x128xf32, #tpu.memory_space<vmem>>, vector<1x1x16xf32>,
    %get3A_1099 = vector.shape_cast %get3A_1098 : vector<1x1x16xf32> to vector<16xf32>
    %swap3A_1100 = arith.constant 10 : i32
    %swap3A_1101 = arith.index_cast %swap3A_1100 : i32 to index
    %swap3A_1102 = arith.constant 64 : index
    %swap3A_1103 = tpu.vector_load %arg8[%swap3A_1101, %swap3A_1102] {strides = array<i32>} : memref<200x128xf32, #tpu.memory_space<vmem>>, vector<1x16xf32>,
    %swap3A_1104 = vector.shape_cast %swap3A_1103 : vector<1x16xf32> to vector<16xf32>
    %swap3A_1105 = vector.shape_cast %get3A_1099 : vector<16xf32> to vector<1x16xf32>
    tpu.vector_store %arg8[%swap3A_1101, %swap3A_1102], %swap3A_1105 {strides = array<i32>} : memref<200x128xf32, #tpu.memory_space<vmem>>, vector<1x16xf32>,
    %get3A_1106 = arith.constant 0 : i32
    %get3A_1107 = arith.constant 10 : i32
    %get3A_1108 = arith.index_cast %get3A_1106 : i32 to index
    %get3A_1109 = arith.index_cast %get3A_1107 : i32 to index
    %get3A_1110 = arith.constant 80 : index
    %get3A_1111 = tpu.vector_load %arg9[%get3A_1108, %get3A_1109, %get3A_1110] {strides = array<i32>} : memref<3x200x128xf32, #tpu.memory_space<vmem>>, vector<1x1x16xf32>,
    %get3A_1112 = vector.shape_cast %get3A_1111 : vector<1x1x16xf32> to vector<16xf32>
    %swap3A_1113 = arith.constant 10 : i32
    %swap3A_1114 = arith.index_cast %swap3A_1113 : i32 to index
    %swap3A_1115 = arith.constant 80 : index
    %swap3A_1116 = tpu.vector_load %arg8[%swap3A_1114, %swap3A_1115] {strides = array<i32>} : memref<200x128xf32, #tpu.memory_space<vmem>>, vector<1x16xf32>,
    %swap3A_1117 = vector.shape_cast %swap3A_1116 : vector<1x16xf32> to vector<16xf32>
    %swap3A_1118 = vector.shape_cast %get3A_1112 : vector<16xf32> to vector<1x16xf32>
    tpu.vector_store %arg8[%swap3A_1114, %swap3A_1115], %swap3A_1118 {strides = array<i32>} : memref<200x128xf32, #tpu.memory_space<vmem>>, vector<1x16xf32>,
    %get3A_1119 = arith.constant 0 : i32
    %get3A_1120 = arith.constant 10 : i32
    %get3A_1121 = arith.index_cast %get3A_1119 : i32 to index
    %get3A_1122 = arith.index_cast %get3A_1120 : i32 to index
    %get3A_1123 = arith.constant 96 : index
    %get3A_1124 = tpu.vector_load %arg9[%get3A_1121, %get3A_1122, %get3A_1123] {strides = array<i32>} : memref<3x200x128xf32, #tpu.memory_space<vmem>>, vector<1x1x16xf32>,
    %get3A_1125 = vector.shape_cast %get3A_1124 : vector<1x1x16xf32> to vector<16xf32>
    %swap3A_1126 = arith.constant 10 : i32
    %swap3A_1127 = arith.index_cast %swap3A_1126 : i32 to index
    %swap3A_1128 = arith.constant 96 : index
    %swap3A_1129 = tpu.vector_load %arg8[%swap3A_1127, %swap3A_1128] {strides = array<i32>} : memref<200x128xf32, #tpu.memory_space<vmem>>, vector<1x16xf32>,
    %swap3A_1130 = vector.shape_cast %swap3A_1129 : vector<1x16xf32> to vector<16xf32>
    %swap3A_1131 = vector.shape_cast %get3A_1125 : vector<16xf32> to vector<1x16xf32>
    tpu.vector_store %arg8[%swap3A_1127, %swap3A_1128], %swap3A_1131 {strides = array<i32>} : memref<200x128xf32, #tpu.memory_space<vmem>>, vector<1x16xf32>,
    %get3A_1132 = arith.constant 0 : i32
    %get3A_1133 = arith.constant 10 : i32
    %get3A_1134 = arith.index_cast %get3A_1132 : i32 to index
    %get3A_1135 = arith.index_cast %get3A_1133 : i32 to index
    %get3A_1136 = arith.constant 112 : index
    %get3A_1137 = tpu.vector_load %arg9[%get3A_1134, %get3A_1135, %get3A_1136] {strides = array<i32>} : memref<3x200x128xf32, #tpu.memory_space<vmem>>, vector<1x1x16xf32>,
    %get3A_1138 = vector.shape_cast %get3A_1137 : vector<1x1x16xf32> to vector<16xf32>
    %swap3A_1139 = arith.constant 10 : i32
    %swap3A_1140 = arith.index_cast %swap3A_1139 : i32 to index
    %swap3A_1141 = arith.constant 112 : index
    %swap3A_1142 = tpu.vector_load %arg8[%swap3A_1140, %swap3A_1141] {strides = array<i32>} : memref<200x128xf32, #tpu.memory_space<vmem>>, vector<1x16xf32>,
    %swap3A_1143 = vector.shape_cast %swap3A_1142 : vector<1x16xf32> to vector<16xf32>
    %swap3A_1144 = vector.shape_cast %get3A_1138 : vector<16xf32> to vector<1x16xf32>
    tpu.vector_store %arg8[%swap3A_1140, %swap3A_1141], %swap3A_1144 {strides = array<i32>} : memref<200x128xf32, #tpu.memory_space<vmem>>, vector<1x16xf32>,
    %get3A_1145 = arith.constant 0 : i32
    %get3A_1146 = arith.constant 11 : i32
    %get3A_1147 = arith.index_cast %get3A_1145 : i32 to index
    %get3A_1148 = arith.index_cast %get3A_1146 : i32 to index
    %get3A_1149 = arith.constant 0 : index
    %get3A_1150 = tpu.vector_load %arg9[%get3A_1147, %get3A_1148, %get3A_1149] {strides = array<i32>} : memref<3x200x128xf32, #tpu.memory_space<vmem>>, vector<1x1x16xf32>,
    %get3A_1151 = vector.shape_cast %get3A_1150 : vector<1x1x16xf32> to vector<16xf32>
    %swap3A_1152 = arith.constant 11 : i32
    %swap3A_1153 = arith.index_cast %swap3A_1152 : i32 to index
    %swap3A_1154 = arith.constant 0 : index
    %swap3A_1155 = tpu.vector_load %arg8[%swap3A_1153, %swap3A_1154] {strides = array<i32>} : memref<200x128xf32, #tpu.memory_space<vmem>>, vector<1x16xf32>,
    %swap3A_1156 = vector.shape_cast %swap3A_1155 : vector<1x16xf32> to vector<16xf32>
    %swap3A_1157 = vector.shape_cast %get3A_1151 : vector<16xf32> to vector<1x16xf32>
    tpu.vector_store %arg8[%swap3A_1153, %swap3A_1154], %swap3A_1157 {strides = array<i32>} : memref<200x128xf32, #tpu.memory_space<vmem>>, vector<1x16xf32>,
    %get3A_1158 = arith.constant 0 : i32
    %get3A_1159 = arith.constant 11 : i32
    %get3A_1160 = arith.index_cast %get3A_1158 : i32 to index
    %get3A_1161 = arith.index_cast %get3A_1159 : i32 to index
    %get3A_1162 = arith.constant 16 : index
    %get3A_1163 = tpu.vector_load %arg9[%get3A_1160, %get3A_1161, %get3A_1162] {strides = array<i32>} : memref<3x200x128xf32, #tpu.memory_space<vmem>>, vector<1x1x16xf32>,
    %get3A_1164 = vector.shape_cast %get3A_1163 : vector<1x1x16xf32> to vector<16xf32>
    %swap3A_1165 = arith.constant 11 : i32
    %swap3A_1166 = arith.index_cast %swap3A_1165 : i32 to index
    %swap3A_1167 = arith.constant 16 : index
    %swap3A_1168 = tpu.vector_load %arg8[%swap3A_1166, %swap3A_1167] {strides = array<i32>} : memref<200x128xf32, #tpu.memory_space<vmem>>, vector<1x16xf32>,
    %swap3A_1169 = vector.shape_cast %swap3A_1168 : vector<1x16xf32> to vector<16xf32>
    %swap3A_1170 = vector.shape_cast %get3A_1164 : vector<16xf32> to vector<1x16xf32>
    tpu.vector_store %arg8[%swap3A_1166, %swap3A_1167], %swap3A_1170 {strides = array<i32>} : memref<200x128xf32, #tpu.memory_space<vmem>>, vector<1x16xf32>,
    %get3A_1171 = arith.constant 0 : i32
    %get3A_1172 = arith.constant 11 : i32
    %get3A_1173 = arith.index_cast %get3A_1171 : i32 to index
    %get3A_1174 = arith.index_cast %get3A_1172 : i32 to index
    %get3A_1175 = arith.constant 32 : index
    %get3A_1176 = tpu.vector_load %arg9[%get3A_1173, %get3A_1174, %get3A_1175] {strides = array<i32>} : memref<3x200x128xf32, #tpu.memory_space<vmem>>, vector<1x1x16xf32>,
    %get3A_1177 = vector.shape_cast %get3A_1176 : vector<1x1x16xf32> to vector<16xf32>
    %swap3A_1178 = arith.constant 11 : i32
    %swap3A_1179 = arith.index_cast %swap3A_1178 : i32 to index
    %swap3A_1180 = arith.constant 32 : index
    %swap3A_1181 = tpu.vector_load %arg8[%swap3A_1179, %swap3A_1180] {strides = array<i32>} : memref<200x128xf32, #tpu.memory_space<vmem>>, vector<1x16xf32>,
    %swap3A_1182 = vector.shape_cast %swap3A_1181 : vector<1x16xf32> to vector<16xf32>
    %swap3A_1183 = vector.shape_cast %get3A_1177 : vector<16xf32> to vector<1x16xf32>
    tpu.vector_store %arg8[%swap3A_1179, %swap3A_1180], %swap3A_1183 {strides = array<i32>} : memref<200x128xf32, #tpu.memory_space<vmem>>, vector<1x16xf32>,
    %get3A_1184 = arith.constant 0 : i32
    %get3A_1185 = arith.constant 11 : i32
    %get3A_1186 = arith.index_cast %get3A_1184 : i32 to index
    %get3A_1187 = arith.index_cast %get3A_1185 : i32 to index
    %get3A_1188 = arith.constant 48 : index
    %get3A_1189 = tpu.vector_load %arg9[%get3A_1186, %get3A_1187, %get3A_1188] {strides = array<i32>} : memref<3x200x128xf32, #tpu.memory_space<vmem>>, vector<1x1x16xf32>,
    %get3A_1190 = vector.shape_cast %get3A_1189 : vector<1x1x16xf32> to vector<16xf32>
    %swap3A_1191 = arith.constant 11 : i32
    %swap3A_1192 = arith.index_cast %swap3A_1191 : i32 to index
    %swap3A_1193 = arith.constant 48 : index
    %swap3A_1194 = tpu.vector_load %arg8[%swap3A_1192, %swap3A_1193] {strides = array<i32>} : memref<200x128xf32, #tpu.memory_space<vmem>>, vector<1x16xf32>,
    %swap3A_1195 = vector.shape_cast %swap3A_1194 : vector<1x16xf32> to vector<16xf32>
    %swap3A_1196 = vector.shape_cast %get3A_1190 : vector<16xf32> to vector<1x16xf32>
    tpu.vector_store %arg8[%swap3A_1192, %swap3A_1193], %swap3A_1196 {strides = array<i32>} : memref<200x128xf32, #tpu.memory_space<vmem>>, vector<1x16xf32>,
    %get3A_1197 = arith.constant 0 : i32
    %get3A_1198 = arith.constant 11 : i32
    %get3A_1199 = arith.index_cast %get3A_1197 : i32 to index
    %get3A_1200 = arith.index_cast %get3A_1198 : i32 to index
    %get3A_1201 = arith.constant 64 : index
    %get3A_1202 = tpu.vector_load %arg9[%get3A_1199, %get3A_1200, %get3A_1201] {strides = array<i32>} : memref<3x200x128xf32, #tpu.memory_space<vmem>>, vector<1x1x16xf32>,
    %get3A_1203 = vector.shape_cast %get3A_1202 : vector<1x1x16xf32> to vector<16xf32>
    %swap3A_1204 = arith.constant 11 : i32
    %swap3A_1205 = arith.index_cast %swap3A_1204 : i32 to index
    %swap3A_1206 = arith.constant 64 : index
    %swap3A_1207 = tpu.vector_load %arg8[%swap3A_1205, %swap3A_1206] {strides = array<i32>} : memref<200x128xf32, #tpu.memory_space<vmem>>, vector<1x16xf32>,
    %swap3A_1208 = vector.shape_cast %swap3A_1207 : vector<1x16xf32> to vector<16xf32>
    %swap3A_1209 = vector.shape_cast %get3A_1203 : vector<16xf32> to vector<1x16xf32>
    tpu.vector_store %arg8[%swap3A_1205, %swap3A_1206], %swap3A_1209 {strides = array<i32>} : memref<200x128xf32, #tpu.memory_space<vmem>>, vector<1x16xf32>,
    %get3A_1210 = arith.constant 0 : i32
    %get3A_1211 = arith.constant 11 : i32
    %get3A_1212 = arith.index_cast %get3A_1210 : i32 to index
    %get3A_1213 = arith.index_cast %get3A_1211 : i32 to index
    %get3A_1214 = arith.constant 80 : index
    %get3A_1215 = tpu.vector_load %arg9[%get3A_1212, %get3A_1213, %get3A_1214] {strides = array<i32>} : memref<3x200x128xf32, #tpu.memory_space<vmem>>, vector<1x1x16xf32>,
    %get3A_1216 = vector.shape_cast %get3A_1215 : vector<1x1x16xf32> to vector<16xf32>
    %swap3A_1217 = arith.constant 11 : i32
    %swap3A_1218 = arith.index_cast %swap3A_1217 : i32 to index
    %swap3A_1219 = arith.constant 80 : index
    %swap3A_1220 = tpu.vector_load %arg8[%swap3A_1218, %swap3A_1219] {strides = array<i32>} : memref<200x128xf32, #tpu.memory_space<vmem>>, vector<1x16xf32>,
    %swap3A_1221 = vector.shape_cast %swap3A_1220 : vector<1x16xf32> to vector<16xf32>
    %swap3A_1222 = vector.shape_cast %get3A_1216 : vector<16xf32> to vector<1x16xf32>
    tpu.vector_store %arg8[%swap3A_1218, %swap3A_1219], %swap3A_1222 {strides = array<i32>} : memref<200x128xf32, #tpu.memory_space<vmem>>, vector<1x16xf32>,
    %get3A_1223 = arith.constant 0 : i32
    %get3A_1224 = arith.constant 11 : i32
    %get3A_1225 = arith.index_cast %get3A_1223 : i32 to index
    %get3A_1226 = arith.index_cast %get3A_1224 : i32 to index
    %get3A_1227 = arith.constant 96 : index
    %get3A_1228 = tpu.vector_load %arg9[%get3A_1225, %get3A_1226, %get3A_1227] {strides = array<i32>} : memref<3x200x128xf32, #tpu.memory_space<vmem>>, vector<1x1x16xf32>,
    %get3A_1229 = vector.shape_cast %get3A_1228 : vector<1x1x16xf32> to vector<16xf32>
    %swap3A_1230 = arith.constant 11 : i32
    %swap3A_1231 = arith.index_cast %swap3A_1230 : i32 to index
    %swap3A_1232 = arith.constant 96 : index
    %swap3A_1233 = tpu.vector_load %arg8[%swap3A_1231, %swap3A_1232] {strides = array<i32>} : memref<200x128xf32, #tpu.memory_space<vmem>>, vector<1x16xf32>,
    %swap3A_1234 = vector.shape_cast %swap3A_1233 : vector<1x16xf32> to vector<16xf32>
    %swap3A_1235 = vector.shape_cast %get3A_1229 : vector<16xf32> to vector<1x16xf32>
    tpu.vector_store %arg8[%swap3A_1231, %swap3A_1232], %swap3A_1235 {strides = array<i32>} : memref<200x128xf32, #tpu.memory_space<vmem>>, vector<1x16xf32>,
    %get3A_1236 = arith.constant 0 : i32
    %get3A_1237 = arith.constant 11 : i32
    %get3A_1238 = arith.index_cast %get3A_1236 : i32 to index
    %get3A_1239 = arith.index_cast %get3A_1237 : i32 to index
    %get3A_1240 = arith.constant 112 : index
    %get3A_1241 = tpu.vector_load %arg9[%get3A_1238, %get3A_1239, %get3A_1240] {strides = array<i32>} : memref<3x200x128xf32, #tpu.memory_space<vmem>>, vector<1x1x16xf32>,
    %get3A_1242 = vector.shape_cast %get3A_1241 : vector<1x1x16xf32> to vector<16xf32>
    %swap3A_1243 = arith.constant 11 : i32
    %swap3A_1244 = arith.index_cast %swap3A_1243 : i32 to index
    %swap3A_1245 = arith.constant 112 : index
    %swap3A_1246 = tpu.vector_load %arg8[%swap3A_1244, %swap3A_1245] {strides = array<i32>} : memref<200x128xf32, #tpu.memory_space<vmem>>, vector<1x16xf32>,
    %swap3A_1247 = vector.shape_cast %swap3A_1246 : vector<1x16xf32> to vector<16xf32>
    %swap3A_1248 = vector.shape_cast %get3A_1242 : vector<16xf32> to vector<1x16xf32>
    tpu.vector_store %arg8[%swap3A_1244, %swap3A_1245], %swap3A_1248 {strides = array<i32>} : memref<200x128xf32, #tpu.memory_space<vmem>>, vector<1x16xf32>,
    %get3A_1249 = arith.constant 0 : i32
    %get3A_1250 = arith.constant 12 : i32
    %get3A_1251 = arith.index_cast %get3A_1249 : i32 to index
    %get3A_1252 = arith.index_cast %get3A_1250 : i32 to index
    %get3A_1253 = arith.constant 0 : index
    %get3A_1254 = tpu.vector_load %arg9[%get3A_1251, %get3A_1252, %get3A_1253] {strides = array<i32>} : memref<3x200x128xf32, #tpu.memory_space<vmem>>, vector<1x1x16xf32>,
    %get3A_1255 = vector.shape_cast %get3A_1254 : vector<1x1x16xf32> to vector<16xf32>
    %swap3A_1256 = arith.constant 12 : i32
    %swap3A_1257 = arith.index_cast %swap3A_1256 : i32 to index
    %swap3A_1258 = arith.constant 0 : index
    %swap3A_1259 = tpu.vector_load %arg8[%swap3A_1257, %swap3A_1258] {strides = array<i32>} : memref<200x128xf32, #tpu.memory_space<vmem>>, vector<1x16xf32>,
    %swap3A_1260 = vector.shape_cast %swap3A_1259 : vector<1x16xf32> to vector<16xf32>
    %swap3A_1261 = vector.shape_cast %get3A_1255 : vector<16xf32> to vector<1x16xf32>
    tpu.vector_store %arg8[%swap3A_1257, %swap3A_1258], %swap3A_1261 {strides = array<i32>} : memref<200x128xf32, #tpu.memory_space<vmem>>, vector<1x16xf32>,
    %get3A_1262 = arith.constant 0 : i32
    %get3A_1263 = arith.constant 12 : i32
    %get3A_1264 = arith.index_cast %get3A_1262 : i32 to index
    %get3A_1265 = arith.index_cast %get3A_1263 : i32 to index
    %get3A_1266 = arith.constant 16 : index
    %get3A_1267 = tpu.vector_load %arg9[%get3A_1264, %get3A_1265, %get3A_1266] {strides = array<i32>} : memref<3x200x128xf32, #tpu.memory_space<vmem>>, vector<1x1x16xf32>,
    %get3A_1268 = vector.shape_cast %get3A_1267 : vector<1x1x16xf32> to vector<16xf32>
    %swap3A_1269 = arith.constant 12 : i32
    %swap3A_1270 = arith.index_cast %swap3A_1269 : i32 to index
    %swap3A_1271 = arith.constant 16 : index
    %swap3A_1272 = tpu.vector_load %arg8[%swap3A_1270, %swap3A_1271] {strides = array<i32>} : memref<200x128xf32, #tpu.memory_space<vmem>>, vector<1x16xf32>,
    %swap3A_1273 = vector.shape_cast %swap3A_1272 : vector<1x16xf32> to vector<16xf32>
    %swap3A_1274 = vector.shape_cast %get3A_1268 : vector<16xf32> to vector<1x16xf32>
    tpu.vector_store %arg8[%swap3A_1270, %swap3A_1271], %swap3A_1274 {strides = array<i32>} : memref<200x128xf32, #tpu.memory_space<vmem>>, vector<1x16xf32>,
    %get3A_1275 = arith.constant 0 : i32
    %get3A_1276 = arith.constant 12 : i32
    %get3A_1277 = arith.index_cast %get3A_1275 : i32 to index
    %get3A_1278 = arith.index_cast %get3A_1276 : i32 to index
    %get3A_1279 = arith.constant 32 : index
    %get3A_1280 = tpu.vector_load %arg9[%get3A_1277, %get3A_1278, %get3A_1279] {strides = array<i32>} : memref<3x200x128xf32, #tpu.memory_space<vmem>>, vector<1x1x16xf32>,
    %get3A_1281 = vector.shape_cast %get3A_1280 : vector<1x1x16xf32> to vector<16xf32>
    %swap3A_1282 = arith.constant 12 : i32
    %swap3A_1283 = arith.index_cast %swap3A_1282 : i32 to index
    %swap3A_1284 = arith.constant 32 : index
    %swap3A_1285 = tpu.vector_load %arg8[%swap3A_1283, %swap3A_1284] {strides = array<i32>} : memref<200x128xf32, #tpu.memory_space<vmem>>, vector<1x16xf32>,
    %swap3A_1286 = vector.shape_cast %swap3A_1285 : vector<1x16xf32> to vector<16xf32>
    %swap3A_1287 = vector.shape_cast %get3A_1281 : vector<16xf32> to vector<1x16xf32>
    tpu.vector_store %arg8[%swap3A_1283, %swap3A_1284], %swap3A_1287 {strides = array<i32>} : memref<200x128xf32, #tpu.memory_space<vmem>>, vector<1x16xf32>,
    %get3A_1288 = arith.constant 0 : i32
    %get3A_1289 = arith.constant 12 : i32
    %get3A_1290 = arith.index_cast %get3A_1288 : i32 to index
    %get3A_1291 = arith.index_cast %get3A_1289 : i32 to index
    %get3A_1292 = arith.constant 48 : index
    %get3A_1293 = tpu.vector_load %arg9[%get3A_1290, %get3A_1291, %get3A_1292] {strides = array<i32>} : memref<3x200x128xf32, #tpu.memory_space<vmem>>, vector<1x1x16xf32>,
    %get3A_1294 = vector.shape_cast %get3A_1293 : vector<1x1x16xf32> to vector<16xf32>
    %swap3A_1295 = arith.constant 12 : i32
    %swap3A_1296 = arith.index_cast %swap3A_1295 : i32 to index
    %swap3A_1297 = arith.constant 48 : index
    %swap3A_1298 = tpu.vector_load %arg8[%swap3A_1296, %swap3A_1297] {strides = array<i32>} : memref<200x128xf32, #tpu.memory_space<vmem>>, vector<1x16xf32>,
    %swap3A_1299 = vector.shape_cast %swap3A_1298 : vector<1x16xf32> to vector<16xf32>
    %swap3A_1300 = vector.shape_cast %get3A_1294 : vector<16xf32> to vector<1x16xf32>
    tpu.vector_store %arg8[%swap3A_1296, %swap3A_1297], %swap3A_1300 {strides = array<i32>} : memref<200x128xf32, #tpu.memory_space<vmem>>, vector<1x16xf32>,
    %get3A_1301 = arith.constant 0 : i32
    %get3A_1302 = arith.constant 12 : i32
    %get3A_1303 = arith.index_cast %get3A_1301 : i32 to index
    %get3A_1304 = arith.index_cast %get3A_1302 : i32 to index
    %get3A_1305 = arith.constant 64 : index
    %get3A_1306 = tpu.vector_load %arg9[%get3A_1303, %get3A_1304, %get3A_1305] {strides = array<i32>} : memref<3x200x128xf32, #tpu.memory_space<vmem>>, vector<1x1x16xf32>,
    %get3A_1307 = vector.shape_cast %get3A_1306 : vector<1x1x16xf32> to vector<16xf32>
    %swap3A_1308 = arith.constant 12 : i32
    %swap3A_1309 = arith.index_cast %swap3A_1308 : i32 to index
    %swap3A_1310 = arith.constant 64 : index
    %swap3A_1311 = tpu.vector_load %arg8[%swap3A_1309, %swap3A_1310] {strides = array<i32>} : memref<200x128xf32, #tpu.memory_space<vmem>>, vector<1x16xf32>,
    %swap3A_1312 = vector.shape_cast %swap3A_1311 : vector<1x16xf32> to vector<16xf32>
    %swap3A_1313 = vector.shape_cast %get3A_1307 : vector<16xf32> to vector<1x16xf32>
    tpu.vector_store %arg8[%swap3A_1309, %swap3A_1310], %swap3A_1313 {strides = array<i32>} : memref<200x128xf32, #tpu.memory_space<vmem>>, vector<1x16xf32>,
    %get3A_1314 = arith.constant 0 : i32
    %get3A_1315 = arith.constant 12 : i32
    %get3A_1316 = arith.index_cast %get3A_1314 : i32 to index
    %get3A_1317 = arith.index_cast %get3A_1315 : i32 to index
    %get3A_1318 = arith.constant 80 : index
    %get3A_1319 = tpu.vector_load %arg9[%get3A_1316, %get3A_1317, %get3A_1318] {strides = array<i32>} : memref<3x200x128xf32, #tpu.memory_space<vmem>>, vector<1x1x16xf32>,
    %get3A_1320 = vector.shape_cast %get3A_1319 : vector<1x1x16xf32> to vector<16xf32>
    %swap3A_1321 = arith.constant 12 : i32
    %swap3A_1322 = arith.index_cast %swap3A_1321 : i32 to index
    %swap3A_1323 = arith.constant 80 : index
    %swap3A_1324 = tpu.vector_load %arg8[%swap3A_1322, %swap3A_1323] {strides = array<i32>} : memref<200x128xf32, #tpu.memory_space<vmem>>, vector<1x16xf32>,
    %swap3A_1325 = vector.shape_cast %swap3A_1324 : vector<1x16xf32> to vector<16xf32>
    %swap3A_1326 = vector.shape_cast %get3A_1320 : vector<16xf32> to vector<1x16xf32>
    tpu.vector_store %arg8[%swap3A_1322, %swap3A_1323], %swap3A_1326 {strides = array<i32>} : memref<200x128xf32, #tpu.memory_space<vmem>>, vector<1x16xf32>,
    %get3A_1327 = arith.constant 0 : i32
    %get3A_1328 = arith.constant 12 : i32
    %get3A_1329 = arith.index_cast %get3A_1327 : i32 to index
    %get3A_1330 = arith.index_cast %get3A_1328 : i32 to index
    %get3A_1331 = arith.constant 96 : index
    %get3A_1332 = tpu.vector_load %arg9[%get3A_1329, %get3A_1330, %get3A_1331] {strides = array<i32>} : memref<3x200x128xf32, #tpu.memory_space<vmem>>, vector<1x1x16xf32>,
    %get3A_1333 = vector.shape_cast %get3A_1332 : vector<1x1x16xf32> to vector<16xf32>
    %swap3A_1334 = arith.constant 12 : i32
    %swap3A_1335 = arith.index_cast %swap3A_1334 : i32 to index
    %swap3A_1336 = arith.constant 96 : index
    %swap3A_1337 = tpu.vector_load %arg8[%swap3A_1335, %swap3A_1336] {strides = array<i32>} : memref<200x128xf32, #tpu.memory_space<vmem>>, vector<1x16xf32>,
    %swap3A_1338 = vector.shape_cast %swap3A_1337 : vector<1x16xf32> to vector<16xf32>
    %swap3A_1339 = vector.shape_cast %get3A_1333 : vector<16xf32> to vector<1x16xf32>
    tpu.vector_store %arg8[%swap3A_1335, %swap3A_1336], %swap3A_1339 {strides = array<i32>} : memref<200x128xf32, #tpu.memory_space<vmem>>, vector<1x16xf32>,
    %get3A_1340 = arith.constant 0 : i32
    %get3A_1341 = arith.constant 12 : i32
    %get3A_1342 = arith.index_cast %get3A_1340 : i32 to index
    %get3A_1343 = arith.index_cast %get3A_1341 : i32 to index
    %get3A_1344 = arith.constant 112 : index
    %get3A_1345 = tpu.vector_load %arg9[%get3A_1342, %get3A_1343, %get3A_1344] {strides = array<i32>} : memref<3x200x128xf32, #tpu.memory_space<vmem>>, vector<1x1x16xf32>,
    %get3A_1346 = vector.shape_cast %get3A_1345 : vector<1x1x16xf32> to vector<16xf32>
    %swap3A_1347 = arith.constant 12 : i32
    %swap3A_1348 = arith.index_cast %swap3A_1347 : i32 to index
    %swap3A_1349 = arith.constant 112 : index
    %swap3A_1350 = tpu.vector_load %arg8[%swap3A_1348, %swap3A_1349] {strides = array<i32>} : memref<200x128xf32, #tpu.memory_space<vmem>>, vector<1x16xf32>,
    %swap3A_1351 = vector.shape_cast %swap3A_1350 : vector<1x16xf32> to vector<16xf32>
    %swap3A_1352 = vector.shape_cast %get3A_1346 : vector<16xf32> to vector<1x16xf32>
    tpu.vector_store %arg8[%swap3A_1348, %swap3A_1349], %swap3A_1352 {strides = array<i32>} : memref<200x128xf32, #tpu.memory_space<vmem>>, vector<1x16xf32>,
    %get3A_1353 = arith.constant 0 : i32
    %get3A_1354 = arith.constant 13 : i32
    %get3A_1355 = arith.index_cast %get3A_1353 : i32 to index
    %get3A_1356 = arith.index_cast %get3A_1354 : i32 to index
    %get3A_1357 = arith.constant 0 : index
    %get3A_1358 = tpu.vector_load %arg9[%get3A_1355, %get3A_1356, %get3A_1357] {strides = array<i32>} : memref<3x200x128xf32, #tpu.memory_space<vmem>>, vector<1x1x16xf32>,
    %get3A_1359 = vector.shape_cast %get3A_1358 : vector<1x1x16xf32> to vector<16xf32>
    %swap3A_1360 = arith.constant 13 : i32
    %swap3A_1361 = arith.index_cast %swap3A_1360 : i32 to index
    %swap3A_1362 = arith.constant 0 : index
    %swap3A_1363 = tpu.vector_load %arg8[%swap3A_1361, %swap3A_1362] {strides = array<i32>} : memref<200x128xf32, #tpu.memory_space<vmem>>, vector<1x16xf32>,
    %swap3A_1364 = vector.shape_cast %swap3A_1363 : vector<1x16xf32> to vector<16xf32>
    %swap3A_1365 = vector.shape_cast %get3A_1359 : vector<16xf32> to vector<1x16xf32>
    tpu.vector_store %arg8[%swap3A_1361, %swap3A_1362], %swap3A_1365 {strides = array<i32>} : memref<200x128xf32, #tpu.memory_space<vmem>>, vector<1x16xf32>,
    %get3A_1366 = arith.constant 0 : i32
    %get3A_1367 = arith.constant 13 : i32
    %get3A_1368 = arith.index_cast %get3A_1366 : i32 to index
    %get3A_1369 = arith.index_cast %get3A_1367 : i32 to index
    %get3A_1370 = arith.constant 16 : index
    %get3A_1371 = tpu.vector_load %arg9[%get3A_1368, %get3A_1369, %get3A_1370] {strides = array<i32>} : memref<3x200x128xf32, #tpu.memory_space<vmem>>, vector<1x1x16xf32>,
    %get3A_1372 = vector.shape_cast %get3A_1371 : vector<1x1x16xf32> to vector<16xf32>
    %swap3A_1373 = arith.constant 13 : i32
    %swap3A_1374 = arith.index_cast %swap3A_1373 : i32 to index
    %swap3A_1375 = arith.constant 16 : index
    %swap3A_1376 = tpu.vector_load %arg8[%swap3A_1374, %swap3A_1375] {strides = array<i32>} : memref<200x128xf32, #tpu.memory_space<vmem>>, vector<1x16xf32>,
    %swap3A_1377 = vector.shape_cast %swap3A_1376 : vector<1x16xf32> to vector<16xf32>
    %swap3A_1378 = vector.shape_cast %get3A_1372 : vector<16xf32> to vector<1x16xf32>
    tpu.vector_store %arg8[%swap3A_1374, %swap3A_1375], %swap3A_1378 {strides = array<i32>} : memref<200x128xf32, #tpu.memory_space<vmem>>, vector<1x16xf32>,
    %get3A_1379 = arith.constant 0 : i32
    %get3A_1380 = arith.constant 13 : i32
    %get3A_1381 = arith.index_cast %get3A_1379 : i32 to index
    %get3A_1382 = arith.index_cast %get3A_1380 : i32 to index
    %get3A_1383 = arith.constant 32 : index
    %get3A_1384 = tpu.vector_load %arg9[%get3A_1381, %get3A_1382, %get3A_1383] {strides = array<i32>} : memref<3x200x128xf32, #tpu.memory_space<vmem>>, vector<1x1x16xf32>,
    %get3A_1385 = vector.shape_cast %get3A_1384 : vector<1x1x16xf32> to vector<16xf32>
    %swap3A_1386 = arith.constant 13 : i32
    %swap3A_1387 = arith.index_cast %swap3A_1386 : i32 to index
    %swap3A_1388 = arith.constant 32 : index
    %swap3A_1389 = tpu.vector_load %arg8[%swap3A_1387, %swap3A_1388] {strides = array<i32>} : memref<200x128xf32, #tpu.memory_space<vmem>>, vector<1x16xf32>,
    %swap3A_1390 = vector.shape_cast %swap3A_1389 : vector<1x16xf32> to vector<16xf32>
    %swap3A_1391 = vector.shape_cast %get3A_1385 : vector<16xf32> to vector<1x16xf32>
    tpu.vector_store %arg8[%swap3A_1387, %swap3A_1388], %swap3A_1391 {strides = array<i32>} : memref<200x128xf32, #tpu.memory_space<vmem>>, vector<1x16xf32>,
    %get3A_1392 = arith.constant 0 : i32
    %get3A_1393 = arith.constant 13 : i32
    %get3A_1394 = arith.index_cast %get3A_1392 : i32 to index
    %get3A_1395 = arith.index_cast %get3A_1393 : i32 to index
    %get3A_1396 = arith.constant 48 : index
    %get3A_1397 = tpu.vector_load %arg9[%get3A_1394, %get3A_1395, %get3A_1396] {strides = array<i32>} : memref<3x200x128xf32, #tpu.memory_space<vmem>>, vector<1x1x16xf32>,
    %get3A_1398 = vector.shape_cast %get3A_1397 : vector<1x1x16xf32> to vector<16xf32>
    %swap3A_1399 = arith.constant 13 : i32
    %swap3A_1400 = arith.index_cast %swap3A_1399 : i32 to index
    %swap3A_1401 = arith.constant 48 : index
    %swap3A_1402 = tpu.vector_load %arg8[%swap3A_1400, %swap3A_1401] {strides = array<i32>} : memref<200x128xf32, #tpu.memory_space<vmem>>, vector<1x16xf32>,
    %swap3A_1403 = vector.shape_cast %swap3A_1402 : vector<1x16xf32> to vector<16xf32>
    %swap3A_1404 = vector.shape_cast %get3A_1398 : vector<16xf32> to vector<1x16xf32>
    tpu.vector_store %arg8[%swap3A_1400, %swap3A_1401], %swap3A_1404 {strides = array<i32>} : memref<200x128xf32, #tpu.memory_space<vmem>>, vector<1x16xf32>,
    %get3A_1405 = arith.constant 0 : i32
    %get3A_1406 = arith.constant 13 : i32
    %get3A_1407 = arith.index_cast %get3A_1405 : i32 to index
    %get3A_1408 = arith.index_cast %get3A_1406 : i32 to index
    %get3A_1409 = arith.constant 64 : index
    %get3A_1410 = tpu.vector_load %arg9[%get3A_1407, %get3A_1408, %get3A_1409] {strides = array<i32>} : memref<3x200x128xf32, #tpu.memory_space<vmem>>, vector<1x1x16xf32>,
    %get3A_1411 = vector.shape_cast %get3A_1410 : vector<1x1x16xf32> to vector<16xf32>
    %swap3A_1412 = arith.constant 13 : i32
    %swap3A_1413 = arith.index_cast %swap3A_1412 : i32 to index
    %swap3A_1414 = arith.constant 64 : index
    %swap3A_1415 = tpu.vector_load %arg8[%swap3A_1413, %swap3A_1414] {strides = array<i32>} : memref<200x128xf32, #tpu.memory_space<vmem>>, vector<1x16xf32>,
    %swap3A_1416 = vector.shape_cast %swap3A_1415 : vector<1x16xf32> to vector<16xf32>
    %swap3A_1417 = vector.shape_cast %get3A_1411 : vector<16xf32> to vector<1x16xf32>
    tpu.vector_store %arg8[%swap3A_1413, %swap3A_1414], %swap3A_1417 {strides = array<i32>} : memref<200x128xf32, #tpu.memory_space<vmem>>, vector<1x16xf32>,
    %get3A_1418 = arith.constant 0 : i32
    %get3A_1419 = arith.constant 13 : i32
    %get3A_1420 = arith.index_cast %get3A_1418 : i32 to index
    %get3A_1421 = arith.index_cast %get3A_1419 : i32 to index
    %get3A_1422 = arith.constant 80 : index
    %get3A_1423 = tpu.vector_load %arg9[%get3A_1420, %get3A_1421, %get3A_1422] {strides = array<i32>} : memref<3x200x128xf32, #tpu.memory_space<vmem>>, vector<1x1x16xf32>,
    %get3A_1424 = vector.shape_cast %get3A_1423 : vector<1x1x16xf32> to vector<16xf32>
    %swap3A_1425 = arith.constant 13 : i32
    %swap3A_1426 = arith.index_cast %swap3A_1425 : i32 to index
    %swap3A_1427 = arith.constant 80 : index
    %swap3A_1428 = tpu.vector_load %arg8[%swap3A_1426, %swap3A_1427] {strides = array<i32>} : memref<200x128xf32, #tpu.memory_space<vmem>>, vector<1x16xf32>,
    %swap3A_1429 = vector.shape_cast %swap3A_1428 : vector<1x16xf32> to vector<16xf32>
    %swap3A_1430 = vector.shape_cast %get3A_1424 : vector<16xf32> to vector<1x16xf32>
    tpu.vector_store %arg8[%swap3A_1426, %swap3A_1427], %swap3A_1430 {strides = array<i32>} : memref<200x128xf32, #tpu.memory_space<vmem>>, vector<1x16xf32>,
    %get3A_1431 = arith.constant 0 : i32
    %get3A_1432 = arith.constant 13 : i32
    %get3A_1433 = arith.index_cast %get3A_1431 : i32 to index
    %get3A_1434 = arith.index_cast %get3A_1432 : i32 to index
    %get3A_1435 = arith.constant 96 : index
    %get3A_1436 = tpu.vector_load %arg9[%get3A_1433, %get3A_1434, %get3A_1435] {strides = array<i32>} : memref<3x200x128xf32, #tpu.memory_space<vmem>>, vector<1x1x16xf32>,
    %get3A_1437 = vector.shape_cast %get3A_1436 : vector<1x1x16xf32> to vector<16xf32>
    %swap3A_1438 = arith.constant 13 : i32
    %swap3A_1439 = arith.index_cast %swap3A_1438 : i32 to index
    %swap3A_1440 = arith.constant 96 : index
    %swap3A_1441 = tpu.vector_load %arg8[%swap3A_1439, %swap3A_1440] {strides = array<i32>} : memref<200x128xf32, #tpu.memory_space<vmem>>, vector<1x16xf32>,
    %swap3A_1442 = vector.shape_cast %swap3A_1441 : vector<1x16xf32> to vector<16xf32>
    %swap3A_1443 = vector.shape_cast %get3A_1437 : vector<16xf32> to vector<1x16xf32>
    tpu.vector_store %arg8[%swap3A_1439, %swap3A_1440], %swap3A_1443 {strides = array<i32>} : memref<200x128xf32, #tpu.memory_space<vmem>>, vector<1x16xf32>,
    %get3A_1444 = arith.constant 0 : i32
    %get3A_1445 = arith.constant 13 : i32
    %get3A_1446 = arith.index_cast %get3A_1444 : i32 to index
    %get3A_1447 = arith.index_cast %get3A_1445 : i32 to index
    %get3A_1448 = arith.constant 112 : index
    %get3A_1449 = tpu.vector_load %arg9[%get3A_1446, %get3A_1447, %get3A_1448] {strides = array<i32>} : memref<3x200x128xf32, #tpu.memory_space<vmem>>, vector<1x1x16xf32>,
    %get3A_1450 = vector.shape_cast %get3A_1449 : vector<1x1x16xf32> to vector<16xf32>
    %swap3A_1451 = arith.constant 13 : i32
    %swap3A_1452 = arith.index_cast %swap3A_1451 : i32 to index
    %swap3A_1453 = arith.constant 112 : index
    %swap3A_1454 = tpu.vector_load %arg8[%swap3A_1452, %swap3A_1453] {strides = array<i32>} : memref<200x128xf32, #tpu.memory_space<vmem>>, vector<1x16xf32>,
    %swap3A_1455 = vector.shape_cast %swap3A_1454 : vector<1x16xf32> to vector<16xf32>
    %swap3A_1456 = vector.shape_cast %get3A_1450 : vector<16xf32> to vector<1x16xf32>
    tpu.vector_store %arg8[%swap3A_1452, %swap3A_1453], %swap3A_1456 {strides = array<i32>} : memref<200x128xf32, #tpu.memory_space<vmem>>, vector<1x16xf32>,
    %get3A_1457 = arith.constant 0 : i32
    %get3A_1458 = arith.constant 14 : i32
    %get3A_1459 = arith.index_cast %get3A_1457 : i32 to index
    %get3A_1460 = arith.index_cast %get3A_1458 : i32 to index
    %get3A_1461 = arith.constant 0 : index
    %get3A_1462 = tpu.vector_load %arg9[%get3A_1459, %get3A_1460, %get3A_1461] {strides = array<i32>} : memref<3x200x128xf32, #tpu.memory_space<vmem>>, vector<1x1x16xf32>,
    %get3A_1463 = vector.shape_cast %get3A_1462 : vector<1x1x16xf32> to vector<16xf32>
    %swap3A_1464 = arith.constant 14 : i32
    %swap3A_1465 = arith.index_cast %swap3A_1464 : i32 to index
    %swap3A_1466 = arith.constant 0 : index
    %swap3A_1467 = tpu.vector_load %arg8[%swap3A_1465, %swap3A_1466] {strides = array<i32>} : memref<200x128xf32, #tpu.memory_space<vmem>>, vector<1x16xf32>,
    %swap3A_1468 = vector.shape_cast %swap3A_1467 : vector<1x16xf32> to vector<16xf32>
    %swap3A_1469 = vector.shape_cast %get3A_1463 : vector<16xf32> to vector<1x16xf32>
    tpu.vector_store %arg8[%swap3A_1465, %swap3A_1466], %swap3A_1469 {strides = array<i32>} : memref<200x128xf32, #tpu.memory_space<vmem>>, vector<1x16xf32>,
    %get3A_1470 = arith.constant 0 : i32
    %get3A_1471 = arith.constant 14 : i32
    %get3A_1472 = arith.index_cast %get3A_1470 : i32 to index
    %get3A_1473 = arith.index_cast %get3A_1471 : i32 to index
    %get3A_1474 = arith.constant 16 : index
    %get3A_1475 = tpu.vector_load %arg9[%get3A_1472, %get3A_1473, %get3A_1474] {strides = array<i32>} : memref<3x200x128xf32, #tpu.memory_space<vmem>>, vector<1x1x16xf32>,
    %get3A_1476 = vector.shape_cast %get3A_1475 : vector<1x1x16xf32> to vector<16xf32>
    %swap3A_1477 = arith.constant 14 : i32
    %swap3A_1478 = arith.index_cast %swap3A_1477 : i32 to index
    %swap3A_1479 = arith.constant 16 : index
    %swap3A_1480 = tpu.vector_load %arg8[%swap3A_1478, %swap3A_1479] {strides = array<i32>} : memref<200x128xf32, #tpu.memory_space<vmem>>, vector<1x16xf32>,
    %swap3A_1481 = vector.shape_cast %swap3A_1480 : vector<1x16xf32> to vector<16xf32>
    %swap3A_1482 = vector.shape_cast %get3A_1476 : vector<16xf32> to vector<1x16xf32>
    tpu.vector_store %arg8[%swap3A_1478, %swap3A_1479], %swap3A_1482 {strides = array<i32>} : memref<200x128xf32, #tpu.memory_space<vmem>>, vector<1x16xf32>,
    %get3A_1483 = arith.constant 0 : i32
    %get3A_1484 = arith.constant 14 : i32
    %get3A_1485 = arith.index_cast %get3A_1483 : i32 to index
    %get3A_1486 = arith.index_cast %get3A_1484 : i32 to index
    %get3A_1487 = arith.constant 32 : index
    %get3A_1488 = tpu.vector_load %arg9[%get3A_1485, %get3A_1486, %get3A_1487] {strides = array<i32>} : memref<3x200x128xf32, #tpu.memory_space<vmem>>, vector<1x1x16xf32>,
    %get3A_1489 = vector.shape_cast %get3A_1488 : vector<1x1x16xf32> to vector<16xf32>
    %swap3A_1490 = arith.constant 14 : i32
    %swap3A_1491 = arith.index_cast %swap3A_1490 : i32 to index
    %swap3A_1492 = arith.constant 32 : index
    %swap3A_1493 = tpu.vector_load %arg8[%swap3A_1491, %swap3A_1492] {strides = array<i32>} : memref<200x128xf32, #tpu.memory_space<vmem>>, vector<1x16xf32>,
    %swap3A_1494 = vector.shape_cast %swap3A_1493 : vector<1x16xf32> to vector<16xf32>
    %swap3A_1495 = vector.shape_cast %get3A_1489 : vector<16xf32> to vector<1x16xf32>
    tpu.vector_store %arg8[%swap3A_1491, %swap3A_1492], %swap3A_1495 {strides = array<i32>} : memref<200x128xf32, #tpu.memory_space<vmem>>, vector<1x16xf32>,
    %get3A_1496 = arith.constant 0 : i32
    %get3A_1497 = arith.constant 14 : i32
    %get3A_1498 = arith.index_cast %get3A_1496 : i32 to index
    %get3A_1499 = arith.index_cast %get3A_1497 : i32 to index
    %get3A_1500 = arith.constant 48 : index
    %get3A_1501 = tpu.vector_load %arg9[%get3A_1498, %get3A_1499, %get3A_1500] {strides = array<i32>} : memref<3x200x128xf32, #tpu.memory_space<vmem>>, vector<1x1x16xf32>,
    %get3A_1502 = vector.shape_cast %get3A_1501 : vector<1x1x16xf32> to vector<16xf32>
    %swap3A_1503 = arith.constant 14 : i32
    %swap3A_1504 = arith.index_cast %swap3A_1503 : i32 to index
    %swap3A_1505 = arith.constant 48 : index
    %swap3A_1506 = tpu.vector_load %arg8[%swap3A_1504, %swap3A_1505] {strides = array<i32>} : memref<200x128xf32, #tpu.memory_space<vmem>>, vector<1x16xf32>,
    %swap3A_1507 = vector.shape_cast %swap3A_1506 : vector<1x16xf32> to vector<16xf32>
    %swap3A_1508 = vector.shape_cast %get3A_1502 : vector<16xf32> to vector<1x16xf32>
    tpu.vector_store %arg8[%swap3A_1504, %swap3A_1505], %swap3A_1508 {strides = array<i32>} : memref<200x128xf32, #tpu.memory_space<vmem>>, vector<1x16xf32>,
    %get3A_1509 = arith.constant 0 : i32
    %get3A_1510 = arith.constant 14 : i32
    %get3A_1511 = arith.index_cast %get3A_1509 : i32 to index
    %get3A_1512 = arith.index_cast %get3A_1510 : i32 to index
    %get3A_1513 = arith.constant 64 : index
    %get3A_1514 = tpu.vector_load %arg9[%get3A_1511, %get3A_1512, %get3A_1513] {strides = array<i32>} : memref<3x200x128xf32, #tpu.memory_space<vmem>>, vector<1x1x16xf32>,
    %get3A_1515 = vector.shape_cast %get3A_1514 : vector<1x1x16xf32> to vector<16xf32>
    %swap3A_1516 = arith.constant 14 : i32
    %swap3A_1517 = arith.index_cast %swap3A_1516 : i32 to index
    %swap3A_1518 = arith.constant 64 : index
    %swap3A_1519 = tpu.vector_load %arg8[%swap3A_1517, %swap3A_1518] {strides = array<i32>} : memref<200x128xf32, #tpu.memory_space<vmem>>, vector<1x16xf32>,
    %swap3A_1520 = vector.shape_cast %swap3A_1519 : vector<1x16xf32> to vector<16xf32>
    %swap3A_1521 = vector.shape_cast %get3A_1515 : vector<16xf32> to vector<1x16xf32>
    tpu.vector_store %arg8[%swap3A_1517, %swap3A_1518], %swap3A_1521 {strides = array<i32>} : memref<200x128xf32, #tpu.memory_space<vmem>>, vector<1x16xf32>,
    %get3A_1522 = arith.constant 0 : i32
    %get3A_1523 = arith.constant 14 : i32
    %get3A_1524 = arith.index_cast %get3A_1522 : i32 to index
    %get3A_1525 = arith.index_cast %get3A_1523 : i32 to index
    %get3A_1526 = arith.constant 80 : index
    %get3A_1527 = tpu.vector_load %arg9[%get3A_1524, %get3A_1525, %get3A_1526] {strides = array<i32>} : memref<3x200x128xf32, #tpu.memory_space<vmem>>, vector<1x1x16xf32>,
    %get3A_1528 = vector.shape_cast %get3A_1527 : vector<1x1x16xf32> to vector<16xf32>
    %swap3A_1529 = arith.constant 14 : i32
    %swap3A_1530 = arith.index_cast %swap3A_1529 : i32 to index
    %swap3A_1531 = arith.constant 80 : index
    %swap3A_1532 = tpu.vector_load %arg8[%swap3A_1530, %swap3A_1531] {strides = array<i32>} : memref<200x128xf32, #tpu.memory_space<vmem>>, vector<1x16xf32>,
    %swap3A_1533 = vector.shape_cast %swap3A_1532 : vector<1x16xf32> to vector<16xf32>
    %swap3A_1534 = vector.shape_cast %get3A_1528 : vector<16xf32> to vector<1x16xf32>
    tpu.vector_store %arg8[%swap3A_1530, %swap3A_1531], %swap3A_1534 {strides = array<i32>} : memref<200x128xf32, #tpu.memory_space<vmem>>, vector<1x16xf32>,
    %get3A_1535 = arith.constant 0 : i32
    %get3A_1536 = arith.constant 14 : i32
    %get3A_1537 = arith.index_cast %get3A_1535 : i32 to index
    %get3A_1538 = arith.index_cast %get3A_1536 : i32 to index
    %get3A_1539 = arith.constant 96 : index
    %get3A_1540 = tpu.vector_load %arg9[%get3A_1537, %get3A_1538, %get3A_1539] {strides = array<i32>} : memref<3x200x128xf32, #tpu.memory_space<vmem>>, vector<1x1x16xf32>,
    %get3A_1541 = vector.shape_cast %get3A_1540 : vector<1x1x16xf32> to vector<16xf32>
    %swap3A_1542 = arith.constant 14 : i32
    %swap3A_1543 = arith.index_cast %swap3A_1542 : i32 to index
    %swap3A_1544 = arith.constant 96 : index
    %swap3A_1545 = tpu.vector_load %arg8[%swap3A_1543, %swap3A_1544] {strides = array<i32>} : memref<200x128xf32, #tpu.memory_space<vmem>>, vector<1x16xf32>,
    %swap3A_1546 = vector.shape_cast %swap3A_1545 : vector<1x16xf32> to vector<16xf32>
    %swap3A_1547 = vector.shape_cast %get3A_1541 : vector<16xf32> to vector<1x16xf32>
    tpu.vector_store %arg8[%swap3A_1543, %swap3A_1544], %swap3A_1547 {strides = array<i32>} : memref<200x128xf32, #tpu.memory_space<vmem>>, vector<1x16xf32>,
    %get3A_1548 = arith.constant 0 : i32
    %get3A_1549 = arith.constant 14 : i32
    %get3A_1550 = arith.index_cast %get3A_1548 : i32 to index
    %get3A_1551 = arith.index_cast %get3A_1549 : i32 to index
    %get3A_1552 = arith.constant 112 : index
    %get3A_1553 = tpu.vector_load %arg9[%get3A_1550, %get3A_1551, %get3A_1552] {strides = array<i32>} : memref<3x200x128xf32, #tpu.memory_space<vmem>>, vector<1x1x16xf32>,
    %get3A_1554 = vector.shape_cast %get3A_1553 : vector<1x1x16xf32> to vector<16xf32>
    %swap3A_1555 = arith.constant 14 : i32
    %swap3A_1556 = arith.index_cast %swap3A_1555 : i32 to index
    %swap3A_1557 = arith.constant 112 : index
    %swap3A_1558 = tpu.vector_load %arg8[%swap3A_1556, %swap3A_1557] {strides = array<i32>} : memref<200x128xf32, #tpu.memory_space<vmem>>, vector<1x16xf32>,
    %swap3A_1559 = vector.shape_cast %swap3A_1558 : vector<1x16xf32> to vector<16xf32>
    %swap3A_1560 = vector.shape_cast %get3A_1554 : vector<16xf32> to vector<1x16xf32>
    tpu.vector_store %arg8[%swap3A_1556, %swap3A_1557], %swap3A_1560 {strides = array<i32>} : memref<200x128xf32, #tpu.memory_space<vmem>>, vector<1x16xf32>,
    %get3A_1561 = arith.constant 0 : i32
    %get3A_1562 = arith.constant 15 : i32
    %get3A_1563 = arith.index_cast %get3A_1561 : i32 to index
    %get3A_1564 = arith.index_cast %get3A_1562 : i32 to index
    %get3A_1565 = arith.constant 0 : index
    %get3A_1566 = tpu.vector_load %arg9[%get3A_1563, %get3A_1564, %get3A_1565] {strides = array<i32>} : memref<3x200x128xf32, #tpu.memory_space<vmem>>, vector<1x1x16xf32>,
    %get3A_1567 = vector.shape_cast %get3A_1566 : vector<1x1x16xf32> to vector<16xf32>
    %swap3A_1568 = arith.constant 15 : i32
    %swap3A_1569 = arith.index_cast %swap3A_1568 : i32 to index
    %swap3A_1570 = arith.constant 0 : index
    %swap3A_1571 = tpu.vector_load %arg8[%swap3A_1569, %swap3A_1570] {strides = array<i32>} : memref<200x128xf32, #tpu.memory_space<vmem>>, vector<1x16xf32>,
    %swap3A_1572 = vector.shape_cast %swap3A_1571 : vector<1x16xf32> to vector<16xf32>
    %swap3A_1573 = vector.shape_cast %get3A_1567 : vector<16xf32> to vector<1x16xf32>
    tpu.vector_store %arg8[%swap3A_1569, %swap3A_1570], %swap3A_1573 {strides = array<i32>} : memref<200x128xf32, #tpu.memory_space<vmem>>, vector<1x16xf32>,
    %get3A_1574 = arith.constant 0 : i32
    %get3A_1575 = arith.constant 15 : i32
    %get3A_1576 = arith.index_cast %get3A_1574 : i32 to index
    %get3A_1577 = arith.index_cast %get3A_1575 : i32 to index
    %get3A_1578 = arith.constant 16 : index
    %get3A_1579 = tpu.vector_load %arg9[%get3A_1576, %get3A_1577, %get3A_1578] {strides = array<i32>} : memref<3x200x128xf32, #tpu.memory_space<vmem>>, vector<1x1x16xf32>,
    %get3A_1580 = vector.shape_cast %get3A_1579 : vector<1x1x16xf32> to vector<16xf32>
    %swap3A_1581 = arith.constant 15 : i32
    %swap3A_1582 = arith.index_cast %swap3A_1581 : i32 to index
    %swap3A_1583 = arith.constant 16 : index
    %swap3A_1584 = tpu.vector_load %arg8[%swap3A_1582, %swap3A_1583] {strides = array<i32>} : memref<200x128xf32, #tpu.memory_space<vmem>>, vector<1x16xf32>,
    %swap3A_1585 = vector.shape_cast %swap3A_1584 : vector<1x16xf32> to vector<16xf32>
    %swap3A_1586 = vector.shape_cast %get3A_1580 : vector<16xf32> to vector<1x16xf32>
    tpu.vector_store %arg8[%swap3A_1582, %swap3A_1583], %swap3A_1586 {strides = array<i32>} : memref<200x128xf32, #tpu.memory_space<vmem>>, vector<1x16xf32>,
    %get3A_1587 = arith.constant 0 : i32
    %get3A_1588 = arith.constant 15 : i32
    %get3A_1589 = arith.index_cast %get3A_1587 : i32 to index
    %get3A_1590 = arith.index_cast %get3A_1588 : i32 to index
    %get3A_1591 = arith.constant 32 : index
    %get3A_1592 = tpu.vector_load %arg9[%get3A_1589, %get3A_1590, %get3A_1591] {strides = array<i32>} : memref<3x200x128xf32, #tpu.memory_space<vmem>>, vector<1x1x16xf32>,
    %get3A_1593 = vector.shape_cast %get3A_1592 : vector<1x1x16xf32> to vector<16xf32>
    %swap3A_1594 = arith.constant 15 : i32
    %swap3A_1595 = arith.index_cast %swap3A_1594 : i32 to index
    %swap3A_1596 = arith.constant 32 : index
    %swap3A_1597 = tpu.vector_load %arg8[%swap3A_1595, %swap3A_1596] {strides = array<i32>} : memref<200x128xf32, #tpu.memory_space<vmem>>, vector<1x16xf32>,
    %swap3A_1598 = vector.shape_cast %swap3A_1597 : vector<1x16xf32> to vector<16xf32>
    %swap3A_1599 = vector.shape_cast %get3A_1593 : vector<16xf32> to vector<1x16xf32>
    tpu.vector_store %arg8[%swap3A_1595, %swap3A_1596], %swap3A_1599 {strides = array<i32>} : memref<200x128xf32, #tpu.memory_space<vmem>>, vector<1x16xf32>,
    %get3A_1600 = arith.constant 0 : i32
    %get3A_1601 = arith.constant 15 : i32
    %get3A_1602 = arith.index_cast %get3A_1600 : i32 to index
    %get3A_1603 = arith.index_cast %get3A_1601 : i32 to index
    %get3A_1604 = arith.constant 48 : index
    %get3A_1605 = tpu.vector_load %arg9[%get3A_1602, %get3A_1603, %get3A_1604] {strides = array<i32>} : memref<3x200x128xf32, #tpu.memory_space<vmem>>, vector<1x1x16xf32>,
    %get3A_1606 = vector.shape_cast %get3A_1605 : vector<1x1x16xf32> to vector<16xf32>
    %swap3A_1607 = arith.constant 15 : i32
    %swap3A_1608 = arith.index_cast %swap3A_1607 : i32 to index
    %swap3A_1609 = arith.constant 48 : index
    %swap3A_1610 = tpu.vector_load %arg8[%swap3A_1608, %swap3A_1609] {strides = array<i32>} : memref<200x128xf32, #tpu.memory_space<vmem>>, vector<1x16xf32>,
    %swap3A_1611 = vector.shape_cast %swap3A_1610 : vector<1x16xf32> to vector<16xf32>
    %swap3A_1612 = vector.shape_cast %get3A_1606 : vector<16xf32> to vector<1x16xf32>
    tpu.vector_store %arg8[%swap3A_1608, %swap3A_1609], %swap3A_1612 {strides = array<i32>} : memref<200x128xf32, #tpu.memory_space<vmem>>, vector<1x16xf32>,
    %get3A_1613 = arith.constant 0 : i32
    %get3A_1614 = arith.constant 15 : i32
    %get3A_1615 = arith.index_cast %get3A_1613 : i32 to index
    %get3A_1616 = arith.index_cast %get3A_1614 : i32 to index
    %get3A_1617 = arith.constant 64 : index
    %get3A_1618 = tpu.vector_load %arg9[%get3A_1615, %get3A_1616, %get3A_1617] {strides = array<i32>} : memref<3x200x128xf32, #tpu.memory_space<vmem>>, vector<1x1x16xf32>,
    %get3A_1619 = vector.shape_cast %get3A_1618 : vector<1x1x16xf32> to vector<16xf32>
    %swap3A_1620 = arith.constant 15 : i32
    %swap3A_1621 = arith.index_cast %swap3A_1620 : i32 to index
    %swap3A_1622 = arith.constant 64 : index
    %swap3A_1623 = tpu.vector_load %arg8[%swap3A_1621, %swap3A_1622] {strides = array<i32>} : memref<200x128xf32, #tpu.memory_space<vmem>>, vector<1x16xf32>,
    %swap3A_1624 = vector.shape_cast %swap3A_1623 : vector<1x16xf32> to vector<16xf32>
    %swap3A_1625 = vector.shape_cast %get3A_1619 : vector<16xf32> to vector<1x16xf32>
    tpu.vector_store %arg8[%swap3A_1621, %swap3A_1622], %swap3A_1625 {strides = array<i32>} : memref<200x128xf32, #tpu.memory_space<vmem>>, vector<1x16xf32>,
    %get3A_1626 = arith.constant 0 : i32
    %get3A_1627 = arith.constant 15 : i32
    %get3A_1628 = arith.index_cast %get3A_1626 : i32 to index
    %get3A_1629 = arith.index_cast %get3A_1627 : i32 to index
    %get3A_1630 = arith.constant 80 : index
    %get3A_1631 = tpu.vector_load %arg9[%get3A_1628, %get3A_1629, %get3A_1630] {strides = array<i32>} : memref<3x200x128xf32, #tpu.memory_space<vmem>>, vector<1x1x16xf32>,
    %get3A_1632 = vector.shape_cast %get3A_1631 : vector<1x1x16xf32> to vector<16xf32>
    %swap3A_1633 = arith.constant 15 : i32
    %swap3A_1634 = arith.index_cast %swap3A_1633 : i32 to index
    %swap3A_1635 = arith.constant 80 : index
    %swap3A_1636 = tpu.vector_load %arg8[%swap3A_1634, %swap3A_1635] {strides = array<i32>} : memref<200x128xf32, #tpu.memory_space<vmem>>, vector<1x16xf32>,
    %swap3A_1637 = vector.shape_cast %swap3A_1636 : vector<1x16xf32> to vector<16xf32>
    %swap3A_1638 = vector.shape_cast %get3A_1632 : vector<16xf32> to vector<1x16xf32>
    tpu.vector_store %arg8[%swap3A_1634, %swap3A_1635], %swap3A_1638 {strides = array<i32>} : memref<200x128xf32, #tpu.memory_space<vmem>>, vector<1x16xf32>,
    %get3A_1639 = arith.constant 0 : i32
    %get3A_1640 = arith.constant 15 : i32
    %get3A_1641 = arith.index_cast %get3A_1639 : i32 to index
    %get3A_1642 = arith.index_cast %get3A_1640 : i32 to index
    %get3A_1643 = arith.constant 96 : index
    %get3A_1644 = tpu.vector_load %arg9[%get3A_1641, %get3A_1642, %get3A_1643] {strides = array<i32>} : memref<3x200x128xf32, #tpu.memory_space<vmem>>, vector<1x1x16xf32>,
    %get3A_1645 = vector.shape_cast %get3A_1644 : vector<1x1x16xf32> to vector<16xf32>
    %swap3A_1646 = arith.constant 15 : i32
    %swap3A_1647 = arith.index_cast %swap3A_1646 : i32 to index
    %swap3A_1648 = arith.constant 96 : index
    %swap3A_1649 = tpu.vector_load %arg8[%swap3A_1647, %swap3A_1648] {strides = array<i32>} : memref<200x128xf32, #tpu.memory_space<vmem>>, vector<1x16xf32>,
    %swap3A_1650 = vector.shape_cast %swap3A_1649 : vector<1x16xf32> to vector<16xf32>
    %swap3A_1651 = vector.shape_cast %get3A_1645 : vector<16xf32> to vector<1x16xf32>
    tpu.vector_store %arg8[%swap3A_1647, %swap3A_1648], %swap3A_1651 {strides = array<i32>} : memref<200x128xf32, #tpu.memory_space<vmem>>, vector<1x16xf32>,
    %get3A_1652 = arith.constant 0 : i32
    %get3A_1653 = arith.constant 15 : i32
    %get3A_1654 = arith.index_cast %get3A_1652 : i32 to index
    %get3A_1655 = arith.index_cast %get3A_1653 : i32 to index
    %get3A_1656 = arith.constant 112 : index
    %get3A_1657 = tpu.vector_load %arg9[%get3A_1654, %get3A_1655, %get3A_1656] {strides = array<i32>} : memref<3x200x128xf32, #tpu.memory_space<vmem>>, vector<1x1x16xf32>,
    %get3A_1658 = vector.shape_cast %get3A_1657 : vector<1x1x16xf32> to vector<16xf32>
    %swap3A_1659 = arith.constant 15 : i32
    %swap3A_1660 = arith.index_cast %swap3A_1659 : i32 to index
    %swap3A_1661 = arith.constant 112 : index
    %swap3A_1662 = tpu.vector_load %arg8[%swap3A_1660, %swap3A_1661] {strides = array<i32>} : memref<200x128xf32, #tpu.memory_space<vmem>>, vector<1x16xf32>,
    %swap3A_1663 = vector.shape_cast %swap3A_1662 : vector<1x16xf32> to vector<16xf32>
    %swap3A_1664 = vector.shape_cast %get3A_1658 : vector<16xf32> to vector<1x16xf32>
    tpu.vector_store %arg8[%swap3A_1660, %swap3A_1661], %swap3A_1664 {strides = array<i32>} : memref<200x128xf32, #tpu.memory_space<vmem>>, vector<1x16xf32>,
    %get3A_1665 = arith.constant 0 : i32
    %get3A_1666 = arith.constant 16 : i32
    %get3A_1667 = arith.index_cast %get3A_1665 : i32 to index
    %get3A_1668 = arith.index_cast %get3A_1666 : i32 to index
    %get3A_1669 = arith.constant 0 : index
    %get3A_1670 = tpu.vector_load %arg9[%get3A_1667, %get3A_1668, %get3A_1669] {strides = array<i32>} : memref<3x200x128xf32, #tpu.memory_space<vmem>>, vector<1x1x16xf32>,
    %get3A_1671 = vector.shape_cast %get3A_1670 : vector<1x1x16xf32> to vector<16xf32>
    %swap3A_1672 = arith.constant 16 : i32
    %swap3A_1673 = arith.index_cast %swap3A_1672 : i32 to index
    %swap3A_1674 = arith.constant 0 : index
    %swap3A_1675 = tpu.vector_load %arg8[%swap3A_1673, %swap3A_1674] {strides = array<i32>} : memref<200x128xf32, #tpu.memory_space<vmem>>, vector<1x16xf32>,
    %swap3A_1676 = vector.shape_cast %swap3A_1675 : vector<1x16xf32> to vector<16xf32>
    %swap3A_1677 = vector.shape_cast %get3A_1671 : vector<16xf32> to vector<1x16xf32>
    tpu.vector_store %arg8[%swap3A_1673, %swap3A_1674], %swap3A_1677 {strides = array<i32>} : memref<200x128xf32, #tpu.memory_space<vmem>>, vector<1x16xf32>,
    %get3A_1678 = arith.constant 0 : i32
    %get3A_1679 = arith.constant 16 : i32
    %get3A_1680 = arith.index_cast %get3A_1678 : i32 to index
    %get3A_1681 = arith.index_cast %get3A_1679 : i32 to index
    %get3A_1682 = arith.constant 16 : index
    %get3A_1683 = tpu.vector_load %arg9[%get3A_1680, %get3A_1681, %get3A_1682] {strides = array<i32>} : memref<3x200x128xf32, #tpu.memory_space<vmem>>, vector<1x1x16xf32>,
    %get3A_1684 = vector.shape_cast %get3A_1683 : vector<1x1x16xf32> to vector<16xf32>
    %swap3A_1685 = arith.constant 16 : i32
    %swap3A_1686 = arith.index_cast %swap3A_1685 : i32 to index
    %swap3A_1687 = arith.constant 16 : index
    %swap3A_1688 = tpu.vector_load %arg8[%swap3A_1686, %swap3A_1687] {strides = array<i32>} : memref<200x128xf32, #tpu.memory_space<vmem>>, vector<1x16xf32>,
    %swap3A_1689 = vector.shape_cast %swap3A_1688 : vector<1x16xf32> to vector<16xf32>
    %swap3A_1690 = vector.shape_cast %get3A_1684 : vector<16xf32> to vector<1x16xf32>
    tpu.vector_store %arg8[%swap3A_1686, %swap3A_1687], %swap3A_1690 {strides = array<i32>} : memref<200x128xf32, #tpu.memory_space<vmem>>, vector<1x16xf32>,
    %get3A_1691 = arith.constant 0 : i32
    %get3A_1692 = arith.constant 16 : i32
    %get3A_1693 = arith.index_cast %get3A_1691 : i32 to index
    %get3A_1694 = arith.index_cast %get3A_1692 : i32 to index
    %get3A_1695 = arith.constant 32 : index
    %get3A_1696 = tpu.vector_load %arg9[%get3A_1693, %get3A_1694, %get3A_1695] {strides = array<i32>} : memref<3x200x128xf32, #tpu.memory_space<vmem>>, vector<1x1x16xf32>,
    %get3A_1697 = vector.shape_cast %get3A_1696 : vector<1x1x16xf32> to vector<16xf32>
    %swap3A_1698 = arith.constant 16 : i32
    %swap3A_1699 = arith.index_cast %swap3A_1698 : i32 to index
    %swap3A_1700 = arith.constant 32 : index
    %swap3A_1701 = tpu.vector_load %arg8[%swap3A_1699, %swap3A_1700] {strides = array<i32>} : memref<200x128xf32, #tpu.memory_space<vmem>>, vector<1x16xf32>,
    %swap3A_1702 = vector.shape_cast %swap3A_1701 : vector<1x16xf32> to vector<16xf32>
    %swap3A_1703 = vector.shape_cast %get3A_1697 : vector<16xf32> to vector<1x16xf32>
    tpu.vector_store %arg8[%swap3A_1699, %swap3A_1700], %swap3A_1703 {strides = array<i32>} : memref<200x128xf32, #tpu.memory_space<vmem>>, vector<1x16xf32>,
    %get3A_1704 = arith.constant 0 : i32
    %get3A_1705 = arith.constant 16 : i32
    %get3A_1706 = arith.index_cast %get3A_1704 : i32 to index
    %get3A_1707 = arith.index_cast %get3A_1705 : i32 to index
    %get3A_1708 = arith.constant 48 : index
    %get3A_1709 = tpu.vector_load %arg9[%get3A_1706, %get3A_1707, %get3A_1708] {strides = array<i32>} : memref<3x200x128xf32, #tpu.memory_space<vmem>>, vector<1x1x16xf32>,
    %get3A_1710 = vector.shape_cast %get3A_1709 : vector<1x1x16xf32> to vector<16xf32>
    %swap3A_1711 = arith.constant 16 : i32
    %swap3A_1712 = arith.index_cast %swap3A_1711 : i32 to index
    %swap3A_1713 = arith.constant 48 : index
    %swap3A_1714 = tpu.vector_load %arg8[%swap3A_1712, %swap3A_1713] {strides = array<i32>} : memref<200x128xf32, #tpu.memory_space<vmem>>, vector<1x16xf32>,
    %swap3A_1715 = vector.shape_cast %swap3A_1714 : vector<1x16xf32> to vector<16xf32>
    %swap3A_1716 = vector.shape_cast %get3A_1710 : vector<16xf32> to vector<1x16xf32>
    tpu.vector_store %arg8[%swap3A_1712, %swap3A_1713], %swap3A_1716 {strides = array<i32>} : memref<200x128xf32, #tpu.memory_space<vmem>>, vector<1x16xf32>,
    %get3A_1717 = arith.constant 0 : i32
    %get3A_1718 = arith.constant 16 : i32
    %get3A_1719 = arith.index_cast %get3A_1717 : i32 to index
    %get3A_1720 = arith.index_cast %get3A_1718 : i32 to index
    %get3A_1721 = arith.constant 64 : index
    %get3A_1722 = tpu.vector_load %arg9[%get3A_1719, %get3A_1720, %get3A_1721] {strides = array<i32>} : memref<3x200x128xf32, #tpu.memory_space<vmem>>, vector<1x1x16xf32>,
    %get3A_1723 = vector.shape_cast %get3A_1722 : vector<1x1x16xf32> to vector<16xf32>
    %swap3A_1724 = arith.constant 16 : i32
    %swap3A_1725 = arith.index_cast %swap3A_1724 : i32 to index
    %swap3A_1726 = arith.constant 64 : index
    %swap3A_1727 = tpu.vector_load %arg8[%swap3A_1725, %swap3A_1726] {strides = array<i32>} : memref<200x128xf32, #tpu.memory_space<vmem>>, vector<1x16xf32>,
    %swap3A_1728 = vector.shape_cast %swap3A_1727 : vector<1x16xf32> to vector<16xf32>
    %swap3A_1729 = vector.shape_cast %get3A_1723 : vector<16xf32> to vector<1x16xf32>
    tpu.vector_store %arg8[%swap3A_1725, %swap3A_1726], %swap3A_1729 {strides = array<i32>} : memref<200x128xf32, #tpu.memory_space<vmem>>, vector<1x16xf32>,
    %get3A_1730 = arith.constant 0 : i32
    %get3A_1731 = arith.constant 16 : i32
    %get3A_1732 = arith.index_cast %get3A_1730 : i32 to index
    %get3A_1733 = arith.index_cast %get3A_1731 : i32 to index
    %get3A_1734 = arith.constant 80 : index
    %get3A_1735 = tpu.vector_load %arg9[%get3A_1732, %get3A_1733, %get3A_1734] {strides = array<i32>} : memref<3x200x128xf32, #tpu.memory_space<vmem>>, vector<1x1x16xf32>,
    %get3A_1736 = vector.shape_cast %get3A_1735 : vector<1x1x16xf32> to vector<16xf32>
    %swap3A_1737 = arith.constant 16 : i32
    %swap3A_1738 = arith.index_cast %swap3A_1737 : i32 to index
    %swap3A_1739 = arith.constant 80 : index
    %swap3A_1740 = tpu.vector_load %arg8[%swap3A_1738, %swap3A_1739] {strides = array<i32>} : memref<200x128xf32, #tpu.memory_space<vmem>>, vector<1x16xf32>,
    %swap3A_1741 = vector.shape_cast %swap3A_1740 : vector<1x16xf32> to vector<16xf32>
    %swap3A_1742 = vector.shape_cast %get3A_1736 : vector<16xf32> to vector<1x16xf32>
    tpu.vector_store %arg8[%swap3A_1738, %swap3A_1739], %swap3A_1742 {strides = array<i32>} : memref<200x128xf32, #tpu.memory_space<vmem>>, vector<1x16xf32>,
    %get3A_1743 = arith.constant 0 : i32
    %get3A_1744 = arith.constant 16 : i32
    %get3A_1745 = arith.index_cast %get3A_1743 : i32 to index
    %get3A_1746 = arith.index_cast %get3A_1744 : i32 to index
    %get3A_1747 = arith.constant 96 : index
    %get3A_1748 = tpu.vector_load %arg9[%get3A_1745, %get3A_1746, %get3A_1747] {strides = array<i32>} : memref<3x200x128xf32, #tpu.memory_space<vmem>>, vector<1x1x16xf32>,
    %get3A_1749 = vector.shape_cast %get3A_1748 : vector<1x1x16xf32> to vector<16xf32>
    %swap3A_1750 = arith.constant 16 : i32
    %swap3A_1751 = arith.index_cast %swap3A_1750 : i32 to index
    %swap3A_1752 = arith.constant 96 : index
    %swap3A_1753 = tpu.vector_load %arg8[%swap3A_1751, %swap3A_1752] {strides = array<i32>} : memref<200x128xf32, #tpu.memory_space<vmem>>, vector<1x16xf32>,
    %swap3A_1754 = vector.shape_cast %swap3A_1753 : vector<1x16xf32> to vector<16xf32>
    %swap3A_1755 = vector.shape_cast %get3A_1749 : vector<16xf32> to vector<1x16xf32>
    tpu.vector_store %arg8[%swap3A_1751, %swap3A_1752], %swap3A_1755 {strides = array<i32>} : memref<200x128xf32, #tpu.memory_space<vmem>>, vector<1x16xf32>,
    %get3A_1756 = arith.constant 0 : i32
    %get3A_1757 = arith.constant 16 : i32
    %get3A_1758 = arith.index_cast %get3A_1756 : i32 to index
    %get3A_1759 = arith.index_cast %get3A_1757 : i32 to index
    %get3A_1760 = arith.constant 112 : index
    %get3A_1761 = tpu.vector_load %arg9[%get3A_1758, %get3A_1759, %get3A_1760] {strides = array<i32>} : memref<3x200x128xf32, #tpu.memory_space<vmem>>, vector<1x1x16xf32>,
    %get3A_1762 = vector.shape_cast %get3A_1761 : vector<1x1x16xf32> to vector<16xf32>
    %swap3A_1763 = arith.constant 16 : i32
    %swap3A_1764 = arith.index_cast %swap3A_1763 : i32 to index
    %swap3A_1765 = arith.constant 112 : index
    %swap3A_1766 = tpu.vector_load %arg8[%swap3A_1764, %swap3A_1765] {strides = array<i32>} : memref<200x128xf32, #tpu.memory_space<vmem>>, vector<1x16xf32>,
    %swap3A_1767 = vector.shape_cast %swap3A_1766 : vector<1x16xf32> to vector<16xf32>
    %swap3A_1768 = vector.shape_cast %get3A_1762 : vector<16xf32> to vector<1x16xf32>
    tpu.vector_store %arg8[%swap3A_1764, %swap3A_1765], %swap3A_1768 {strides = array<i32>} : memref<200x128xf32, #tpu.memory_space<vmem>>, vector<1x16xf32>,
    %get3A_1769 = arith.constant 0 : i32
    %get3A_1770 = arith.constant 17 : i32
    %get3A_1771 = arith.index_cast %get3A_1769 : i32 to index
    %get3A_1772 = arith.index_cast %get3A_1770 : i32 to index
    %get3A_1773 = arith.constant 0 : index
    %get3A_1774 = tpu.vector_load %arg9[%get3A_1771, %get3A_1772, %get3A_1773] {strides = array<i32>} : memref<3x200x128xf32, #tpu.memory_space<vmem>>, vector<1x1x16xf32>,
    %get3A_1775 = vector.shape_cast %get3A_1774 : vector<1x1x16xf32> to vector<16xf32>
    %swap3A_1776 = arith.constant 17 : i32
    %swap3A_1777 = arith.index_cast %swap3A_1776 : i32 to index
    %swap3A_1778 = arith.constant 0 : index
    %swap3A_1779 = tpu.vector_load %arg8[%swap3A_1777, %swap3A_1778] {strides = array<i32>} : memref<200x128xf32, #tpu.memory_space<vmem>>, vector<1x16xf32>,
    %swap3A_1780 = vector.shape_cast %swap3A_1779 : vector<1x16xf32> to vector<16xf32>
    %swap3A_1781 = vector.shape_cast %get3A_1775 : vector<16xf32> to vector<1x16xf32>
    tpu.vector_store %arg8[%swap3A_1777, %swap3A_1778], %swap3A_1781 {strides = array<i32>} : memref<200x128xf32, #tpu.memory_space<vmem>>, vector<1x16xf32>,
    %get3A_1782 = arith.constant 0 : i32
    %get3A_1783 = arith.constant 17 : i32
    %get3A_1784 = arith.index_cast %get3A_1782 : i32 to index
    %get3A_1785 = arith.index_cast %get3A_1783 : i32 to index
    %get3A_1786 = arith.constant 16 : index
    %get3A_1787 = tpu.vector_load %arg9[%get3A_1784, %get3A_1785, %get3A_1786] {strides = array<i32>} : memref<3x200x128xf32, #tpu.memory_space<vmem>>, vector<1x1x16xf32>,
    %get3A_1788 = vector.shape_cast %get3A_1787 : vector<1x1x16xf32> to vector<16xf32>
    %swap3A_1789 = arith.constant 17 : i32
    %swap3A_1790 = arith.index_cast %swap3A_1789 : i32 to index
    %swap3A_1791 = arith.constant 16 : index
    %swap3A_1792 = tpu.vector_load %arg8[%swap3A_1790, %swap3A_1791] {strides = array<i32>} : memref<200x128xf32, #tpu.memory_space<vmem>>, vector<1x16xf32>,
    %swap3A_1793 = vector.shape_cast %swap3A_1792 : vector<1x16xf32> to vector<16xf32>
    %swap3A_1794 = vector.shape_cast %get3A_1788 : vector<16xf32> to vector<1x16xf32>
    tpu.vector_store %arg8[%swap3A_1790, %swap3A_1791], %swap3A_1794 {strides = array<i32>} : memref<200x128xf32, #tpu.memory_space<vmem>>, vector<1x16xf32>,
    %get3A_1795 = arith.constant 0 : i32
    %get3A_1796 = arith.constant 17 : i32
    %get3A_1797 = arith.index_cast %get3A_1795 : i32 to index
    %get3A_1798 = arith.index_cast %get3A_1796 : i32 to index
    %get3A_1799 = arith.constant 32 : index
    %get3A_1800 = tpu.vector_load %arg9[%get3A_1797, %get3A_1798, %get3A_1799] {strides = array<i32>} : memref<3x200x128xf32, #tpu.memory_space<vmem>>, vector<1x1x16xf32>,
    %get3A_1801 = vector.shape_cast %get3A_1800 : vector<1x1x16xf32> to vector<16xf32>
    %swap3A_1802 = arith.constant 17 : i32
    %swap3A_1803 = arith.index_cast %swap3A_1802 : i32 to index
    %swap3A_1804 = arith.constant 32 : index
    %swap3A_1805 = tpu.vector_load %arg8[%swap3A_1803, %swap3A_1804] {strides = array<i32>} : memref<200x128xf32, #tpu.memory_space<vmem>>, vector<1x16xf32>,
    %swap3A_1806 = vector.shape_cast %swap3A_1805 : vector<1x16xf32> to vector<16xf32>
    %swap3A_1807 = vector.shape_cast %get3A_1801 : vector<16xf32> to vector<1x16xf32>
    tpu.vector_store %arg8[%swap3A_1803, %swap3A_1804], %swap3A_1807 {strides = array<i32>} : memref<200x128xf32, #tpu.memory_space<vmem>>, vector<1x16xf32>,
    %get3A_1808 = arith.constant 0 : i32
    %get3A_1809 = arith.constant 17 : i32
    %get3A_1810 = arith.index_cast %get3A_1808 : i32 to index
    %get3A_1811 = arith.index_cast %get3A_1809 : i32 to index
    %get3A_1812 = arith.constant 48 : index
    %get3A_1813 = tpu.vector_load %arg9[%get3A_1810, %get3A_1811, %get3A_1812] {strides = array<i32>} : memref<3x200x128xf32, #tpu.memory_space<vmem>>, vector<1x1x16xf32>,
    %get3A_1814 = vector.shape_cast %get3A_1813 : vector<1x1x16xf32> to vector<16xf32>
    %swap3A_1815 = arith.constant 17 : i32
    %swap3A_1816 = arith.index_cast %swap3A_1815 : i32 to index
    %swap3A_1817 = arith.constant 48 : index
    %swap3A_1818 = tpu.vector_load %arg8[%swap3A_1816, %swap3A_1817] {strides = array<i32>} : memref<200x128xf32, #tpu.memory_space<vmem>>, vector<1x16xf32>,
    %swap3A_1819 = vector.shape_cast %swap3A_1818 : vector<1x16xf32> to vector<16xf32>
    %swap3A_1820 = vector.shape_cast %get3A_1814 : vector<16xf32> to vector<1x16xf32>
    tpu.vector_store %arg8[%swap3A_1816, %swap3A_1817], %swap3A_1820 {strides = array<i32>} : memref<200x128xf32, #tpu.memory_space<vmem>>, vector<1x16xf32>,
    %get3A_1821 = arith.constant 0 : i32
    %get3A_1822 = arith.constant 17 : i32
    %get3A_1823 = arith.index_cast %get3A_1821 : i32 to index
    %get3A_1824 = arith.index_cast %get3A_1822 : i32 to index
    %get3A_1825 = arith.constant 64 : index
    %get3A_1826 = tpu.vector_load %arg9[%get3A_1823, %get3A_1824, %get3A_1825] {strides = array<i32>} : memref<3x200x128xf32, #tpu.memory_space<vmem>>, vector<1x1x16xf32>,
    %get3A_1827 = vector.shape_cast %get3A_1826 : vector<1x1x16xf32> to vector<16xf32>
    %swap3A_1828 = arith.constant 17 : i32
    %swap3A_1829 = arith.index_cast %swap3A_1828 : i32 to index
    %swap3A_1830 = arith.constant 64 : index
    %swap3A_1831 = tpu.vector_load %arg8[%swap3A_1829, %swap3A_1830] {strides = array<i32>} : memref<200x128xf32, #tpu.memory_space<vmem>>, vector<1x16xf32>,
    %swap3A_1832 = vector.shape_cast %swap3A_1831 : vector<1x16xf32> to vector<16xf32>
    %swap3A_1833 = vector.shape_cast %get3A_1827 : vector<16xf32> to vector<1x16xf32>
    tpu.vector_store %arg8[%swap3A_1829, %swap3A_1830], %swap3A_1833 {strides = array<i32>} : memref<200x128xf32, #tpu.memory_space<vmem>>, vector<1x16xf32>,
    %get3A_1834 = arith.constant 0 : i32
    %get3A_1835 = arith.constant 17 : i32
    %get3A_1836 = arith.index_cast %get3A_1834 : i32 to index
    %get3A_1837 = arith.index_cast %get3A_1835 : i32 to index
    %get3A_1838 = arith.constant 80 : index
    %get3A_1839 = tpu.vector_load %arg9[%get3A_1836, %get3A_1837, %get3A_1838] {strides = array<i32>} : memref<3x200x128xf32, #tpu.memory_space<vmem>>, vector<1x1x16xf32>,
    %get3A_1840 = vector.shape_cast %get3A_1839 : vector<1x1x16xf32> to vector<16xf32>
    %swap3A_1841 = arith.constant 17 : i32
    %swap3A_1842 = arith.index_cast %swap3A_1841 : i32 to index
    %swap3A_1843 = arith.constant 80 : index
    %swap3A_1844 = tpu.vector_load %arg8[%swap3A_1842, %swap3A_1843] {strides = array<i32>} : memref<200x128xf32, #tpu.memory_space<vmem>>, vector<1x16xf32>,
    %swap3A_1845 = vector.shape_cast %swap3A_1844 : vector<1x16xf32> to vector<16xf32>
    %swap3A_1846 = vector.shape_cast %get3A_1840 : vector<16xf32> to vector<1x16xf32>
    tpu.vector_store %arg8[%swap3A_1842, %swap3A_1843], %swap3A_1846 {strides = array<i32>} : memref<200x128xf32, #tpu.memory_space<vmem>>, vector<1x16xf32>,
    %get3A_1847 = arith.constant 0 : i32
    %get3A_1848 = arith.constant 17 : i32
    %get3A_1849 = arith.index_cast %get3A_1847 : i32 to index
    %get3A_1850 = arith.index_cast %get3A_1848 : i32 to index
    %get3A_1851 = arith.constant 96 : index
    %get3A_1852 = tpu.vector_load %arg9[%get3A_1849, %get3A_1850, %get3A_1851] {strides = array<i32>} : memref<3x200x128xf32, #tpu.memory_space<vmem>>, vector<1x1x16xf32>,
    %get3A_1853 = vector.shape_cast %get3A_1852 : vector<1x1x16xf32> to vector<16xf32>
    %swap3A_1854 = arith.constant 17 : i32
    %swap3A_1855 = arith.index_cast %swap3A_1854 : i32 to index
    %swap3A_1856 = arith.constant 96 : index
    %swap3A_1857 = tpu.vector_load %arg8[%swap3A_1855, %swap3A_1856] {strides = array<i32>} : memref<200x128xf32, #tpu.memory_space<vmem>>, vector<1x16xf32>,
    %swap3A_1858 = vector.shape_cast %swap3A_1857 : vector<1x16xf32> to vector<16xf32>
    %swap3A_1859 = vector.shape_cast %get3A_1853 : vector<16xf32> to vector<1x16xf32>
    tpu.vector_store %arg8[%swap3A_1855, %swap3A_1856], %swap3A_1859 {strides = array<i32>} : memref<200x128xf32, #tpu.memory_space<vmem>>, vector<1x16xf32>,
    %get3A_1860 = arith.constant 0 : i32
    %get3A_1861 = arith.constant 17 : i32
    %get3A_1862 = arith.index_cast %get3A_1860 : i32 to index
    %get3A_1863 = arith.index_cast %get3A_1861 : i32 to index
    %get3A_1864 = arith.constant 112 : index
    %get3A_1865 = tpu.vector_load %arg9[%get3A_1862, %get3A_1863, %get3A_1864] {strides = array<i32>} : memref<3x200x128xf32, #tpu.memory_space<vmem>>, vector<1x1x16xf32>,
    %get3A_1866 = vector.shape_cast %get3A_1865 : vector<1x1x16xf32> to vector<16xf32>
    %swap3A_1867 = arith.constant 17 : i32
    %swap3A_1868 = arith.index_cast %swap3A_1867 : i32 to index
    %swap3A_1869 = arith.constant 112 : index
    %swap3A_1870 = tpu.vector_load %arg8[%swap3A_1868, %swap3A_1869] {strides = array<i32>} : memref<200x128xf32, #tpu.memory_space<vmem>>, vector<1x16xf32>,
    %swap3A_1871 = vector.shape_cast %swap3A_1870 : vector<1x16xf32> to vector<16xf32>
    %swap3A_1872 = vector.shape_cast %get3A_1866 : vector<16xf32> to vector<1x16xf32>
    tpu.vector_store %arg8[%swap3A_1868, %swap3A_1869], %swap3A_1872 {strides = array<i32>} : memref<200x128xf32, #tpu.memory_space<vmem>>, vector<1x16xf32>,
    %get3A_1873 = arith.constant 0 : i32
    %get3A_1874 = arith.constant 18 : i32
    %get3A_1875 = arith.index_cast %get3A_1873 : i32 to index
    %get3A_1876 = arith.index_cast %get3A_1874 : i32 to index
    %get3A_1877 = arith.constant 0 : index
    %get3A_1878 = tpu.vector_load %arg9[%get3A_1875, %get3A_1876, %get3A_1877] {strides = array<i32>} : memref<3x200x128xf32, #tpu.memory_space<vmem>>, vector<1x1x16xf32>,
    %get3A_1879 = vector.shape_cast %get3A_1878 : vector<1x1x16xf32> to vector<16xf32>
    %swap3A_1880 = arith.constant 18 : i32
    %swap3A_1881 = arith.index_cast %swap3A_1880 : i32 to index
    %swap3A_1882 = arith.constant 0 : index
    %swap3A_1883 = tpu.vector_load %arg8[%swap3A_1881, %swap3A_1882] {strides = array<i32>} : memref<200x128xf32, #tpu.memory_space<vmem>>, vector<1x16xf32>,
    %swap3A_1884 = vector.shape_cast %swap3A_1883 : vector<1x16xf32> to vector<16xf32>
    %swap3A_1885 = vector.shape_cast %get3A_1879 : vector<16xf32> to vector<1x16xf32>
    tpu.vector_store %arg8[%swap3A_1881, %swap3A_1882], %swap3A_1885 {strides = array<i32>} : memref<200x128xf32, #tpu.memory_space<vmem>>, vector<1x16xf32>,
    %get3A_1886 = arith.constant 0 : i32
    %get3A_1887 = arith.constant 18 : i32
    %get3A_1888 = arith.index_cast %get3A_1886 : i32 to index
    %get3A_1889 = arith.index_cast %get3A_1887 : i32 to index
    %get3A_1890 = arith.constant 16 : index
    %get3A_1891 = tpu.vector_load %arg9[%get3A_1888, %get3A_1889, %get3A_1890] {strides = array<i32>} : memref<3x200x128xf32, #tpu.memory_space<vmem>>, vector<1x1x16xf32>,
    %get3A_1892 = vector.shape_cast %get3A_1891 : vector<1x1x16xf32> to vector<16xf32>
    %swap3A_1893 = arith.constant 18 : i32
    %swap3A_1894 = arith.index_cast %swap3A_1893 : i32 to index
    %swap3A_1895 = arith.constant 16 : index
    %swap3A_1896 = tpu.vector_load %arg8[%swap3A_1894, %swap3A_1895] {strides = array<i32>} : memref<200x128xf32, #tpu.memory_space<vmem>>, vector<1x16xf32>,
    %swap3A_1897 = vector.shape_cast %swap3A_1896 : vector<1x16xf32> to vector<16xf32>
    %swap3A_1898 = vector.shape_cast %get3A_1892 : vector<16xf32> to vector<1x16xf32>
    tpu.vector_store %arg8[%swap3A_1894, %swap3A_1895], %swap3A_1898 {strides = array<i32>} : memref<200x128xf32, #tpu.memory_space<vmem>>, vector<1x16xf32>,
    %get3A_1899 = arith.constant 0 : i32
    %get3A_1900 = arith.constant 18 : i32
    %get3A_1901 = arith.index_cast %get3A_1899 : i32 to index
    %get3A_1902 = arith.index_cast %get3A_1900 : i32 to index
    %get3A_1903 = arith.constant 32 : index
    %get3A_1904 = tpu.vector_load %arg9[%get3A_1901, %get3A_1902, %get3A_1903] {strides = array<i32>} : memref<3x200x128xf32, #tpu.memory_space<vmem>>, vector<1x1x16xf32>,
    %get3A_1905 = vector.shape_cast %get3A_1904 : vector<1x1x16xf32> to vector<16xf32>
    %swap3A_1906 = arith.constant 18 : i32
    %swap3A_1907 = arith.index_cast %swap3A_1906 : i32 to index
    %swap3A_1908 = arith.constant 32 : index
    %swap3A_1909 = tpu.vector_load %arg8[%swap3A_1907, %swap3A_1908] {strides = array<i32>} : memref<200x128xf32, #tpu.memory_space<vmem>>, vector<1x16xf32>,
    %swap3A_1910 = vector.shape_cast %swap3A_1909 : vector<1x16xf32> to vector<16xf32>
    %swap3A_1911 = vector.shape_cast %get3A_1905 : vector<16xf32> to vector<1x16xf32>
    tpu.vector_store %arg8[%swap3A_1907, %swap3A_1908], %swap3A_1911 {strides = array<i32>} : memref<200x128xf32, #tpu.memory_space<vmem>>, vector<1x16xf32>,
    %get3A_1912 = arith.constant 0 : i32
    %get3A_1913 = arith.constant 18 : i32
    %get3A_1914 = arith.index_cast %get3A_1912 : i32 to index
    %get3A_1915 = arith.index_cast %get3A_1913 : i32 to index
    %get3A_1916 = arith.constant 48 : index
    %get3A_1917 = tpu.vector_load %arg9[%get3A_1914, %get3A_1915, %get3A_1916] {strides = array<i32>} : memref<3x200x128xf32, #tpu.memory_space<vmem>>, vector<1x1x16xf32>,
    %get3A_1918 = vector.shape_cast %get3A_1917 : vector<1x1x16xf32> to vector<16xf32>
    %swap3A_1919 = arith.constant 18 : i32
    %swap3A_1920 = arith.index_cast %swap3A_1919 : i32 to index
    %swap3A_1921 = arith.constant 48 : index
    %swap3A_1922 = tpu.vector_load %arg8[%swap3A_1920, %swap3A_1921] {strides = array<i32>} : memref<200x128xf32, #tpu.memory_space<vmem>>, vector<1x16xf32>,
    %swap3A_1923 = vector.shape_cast %swap3A_1922 : vector<1x16xf32> to vector<16xf32>
    %swap3A_1924 = vector.shape_cast %get3A_1918 : vector<16xf32> to vector<1x16xf32>
    tpu.vector_store %arg8[%swap3A_1920, %swap3A_1921], %swap3A_1924 {strides = array<i32>} : memref<200x128xf32, #tpu.memory_space<vmem>>, vector<1x16xf32>,
    %get3A_1925 = arith.constant 0 : i32
    %get3A_1926 = arith.constant 18 : i32
    %get3A_1927 = arith.index_cast %get3A_1925 : i32 to index
    %get3A_1928 = arith.index_cast %get3A_1926 : i32 to index
    %get3A_1929 = arith.constant 64 : index
    %get3A_1930 = tpu.vector_load %arg9[%get3A_1927, %get3A_1928, %get3A_1929] {strides = array<i32>} : memref<3x200x128xf32, #tpu.memory_space<vmem>>, vector<1x1x16xf32>,
    %get3A_1931 = vector.shape_cast %get3A_1930 : vector<1x1x16xf32> to vector<16xf32>
    %swap3A_1932 = arith.constant 18 : i32
    %swap3A_1933 = arith.index_cast %swap3A_1932 : i32 to index
    %swap3A_1934 = arith.constant 64 : index
    %swap3A_1935 = tpu.vector_load %arg8[%swap3A_1933, %swap3A_1934] {strides = array<i32>} : memref<200x128xf32, #tpu.memory_space<vmem>>, vector<1x16xf32>,
    %swap3A_1936 = vector.shape_cast %swap3A_1935 : vector<1x16xf32> to vector<16xf32>
    %swap3A_1937 = vector.shape_cast %get3A_1931 : vector<16xf32> to vector<1x16xf32>
    tpu.vector_store %arg8[%swap3A_1933, %swap3A_1934], %swap3A_1937 {strides = array<i32>} : memref<200x128xf32, #tpu.memory_space<vmem>>, vector<1x16xf32>,
    %get3A_1938 = arith.constant 0 : i32
    %get3A_1939 = arith.constant 18 : i32
    %get3A_1940 = arith.index_cast %get3A_1938 : i32 to index
    %get3A_1941 = arith.index_cast %get3A_1939 : i32 to index
    %get3A_1942 = arith.constant 80 : index
    %get3A_1943 = tpu.vector_load %arg9[%get3A_1940, %get3A_1941, %get3A_1942] {strides = array<i32>} : memref<3x200x128xf32, #tpu.memory_space<vmem>>, vector<1x1x16xf32>,
    %get3A_1944 = vector.shape_cast %get3A_1943 : vector<1x1x16xf32> to vector<16xf32>
    %swap3A_1945 = arith.constant 18 : i32
    %swap3A_1946 = arith.index_cast %swap3A_1945 : i32 to index
    %swap3A_1947 = arith.constant 80 : index
    %swap3A_1948 = tpu.vector_load %arg8[%swap3A_1946, %swap3A_1947] {strides = array<i32>} : memref<200x128xf32, #tpu.memory_space<vmem>>, vector<1x16xf32>,
    %swap3A_1949 = vector.shape_cast %swap3A_1948 : vector<1x16xf32> to vector<16xf32>
    %swap3A_1950 = vector.shape_cast %get3A_1944 : vector<16xf32> to vector<1x16xf32>
    tpu.vector_store %arg8[%swap3A_1946, %swap3A_1947], %swap3A_1950 {strides = array<i32>} : memref<200x128xf32, #tpu.memory_space<vmem>>, vector<1x16xf32>,
    %get3A_1951 = arith.constant 0 : i32
    %get3A_1952 = arith.constant 18 : i32
    %get3A_1953 = arith.index_cast %get3A_1951 : i32 to index
    %get3A_1954 = arith.index_cast %get3A_1952 : i32 to index
    %get3A_1955 = arith.constant 96 : index
    %get3A_1956 = tpu.vector_load %arg9[%get3A_1953, %get3A_1954, %get3A_1955] {strides = array<i32>} : memref<3x200x128xf32, #tpu.memory_space<vmem>>, vector<1x1x16xf32>,
    %get3A_1957 = vector.shape_cast %get3A_1956 : vector<1x1x16xf32> to vector<16xf32>
    %swap3A_1958 = arith.constant 18 : i32
    %swap3A_1959 = arith.index_cast %swap3A_1958 : i32 to index
    %swap3A_1960 = arith.constant 96 : index
    %swap3A_1961 = tpu.vector_load %arg8[%swap3A_1959, %swap3A_1960] {strides = array<i32>} : memref<200x128xf32, #tpu.memory_space<vmem>>, vector<1x16xf32>,
    %swap3A_1962 = vector.shape_cast %swap3A_1961 : vector<1x16xf32> to vector<16xf32>
    %swap3A_1963 = vector.shape_cast %get3A_1957 : vector<16xf32> to vector<1x16xf32>
    tpu.vector_store %arg8[%swap3A_1959, %swap3A_1960], %swap3A_1963 {strides = array<i32>} : memref<200x128xf32, #tpu.memory_space<vmem>>, vector<1x16xf32>,
    %get3A_1964 = arith.constant 0 : i32
    %get3A_1965 = arith.constant 18 : i32
    %get3A_1966 = arith.index_cast %get3A_1964 : i32 to index
    %get3A_1967 = arith.index_cast %get3A_1965 : i32 to index
    %get3A_1968 = arith.constant 112 : index
    %get3A_1969 = tpu.vector_load %arg9[%get3A_1966, %get3A_1967, %get3A_1968] {strides = array<i32>} : memref<3x200x128xf32, #tpu.memory_space<vmem>>, vector<1x1x16xf32>,
    %get3A_1970 = vector.shape_cast %get3A_1969 : vector<1x1x16xf32> to vector<16xf32>
    %swap3A_1971 = arith.constant 18 : i32
    %swap3A_1972 = arith.index_cast %swap3A_1971 : i32 to index
    %swap3A_1973 = arith.constant 112 : index
    %swap3A_1974 = tpu.vector_load %arg8[%swap3A_1972, %swap3A_1973] {strides = array<i32>} : memref<200x128xf32, #tpu.memory_space<vmem>>, vector<1x16xf32>,
    %swap3A_1975 = vector.shape_cast %swap3A_1974 : vector<1x16xf32> to vector<16xf32>
    %swap3A_1976 = vector.shape_cast %get3A_1970 : vector<16xf32> to vector<1x16xf32>
    tpu.vector_store %arg8[%swap3A_1972, %swap3A_1973], %swap3A_1976 {strides = array<i32>} : memref<200x128xf32, #tpu.memory_space<vmem>>, vector<1x16xf32>,
    %get3A_1977 = arith.constant 0 : i32
    %get3A_1978 = arith.constant 19 : i32
    %get3A_1979 = arith.index_cast %get3A_1977 : i32 to index
    %get3A_1980 = arith.index_cast %get3A_1978 : i32 to index
    %get3A_1981 = arith.constant 0 : index
    %get3A_1982 = tpu.vector_load %arg9[%get3A_1979, %get3A_1980, %get3A_1981] {strides = array<i32>} : memref<3x200x128xf32, #tpu.memory_space<vmem>>, vector<1x1x16xf32>,
    %get3A_1983 = vector.shape_cast %get3A_1982 : vector<1x1x16xf32> to vector<16xf32>
    %swap3A_1984 = arith.constant 19 : i32
    %swap3A_1985 = arith.index_cast %swap3A_1984 : i32 to index
    %swap3A_1986 = arith.constant 0 : index
    %swap3A_1987 = tpu.vector_load %arg8[%swap3A_1985, %swap3A_1986] {strides = array<i32>} : memref<200x128xf32, #tpu.memory_space<vmem>>, vector<1x16xf32>,
    %swap3A_1988 = vector.shape_cast %swap3A_1987 : vector<1x16xf32> to vector<16xf32>
    %swap3A_1989 = vector.shape_cast %get3A_1983 : vector<16xf32> to vector<1x16xf32>
    tpu.vector_store %arg8[%swap3A_1985, %swap3A_1986], %swap3A_1989 {strides = array<i32>} : memref<200x128xf32, #tpu.memory_space<vmem>>, vector<1x16xf32>,
    %get3A_1990 = arith.constant 0 : i32
    %get3A_1991 = arith.constant 19 : i32
    %get3A_1992 = arith.index_cast %get3A_1990 : i32 to index
    %get3A_1993 = arith.index_cast %get3A_1991 : i32 to index
    %get3A_1994 = arith.constant 16 : index
    %get3A_1995 = tpu.vector_load %arg9[%get3A_1992, %get3A_1993, %get3A_1994] {strides = array<i32>} : memref<3x200x128xf32, #tpu.memory_space<vmem>>, vector<1x1x16xf32>,
    %get3A_1996 = vector.shape_cast %get3A_1995 : vector<1x1x16xf32> to vector<16xf32>
    %swap3A_1997 = arith.constant 19 : i32
    %swap3A_1998 = arith.index_cast %swap3A_1997 : i32 to index
    %swap3A_1999 = arith.constant 16 : index
    %swap3A_2000 = tpu.vector_load %arg8[%swap3A_1998, %swap3A_1999] {strides = array<i32>} : memref<200x128xf32, #tpu.memory_space<vmem>>, vector<1x16xf32>,
    %swap3A_2001 = vector.shape_cast %swap3A_2000 : vector<1x16xf32> to vector<16xf32>
    %swap3A_2002 = vector.shape_cast %get3A_1996 : vector<16xf32> to vector<1x16xf32>
    tpu.vector_store %arg8[%swap3A_1998, %swap3A_1999], %swap3A_2002 {strides = array<i32>} : memref<200x128xf32, #tpu.memory_space<vmem>>, vector<1x16xf32>,
    %get3A_2003 = arith.constant 0 : i32
    %get3A_2004 = arith.constant 19 : i32
    %get3A_2005 = arith.index_cast %get3A_2003 : i32 to index
    %get3A_2006 = arith.index_cast %get3A_2004 : i32 to index
    %get3A_2007 = arith.constant 32 : index
    %get3A_2008 = tpu.vector_load %arg9[%get3A_2005, %get3A_2006, %get3A_2007] {strides = array<i32>} : memref<3x200x128xf32, #tpu.memory_space<vmem>>, vector<1x1x16xf32>,
    %get3A_2009 = vector.shape_cast %get3A_2008 : vector<1x1x16xf32> to vector<16xf32>
    %swap3A_2010 = arith.constant 19 : i32
    %swap3A_2011 = arith.index_cast %swap3A_2010 : i32 to index
    %swap3A_2012 = arith.constant 32 : index
    %swap3A_2013 = tpu.vector_load %arg8[%swap3A_2011, %swap3A_2012] {strides = array<i32>} : memref<200x128xf32, #tpu.memory_space<vmem>>, vector<1x16xf32>,
    %swap3A_2014 = vector.shape_cast %swap3A_2013 : vector<1x16xf32> to vector<16xf32>
    %swap3A_2015 = vector.shape_cast %get3A_2009 : vector<16xf32> to vector<1x16xf32>
    tpu.vector_store %arg8[%swap3A_2011, %swap3A_2012], %swap3A_2015 {strides = array<i32>} : memref<200x128xf32, #tpu.memory_space<vmem>>, vector<1x16xf32>,
    %get3A_2016 = arith.constant 0 : i32
    %get3A_2017 = arith.constant 19 : i32
    %get3A_2018 = arith.index_cast %get3A_2016 : i32 to index
    %get3A_2019 = arith.index_cast %get3A_2017 : i32 to index
    %get3A_2020 = arith.constant 48 : index
    %get3A_2021 = tpu.vector_load %arg9[%get3A_2018, %get3A_2019, %get3A_2020] {strides = array<i32>} : memref<3x200x128xf32, #tpu.memory_space<vmem>>, vector<1x1x16xf32>,
    %get3A_2022 = vector.shape_cast %get3A_2021 : vector<1x1x16xf32> to vector<16xf32>
    %swap3A_2023 = arith.constant 19 : i32
    %swap3A_2024 = arith.index_cast %swap3A_2023 : i32 to index
    %swap3A_2025 = arith.constant 48 : index
    %swap3A_2026 = tpu.vector_load %arg8[%swap3A_2024, %swap3A_2025] {strides = array<i32>} : memref<200x128xf32, #tpu.memory_space<vmem>>, vector<1x16xf32>,
    %swap3A_2027 = vector.shape_cast %swap3A_2026 : vector<1x16xf32> to vector<16xf32>
    %swap3A_2028 = vector.shape_cast %get3A_2022 : vector<16xf32> to vector<1x16xf32>
    tpu.vector_store %arg8[%swap3A_2024, %swap3A_2025], %swap3A_2028 {strides = array<i32>} : memref<200x128xf32, #tpu.memory_space<vmem>>, vector<1x16xf32>,
    %get3A_2029 = arith.constant 0 : i32
    %get3A_2030 = arith.constant 19 : i32
    %get3A_2031 = arith.index_cast %get3A_2029 : i32 to index
    %get3A_2032 = arith.index_cast %get3A_2030 : i32 to index
    %get3A_2033 = arith.constant 64 : index
    %get3A_2034 = tpu.vector_load %arg9[%get3A_2031, %get3A_2032, %get3A_2033] {strides = array<i32>} : memref<3x200x128xf32, #tpu.memory_space<vmem>>, vector<1x1x16xf32>,
    %get3A_2035 = vector.shape_cast %get3A_2034 : vector<1x1x16xf32> to vector<16xf32>
    %swap3A_2036 = arith.constant 19 : i32
    %swap3A_2037 = arith.index_cast %swap3A_2036 : i32 to index
    %swap3A_2038 = arith.constant 64 : index
    %swap3A_2039 = tpu.vector_load %arg8[%swap3A_2037, %swap3A_2038] {strides = array<i32>} : memref<200x128xf32, #tpu.memory_space<vmem>>, vector<1x16xf32>,
    %swap3A_2040 = vector.shape_cast %swap3A_2039 : vector<1x16xf32> to vector<16xf32>
    %swap3A_2041 = vector.shape_cast %get3A_2035 : vector<16xf32> to vector<1x16xf32>
    tpu.vector_store %arg8[%swap3A_2037, %swap3A_2038], %swap3A_2041 {strides = array<i32>} : memref<200x128xf32, #tpu.memory_space<vmem>>, vector<1x16xf32>,
    %get3A_2042 = arith.constant 0 : i32
    %get3A_2043 = arith.constant 19 : i32
    %get3A_2044 = arith.index_cast %get3A_2042 : i32 to index
    %get3A_2045 = arith.index_cast %get3A_2043 : i32 to index
    %get3A_2046 = arith.constant 80 : index
    %get3A_2047 = tpu.vector_load %arg9[%get3A_2044, %get3A_2045, %get3A_2046] {strides = array<i32>} : memref<3x200x128xf32, #tpu.memory_space<vmem>>, vector<1x1x16xf32>,
    %get3A_2048 = vector.shape_cast %get3A_2047 : vector<1x1x16xf32> to vector<16xf32>
    %swap3A_2049 = arith.constant 19 : i32
    %swap3A_2050 = arith.index_cast %swap3A_2049 : i32 to index
    %swap3A_2051 = arith.constant 80 : index
    %swap3A_2052 = tpu.vector_load %arg8[%swap3A_2050, %swap3A_2051] {strides = array<i32>} : memref<200x128xf32, #tpu.memory_space<vmem>>, vector<1x16xf32>,
    %swap3A_2053 = vector.shape_cast %swap3A_2052 : vector<1x16xf32> to vector<16xf32>
    %swap3A_2054 = vector.shape_cast %get3A_2048 : vector<16xf32> to vector<1x16xf32>
    tpu.vector_store %arg8[%swap3A_2050, %swap3A_2051], %swap3A_2054 {strides = array<i32>} : memref<200x128xf32, #tpu.memory_space<vmem>>, vector<1x16xf32>,
    %get3A_2055 = arith.constant 0 : i32
    %get3A_2056 = arith.constant 19 : i32
    %get3A_2057 = arith.index_cast %get3A_2055 : i32 to index
    %get3A_2058 = arith.index_cast %get3A_2056 : i32 to index
    %get3A_2059 = arith.constant 96 : index
    %get3A_2060 = tpu.vector_load %arg9[%get3A_2057, %get3A_2058, %get3A_2059] {strides = array<i32>} : memref<3x200x128xf32, #tpu.memory_space<vmem>>, vector<1x1x16xf32>,
    %get3A_2061 = vector.shape_cast %get3A_2060 : vector<1x1x16xf32> to vector<16xf32>
    %swap3A_2062 = arith.constant 19 : i32
    %swap3A_2063 = arith.index_cast %swap3A_2062 : i32 to index
    %swap3A_2064 = arith.constant 96 : index
    %swap3A_2065 = tpu.vector_load %arg8[%swap3A_2063, %swap3A_2064] {strides = array<i32>} : memref<200x128xf32, #tpu.memory_space<vmem>>, vector<1x16xf32>,
    %swap3A_2066 = vector.shape_cast %swap3A_2065 : vector<1x16xf32> to vector<16xf32>
    %swap3A_2067 = vector.shape_cast %get3A_2061 : vector<16xf32> to vector<1x16xf32>
    tpu.vector_store %arg8[%swap3A_2063, %swap3A_2064], %swap3A_2067 {strides = array<i32>} : memref<200x128xf32, #tpu.memory_space<vmem>>, vector<1x16xf32>,
    %get3A_2068 = arith.constant 0 : i32
    %get3A_2069 = arith.constant 19 : i32
    %get3A_2070 = arith.index_cast %get3A_2068 : i32 to index
    %get3A_2071 = arith.index_cast %get3A_2069 : i32 to index
    %get3A_2072 = arith.constant 112 : index
    %get3A_2073 = tpu.vector_load %arg9[%get3A_2070, %get3A_2071, %get3A_2072] {strides = array<i32>} : memref<3x200x128xf32, #tpu.memory_space<vmem>>, vector<1x1x16xf32>,
    %get3A_2074 = vector.shape_cast %get3A_2073 : vector<1x1x16xf32> to vector<16xf32>
    %swap3A_2075 = arith.constant 19 : i32
    %swap3A_2076 = arith.index_cast %swap3A_2075 : i32 to index
    %swap3A_2077 = arith.constant 112 : index
    %swap3A_2078 = tpu.vector_load %arg8[%swap3A_2076, %swap3A_2077] {strides = array<i32>} : memref<200x128xf32, #tpu.memory_space<vmem>>, vector<1x16xf32>,
    %swap3A_2079 = vector.shape_cast %swap3A_2078 : vector<1x16xf32> to vector<16xf32>
    %swap3A_2080 = vector.shape_cast %get3A_2074 : vector<16xf32> to vector<1x16xf32>
    tpu.vector_store %arg8[%swap3A_2076, %swap3A_2077], %swap3A_2080 {strides = array<i32>} : memref<200x128xf32, #tpu.memory_space<vmem>>, vector<1x16xf32>,
    %mul3A_2081 = arith.constant 200 : i32
    %mul3A_2082 = arith.muli %mul3A_2, %mul3A_2081 : i32
    "tpu.region"() ({
      %run_scoped3A_2170 = tpu.sem_alloc : memref<!tpu.dma_semaphore, #tpu.memory_space<semaphore_mem>>
      %dma_start3A_2171 = arith.constant 0 : i32
      %dma_start3A_2172 = tpu.memref_slice %arg7[%dma_start3A_2171] : memref<800xi32, #tpu.memory_space<vmem>> -> memref<200xi32, #tpu.memory_space<vmem>>
      %dma_start3A_2173 = tpu.memref_slice %arg2[%mul3A_2082] : memref<819200xi32, #tpu.memory_space<hbm>> -> memref<200xi32, #tpu.memory_space<hbm>>
      %dma_start3A_2174 = arith.constant 0 : i32
      %dma_start3A_2175 = tpu.memref_slice %arg7[%dma_start3A_2174] : memref<800xi32, #tpu.memory_space<vmem>> -> memref<200xi32, #tpu.memory_space<vmem>>
      %dma_start3A_2176 = tpu.memref_slice %arg2[%mul3A_2082] : memref<819200xi32, #tpu.memory_space<hbm>> -> memref<200xi32, #tpu.memory_space<hbm>>
      tpu.enqueue_dma source(%dma_start3A_2176 : memref<200xi32, #tpu.memory_space<hbm>>) target(%dma_start3A_2175 : memref<200xi32, #tpu.memory_space<vmem>>) target_semaphore(%run_scoped3A_2170 : memref<!tpu.dma_semaphore, #tpu.memory_space<semaphore_mem>>)
      %dma_wait3A_2177 = arith.constant 0 : i32
      %dma_wait3A_2178 = tpu.memref_slice %arg7[%dma_wait3A_2177] : memref<800xi32, #tpu.memory_space<vmem>> -> memref<200xi32, #tpu.memory_space<vmem>>
      %dma_wait3A_2179 = tpu.memref_slice %arg2[%mul3A_2082] : memref<819200xi32, #tpu.memory_space<hbm>> -> memref<200xi32, #tpu.memory_space<hbm>>
      %dma_wait3A_2180 = arith.constant 0 : i32
      %dma_wait3A_2181 = tpu.memref_slice %arg7[%dma_wait3A_2180] : memref<800xi32, #tpu.memory_space<vmem>> -> memref<200xi32, #tpu.memory_space<vmem>>
      %dma_wait3A_2182 = tpu.memref_slice %arg2[%mul3A_2082] : memref<819200xi32, #tpu.memory_space<hbm>> -> memref<200xi32, #tpu.memory_space<hbm>>
      tpu.wait_dma2 semaphore(%run_scoped3A_2170 : memref<!tpu.dma_semaphore, #tpu.memory_space<semaphore_mem>>) src(%dma_wait3A_2182 : memref<200xi32, #tpu.memory_space<hbm>>) dst(%dma_wait3A_2181 : memref<200xi32, #tpu.memory_space<vmem>>)
      tpu.yield
    }) : () -> ()
    %dma_start3A = arith.constant 0 : i32
    %dma_start3A_2083 = arith.constant 0 : i32
    %dma_start3A_2084 = arith.constant 0 : i32
    %dma_start3A_2085 = tpu.memref_slice %arg9[%dma_start3A, %dma_start3A_2083, %dma_start3A_2084] : memref<3x200x128xf32, #tpu.memory_space<vmem>> -> memref<1x104x128xf32, #tpu.memory_space<vmem>>
    %dma_start3A_2086 = tpu.memref_squeeze %dma_start3A_2085 : memref<1x104x128xf32, #tpu.memory_space<vmem>> -> memref<104x128xf32, #tpu.memory_space<vmem>>
    %dma_start3A_2087 = arith.constant 0 : i32
    %dma_start3A_2088 = tpu.memref_slice %arg7[%dma_start3A_2087] : memref<800xi32, #tpu.memory_space<vmem>> -> memref<104xi32, #tpu.memory_space<vmem>>
    %dma_start3A_2089 = arith.constant 0 : i32
    %dma_start3A_2090 = arith.constant 0 : i32
    %dma_start3A_2091 = tpu.memref_slice %arg5[%dma_start3A_2089, %dma_start3A_2090] : memref<1000000x128xf32, #tpu.memory_space<hbm>> -> memref<1000000x128xf32, #tpu.memory_space<hbm>>
    tpu.enqueue_indirect_dma source(%dma_start3A_2091 : memref<1000000x128xf32, #tpu.memory_space<hbm>>) target(%dma_start3A_2086 : memref<104x128xf32, #tpu.memory_space<vmem>>) offsets(%dma_start3A_2088 : memref<104xi32, #tpu.memory_space<vmem>>) semaphore(%arg10 : memref<!tpu.dma_semaphore, #tpu.memory_space<semaphore_mem>>)
    %dma_start3A_2092 = arith.constant 0 : i32
    %dma_start3A_2093 = arith.constant 104 : i32
    %dma_start3A_2094 = arith.constant 0 : i32
    %dma_start3A_2095 = tpu.memref_slice %arg9[%dma_start3A_2092, %dma_start3A_2093, %dma_start3A_2094] : memref<3x200x128xf32, #tpu.memory_space<vmem>> -> memref<1x96x128xf32, #tpu.memory_space<vmem>>
    %dma_start3A_2096 = tpu.memref_squeeze %dma_start3A_2095 : memref<1x96x128xf32, #tpu.memory_space<vmem>> -> memref<96x128xf32, #tpu.memory_space<vmem>>
    %dma_start3A_2097 = arith.constant 104 : i32
    %dma_start3A_2098 = tpu.memref_slice %arg7[%dma_start3A_2097] : memref<800xi32, #tpu.memory_space<vmem>> -> memref<96xi32, #tpu.memory_space<vmem>>
    %dma_start3A_2099 = arith.constant 0 : i32
    %dma_start3A_2100 = arith.constant 0 : i32
    %dma_start3A_2101 = tpu.memref_slice %arg5[%dma_start3A_2099, %dma_start3A_2100] : memref<1000000x128xf32, #tpu.memory_space<hbm>> -> memref<1000000x128xf32, #tpu.memory_space<hbm>>
    tpu.enqueue_indirect_dma source(%dma_start3A_2101 : memref<1000000x128xf32, #tpu.memory_space<hbm>>) target(%dma_start3A_2096 : memref<96x128xf32, #tpu.memory_space<vmem>>) offsets(%dma_start3A_2098 : memref<96xi32, #tpu.memory_space<vmem>>) semaphore(%arg10 : memref<!tpu.dma_semaphore, #tpu.memory_space<semaphore_mem>>)
    %add3A_2102 = arith.constant 1 : i32
    %add3A_2103 = arith.addi %mul3A_2, %add3A_2102 : i32
    %mul3A_2104 = arith.constant 200 : i32
    %mul3A_2105 = arith.muli %add3A_2103, %mul3A_2104 : i32
    %dma_start3A_2106 = arith.constant 200 : i32
    %dma_start3A_2107 = tpu.memref_slice %arg7[%dma_start3A_2106] : memref<800xi32, #tpu.memory_space<vmem>> -> memref<200xi32, #tpu.memory_space<vmem>>
    %dma_start3A_2108 = tpu.memref_slice %arg2[%mul3A_2105] : memref<819200xi32, #tpu.memory_space<hbm>> -> memref<200xi32, #tpu.memory_space<hbm>>
    %dma_start3A_2109 = arith.constant 200 : i32
    %dma_start3A_2110 = tpu.memref_slice %arg7[%dma_start3A_2109] : memref<800xi32, #tpu.memory_space<vmem>> -> memref<200xi32, #tpu.memory_space<vmem>>
    %dma_start3A_2111 = tpu.memref_slice %arg2[%mul3A_2105] : memref<819200xi32, #tpu.memory_space<hbm>> -> memref<200xi32, #tpu.memory_space<hbm>>
    tpu.enqueue_dma source(%dma_start3A_2111 : memref<200xi32, #tpu.memory_space<hbm>>) target(%dma_start3A_2110 : memref<200xi32, #tpu.memory_space<vmem>>) target_semaphore(%arg17 : memref<!tpu.dma_semaphore, #tpu.memory_space<semaphore_mem>>)
    %scan3A = arith.constant 0 : i32
    %scan3A_2112 = arith.constant 0 : i32
    %scan3A_2113 = arith.constant 43 : i32
    %scan3A_2114 = arith.addi %scan3A_2112, %scan3A_2113 : i32
    %scan3A_2115 = arith.constant 1 : i32
    scf.for %scan3A_2170 = %scan3A_2112 to %scan3A_2114 step %scan3A_2115  : i32 {
      %mul3A_2171 = arith.constant 3 : i32
      %mul3A_2172 = arith.muli %mul3A_2171, %scan3A_2170 : i32
      %add3A_2173 = arith.constant 0 : i32
      %add3A_2174 = arith.addi %mul3A_2172, %add3A_2173 : i32
      %add3A_2175 = arith.constant 1 : i32
      %add3A_2176 = arith.addi %add3A_2174, %add3A_2175 : i32
      %lt3A = arith.constant 128 : i32
      %lt3A_2177 = arith.cmpi slt, %add3A_2176, %lt3A : i32
      %convert_element_type3A = arith.extui %lt3A_2177 : i1 to i32
      %cond3A = arith.constant 0 : i32
      %cond3A_2178 = arith.cmpi ne, %convert_element_type3A, %cond3A : i32
      scf.if %cond3A_2178 {
        %ge3A = arith.constant 3 : i32
        %ge3A_2216 = arith.cmpi sge, %add3A_2176, %ge3A : i32
        %convert_element_type3A_2217 = arith.extui %ge3A_2216 : i1 to i32
        %cond3A_2218 = arith.constant 0 : i32
        %cond3A_2219 = arith.cmpi ne, %convert_element_type3A_2217, %cond3A_2218 : i32
        scf.if %cond3A_2219 {
          %dma_wait3A_2260 = arith.constant 1 : i32
          %dma_wait3A_2261 = arith.constant 0 : i32
          %dma_wait3A_2262 = arith.constant 0 : i32
          %dma_wait3A_2263 = arith.constant 0 : i32
          %dma_wait3A_2264 = tpu.memref_slice %arg9[%dma_wait3A_2260, %dma_wait3A_2262, %dma_wait3A_2263] : memref<3x200x128xf32, #tpu.memory_space<vmem>> -> memref<1x200x128xf32, #tpu.memory_space<vmem>>
          %dma_wait3A_2265 = tpu.memref_squeeze %dma_wait3A_2264 : memref<1x200x128xf32, #tpu.memory_space<vmem>> -> memref<200x128xf32, #tpu.memory_space<vmem>>
          %dma_wait3A_2266 = arith.constant 0 : i32
          %dma_wait3A_2267 = arith.constant 0 : i32
          %dma_wait3A_2268 = tpu.memref_slice %arg6[%dma_wait3A_2261, %dma_wait3A_2266, %dma_wait3A_2267] : memref<4096x200x128xf32, #tpu.memory_space<hbm>> -> memref<1x200x128xf32, #tpu.memory_space<hbm>>
          %dma_wait3A_2269 = tpu.memref_squeeze %dma_wait3A_2268 : memref<1x200x128xf32, #tpu.memory_space<hbm>> -> memref<200x128xf32, #tpu.memory_space<hbm>>
          %dma_wait3A_2270 = arith.constant 0 : i32
          %dma_wait3A_2271 = arith.constant 0 : i32
          %dma_wait3A_2272 = tpu.memref_slice %arg6[%dma_wait3A_2261, %dma_wait3A_2270, %dma_wait3A_2271] : memref<4096x200x128xf32, #tpu.memory_space<hbm>> -> memref<1x200x128xf32, #tpu.memory_space<hbm>>
          %dma_wait3A_2273 = tpu.memref_squeeze %dma_wait3A_2272 : memref<1x200x128xf32, #tpu.memory_space<hbm>> -> memref<200x128xf32, #tpu.memory_space<hbm>>
          %dma_wait3A_2274 = arith.constant 0 : i32
          %dma_wait3A_2275 = arith.constant 0 : i32
          %dma_wait3A_2276 = tpu.memref_slice %arg9[%dma_wait3A_2260, %dma_wait3A_2274, %dma_wait3A_2275] : memref<3x200x128xf32, #tpu.memory_space<vmem>> -> memref<1x200x128xf32, #tpu.memory_space<vmem>>
          %dma_wait3A_2277 = tpu.memref_squeeze %dma_wait3A_2276 : memref<1x200x128xf32, #tpu.memory_space<vmem>> -> memref<200x128xf32, #tpu.memory_space<vmem>>
          tpu.wait_dma2 semaphore(%arg14 : memref<!tpu.dma_semaphore, #tpu.memory_space<semaphore_mem>>) src(%dma_wait3A_2277 : memref<200x128xf32, #tpu.memory_space<vmem>>) dst(%dma_wait3A_2273 : memref<200x128xf32, #tpu.memory_space<hbm>>)
        } else {
        }
        %dma_wait3A_2220 = arith.constant 0 : i32
        %dma_wait3A_2221 = tpu.memref_slice %arg7[%dma_wait3A_2220] : memref<800xi32, #tpu.memory_space<vmem>> -> memref<200xi32, #tpu.memory_space<vmem>>
        %dma_wait3A_2222 = arith.constant 0 : i32
        %dma_wait3A_2223 = tpu.memref_slice %arg2[%dma_wait3A_2222] : memref<819200xi32, #tpu.memory_space<hbm>> -> memref<200xi32, #tpu.memory_space<hbm>>
        %dma_wait3A_2224 = arith.constant 0 : i32
        %dma_wait3A_2225 = tpu.memref_slice %arg7[%dma_wait3A_2224] : memref<800xi32, #tpu.memory_space<vmem>> -> memref<200xi32, #tpu.memory_space<vmem>>
        %dma_wait3A_2226 = arith.constant 0 : i32
        %dma_wait3A_2227 = tpu.memref_slice %arg2[%dma_wait3A_2226] : memref<819200xi32, #tpu.memory_space<hbm>> -> memref<200xi32, #tpu.memory_space<hbm>>
        tpu.wait_dma2 semaphore(%arg17 : memref<!tpu.dma_semaphore, #tpu.memory_space<semaphore_mem>>) src(%dma_wait3A_2227 : memref<200xi32, #tpu.memory_space<hbm>>) dst(%dma_wait3A_2225 : memref<200xi32, #tpu.memory_space<vmem>>)
        %and3A = arith.constant 3 : i32
        %and3A_2228 = arith.andi %add3A_2176, %and3A : i32
        %mul3A_2229 = arith.constant 200 : i32
        %mul3A_2230 = arith.muli %and3A_2228, %mul3A_2229 : i32
        %add3A_2231 = arith.constant 0 : i32
        %add3A_2232 = arith.addi %mul3A_2230, %add3A_2231 : i32
        %dma_start3A_2233 = arith.constant 1 : i32
        %dma_start3A_2234 = arith.constant 0 : i32
        %dma_start3A_2235 = arith.constant 0 : i32
        %dma_start3A_2236 = tpu.memref_slice %arg9[%dma_start3A_2233, %dma_start3A_2234, %dma_start3A_2235] : memref<3x200x128xf32, #tpu.memory_space<vmem>> -> memref<1x104x128xf32, #tpu.memory_space<vmem>>
        %dma_start3A_2237 = tpu.memref_squeeze %dma_start3A_2236 : memref<1x104x128xf32, #tpu.memory_space<vmem>> -> memref<104x128xf32, #tpu.memory_space<vmem>>
        %dma_start3A_2238 = tpu.memref_slice %arg7[%add3A_2232] : memref<800xi32, #tpu.memory_space<vmem>> -> memref<104xi32, #tpu.memory_space<vmem>>
        %dma_start3A_2239 = arith.constant 0 : i32
        %dma_start3A_2240 = arith.constant 0 : i32
        %dma_start3A_2241 = tpu.memref_slice %arg5[%dma_start3A_2239, %dma_start3A_2240] : memref<1000000x128xf32, #tpu.memory_space<hbm>> -> memref<1000000x128xf32, #tpu.memory_space<hbm>>
        tpu.enqueue_indirect_dma source(%dma_start3A_2241 : memref<1000000x128xf32, #tpu.memory_space<hbm>>) target(%dma_start3A_2237 : memref<104x128xf32, #tpu.memory_space<vmem>>) offsets(%dma_start3A_2238 : memref<104xi32, #tpu.memory_space<vmem>>) semaphore(%arg11 : memref<!tpu.dma_semaphore, #tpu.memory_space<semaphore_mem>>)
        %add3A_2242 = arith.constant 104 : i32
        %add3A_2243 = arith.addi %mul3A_2230, %add3A_2242 : i32
        %dma_start3A_2244 = arith.constant 1 : i32
        %dma_start3A_2245 = arith.constant 104 : i32
        %dma_start3A_2246 = arith.constant 0 : i32
        %dma_start3A_2247 = tpu.memref_slice %arg9[%dma_start3A_2244, %dma_start3A_2245, %dma_start3A_2246] : memref<3x200x128xf32, #tpu.memory_space<vmem>> -> memref<1x96x128xf32, #tpu.memory_space<vmem>>
        %dma_start3A_2248 = tpu.memref_squeeze %dma_start3A_2247 : memref<1x96x128xf32, #tpu.memory_space<vmem>> -> memref<96x128xf32, #tpu.memory_space<vmem>>
        %dma_start3A_2249 = tpu.memref_slice %arg7[%add3A_2243] : memref<800xi32, #tpu.memory_space<vmem>> -> memref<96xi32, #tpu.memory_space<vmem>>
        %dma_start3A_2250 = arith.constant 0 : i32
        %dma_start3A_2251 = arith.constant 0 : i32
        %dma_start3A_2252 = tpu.memref_slice %arg5[%dma_start3A_2250, %dma_start3A_2251] : memref<1000000x128xf32, #tpu.memory_space<hbm>> -> memref<1000000x128xf32, #tpu.memory_space<hbm>>
        tpu.enqueue_indirect_dma source(%dma_start3A_2252 : memref<1000000x128xf32, #tpu.memory_space<hbm>>) target(%dma_start3A_2248 : memref<96x128xf32, #tpu.memory_space<vmem>>) offsets(%dma_start3A_2249 : memref<96xi32, #tpu.memory_space<vmem>>) semaphore(%arg11 : memref<!tpu.dma_semaphore, #tpu.memory_space<semaphore_mem>>)
        %add3A_2253 = arith.constant 1 : i32
        %add3A_2254 = arith.addi %add3A_2176, %add3A_2253 : i32
        %lt3A_2255 = arith.constant 128 : i32
        %lt3A_2256 = arith.cmpi slt, %add3A_2254, %lt3A_2255 : i32
        %convert_element_type3A_2257 = arith.extui %lt3A_2256 : i1 to i32
        %cond3A_2258 = arith.constant 0 : i32
        %cond3A_2259 = arith.cmpi ne, %convert_element_type3A_2257, %cond3A_2258 : i32
        scf.if %cond3A_2259 {
          %add3A_2260 = arith.constant 1 : i32
          %add3A_2261 = arith.addi %add3A_2176, %add3A_2260 : i32
          %add3A_2262 = arith.addi %mul3A_2, %add3A_2261 : i32
          %mul3A_2263 = arith.constant 200 : i32
          %mul3A_2264 = arith.muli %add3A_2262, %mul3A_2263 : i32
          %and3A_2265 = arith.constant 3 : i32
          %and3A_2266 = arith.andi %add3A_2261, %and3A_2265 : i32
          %mul3A_2267 = arith.constant 200 : i32
          %mul3A_2268 = arith.muli %and3A_2266, %mul3A_2267 : i32
          %dma_start3A_2269 = tpu.memref_slice %arg7[%mul3A_2268] : memref<800xi32, #tpu.memory_space<vmem>> -> memref<200xi32, #tpu.memory_space<vmem>>
          %dma_start3A_2270 = tpu.memref_slice %arg2[%mul3A_2264] : memref<819200xi32, #tpu.memory_space<hbm>> -> memref<200xi32, #tpu.memory_space<hbm>>
          %dma_start3A_2271 = tpu.memref_slice %arg7[%mul3A_2268] : memref<800xi32, #tpu.memory_space<vmem>> -> memref<200xi32, #tpu.memory_space<vmem>>
          %dma_start3A_2272 = tpu.memref_slice %arg2[%mul3A_2264] : memref<819200xi32, #tpu.memory_space<hbm>> -> memref<200xi32, #tpu.memory_space<hbm>>
          tpu.enqueue_dma source(%dma_start3A_2272 : memref<200xi32, #tpu.memory_space<hbm>>) target(%dma_start3A_2271 : memref<200xi32, #tpu.memory_space<vmem>>) target_semaphore(%arg18 : memref<!tpu.dma_semaphore, #tpu.memory_space<semaphore_mem>>)
        } else {
        }
      } else {
      }
      %lt3A_2179 = arith.constant 128 : i32
      %lt3A_2180 = arith.cmpi slt, %add3A_2174, %lt3A_2179 : i32
      %convert_element_type3A_2181 = arith.extui %lt3A_2180 : i1 to i32
      %cond3A_2182 = arith.constant 0 : i32
      %cond3A_2183 = arith.cmpi ne, %convert_element_type3A_2181, %cond3A_2182 : i32
      scf.if %cond3A_2183 {
        %dma_wait3A_2216 = arith.constant 0 : i32
        %dma_wait3A_2217 = arith.constant 0 : i32
        %dma_wait3A_2218 = arith.constant 0 : i32
        %dma_wait3A_2219 = arith.constant 0 : i32
        %dma_wait3A_2220 = tpu.memref_slice %arg9[%dma_wait3A_2217, %dma_wait3A_2218, %dma_wait3A_2219] : memref<3x200x128xf32, #tpu.memory_space<vmem>> -> memref<1x200x128xf32, #tpu.memory_space<vmem>>
        %dma_wait3A_2221 = tpu.memref_squeeze %dma_wait3A_2220 : memref<1x200x128xf32, #tpu.memory_space<vmem>> -> memref<200x128xf32, #tpu.memory_space<vmem>>
        %dma_wait3A_2222 = arith.constant 0 : i32
        %dma_wait3A_2223 = arith.constant 0 : i32
        %dma_wait3A_2224 = tpu.memref_slice %arg6[%dma_wait3A_2216, %dma_wait3A_2222, %dma_wait3A_2223] : memref<4096x200x128xf32, #tpu.memory_space<hbm>> -> memref<1x200x128xf32, #tpu.memory_space<hbm>>
        %dma_wait3A_2225 = tpu.memref_squeeze %dma_wait3A_2224 : memref<1x200x128xf32, #tpu.memory_space<hbm>> -> memref<200x128xf32, #tpu.memory_space<hbm>>
        %dma_wait3A_2226 = arith.constant 0 : i32
        %dma_wait3A_2227 = arith.constant 0 : i32
        %dma_wait3A_2228 = tpu.memref_slice %arg9[%dma_wait3A_2217, %dma_wait3A_2226, %dma_wait3A_2227] : memref<3x200x128xf32, #tpu.memory_space<vmem>> -> memref<1x200x128xf32, #tpu.memory_space<vmem>>
        %dma_wait3A_2229 = tpu.memref_squeeze %dma_wait3A_2228 : memref<1x200x128xf32, #tpu.memory_space<vmem>> -> memref<200x128xf32, #tpu.memory_space<vmem>>
        %dma_wait3A_2230 = arith.constant 0 : i32
        %dma_wait3A_2231 = arith.constant 0 : i32
        %dma_wait3A_2232 = tpu.memref_slice %arg6[%dma_wait3A_2216, %dma_wait3A_2230, %dma_wait3A_2231] : memref<4096x200x128xf32, #tpu.memory_space<hbm>> -> memref<1x200x128xf32, #tpu.memory_space<hbm>>
        %dma_wait3A_2233 = tpu.memref_squeeze %dma_wait3A_2232 : memref<1x200x128xf32, #tpu.memory_space<hbm>> -> memref<200x128xf32, #tpu.memory_space<hbm>>
        tpu.wait_dma2 semaphore(%arg10 : memref<!tpu.dma_semaphore, #tpu.memory_space<semaphore_mem>>) src(%dma_wait3A_2233 : memref<200x128xf32, #tpu.memory_space<hbm>>) dst(%dma_wait3A_2229 : memref<200x128xf32, #tpu.memory_space<vmem>>)
        %parallel_loop3A = arith.constant 0 : i32
        %parallel_loop3A_2234 = arith.constant 200 : i32
        %parallel_loop3A_2235 = arith.constant 2 : i32
        scf.for %parallel_loop3A_2272 = %parallel_loop3A to %parallel_loop3A_2234 step %parallel_loop3A_2235  : i32 {
          %parallel_loop3A_2273 = arith.constant 0 : i32
          %parallel_loop3A_2274 = arith.addi %parallel_loop3A_2272, %parallel_loop3A_2273 : i32
          %parallel_loop3A_2275 = arith.index_cast %parallel_loop3A_2274 : i32 to index
          %parallel_loop3A_2276 = arith.constant 0 : index
          %parallel_loop3A_2277 = tpu.vector_load %arg8[%parallel_loop3A_2275, %parallel_loop3A_2276] {strides = array<i32>} : memref<200x128xf32, #tpu.memory_space<vmem>>, vector<1x16xf32>,
          %parallel_loop3A_2278 = vector.shape_cast %parallel_loop3A_2277 : vector<1x16xf32> to vector<16xf32>
          %parallel_loop3A_2279 = arith.constant 0 : i32
          %parallel_loop3A_2280 = arith.addi %parallel_loop3A_2272, %parallel_loop3A_2279 : i32
          %parallel_loop3A_2281 = arith.constant 0 : i32
          %parallel_loop3A_2282 = arith.index_cast %parallel_loop3A_2281 : i32 to index
          %parallel_loop3A_2283 = arith.index_cast %parallel_loop3A_2280 : i32 to index
          %parallel_loop3A_2284 = arith.constant 0 : index
          %parallel_loop3A_2285 = tpu.vector_load %arg9[%parallel_loop3A_2282, %parallel_loop3A_2283, %parallel_loop3A_2284] {strides = array<i32>} : memref<3x200x128xf32, #tpu.memory_space<vmem>>, vector<1x1x16xf32>,
          %parallel_loop3A_2286 = vector.shape_cast %parallel_loop3A_2285 : vector<1x1x16xf32> to vector<16xf32>
          %parallel_loop3A_2287 = vector.shape_cast %parallel_loop3A_2278 : vector<16xf32> to vector<1x1x16xf32>
          tpu.vector_store %arg9[%parallel_loop3A_2282, %parallel_loop3A_2283, %parallel_loop3A_2284], %parallel_loop3A_2287 {add = true, strides = array<i32>} : memref<3x200x128xf32, #tpu.memory_space<vmem>>, vector<1x1x16xf32>,
          %parallel_loop3A_2288 = arith.constant 0 : i32
          %parallel_loop3A_2289 = arith.addi %parallel_loop3A_2272, %parallel_loop3A_2288 : i32
          %parallel_loop3A_2290 = arith.index_cast %parallel_loop3A_2289 : i32 to index
          %parallel_loop3A_2291 = arith.constant 16 : index
          %parallel_loop3A_2292 = tpu.vector_load %arg8[%parallel_loop3A_2290, %parallel_loop3A_2291] {strides = array<i32>} : memref<200x128xf32, #tpu.memory_space<vmem>>, vector<1x16xf32>,
          %parallel_loop3A_2293 = vector.shape_cast %parallel_loop3A_2292 : vector<1x16xf32> to vector<16xf32>
          %parallel_loop3A_2294 = arith.constant 0 : i32
          %parallel_loop3A_2295 = arith.addi %parallel_loop3A_2272, %parallel_loop3A_2294 : i32
          %parallel_loop3A_2296 = arith.constant 0 : i32
          %parallel_loop3A_2297 = arith.index_cast %parallel_loop3A_2296 : i32 to index
          %parallel_loop3A_2298 = arith.index_cast %parallel_loop3A_2295 : i32 to index
          %parallel_loop3A_2299 = arith.constant 16 : index
          %parallel_loop3A_2300 = tpu.vector_load %arg9[%parallel_loop3A_2297, %parallel_loop3A_2298, %parallel_loop3A_2299] {strides = array<i32>} : memref<3x200x128xf32, #tpu.memory_space<vmem>>, vector<1x1x16xf32>,
          %parallel_loop3A_2301 = vector.shape_cast %parallel_loop3A_2300 : vector<1x1x16xf32> to vector<16xf32>
          %parallel_loop3A_2302 = vector.shape_cast %parallel_loop3A_2293 : vector<16xf32> to vector<1x1x16xf32>
          tpu.vector_store %arg9[%parallel_loop3A_2297, %parallel_loop3A_2298, %parallel_loop3A_2299], %parallel_loop3A_2302 {add = true, strides = array<i32>} : memref<3x200x128xf32, #tpu.memory_space<vmem>>, vector<1x1x16xf32>,
          %parallel_loop3A_2303 = arith.constant 0 : i32
          %parallel_loop3A_2304 = arith.addi %parallel_loop3A_2272, %parallel_loop3A_2303 : i32
          %parallel_loop3A_2305 = arith.index_cast %parallel_loop3A_2304 : i32 to index
          %parallel_loop3A_2306 = arith.constant 32 : index
          %parallel_loop3A_2307 = tpu.vector_load %arg8[%parallel_loop3A_2305, %parallel_loop3A_2306] {strides = array<i32>} : memref<200x128xf32, #tpu.memory_space<vmem>>, vector<1x16xf32>,
          %parallel_loop3A_2308 = vector.shape_cast %parallel_loop3A_2307 : vector<1x16xf32> to vector<16xf32>
          %parallel_loop3A_2309 = arith.constant 0 : i32
          %parallel_loop3A_2310 = arith.addi %parallel_loop3A_2272, %parallel_loop3A_2309 : i32
          %parallel_loop3A_2311 = arith.constant 0 : i32
          %parallel_loop3A_2312 = arith.index_cast %parallel_loop3A_2311 : i32 to index
          %parallel_loop3A_2313 = arith.index_cast %parallel_loop3A_2310 : i32 to index
          %parallel_loop3A_2314 = arith.constant 32 : index
          %parallel_loop3A_2315 = tpu.vector_load %arg9[%parallel_loop3A_2312, %parallel_loop3A_2313, %parallel_loop3A_2314] {strides = array<i32>} : memref<3x200x128xf32, #tpu.memory_space<vmem>>, vector<1x1x16xf32>,
          %parallel_loop3A_2316 = vector.shape_cast %parallel_loop3A_2315 : vector<1x1x16xf32> to vector<16xf32>
          %parallel_loop3A_2317 = vector.shape_cast %parallel_loop3A_2308 : vector<16xf32> to vector<1x1x16xf32>
          tpu.vector_store %arg9[%parallel_loop3A_2312, %parallel_loop3A_2313, %parallel_loop3A_2314], %parallel_loop3A_2317 {add = true, strides = array<i32>} : memref<3x200x128xf32, #tpu.memory_space<vmem>>, vector<1x1x16xf32>,
          %parallel_loop3A_2318 = arith.constant 0 : i32
          %parallel_loop3A_2319 = arith.addi %parallel_loop3A_2272, %parallel_loop3A_2318 : i32
          %parallel_loop3A_2320 = arith.index_cast %parallel_loop3A_2319 : i32 to index
          %parallel_loop3A_2321 = arith.constant 48 : index
          %parallel_loop3A_2322 = tpu.vector_load %arg8[%parallel_loop3A_2320, %parallel_loop3A_2321] {strides = array<i32>} : memref<200x128xf32, #tpu.memory_space<vmem>>, vector<1x16xf32>,
          %parallel_loop3A_2323 = vector.shape_cast %parallel_loop3A_2322 : vector<1x16xf32> to vector<16xf32>
          %parallel_loop3A_2324 = arith.constant 0 : i32
          %parallel_loop3A_2325 = arith.addi %parallel_loop3A_2272, %parallel_loop3A_2324 : i32
          %parallel_loop3A_2326 = arith.constant 0 : i32
          %parallel_loop3A_2327 = arith.index_cast %parallel_loop3A_2326 : i32 to index
          %parallel_loop3A_2328 = arith.index_cast %parallel_loop3A_2325 : i32 to index
          %parallel_loop3A_2329 = arith.constant 48 : index
          %parallel_loop3A_2330 = tpu.vector_load %arg9[%parallel_loop3A_2327, %parallel_loop3A_2328, %parallel_loop3A_2329] {strides = array<i32>} : memref<3x200x128xf32, #tpu.memory_space<vmem>>, vector<1x1x16xf32>,
          %parallel_loop3A_2331 = vector.shape_cast %parallel_loop3A_2330 : vector<1x1x16xf32> to vector<16xf32>
          %parallel_loop3A_2332 = vector.shape_cast %parallel_loop3A_2323 : vector<16xf32> to vector<1x1x16xf32>
          tpu.vector_store %arg9[%parallel_loop3A_2327, %parallel_loop3A_2328, %parallel_loop3A_2329], %parallel_loop3A_2332 {add = true, strides = array<i32>} : memref<3x200x128xf32, #tpu.memory_space<vmem>>, vector<1x1x16xf32>,
          %parallel_loop3A_2333 = arith.constant 0 : i32
          %parallel_loop3A_2334 = arith.addi %parallel_loop3A_2272, %parallel_loop3A_2333 : i32
          %parallel_loop3A_2335 = arith.index_cast %parallel_loop3A_2334 : i32 to index
          %parallel_loop3A_2336 = arith.constant 64 : index
          %parallel_loop3A_2337 = tpu.vector_load %arg8[%parallel_loop3A_2335, %parallel_loop3A_2336] {strides = array<i32>} : memref<200x128xf32, #tpu.memory_space<vmem>>, vector<1x16xf32>,
          %parallel_loop3A_2338 = vector.shape_cast %parallel_loop3A_2337 : vector<1x16xf32> to vector<16xf32>
          %parallel_loop3A_2339 = arith.constant 0 : i32
          %parallel_loop3A_2340 = arith.addi %parallel_loop3A_2272, %parallel_loop3A_2339 : i32
          %parallel_loop3A_2341 = arith.constant 0 : i32
          %parallel_loop3A_2342 = arith.index_cast %parallel_loop3A_2341 : i32 to index
          %parallel_loop3A_2343 = arith.index_cast %parallel_loop3A_2340 : i32 to index
          %parallel_loop3A_2344 = arith.constant 64 : index
          %parallel_loop3A_2345 = tpu.vector_load %arg9[%parallel_loop3A_2342, %parallel_loop3A_2343, %parallel_loop3A_2344] {strides = array<i32>} : memref<3x200x128xf32, #tpu.memory_space<vmem>>, vector<1x1x16xf32>,
          %parallel_loop3A_2346 = vector.shape_cast %parallel_loop3A_2345 : vector<1x1x16xf32> to vector<16xf32>
          %parallel_loop3A_2347 = vector.shape_cast %parallel_loop3A_2338 : vector<16xf32> to vector<1x1x16xf32>
          tpu.vector_store %arg9[%parallel_loop3A_2342, %parallel_loop3A_2343, %parallel_loop3A_2344], %parallel_loop3A_2347 {add = true, strides = array<i32>} : memref<3x200x128xf32, #tpu.memory_space<vmem>>, vector<1x1x16xf32>,
          %parallel_loop3A_2348 = arith.constant 0 : i32
          %parallel_loop3A_2349 = arith.addi %parallel_loop3A_2272, %parallel_loop3A_2348 : i32
          %parallel_loop3A_2350 = arith.index_cast %parallel_loop3A_2349 : i32 to index
          %parallel_loop3A_2351 = arith.constant 80 : index
          %parallel_loop3A_2352 = tpu.vector_load %arg8[%parallel_loop3A_2350, %parallel_loop3A_2351] {strides = array<i32>} : memref<200x128xf32, #tpu.memory_space<vmem>>, vector<1x16xf32>,
          %parallel_loop3A_2353 = vector.shape_cast %parallel_loop3A_2352 : vector<1x16xf32> to vector<16xf32>
          %parallel_loop3A_2354 = arith.constant 0 : i32
          %parallel_loop3A_2355 = arith.addi %parallel_loop3A_2272, %parallel_loop3A_2354 : i32
          %parallel_loop3A_2356 = arith.constant 0 : i32
          %parallel_loop3A_2357 = arith.index_cast %parallel_loop3A_2356 : i32 to index
          %parallel_loop3A_2358 = arith.index_cast %parallel_loop3A_2355 : i32 to index
          %parallel_loop3A_2359 = arith.constant 80 : index
          %parallel_loop3A_2360 = tpu.vector_load %arg9[%parallel_loop3A_2357, %parallel_loop3A_2358, %parallel_loop3A_2359] {strides = array<i32>} : memref<3x200x128xf32, #tpu.memory_space<vmem>>, vector<1x1x16xf32>,
          %parallel_loop3A_2361 = vector.shape_cast %parallel_loop3A_2360 : vector<1x1x16xf32> to vector<16xf32>
          %parallel_loop3A_2362 = vector.shape_cast %parallel_loop3A_2353 : vector<16xf32> to vector<1x1x16xf32>
          tpu.vector_store %arg9[%parallel_loop3A_2357, %parallel_loop3A_2358, %parallel_loop3A_2359], %parallel_loop3A_2362 {add = true, strides = array<i32>} : memref<3x200x128xf32, #tpu.memory_space<vmem>>, vector<1x1x16xf32>,
          %parallel_loop3A_2363 = arith.constant 0 : i32
          %parallel_loop3A_2364 = arith.addi %parallel_loop3A_2272, %parallel_loop3A_2363 : i32
          %parallel_loop3A_2365 = arith.index_cast %parallel_loop3A_2364 : i32 to index
          %parallel_loop3A_2366 = arith.constant 96 : index
          %parallel_loop3A_2367 = tpu.vector_load %arg8[%parallel_loop3A_2365, %parallel_loop3A_2366] {strides = array<i32>} : memref<200x128xf32, #tpu.memory_space<vmem>>, vector<1x16xf32>,
          %parallel_loop3A_2368 = vector.shape_cast %parallel_loop3A_2367 : vector<1x16xf32> to vector<16xf32>
          %parallel_loop3A_2369 = arith.constant 0 : i32
          %parallel_loop3A_2370 = arith.addi %parallel_loop3A_2272, %parallel_loop3A_2369 : i32
          %parallel_loop3A_2371 = arith.constant 0 : i32
          %parallel_loop3A_2372 = arith.index_cast %parallel_loop3A_2371 : i32 to index
          %parallel_loop3A_2373 = arith.index_cast %parallel_loop3A_2370 : i32 to index
          %parallel_loop3A_2374 = arith.constant 96 : index
          %parallel_loop3A_2375 = tpu.vector_load %arg9[%parallel_loop3A_2372, %parallel_loop3A_2373, %parallel_loop3A_2374] {strides = array<i32>} : memref<3x200x128xf32, #tpu.memory_space<vmem>>, vector<1x1x16xf32>,
          %parallel_loop3A_2376 = vector.shape_cast %parallel_loop3A_2375 : vector<1x1x16xf32> to vector<16xf32>
          %parallel_loop3A_2377 = vector.shape_cast %parallel_loop3A_2368 : vector<16xf32> to vector<1x1x16xf32>
          tpu.vector_store %arg9[%parallel_loop3A_2372, %parallel_loop3A_2373, %parallel_loop3A_2374], %parallel_loop3A_2377 {add = true, strides = array<i32>} : memref<3x200x128xf32, #tpu.memory_space<vmem>>, vector<1x1x16xf32>,
          %parallel_loop3A_2378 = arith.constant 0 : i32
          %parallel_loop3A_2379 = arith.addi %parallel_loop3A_2272, %parallel_loop3A_2378 : i32
          %parallel_loop3A_2380 = arith.index_cast %parallel_loop3A_2379 : i32 to index
          %parallel_loop3A_2381 = arith.constant 112 : index
          %parallel_loop3A_2382 = tpu.vector_load %arg8[%parallel_loop3A_2380, %parallel_loop3A_2381] {strides = array<i32>} : memref<200x128xf32, #tpu.memory_space<vmem>>, vector<1x16xf32>,
          %parallel_loop3A_2383 = vector.shape_cast %parallel_loop3A_2382 : vector<1x16xf32> to vector<16xf32>
          %parallel_loop3A_2384 = arith.constant 0 : i32
          %parallel_loop3A_2385 = arith.addi %parallel_loop3A_2272, %parallel_loop3A_2384 : i32
          %parallel_loop3A_2386 = arith.constant 0 : i32
          %parallel_loop3A_2387 = arith.index_cast %parallel_loop3A_2386 : i32 to index
          %parallel_loop3A_2388 = arith.index_cast %parallel_loop3A_2385 : i32 to index
          %parallel_loop3A_2389 = arith.constant 112 : index
          %parallel_loop3A_2390 = tpu.vector_load %arg9[%parallel_loop3A_2387, %parallel_loop3A_2388, %parallel_loop3A_2389] {strides = array<i32>} : memref<3x200x128xf32, #tpu.memory_space<vmem>>, vector<1x1x16xf32>,
          %parallel_loop3A_2391 = vector.shape_cast %parallel_loop3A_2390 : vector<1x1x16xf32> to vector<16xf32>
          %parallel_loop3A_2392 = vector.shape_cast %parallel_loop3A_2383 : vector<16xf32> to vector<1x1x16xf32>
          tpu.vector_store %arg9[%parallel_loop3A_2387, %parallel_loop3A_2388, %parallel_loop3A_2389], %parallel_loop3A_2392 {add = true, strides = array<i32>} : memref<3x200x128xf32, #tpu.memory_space<vmem>>, vector<1x1x16xf32>,
          %parallel_loop3A_2393 = arith.constant 1 : i32
          %parallel_loop3A_2394 = arith.addi %parallel_loop3A_2272, %parallel_loop3A_2393 : i32
          %parallel_loop3A_2395 = arith.index_cast %parallel_loop3A_2394 : i32 to index
          %parallel_loop3A_2396 = arith.constant 0 : index
          %parallel_loop3A_2397 = tpu.vector_load %arg8[%parallel_loop3A_2395, %parallel_loop3A_2396] {strides = array<i32>} : memref<200x128xf32, #tpu.memory_space<vmem>>, vector<1x16xf32>,
          %parallel_loop3A_2398 = vector.shape_cast %parallel_loop3A_2397 : vector<1x16xf32> to vector<16xf32>
          %parallel_loop3A_2399 = arith.constant 1 : i32
          %parallel_loop3A_2400 = arith.addi %parallel_loop3A_2272, %parallel_loop3A_2399 : i32
          %parallel_loop3A_2401 = arith.constant 0 : i32
          %parallel_loop3A_2402 = arith.index_cast %parallel_loop3A_2401 : i32 to index
          %parallel_loop3A_2403 = arith.index_cast %parallel_loop3A_2400 : i32 to index
          %parallel_loop3A_2404 = arith.constant 0 : index
          %parallel_loop3A_2405 = tpu.vector_load %arg9[%parallel_loop3A_2402, %parallel_loop3A_2403, %parallel_loop3A_2404] {strides = array<i32>} : memref<3x200x128xf32, #tpu.memory_space<vmem>>, vector<1x1x16xf32>,
          %parallel_loop3A_2406 = vector.shape_cast %parallel_loop3A_2405 : vector<1x1x16xf32> to vector<16xf32>
          %parallel_loop3A_2407 = vector.shape_cast %parallel_loop3A_2398 : vector<16xf32> to vector<1x1x16xf32>
          tpu.vector_store %arg9[%parallel_loop3A_2402, %parallel_loop3A_2403, %parallel_loop3A_2404], %parallel_loop3A_2407 {add = true, strides = array<i32>} : memref<3x200x128xf32, #tpu.memory_space<vmem>>, vector<1x1x16xf32>,
          %parallel_loop3A_2408 = arith.constant 1 : i32
          %parallel_loop3A_2409 = arith.addi %parallel_loop3A_2272, %parallel_loop3A_2408 : i32
          %parallel_loop3A_2410 = arith.index_cast %parallel_loop3A_2409 : i32 to index
          %parallel_loop3A_2411 = arith.constant 16 : index
          %parallel_loop3A_2412 = tpu.vector_load %arg8[%parallel_loop3A_2410, %parallel_loop3A_2411] {strides = array<i32>} : memref<200x128xf32, #tpu.memory_space<vmem>>, vector<1x16xf32>,
          %parallel_loop3A_2413 = vector.shape_cast %parallel_loop3A_2412 : vector<1x16xf32> to vector<16xf32>
          %parallel_loop3A_2414 = arith.constant 1 : i32
          %parallel_loop3A_2415 = arith.addi %parallel_loop3A_2272, %parallel_loop3A_2414 : i32
          %parallel_loop3A_2416 = arith.constant 0 : i32
          %parallel_loop3A_2417 = arith.index_cast %parallel_loop3A_2416 : i32 to index
          %parallel_loop3A_2418 = arith.index_cast %parallel_loop3A_2415 : i32 to index
          %parallel_loop3A_2419 = arith.constant 16 : index
          %parallel_loop3A_2420 = tpu.vector_load %arg9[%parallel_loop3A_2417, %parallel_loop3A_2418, %parallel_loop3A_2419] {strides = array<i32>} : memref<3x200x128xf32, #tpu.memory_space<vmem>>, vector<1x1x16xf32>,
          %parallel_loop3A_2421 = vector.shape_cast %parallel_loop3A_2420 : vector<1x1x16xf32> to vector<16xf32>
          %parallel_loop3A_2422 = vector.shape_cast %parallel_loop3A_2413 : vector<16xf32> to vector<1x1x16xf32>
          tpu.vector_store %arg9[%parallel_loop3A_2417, %parallel_loop3A_2418, %parallel_loop3A_2419], %parallel_loop3A_2422 {add = true, strides = array<i32>} : memref<3x200x128xf32, #tpu.memory_space<vmem>>, vector<1x1x16xf32>,
          %parallel_loop3A_2423 = arith.constant 1 : i32
          %parallel_loop3A_2424 = arith.addi %parallel_loop3A_2272, %parallel_loop3A_2423 : i32
          %parallel_loop3A_2425 = arith.index_cast %parallel_loop3A_2424 : i32 to index
          %parallel_loop3A_2426 = arith.constant 32 : index
          %parallel_loop3A_2427 = tpu.vector_load %arg8[%parallel_loop3A_2425, %parallel_loop3A_2426] {strides = array<i32>} : memref<200x128xf32, #tpu.memory_space<vmem>>, vector<1x16xf32>,
          %parallel_loop3A_2428 = vector.shape_cast %parallel_loop3A_2427 : vector<1x16xf32> to vector<16xf32>
          %parallel_loop3A_2429 = arith.constant 1 : i32
          %parallel_loop3A_2430 = arith.addi %parallel_loop3A_2272, %parallel_loop3A_2429 : i32
          %parallel_loop3A_2431 = arith.constant 0 : i32
          %parallel_loop3A_2432 = arith.index_cast %parallel_loop3A_2431 : i32 to index
          %parallel_loop3A_2433 = arith.index_cast %parallel_loop3A_2430 : i32 to index
          %parallel_loop3A_2434 = arith.constant 32 : index
          %parallel_loop3A_2435 = tpu.vector_load %arg9[%parallel_loop3A_2432, %parallel_loop3A_2433, %parallel_loop3A_2434] {strides = array<i32>} : memref<3x200x128xf32, #tpu.memory_space<vmem>>, vector<1x1x16xf32>,
          %parallel_loop3A_2436 = vector.shape_cast %parallel_loop3A_2435 : vector<1x1x16xf32> to vector<16xf32>
          %parallel_loop3A_2437 = vector.shape_cast %parallel_loop3A_2428 : vector<16xf32> to vector<1x1x16xf32>
          tpu.vector_store %arg9[%parallel_loop3A_2432, %parallel_loop3A_2433, %parallel_loop3A_2434], %parallel_loop3A_2437 {add = true, strides = array<i32>} : memref<3x200x128xf32, #tpu.memory_space<vmem>>, vector<1x1x16xf32>,
          %parallel_loop3A_2438 = arith.constant 1 : i32
          %parallel_loop3A_2439 = arith.addi %parallel_loop3A_2272, %parallel_loop3A_2438 : i32
          %parallel_loop3A_2440 = arith.index_cast %parallel_loop3A_2439 : i32 to index
          %parallel_loop3A_2441 = arith.constant 48 : index
          %parallel_loop3A_2442 = tpu.vector_load %arg8[%parallel_loop3A_2440, %parallel_loop3A_2441] {strides = array<i32>} : memref<200x128xf32, #tpu.memory_space<vmem>>, vector<1x16xf32>,
          %parallel_loop3A_2443 = vector.shape_cast %parallel_loop3A_2442 : vector<1x16xf32> to vector<16xf32>
          %parallel_loop3A_2444 = arith.constant 1 : i32
          %parallel_loop3A_2445 = arith.addi %parallel_loop3A_2272, %parallel_loop3A_2444 : i32
          %parallel_loop3A_2446 = arith.constant 0 : i32
          %parallel_loop3A_2447 = arith.index_cast %parallel_loop3A_2446 : i32 to index
          %parallel_loop3A_2448 = arith.index_cast %parallel_loop3A_2445 : i32 to index
          %parallel_loop3A_2449 = arith.constant 48 : index
          %parallel_loop3A_2450 = tpu.vector_load %arg9[%parallel_loop3A_2447, %parallel_loop3A_2448, %parallel_loop3A_2449] {strides = array<i32>} : memref<3x200x128xf32, #tpu.memory_space<vmem>>, vector<1x1x16xf32>,
          %parallel_loop3A_2451 = vector.shape_cast %parallel_loop3A_2450 : vector<1x1x16xf32> to vector<16xf32>
          %parallel_loop3A_2452 = vector.shape_cast %parallel_loop3A_2443 : vector<16xf32> to vector<1x1x16xf32>
          tpu.vector_store %arg9[%parallel_loop3A_2447, %parallel_loop3A_2448, %parallel_loop3A_2449], %parallel_loop3A_2452 {add = true, strides = array<i32>} : memref<3x200x128xf32, #tpu.memory_space<vmem>>, vector<1x1x16xf32>,
          %parallel_loop3A_2453 = arith.constant 1 : i32
          %parallel_loop3A_2454 = arith.addi %parallel_loop3A_2272, %parallel_loop3A_2453 : i32
          %parallel_loop3A_2455 = arith.index_cast %parallel_loop3A_2454 : i32 to index
          %parallel_loop3A_2456 = arith.constant 64 : index
          %parallel_loop3A_2457 = tpu.vector_load %arg8[%parallel_loop3A_2455, %parallel_loop3A_2456] {strides = array<i32>} : memref<200x128xf32, #tpu.memory_space<vmem>>, vector<1x16xf32>,
          %parallel_loop3A_2458 = vector.shape_cast %parallel_loop3A_2457 : vector<1x16xf32> to vector<16xf32>
          %parallel_loop3A_2459 = arith.constant 1 : i32
          %parallel_loop3A_2460 = arith.addi %parallel_loop3A_2272, %parallel_loop3A_2459 : i32
          %parallel_loop3A_2461 = arith.constant 0 : i32
          %parallel_loop3A_2462 = arith.index_cast %parallel_loop3A_2461 : i32 to index
          %parallel_loop3A_2463 = arith.index_cast %parallel_loop3A_2460 : i32 to index
          %parallel_loop3A_2464 = arith.constant 64 : index
          %parallel_loop3A_2465 = tpu.vector_load %arg9[%parallel_loop3A_2462, %parallel_loop3A_2463, %parallel_loop3A_2464] {strides = array<i32>} : memref<3x200x128xf32, #tpu.memory_space<vmem>>, vector<1x1x16xf32>,
          %parallel_loop3A_2466 = vector.shape_cast %parallel_loop3A_2465 : vector<1x1x16xf32> to vector<16xf32>
          %parallel_loop3A_2467 = vector.shape_cast %parallel_loop3A_2458 : vector<16xf32> to vector<1x1x16xf32>
          tpu.vector_store %arg9[%parallel_loop3A_2462, %parallel_loop3A_2463, %parallel_loop3A_2464], %parallel_loop3A_2467 {add = true, strides = array<i32>} : memref<3x200x128xf32, #tpu.memory_space<vmem>>, vector<1x1x16xf32>,
          %parallel_loop3A_2468 = arith.constant 1 : i32
          %parallel_loop3A_2469 = arith.addi %parallel_loop3A_2272, %parallel_loop3A_2468 : i32
          %parallel_loop3A_2470 = arith.index_cast %parallel_loop3A_2469 : i32 to index
          %parallel_loop3A_2471 = arith.constant 80 : index
          %parallel_loop3A_2472 = tpu.vector_load %arg8[%parallel_loop3A_2470, %parallel_loop3A_2471] {strides = array<i32>} : memref<200x128xf32, #tpu.memory_space<vmem>>, vector<1x16xf32>,
          %parallel_loop3A_2473 = vector.shape_cast %parallel_loop3A_2472 : vector<1x16xf32> to vector<16xf32>
          %parallel_loop3A_2474 = arith.constant 1 : i32
          %parallel_loop3A_2475 = arith.addi %parallel_loop3A_2272, %parallel_loop3A_2474 : i32
          %parallel_loop3A_2476 = arith.constant 0 : i32
          %parallel_loop3A_2477 = arith.index_cast %parallel_loop3A_2476 : i32 to index
          %parallel_loop3A_2478 = arith.index_cast %parallel_loop3A_2475 : i32 to index
          %parallel_loop3A_2479 = arith.constant 80 : index
          %parallel_loop3A_2480 = tpu.vector_load %arg9[%parallel_loop3A_2477, %parallel_loop3A_2478, %parallel_loop3A_2479] {strides = array<i32>} : memref<3x200x128xf32, #tpu.memory_space<vmem>>, vector<1x1x16xf32>,
          %parallel_loop3A_2481 = vector.shape_cast %parallel_loop3A_2480 : vector<1x1x16xf32> to vector<16xf32>
          %parallel_loop3A_2482 = vector.shape_cast %parallel_loop3A_2473 : vector<16xf32> to vector<1x1x16xf32>
          tpu.vector_store %arg9[%parallel_loop3A_2477, %parallel_loop3A_2478, %parallel_loop3A_2479], %parallel_loop3A_2482 {add = true, strides = array<i32>} : memref<3x200x128xf32, #tpu.memory_space<vmem>>, vector<1x1x16xf32>,
          %parallel_loop3A_2483 = arith.constant 1 : i32
          %parallel_loop3A_2484 = arith.addi %parallel_loop3A_2272, %parallel_loop3A_2483 : i32
          %parallel_loop3A_2485 = arith.index_cast %parallel_loop3A_2484 : i32 to index
          %parallel_loop3A_2486 = arith.constant 96 : index
          %parallel_loop3A_2487 = tpu.vector_load %arg8[%parallel_loop3A_2485, %parallel_loop3A_2486] {strides = array<i32>} : memref<200x128xf32, #tpu.memory_space<vmem>>, vector<1x16xf32>,
          %parallel_loop3A_2488 = vector.shape_cast %parallel_loop3A_2487 : vector<1x16xf32> to vector<16xf32>
          %parallel_loop3A_2489 = arith.constant 1 : i32
          %parallel_loop3A_2490 = arith.addi %parallel_loop3A_2272, %parallel_loop3A_2489 : i32
          %parallel_loop3A_2491 = arith.constant 0 : i32
          %parallel_loop3A_2492 = arith.index_cast %parallel_loop3A_2491 : i32 to index
          %parallel_loop3A_2493 = arith.index_cast %parallel_loop3A_2490 : i32 to index
          %parallel_loop3A_2494 = arith.constant 96 : index
          %parallel_loop3A_2495 = tpu.vector_load %arg9[%parallel_loop3A_2492, %parallel_loop3A_2493, %parallel_loop3A_2494] {strides = array<i32>} : memref<3x200x128xf32, #tpu.memory_space<vmem>>, vector<1x1x16xf32>,
          %parallel_loop3A_2496 = vector.shape_cast %parallel_loop3A_2495 : vector<1x1x16xf32> to vector<16xf32>
          %parallel_loop3A_2497 = vector.shape_cast %parallel_loop3A_2488 : vector<16xf32> to vector<1x1x16xf32>
          tpu.vector_store %arg9[%parallel_loop3A_2492, %parallel_loop3A_2493, %parallel_loop3A_2494], %parallel_loop3A_2497 {add = true, strides = array<i32>} : memref<3x200x128xf32, #tpu.memory_space<vmem>>, vector<1x1x16xf32>,
          %parallel_loop3A_2498 = arith.constant 1 : i32
          %parallel_loop3A_2499 = arith.addi %parallel_loop3A_2272, %parallel_loop3A_2498 : i32
          %parallel_loop3A_2500 = arith.index_cast %parallel_loop3A_2499 : i32 to index
          %parallel_loop3A_2501 = arith.constant 112 : index
          %parallel_loop3A_2502 = tpu.vector_load %arg8[%parallel_loop3A_2500, %parallel_loop3A_2501] {strides = array<i32>} : memref<200x128xf32, #tpu.memory_space<vmem>>, vector<1x16xf32>,
          %parallel_loop3A_2503 = vector.shape_cast %parallel_loop3A_2502 : vector<1x16xf32> to vector<16xf32>
          %parallel_loop3A_2504 = arith.constant 1 : i32
          %parallel_loop3A_2505 = arith.addi %parallel_loop3A_2272, %parallel_loop3A_2504 : i32
          %parallel_loop3A_2506 = arith.constant 0 : i32
          %parallel_loop3A_2507 = arith.index_cast %parallel_loop3A_2506 : i32 to index
          %parallel_loop3A_2508 = arith.index_cast %parallel_loop3A_2505 : i32 to index
          %parallel_loop3A_2509 = arith.constant 112 : index
          %parallel_loop3A_2510 = tpu.vector_load %arg9[%parallel_loop3A_2507, %parallel_loop3A_2508, %parallel_loop3A_2509] {strides = array<i32>} : memref<3x200x128xf32, #tpu.memory_space<vmem>>, vector<1x1x16xf32>,
          %parallel_loop3A_2511 = vector.shape_cast %parallel_loop3A_2510 : vector<1x1x16xf32> to vector<16xf32>
          %parallel_loop3A_2512 = vector.shape_cast %parallel_loop3A_2503 : vector<16xf32> to vector<1x1x16xf32>
          tpu.vector_store %arg9[%parallel_loop3A_2507, %parallel_loop3A_2508, %parallel_loop3A_2509], %parallel_loop3A_2512 {add = true, strides = array<i32>} : memref<3x200x128xf32, #tpu.memory_space<vmem>>, vector<1x1x16xf32>,
        } {sc.loop_unroll_factor = 4 : i64, sc.parallel_access}
        %add3A_2236 = arith.addi %mul3A_2, %add3A_2174 : i32
        %dma_start3A_2237 = arith.constant 0 : i32
        %dma_start3A_2238 = arith.constant 0 : i32
        %dma_start3A_2239 = arith.constant 0 : i32
        %dma_start3A_2240 = tpu.memref_slice %arg9[%dma_start3A_2237, %dma_start3A_2238, %dma_start3A_2239] : memref<3x200x128xf32, #tpu.memory_space<vmem>> -> memref<1x96x128xf32, #tpu.memory_space<vmem>>
        %dma_start3A_2241 = tpu.memref_squeeze %dma_start3A_2240 : memref<1x96x128xf32, #tpu.memory_space<vmem>> -> memref<96x128xf32, #tpu.memory_space<vmem>>
        %dma_start3A_2242 = arith.constant 0 : i32
        %dma_start3A_2243 = arith.constant 0 : i32
        %dma_start3A_2244 = tpu.memref_slice %arg6[%add3A_2236, %dma_start3A_2242, %dma_start3A_2243] : memref<4096x200x128xf32, #tpu.memory_space<hbm>> -> memref<1x96x128xf32, #tpu.memory_space<hbm>>
        %dma_start3A_2245 = tpu.memref_squeeze %dma_start3A_2244 : memref<1x96x128xf32, #tpu.memory_space<hbm>> -> memref<96x128xf32, #tpu.memory_space<hbm>>
        %dma_start3A_2246 = arith.constant 0 : i32
        %dma_start3A_2247 = arith.constant 0 : i32
        %dma_start3A_2248 = tpu.memref_slice %arg6[%add3A_2236, %dma_start3A_2246, %dma_start3A_2247] : memref<4096x200x128xf32, #tpu.memory_space<hbm>> -> memref<1x96x128xf32, #tpu.memory_space<hbm>>
        %dma_start3A_2249 = tpu.memref_squeeze %dma_start3A_2248 : memref<1x96x128xf32, #tpu.memory_space<hbm>> -> memref<96x128xf32, #tpu.memory_space<hbm>>
        %dma_start3A_2250 = arith.constant 0 : i32
        %dma_start3A_2251 = arith.constant 0 : i32
        %dma_start3A_2252 = tpu.memref_slice %arg9[%dma_start3A_2237, %dma_start3A_2250, %dma_start3A_2251] : memref<3x200x128xf32, #tpu.memory_space<vmem>> -> memref<1x96x128xf32, #tpu.memory_space<vmem>>
        %dma_start3A_2253 = tpu.memref_squeeze %dma_start3A_2252 : memref<1x96x128xf32, #tpu.memory_space<vmem>> -> memref<96x128xf32, #tpu.memory_space<vmem>>
        tpu.enqueue_dma source(%dma_start3A_2253 : memref<96x128xf32, #tpu.memory_space<vmem>>) target(%dma_start3A_2249 : memref<96x128xf32, #tpu.memory_space<hbm>>) target_semaphore(%arg13 : memref<!tpu.dma_semaphore, #tpu.memory_space<semaphore_mem>>)
        %add3A_2254 = arith.addi %mul3A_2, %add3A_2174 : i32
        %dma_start3A_2255 = arith.constant 0 : i32
        %dma_start3A_2256 = arith.constant 96 : i32
        %dma_start3A_2257 = arith.constant 0 : i32
        %dma_start3A_2258 = tpu.memref_slice %arg9[%dma_start3A_2255, %dma_start3A_2256, %dma_start3A_2257] : memref<3x200x128xf32, #tpu.memory_space<vmem>> -> memref<1x104x128xf32, #tpu.memory_space<vmem>>
        %dma_start3A_2259 = tpu.memref_squeeze %dma_start3A_2258 : memref<1x104x128xf32, #tpu.memory_space<vmem>> -> memref<104x128xf32, #tpu.memory_space<vmem>>
        %dma_start3A_2260 = arith.constant 96 : i32
        %dma_start3A_2261 = arith.constant 0 : i32
        %dma_start3A_2262 = tpu.memref_slice %arg6[%add3A_2254, %dma_start3A_2260, %dma_start3A_2261] : memref<4096x200x128xf32, #tpu.memory_space<hbm>> -> memref<1x104x128xf32, #tpu.memory_space<hbm>>
        %dma_start3A_2263 = tpu.memref_squeeze %dma_start3A_2262 : memref<1x104x128xf32, #tpu.memory_space<hbm>> -> memref<104x128xf32, #tpu.memory_space<hbm>>
        %dma_start3A_2264 = arith.constant 96 : i32
        %dma_start3A_2265 = arith.constant 0 : i32
        %dma_start3A_2266 = tpu.memref_slice %arg6[%add3A_2254, %dma_start3A_2264, %dma_start3A_2265] : memref<4096x200x128xf32, #tpu.memory_space<hbm>> -> memref<1x104x128xf32, #tpu.memory_space<hbm>>
        %dma_start3A_2267 = tpu.memref_squeeze %dma_start3A_2266 : memref<1x104x128xf32, #tpu.memory_space<hbm>> -> memref<104x128xf32, #tpu.memory_space<hbm>>
        %dma_start3A_2268 = arith.constant 96 : i32
        %dma_start3A_2269 = arith.constant 0 : i32
        %dma_start3A_2270 = tpu.memref_slice %arg9[%dma_start3A_2255, %dma_start3A_2268, %dma_start3A_2269] : memref<3x200x128xf32, #tpu.memory_space<vmem>> -> memref<1x104x128xf32, #tpu.memory_space<vmem>>
        %dma_start3A_2271 = tpu.memref_squeeze %dma_start3A_2270 : memref<1x104x128xf32, #tpu.memory_space<vmem>> -> memref<104x128xf32, #tpu.memory_space<vmem>>
        tpu.enqueue_dma source(%dma_start3A_2271 : memref<104x128xf32, #tpu.memory_space<vmem>>) target(%dma_start3A_2267 : memref<104x128xf32, #tpu.memory_space<hbm>>) target_semaphore(%arg13 : memref<!tpu.dma_semaphore, #tpu.memory_space<semaphore_mem>>)
      } else {
      }
      %mul3A_2184 = arith.constant 3 : i32
      %mul3A_2185 = arith.muli %mul3A_2184, %scan3A_2170 : i32
      %add3A_2186 = arith.constant 1 : i32
      %add3A_2187 = arith.addi %mul3A_2185, %add3A_2186 : i32
      %add3A_2188 = arith.constant 1 : i32
      %add3A_2189 = arith.addi %add3A_2187, %add3A_2188 : i32
      %lt3A_2190 = arith.constant 128 : i32
      %lt3A_2191 = arith.cmpi slt, %add3A_2189, %lt3A_2190 : i32
      %convert_element_type3A_2192 = arith.extui %lt3A_2191 : i1 to i32
      %cond3A_2193 = arith.constant 0 : i32
      %cond3A_2194 = arith.cmpi ne, %convert_element_type3A_2192, %cond3A_2193 : i32
      scf.if %cond3A_2194 {
        %ge3A = arith.constant 3 : i32
        %ge3A_2216 = arith.cmpi sge, %add3A_2189, %ge3A : i32
        %convert_element_type3A_2217 = arith.extui %ge3A_2216 : i1 to i32
        %cond3A_2218 = arith.constant 0 : i32
        %cond3A_2219 = arith.cmpi ne, %convert_element_type3A_2217, %cond3A_2218 : i32
        scf.if %cond3A_2219 {
          %dma_wait3A_2260 = arith.constant 2 : i32
          %dma_wait3A_2261 = arith.constant 0 : i32
          %dma_wait3A_2262 = arith.constant 0 : i32
          %dma_wait3A_2263 = arith.constant 0 : i32
          %dma_wait3A_2264 = tpu.memref_slice %arg9[%dma_wait3A_2260, %dma_wait3A_2262, %dma_wait3A_2263] : memref<3x200x128xf32, #tpu.memory_space<vmem>> -> memref<1x200x128xf32, #tpu.memory_space<vmem>>
          %dma_wait3A_2265 = tpu.memref_squeeze %dma_wait3A_2264 : memref<1x200x128xf32, #tpu.memory_space<vmem>> -> memref<200x128xf32, #tpu.memory_space<vmem>>
          %dma_wait3A_2266 = arith.constant 0 : i32
          %dma_wait3A_2267 = arith.constant 0 : i32
          %dma_wait3A_2268 = tpu.memref_slice %arg6[%dma_wait3A_2261, %dma_wait3A_2266, %dma_wait3A_2267] : memref<4096x200x128xf32, #tpu.memory_space<hbm>> -> memref<1x200x128xf32, #tpu.memory_space<hbm>>
          %dma_wait3A_2269 = tpu.memref_squeeze %dma_wait3A_2268 : memref<1x200x128xf32, #tpu.memory_space<hbm>> -> memref<200x128xf32, #tpu.memory_space<hbm>>
          %dma_wait3A_2270 = arith.constant 0 : i32
          %dma_wait3A_2271 = arith.constant 0 : i32
          %dma_wait3A_2272 = tpu.memref_slice %arg6[%dma_wait3A_2261, %dma_wait3A_2270, %dma_wait3A_2271] : memref<4096x200x128xf32, #tpu.memory_space<hbm>> -> memref<1x200x128xf32, #tpu.memory_space<hbm>>
          %dma_wait3A_2273 = tpu.memref_squeeze %dma_wait3A_2272 : memref<1x200x128xf32, #tpu.memory_space<hbm>> -> memref<200x128xf32, #tpu.memory_space<hbm>>
          %dma_wait3A_2274 = arith.constant 0 : i32
          %dma_wait3A_2275 = arith.constant 0 : i32
          %dma_wait3A_2276 = tpu.memref_slice %arg9[%dma_wait3A_2260, %dma_wait3A_2274, %dma_wait3A_2275] : memref<3x200x128xf32, #tpu.memory_space<vmem>> -> memref<1x200x128xf32, #tpu.memory_space<vmem>>
          %dma_wait3A_2277 = tpu.memref_squeeze %dma_wait3A_2276 : memref<1x200x128xf32, #tpu.memory_space<vmem>> -> memref<200x128xf32, #tpu.memory_space<vmem>>
          tpu.wait_dma2 semaphore(%arg15 : memref<!tpu.dma_semaphore, #tpu.memory_space<semaphore_mem>>) src(%dma_wait3A_2277 : memref<200x128xf32, #tpu.memory_space<vmem>>) dst(%dma_wait3A_2273 : memref<200x128xf32, #tpu.memory_space<hbm>>)
        } else {
        }
        %dma_wait3A_2220 = arith.constant 0 : i32
        %dma_wait3A_2221 = tpu.memref_slice %arg7[%dma_wait3A_2220] : memref<800xi32, #tpu.memory_space<vmem>> -> memref<200xi32, #tpu.memory_space<vmem>>
        %dma_wait3A_2222 = arith.constant 0 : i32
        %dma_wait3A_2223 = tpu.memref_slice %arg2[%dma_wait3A_2222] : memref<819200xi32, #tpu.memory_space<hbm>> -> memref<200xi32, #tpu.memory_space<hbm>>
        %dma_wait3A_2224 = arith.constant 0 : i32
        %dma_wait3A_2225 = tpu.memref_slice %arg7[%dma_wait3A_2224] : memref<800xi32, #tpu.memory_space<vmem>> -> memref<200xi32, #tpu.memory_space<vmem>>
        %dma_wait3A_2226 = arith.constant 0 : i32
        %dma_wait3A_2227 = tpu.memref_slice %arg2[%dma_wait3A_2226] : memref<819200xi32, #tpu.memory_space<hbm>> -> memref<200xi32, #tpu.memory_space<hbm>>
        tpu.wait_dma2 semaphore(%arg18 : memref<!tpu.dma_semaphore, #tpu.memory_space<semaphore_mem>>) src(%dma_wait3A_2227 : memref<200xi32, #tpu.memory_space<hbm>>) dst(%dma_wait3A_2225 : memref<200xi32, #tpu.memory_space<vmem>>)
        %and3A = arith.constant 3 : i32
        %and3A_2228 = arith.andi %add3A_2189, %and3A : i32
        %mul3A_2229 = arith.constant 200 : i32
        %mul3A_2230 = arith.muli %and3A_2228, %mul3A_2229 : i32
        %add3A_2231 = arith.constant 0 : i32
        %add3A_2232 = arith.addi %mul3A_2230, %add3A_2231 : i32
        %dma_start3A_2233 = arith.constant 2 : i32
        %dma_start3A_2234 = arith.constant 0 : i32
        %dma_start3A_2235 = arith.constant 0 : i32
        %dma_start3A_2236 = tpu.memref_slice %arg9[%dma_start3A_2233, %dma_start3A_2234, %dma_start3A_2235] : memref<3x200x128xf32, #tpu.memory_space<vmem>> -> memref<1x104x128xf32, #tpu.memory_space<vmem>>
        %dma_start3A_2237 = tpu.memref_squeeze %dma_start3A_2236 : memref<1x104x128xf32, #tpu.memory_space<vmem>> -> memref<104x128xf32, #tpu.memory_space<vmem>>
        %dma_start3A_2238 = tpu.memref_slice %arg7[%add3A_2232] : memref<800xi32, #tpu.memory_space<vmem>> -> memref<104xi32, #tpu.memory_space<vmem>>
        %dma_start3A_2239 = arith.constant 0 : i32
        %dma_start3A_2240 = arith.constant 0 : i32
        %dma_start3A_2241 = tpu.memref_slice %arg5[%dma_start3A_2239, %dma_start3A_2240] : memref<1000000x128xf32, #tpu.memory_space<hbm>> -> memref<1000000x128xf32, #tpu.memory_space<hbm>>
        tpu.enqueue_indirect_dma source(%dma_start3A_2241 : memref<1000000x128xf32, #tpu.memory_space<hbm>>) target(%dma_start3A_2237 : memref<104x128xf32, #tpu.memory_space<vmem>>) offsets(%dma_start3A_2238 : memref<104xi32, #tpu.memory_space<vmem>>) semaphore(%arg12 : memref<!tpu.dma_semaphore, #tpu.memory_space<semaphore_mem>>)
        %add3A_2242 = arith.constant 104 : i32
        %add3A_2243 = arith.addi %mul3A_2230, %add3A_2242 : i32
        %dma_start3A_2244 = arith.constant 2 : i32
        %dma_start3A_2245 = arith.constant 104 : i32
        %dma_start3A_2246 = arith.constant 0 : i32
        %dma_start3A_2247 = tpu.memref_slice %arg9[%dma_start3A_2244, %dma_start3A_2245, %dma_start3A_2246] : memref<3x200x128xf32, #tpu.memory_space<vmem>> -> memref<1x96x128xf32, #tpu.memory_space<vmem>>
        %dma_start3A_2248 = tpu.memref_squeeze %dma_start3A_2247 : memref<1x96x128xf32, #tpu.memory_space<vmem>> -> memref<96x128xf32, #tpu.memory_space<vmem>>
        %dma_start3A_2249 = tpu.memref_slice %arg7[%add3A_2243] : memref<800xi32, #tpu.memory_space<vmem>> -> memref<96xi32, #tpu.memory_space<vmem>>
        %dma_start3A_2250 = arith.constant 0 : i32
        %dma_start3A_2251 = arith.constant 0 : i32
        %dma_start3A_2252 = tpu.memref_slice %arg5[%dma_start3A_2250, %dma_start3A_2251] : memref<1000000x128xf32, #tpu.memory_space<hbm>> -> memref<1000000x128xf32, #tpu.memory_space<hbm>>
        tpu.enqueue_indirect_dma source(%dma_start3A_2252 : memref<1000000x128xf32, #tpu.memory_space<hbm>>) target(%dma_start3A_2248 : memref<96x128xf32, #tpu.memory_space<vmem>>) offsets(%dma_start3A_2249 : memref<96xi32, #tpu.memory_space<vmem>>) semaphore(%arg12 : memref<!tpu.dma_semaphore, #tpu.memory_space<semaphore_mem>>)
        %add3A_2253 = arith.constant 1 : i32
        %add3A_2254 = arith.addi %add3A_2189, %add3A_2253 : i32
        %lt3A_2255 = arith.constant 128 : i32
        %lt3A_2256 = arith.cmpi slt, %add3A_2254, %lt3A_2255 : i32
        %convert_element_type3A_2257 = arith.extui %lt3A_2256 : i1 to i32
        %cond3A_2258 = arith.constant 0 : i32
        %cond3A_2259 = arith.cmpi ne, %convert_element_type3A_2257, %cond3A_2258 : i32
        scf.if %cond3A_2259 {
          %add3A_2260 = arith.constant 1 : i32
          %add3A_2261 = arith.addi %add3A_2189, %add3A_2260 : i32
          %add3A_2262 = arith.addi %mul3A_2, %add3A_2261 : i32
          %mul3A_2263 = arith.constant 200 : i32
          %mul3A_2264 = arith.muli %add3A_2262, %mul3A_2263 : i32
          %and3A_2265 = arith.constant 3 : i32
          %and3A_2266 = arith.andi %add3A_2261, %and3A_2265 : i32
          %mul3A_2267 = arith.constant 200 : i32
          %mul3A_2268 = arith.muli %and3A_2266, %mul3A_2267 : i32
          %dma_start3A_2269 = tpu.memref_slice %arg7[%mul3A_2268] : memref<800xi32, #tpu.memory_space<vmem>> -> memref<200xi32, #tpu.memory_space<vmem>>
          %dma_start3A_2270 = tpu.memref_slice %arg2[%mul3A_2264] : memref<819200xi32, #tpu.memory_space<hbm>> -> memref<200xi32, #tpu.memory_space<hbm>>
          %dma_start3A_2271 = tpu.memref_slice %arg7[%mul3A_2268] : memref<800xi32, #tpu.memory_space<vmem>> -> memref<200xi32, #tpu.memory_space<vmem>>
          %dma_start3A_2272 = tpu.memref_slice %arg2[%mul3A_2264] : memref<819200xi32, #tpu.memory_space<hbm>> -> memref<200xi32, #tpu.memory_space<hbm>>
          tpu.enqueue_dma source(%dma_start3A_2272 : memref<200xi32, #tpu.memory_space<hbm>>) target(%dma_start3A_2271 : memref<200xi32, #tpu.memory_space<vmem>>) target_semaphore(%arg16 : memref<!tpu.dma_semaphore, #tpu.memory_space<semaphore_mem>>)
        } else {
        }
      } else {
      }
      %lt3A_2195 = arith.constant 128 : i32
      %lt3A_2196 = arith.cmpi slt, %add3A_2187, %lt3A_2195 : i32
      %convert_element_type3A_2197 = arith.extui %lt3A_2196 : i1 to i32
      %cond3A_2198 = arith.constant 0 : i32
      %cond3A_2199 = arith.cmpi ne, %convert_element_type3A_2197, %cond3A_2198 : i32
      scf.if %cond3A_2199 {
        %dma_wait3A_2216 = arith.constant 0 : i32
        %dma_wait3A_2217 = arith.constant 1 : i32
        %dma_wait3A_2218 = arith.constant 0 : i32
        %dma_wait3A_2219 = arith.constant 0 : i32
        %dma_wait3A_2220 = tpu.memref_slice %arg9[%dma_wait3A_2217, %dma_wait3A_2218, %dma_wait3A_2219] : memref<3x200x128xf32, #tpu.memory_space<vmem>> -> memref<1x200x128xf32, #tpu.memory_space<vmem>>
        %dma_wait3A_2221 = tpu.memref_squeeze %dma_wait3A_2220 : memref<1x200x128xf32, #tpu.memory_space<vmem>> -> memref<200x128xf32, #tpu.memory_space<vmem>>
        %dma_wait3A_2222 = arith.constant 0 : i32
        %dma_wait3A_2223 = arith.constant 0 : i32
        %dma_wait3A_2224 = tpu.memref_slice %arg6[%dma_wait3A_2216, %dma_wait3A_2222, %dma_wait3A_2223] : memref<4096x200x128xf32, #tpu.memory_space<hbm>> -> memref<1x200x128xf32, #tpu.memory_space<hbm>>
        %dma_wait3A_2225 = tpu.memref_squeeze %dma_wait3A_2224 : memref<1x200x128xf32, #tpu.memory_space<hbm>> -> memref<200x128xf32, #tpu.memory_space<hbm>>
        %dma_wait3A_2226 = arith.constant 0 : i32
        %dma_wait3A_2227 = arith.constant 0 : i32
        %dma_wait3A_2228 = tpu.memref_slice %arg9[%dma_wait3A_2217, %dma_wait3A_2226, %dma_wait3A_2227] : memref<3x200x128xf32, #tpu.memory_space<vmem>> -> memref<1x200x128xf32, #tpu.memory_space<vmem>>
        %dma_wait3A_2229 = tpu.memref_squeeze %dma_wait3A_2228 : memref<1x200x128xf32, #tpu.memory_space<vmem>> -> memref<200x128xf32, #tpu.memory_space<vmem>>
        %dma_wait3A_2230 = arith.constant 0 : i32
        %dma_wait3A_2231 = arith.constant 0 : i32
        %dma_wait3A_2232 = tpu.memref_slice %arg6[%dma_wait3A_2216, %dma_wait3A_2230, %dma_wait3A_2231] : memref<4096x200x128xf32, #tpu.memory_space<hbm>> -> memref<1x200x128xf32, #tpu.memory_space<hbm>>
        %dma_wait3A_2233 = tpu.memref_squeeze %dma_wait3A_2232 : memref<1x200x128xf32, #tpu.memory_space<hbm>> -> memref<200x128xf32, #tpu.memory_space<hbm>>
        tpu.wait_dma2 semaphore(%arg11 : memref<!tpu.dma_semaphore, #tpu.memory_space<semaphore_mem>>) src(%dma_wait3A_2233 : memref<200x128xf32, #tpu.memory_space<hbm>>) dst(%dma_wait3A_2229 : memref<200x128xf32, #tpu.memory_space<vmem>>)
        %parallel_loop3A = arith.constant 0 : i32
        %parallel_loop3A_2234 = arith.constant 200 : i32
        %parallel_loop3A_2235 = arith.constant 2 : i32
        scf.for %parallel_loop3A_2272 = %parallel_loop3A to %parallel_loop3A_2234 step %parallel_loop3A_2235  : i32 {
          %parallel_loop3A_2273 = arith.constant 0 : i32
          %parallel_loop3A_2274 = arith.addi %parallel_loop3A_2272, %parallel_loop3A_2273 : i32
          %parallel_loop3A_2275 = arith.index_cast %parallel_loop3A_2274 : i32 to index
          %parallel_loop3A_2276 = arith.constant 0 : index
          %parallel_loop3A_2277 = tpu.vector_load %arg8[%parallel_loop3A_2275, %parallel_loop3A_2276] {strides = array<i32>} : memref<200x128xf32, #tpu.memory_space<vmem>>, vector<1x16xf32>,
          %parallel_loop3A_2278 = vector.shape_cast %parallel_loop3A_2277 : vector<1x16xf32> to vector<16xf32>
          %parallel_loop3A_2279 = arith.constant 0 : i32
          %parallel_loop3A_2280 = arith.addi %parallel_loop3A_2272, %parallel_loop3A_2279 : i32
          %parallel_loop3A_2281 = arith.constant 1 : i32
          %parallel_loop3A_2282 = arith.index_cast %parallel_loop3A_2281 : i32 to index
          %parallel_loop3A_2283 = arith.index_cast %parallel_loop3A_2280 : i32 to index
          %parallel_loop3A_2284 = arith.constant 0 : index
          %parallel_loop3A_2285 = tpu.vector_load %arg9[%parallel_loop3A_2282, %parallel_loop3A_2283, %parallel_loop3A_2284] {strides = array<i32>} : memref<3x200x128xf32, #tpu.memory_space<vmem>>, vector<1x1x16xf32>,
          %parallel_loop3A_2286 = vector.shape_cast %parallel_loop3A_2285 : vector<1x1x16xf32> to vector<16xf32>
          %parallel_loop3A_2287 = vector.shape_cast %parallel_loop3A_2278 : vector<16xf32> to vector<1x1x16xf32>
          tpu.vector_store %arg9[%parallel_loop3A_2282, %parallel_loop3A_2283, %parallel_loop3A_2284], %parallel_loop3A_2287 {add = true, strides = array<i32>} : memref<3x200x128xf32, #tpu.memory_space<vmem>>, vector<1x1x16xf32>,
          %parallel_loop3A_2288 = arith.constant 0 : i32
          %parallel_loop3A_2289 = arith.addi %parallel_loop3A_2272, %parallel_loop3A_2288 : i32
          %parallel_loop3A_2290 = arith.index_cast %parallel_loop3A_2289 : i32 to index
          %parallel_loop3A_2291 = arith.constant 16 : index
          %parallel_loop3A_2292 = tpu.vector_load %arg8[%parallel_loop3A_2290, %parallel_loop3A_2291] {strides = array<i32>} : memref<200x128xf32, #tpu.memory_space<vmem>>, vector<1x16xf32>,
          %parallel_loop3A_2293 = vector.shape_cast %parallel_loop3A_2292 : vector<1x16xf32> to vector<16xf32>
          %parallel_loop3A_2294 = arith.constant 0 : i32
          %parallel_loop3A_2295 = arith.addi %parallel_loop3A_2272, %parallel_loop3A_2294 : i32
          %parallel_loop3A_2296 = arith.constant 1 : i32
          %parallel_loop3A_2297 = arith.index_cast %parallel_loop3A_2296 : i32 to index
          %parallel_loop3A_2298 = arith.index_cast %parallel_loop3A_2295 : i32 to index
          %parallel_loop3A_2299 = arith.constant 16 : index
          %parallel_loop3A_2300 = tpu.vector_load %arg9[%parallel_loop3A_2297, %parallel_loop3A_2298, %parallel_loop3A_2299] {strides = array<i32>} : memref<3x200x128xf32, #tpu.memory_space<vmem>>, vector<1x1x16xf32>,
          %parallel_loop3A_2301 = vector.shape_cast %parallel_loop3A_2300 : vector<1x1x16xf32> to vector<16xf32>
          %parallel_loop3A_2302 = vector.shape_cast %parallel_loop3A_2293 : vector<16xf32> to vector<1x1x16xf32>
          tpu.vector_store %arg9[%parallel_loop3A_2297, %parallel_loop3A_2298, %parallel_loop3A_2299], %parallel_loop3A_2302 {add = true, strides = array<i32>} : memref<3x200x128xf32, #tpu.memory_space<vmem>>, vector<1x1x16xf32>,
          %parallel_loop3A_2303 = arith.constant 0 : i32
          %parallel_loop3A_2304 = arith.addi %parallel_loop3A_2272, %parallel_loop3A_2303 : i32
          %parallel_loop3A_2305 = arith.index_cast %parallel_loop3A_2304 : i32 to index
          %parallel_loop3A_2306 = arith.constant 32 : index
          %parallel_loop3A_2307 = tpu.vector_load %arg8[%parallel_loop3A_2305, %parallel_loop3A_2306] {strides = array<i32>} : memref<200x128xf32, #tpu.memory_space<vmem>>, vector<1x16xf32>,
          %parallel_loop3A_2308 = vector.shape_cast %parallel_loop3A_2307 : vector<1x16xf32> to vector<16xf32>
          %parallel_loop3A_2309 = arith.constant 0 : i32
          %parallel_loop3A_2310 = arith.addi %parallel_loop3A_2272, %parallel_loop3A_2309 : i32
          %parallel_loop3A_2311 = arith.constant 1 : i32
          %parallel_loop3A_2312 = arith.index_cast %parallel_loop3A_2311 : i32 to index
          %parallel_loop3A_2313 = arith.index_cast %parallel_loop3A_2310 : i32 to index
          %parallel_loop3A_2314 = arith.constant 32 : index
          %parallel_loop3A_2315 = tpu.vector_load %arg9[%parallel_loop3A_2312, %parallel_loop3A_2313, %parallel_loop3A_2314] {strides = array<i32>} : memref<3x200x128xf32, #tpu.memory_space<vmem>>, vector<1x1x16xf32>,
          %parallel_loop3A_2316 = vector.shape_cast %parallel_loop3A_2315 : vector<1x1x16xf32> to vector<16xf32>
          %parallel_loop3A_2317 = vector.shape_cast %parallel_loop3A_2308 : vector<16xf32> to vector<1x1x16xf32>
          tpu.vector_store %arg9[%parallel_loop3A_2312, %parallel_loop3A_2313, %parallel_loop3A_2314], %parallel_loop3A_2317 {add = true, strides = array<i32>} : memref<3x200x128xf32, #tpu.memory_space<vmem>>, vector<1x1x16xf32>,
          %parallel_loop3A_2318 = arith.constant 0 : i32
          %parallel_loop3A_2319 = arith.addi %parallel_loop3A_2272, %parallel_loop3A_2318 : i32
          %parallel_loop3A_2320 = arith.index_cast %parallel_loop3A_2319 : i32 to index
          %parallel_loop3A_2321 = arith.constant 48 : index
          %parallel_loop3A_2322 = tpu.vector_load %arg8[%parallel_loop3A_2320, %parallel_loop3A_2321] {strides = array<i32>} : memref<200x128xf32, #tpu.memory_space<vmem>>, vector<1x16xf32>,
          %parallel_loop3A_2323 = vector.shape_cast %parallel_loop3A_2322 : vector<1x16xf32> to vector<16xf32>
          %parallel_loop3A_2324 = arith.constant 0 : i32
          %parallel_loop3A_2325 = arith.addi %parallel_loop3A_2272, %parallel_loop3A_2324 : i32
          %parallel_loop3A_2326 = arith.constant 1 : i32
          %parallel_loop3A_2327 = arith.index_cast %parallel_loop3A_2326 : i32 to index
          %parallel_loop3A_2328 = arith.index_cast %parallel_loop3A_2325 : i32 to index
          %parallel_loop3A_2329 = arith.constant 48 : index
          %parallel_loop3A_2330 = tpu.vector_load %arg9[%parallel_loop3A_2327, %parallel_loop3A_2328, %parallel_loop3A_2329] {strides = array<i32>} : memref<3x200x128xf32, #tpu.memory_space<vmem>>, vector<1x1x16xf32>,
          %parallel_loop3A_2331 = vector.shape_cast %parallel_loop3A_2330 : vector<1x1x16xf32> to vector<16xf32>
          %parallel_loop3A_2332 = vector.shape_cast %parallel_loop3A_2323 : vector<16xf32> to vector<1x1x16xf32>
          tpu.vector_store %arg9[%parallel_loop3A_2327, %parallel_loop3A_2328, %parallel_loop3A_2329], %parallel_loop3A_2332 {add = true, strides = array<i32>} : memref<3x200x128xf32, #tpu.memory_space<vmem>>, vector<1x1x16xf32>,
          %parallel_loop3A_2333 = arith.constant 0 : i32
          %parallel_loop3A_2334 = arith.addi %parallel_loop3A_2272, %parallel_loop3A_2333 : i32
          %parallel_loop3A_2335 = arith.index_cast %parallel_loop3A_2334 : i32 to index
          %parallel_loop3A_2336 = arith.constant 64 : index
          %parallel_loop3A_2337 = tpu.vector_load %arg8[%parallel_loop3A_2335, %parallel_loop3A_2336] {strides = array<i32>} : memref<200x128xf32, #tpu.memory_space<vmem>>, vector<1x16xf32>,
          %parallel_loop3A_2338 = vector.shape_cast %parallel_loop3A_2337 : vector<1x16xf32> to vector<16xf32>
          %parallel_loop3A_2339 = arith.constant 0 : i32
          %parallel_loop3A_2340 = arith.addi %parallel_loop3A_2272, %parallel_loop3A_2339 : i32
          %parallel_loop3A_2341 = arith.constant 1 : i32
          %parallel_loop3A_2342 = arith.index_cast %parallel_loop3A_2341 : i32 to index
          %parallel_loop3A_2343 = arith.index_cast %parallel_loop3A_2340 : i32 to index
          %parallel_loop3A_2344 = arith.constant 64 : index
          %parallel_loop3A_2345 = tpu.vector_load %arg9[%parallel_loop3A_2342, %parallel_loop3A_2343, %parallel_loop3A_2344] {strides = array<i32>} : memref<3x200x128xf32, #tpu.memory_space<vmem>>, vector<1x1x16xf32>,
          %parallel_loop3A_2346 = vector.shape_cast %parallel_loop3A_2345 : vector<1x1x16xf32> to vector<16xf32>
          %parallel_loop3A_2347 = vector.shape_cast %parallel_loop3A_2338 : vector<16xf32> to vector<1x1x16xf32>
          tpu.vector_store %arg9[%parallel_loop3A_2342, %parallel_loop3A_2343, %parallel_loop3A_2344], %parallel_loop3A_2347 {add = true, strides = array<i32>} : memref<3x200x128xf32, #tpu.memory_space<vmem>>, vector<1x1x16xf32>,
          %parallel_loop3A_2348 = arith.constant 0 : i32
          %parallel_loop3A_2349 = arith.addi %parallel_loop3A_2272, %parallel_loop3A_2348 : i32
          %parallel_loop3A_2350 = arith.index_cast %parallel_loop3A_2349 : i32 to index
          %parallel_loop3A_2351 = arith.constant 80 : index
          %parallel_loop3A_2352 = tpu.vector_load %arg8[%parallel_loop3A_2350, %parallel_loop3A_2351] {strides = array<i32>} : memref<200x128xf32, #tpu.memory_space<vmem>>, vector<1x16xf32>,
          %parallel_loop3A_2353 = vector.shape_cast %parallel_loop3A_2352 : vector<1x16xf32> to vector<16xf32>
          %parallel_loop3A_2354 = arith.constant 0 : i32
          %parallel_loop3A_2355 = arith.addi %parallel_loop3A_2272, %parallel_loop3A_2354 : i32
          %parallel_loop3A_2356 = arith.constant 1 : i32
          %parallel_loop3A_2357 = arith.index_cast %parallel_loop3A_2356 : i32 to index
          %parallel_loop3A_2358 = arith.index_cast %parallel_loop3A_2355 : i32 to index
          %parallel_loop3A_2359 = arith.constant 80 : index
          %parallel_loop3A_2360 = tpu.vector_load %arg9[%parallel_loop3A_2357, %parallel_loop3A_2358, %parallel_loop3A_2359] {strides = array<i32>} : memref<3x200x128xf32, #tpu.memory_space<vmem>>, vector<1x1x16xf32>,
          %parallel_loop3A_2361 = vector.shape_cast %parallel_loop3A_2360 : vector<1x1x16xf32> to vector<16xf32>
          %parallel_loop3A_2362 = vector.shape_cast %parallel_loop3A_2353 : vector<16xf32> to vector<1x1x16xf32>
          tpu.vector_store %arg9[%parallel_loop3A_2357, %parallel_loop3A_2358, %parallel_loop3A_2359], %parallel_loop3A_2362 {add = true, strides = array<i32>} : memref<3x200x128xf32, #tpu.memory_space<vmem>>, vector<1x1x16xf32>,
          %parallel_loop3A_2363 = arith.constant 0 : i32
          %parallel_loop3A_2364 = arith.addi %parallel_loop3A_2272, %parallel_loop3A_2363 : i32
          %parallel_loop3A_2365 = arith.index_cast %parallel_loop3A_2364 : i32 to index
          %parallel_loop3A_2366 = arith.constant 96 : index
          %parallel_loop3A_2367 = tpu.vector_load %arg8[%parallel_loop3A_2365, %parallel_loop3A_2366] {strides = array<i32>} : memref<200x128xf32, #tpu.memory_space<vmem>>, vector<1x16xf32>,
          %parallel_loop3A_2368 = vector.shape_cast %parallel_loop3A_2367 : vector<1x16xf32> to vector<16xf32>
          %parallel_loop3A_2369 = arith.constant 0 : i32
          %parallel_loop3A_2370 = arith.addi %parallel_loop3A_2272, %parallel_loop3A_2369 : i32
          %parallel_loop3A_2371 = arith.constant 1 : i32
          %parallel_loop3A_2372 = arith.index_cast %parallel_loop3A_2371 : i32 to index
          %parallel_loop3A_2373 = arith.index_cast %parallel_loop3A_2370 : i32 to index
          %parallel_loop3A_2374 = arith.constant 96 : index
          %parallel_loop3A_2375 = tpu.vector_load %arg9[%parallel_loop3A_2372, %parallel_loop3A_2373, %parallel_loop3A_2374] {strides = array<i32>} : memref<3x200x128xf32, #tpu.memory_space<vmem>>, vector<1x1x16xf32>,
          %parallel_loop3A_2376 = vector.shape_cast %parallel_loop3A_2375 : vector<1x1x16xf32> to vector<16xf32>
          %parallel_loop3A_2377 = vector.shape_cast %parallel_loop3A_2368 : vector<16xf32> to vector<1x1x16xf32>
          tpu.vector_store %arg9[%parallel_loop3A_2372, %parallel_loop3A_2373, %parallel_loop3A_2374], %parallel_loop3A_2377 {add = true, strides = array<i32>} : memref<3x200x128xf32, #tpu.memory_space<vmem>>, vector<1x1x16xf32>,
          %parallel_loop3A_2378 = arith.constant 0 : i32
          %parallel_loop3A_2379 = arith.addi %parallel_loop3A_2272, %parallel_loop3A_2378 : i32
          %parallel_loop3A_2380 = arith.index_cast %parallel_loop3A_2379 : i32 to index
          %parallel_loop3A_2381 = arith.constant 112 : index
          %parallel_loop3A_2382 = tpu.vector_load %arg8[%parallel_loop3A_2380, %parallel_loop3A_2381] {strides = array<i32>} : memref<200x128xf32, #tpu.memory_space<vmem>>, vector<1x16xf32>,
          %parallel_loop3A_2383 = vector.shape_cast %parallel_loop3A_2382 : vector<1x16xf32> to vector<16xf32>
          %parallel_loop3A_2384 = arith.constant 0 : i32
          %parallel_loop3A_2385 = arith.addi %parallel_loop3A_2272, %parallel_loop3A_2384 : i32
          %parallel_loop3A_2386 = arith.constant 1 : i32
          %parallel_loop3A_2387 = arith.index_cast %parallel_loop3A_2386 : i32 to index
          %parallel_loop3A_2388 = arith.index_cast %parallel_loop3A_2385 : i32 to index
          %parallel_loop3A_2389 = arith.constant 112 : index
          %parallel_loop3A_2390 = tpu.vector_load %arg9[%parallel_loop3A_2387, %parallel_loop3A_2388, %parallel_loop3A_2389] {strides = array<i32>} : memref<3x200x128xf32, #tpu.memory_space<vmem>>, vector<1x1x16xf32>,
          %parallel_loop3A_2391 = vector.shape_cast %parallel_loop3A_2390 : vector<1x1x16xf32> to vector<16xf32>
          %parallel_loop3A_2392 = vector.shape_cast %parallel_loop3A_2383 : vector<16xf32> to vector<1x1x16xf32>
          tpu.vector_store %arg9[%parallel_loop3A_2387, %parallel_loop3A_2388, %parallel_loop3A_2389], %parallel_loop3A_2392 {add = true, strides = array<i32>} : memref<3x200x128xf32, #tpu.memory_space<vmem>>, vector<1x1x16xf32>,
          %parallel_loop3A_2393 = arith.constant 1 : i32
          %parallel_loop3A_2394 = arith.addi %parallel_loop3A_2272, %parallel_loop3A_2393 : i32
          %parallel_loop3A_2395 = arith.index_cast %parallel_loop3A_2394 : i32 to index
          %parallel_loop3A_2396 = arith.constant 0 : index
          %parallel_loop3A_2397 = tpu.vector_load %arg8[%parallel_loop3A_2395, %parallel_loop3A_2396] {strides = array<i32>} : memref<200x128xf32, #tpu.memory_space<vmem>>, vector<1x16xf32>,
          %parallel_loop3A_2398 = vector.shape_cast %parallel_loop3A_2397 : vector<1x16xf32> to vector<16xf32>
          %parallel_loop3A_2399 = arith.constant 1 : i32
          %parallel_loop3A_2400 = arith.addi %parallel_loop3A_2272, %parallel_loop3A_2399 : i32
          %parallel_loop3A_2401 = arith.constant 1 : i32
          %parallel_loop3A_2402 = arith.index_cast %parallel_loop3A_2401 : i32 to index
          %parallel_loop3A_2403 = arith.index_cast %parallel_loop3A_2400 : i32 to index
          %parallel_loop3A_2404 = arith.constant 0 : index
          %parallel_loop3A_2405 = tpu.vector_load %arg9[%parallel_loop3A_2402, %parallel_loop3A_2403, %parallel_loop3A_2404] {strides = array<i32>} : memref<3x200x128xf32, #tpu.memory_space<vmem>>, vector<1x1x16xf32>,
          %parallel_loop3A_2406 = vector.shape_cast %parallel_loop3A_2405 : vector<1x1x16xf32> to vector<16xf32>
          %parallel_loop3A_2407 = vector.shape_cast %parallel_loop3A_2398 : vector<16xf32> to vector<1x1x16xf32>
          tpu.vector_store %arg9[%parallel_loop3A_2402, %parallel_loop3A_2403, %parallel_loop3A_2404], %parallel_loop3A_2407 {add = true, strides = array<i32>} : memref<3x200x128xf32, #tpu.memory_space<vmem>>, vector<1x1x16xf32>,
          %parallel_loop3A_2408 = arith.constant 1 : i32
          %parallel_loop3A_2409 = arith.addi %parallel_loop3A_2272, %parallel_loop3A_2408 : i32
          %parallel_loop3A_2410 = arith.index_cast %parallel_loop3A_2409 : i32 to index
          %parallel_loop3A_2411 = arith.constant 16 : index
          %parallel_loop3A_2412 = tpu.vector_load %arg8[%parallel_loop3A_2410, %parallel_loop3A_2411] {strides = array<i32>} : memref<200x128xf32, #tpu.memory_space<vmem>>, vector<1x16xf32>,
          %parallel_loop3A_2413 = vector.shape_cast %parallel_loop3A_2412 : vector<1x16xf32> to vector<16xf32>
          %parallel_loop3A_2414 = arith.constant 1 : i32
          %parallel_loop3A_2415 = arith.addi %parallel_loop3A_2272, %parallel_loop3A_2414 : i32
          %parallel_loop3A_2416 = arith.constant 1 : i32
          %parallel_loop3A_2417 = arith.index_cast %parallel_loop3A_2416 : i32 to index
          %parallel_loop3A_2418 = arith.index_cast %parallel_loop3A_2415 : i32 to index
          %parallel_loop3A_2419 = arith.constant 16 : index
          %parallel_loop3A_2420 = tpu.vector_load %arg9[%parallel_loop3A_2417, %parallel_loop3A_2418, %parallel_loop3A_2419] {strides = array<i32>} : memref<3x200x128xf32, #tpu.memory_space<vmem>>, vector<1x1x16xf32>,
          %parallel_loop3A_2421 = vector.shape_cast %parallel_loop3A_2420 : vector<1x1x16xf32> to vector<16xf32>
          %parallel_loop3A_2422 = vector.shape_cast %parallel_loop3A_2413 : vector<16xf32> to vector<1x1x16xf32>
          tpu.vector_store %arg9[%parallel_loop3A_2417, %parallel_loop3A_2418, %parallel_loop3A_2419], %parallel_loop3A_2422 {add = true, strides = array<i32>} : memref<3x200x128xf32, #tpu.memory_space<vmem>>, vector<1x1x16xf32>,
          %parallel_loop3A_2423 = arith.constant 1 : i32
          %parallel_loop3A_2424 = arith.addi %parallel_loop3A_2272, %parallel_loop3A_2423 : i32
          %parallel_loop3A_2425 = arith.index_cast %parallel_loop3A_2424 : i32 to index
          %parallel_loop3A_2426 = arith.constant 32 : index
          %parallel_loop3A_2427 = tpu.vector_load %arg8[%parallel_loop3A_2425, %parallel_loop3A_2426] {strides = array<i32>} : memref<200x128xf32, #tpu.memory_space<vmem>>, vector<1x16xf32>,
          %parallel_loop3A_2428 = vector.shape_cast %parallel_loop3A_2427 : vector<1x16xf32> to vector<16xf32>
          %parallel_loop3A_2429 = arith.constant 1 : i32
          %parallel_loop3A_2430 = arith.addi %parallel_loop3A_2272, %parallel_loop3A_2429 : i32
          %parallel_loop3A_2431 = arith.constant 1 : i32
          %parallel_loop3A_2432 = arith.index_cast %parallel_loop3A_2431 : i32 to index
          %parallel_loop3A_2433 = arith.index_cast %parallel_loop3A_2430 : i32 to index
          %parallel_loop3A_2434 = arith.constant 32 : index
          %parallel_loop3A_2435 = tpu.vector_load %arg9[%parallel_loop3A_2432, %parallel_loop3A_2433, %parallel_loop3A_2434] {strides = array<i32>} : memref<3x200x128xf32, #tpu.memory_space<vmem>>, vector<1x1x16xf32>,
          %parallel_loop3A_2436 = vector.shape_cast %parallel_loop3A_2435 : vector<1x1x16xf32> to vector<16xf32>
          %parallel_loop3A_2437 = vector.shape_cast %parallel_loop3A_2428 : vector<16xf32> to vector<1x1x16xf32>
          tpu.vector_store %arg9[%parallel_loop3A_2432, %parallel_loop3A_2433, %parallel_loop3A_2434], %parallel_loop3A_2437 {add = true, strides = array<i32>} : memref<3x200x128xf32, #tpu.memory_space<vmem>>, vector<1x1x16xf32>,
          %parallel_loop3A_2438 = arith.constant 1 : i32
          %parallel_loop3A_2439 = arith.addi %parallel_loop3A_2272, %parallel_loop3A_2438 : i32
          %parallel_loop3A_2440 = arith.index_cast %parallel_loop3A_2439 : i32 to index
          %parallel_loop3A_2441 = arith.constant 48 : index
          %parallel_loop3A_2442 = tpu.vector_load %arg8[%parallel_loop3A_2440, %parallel_loop3A_2441] {strides = array<i32>} : memref<200x128xf32, #tpu.memory_space<vmem>>, vector<1x16xf32>,
          %parallel_loop3A_2443 = vector.shape_cast %parallel_loop3A_2442 : vector<1x16xf32> to vector<16xf32>
          %parallel_loop3A_2444 = arith.constant 1 : i32
          %parallel_loop3A_2445 = arith.addi %parallel_loop3A_2272, %parallel_loop3A_2444 : i32
          %parallel_loop3A_2446 = arith.constant 1 : i32
          %parallel_loop3A_2447 = arith.index_cast %parallel_loop3A_2446 : i32 to index
          %parallel_loop3A_2448 = arith.index_cast %parallel_loop3A_2445 : i32 to index
          %parallel_loop3A_2449 = arith.constant 48 : index
          %parallel_loop3A_2450 = tpu.vector_load %arg9[%parallel_loop3A_2447, %parallel_loop3A_2448, %parallel_loop3A_2449] {strides = array<i32>} : memref<3x200x128xf32, #tpu.memory_space<vmem>>, vector<1x1x16xf32>,
          %parallel_loop3A_2451 = vector.shape_cast %parallel_loop3A_2450 : vector<1x1x16xf32> to vector<16xf32>
          %parallel_loop3A_2452 = vector.shape_cast %parallel_loop3A_2443 : vector<16xf32> to vector<1x1x16xf32>
          tpu.vector_store %arg9[%parallel_loop3A_2447, %parallel_loop3A_2448, %parallel_loop3A_2449], %parallel_loop3A_2452 {add = true, strides = array<i32>} : memref<3x200x128xf32, #tpu.memory_space<vmem>>, vector<1x1x16xf32>,
          %parallel_loop3A_2453 = arith.constant 1 : i32
          %parallel_loop3A_2454 = arith.addi %parallel_loop3A_2272, %parallel_loop3A_2453 : i32
          %parallel_loop3A_2455 = arith.index_cast %parallel_loop3A_2454 : i32 to index
          %parallel_loop3A_2456 = arith.constant 64 : index
          %parallel_loop3A_2457 = tpu.vector_load %arg8[%parallel_loop3A_2455, %parallel_loop3A_2456] {strides = array<i32>} : memref<200x128xf32, #tpu.memory_space<vmem>>, vector<1x16xf32>,
          %parallel_loop3A_2458 = vector.shape_cast %parallel_loop3A_2457 : vector<1x16xf32> to vector<16xf32>
          %parallel_loop3A_2459 = arith.constant 1 : i32
          %parallel_loop3A_2460 = arith.addi %parallel_loop3A_2272, %parallel_loop3A_2459 : i32
          %parallel_loop3A_2461 = arith.constant 1 : i32
          %parallel_loop3A_2462 = arith.index_cast %parallel_loop3A_2461 : i32 to index
          %parallel_loop3A_2463 = arith.index_cast %parallel_loop3A_2460 : i32 to index
          %parallel_loop3A_2464 = arith.constant 64 : index
          %parallel_loop3A_2465 = tpu.vector_load %arg9[%parallel_loop3A_2462, %parallel_loop3A_2463, %parallel_loop3A_2464] {strides = array<i32>} : memref<3x200x128xf32, #tpu.memory_space<vmem>>, vector<1x1x16xf32>,
          %parallel_loop3A_2466 = vector.shape_cast %parallel_loop3A_2465 : vector<1x1x16xf32> to vector<16xf32>
          %parallel_loop3A_2467 = vector.shape_cast %parallel_loop3A_2458 : vector<16xf32> to vector<1x1x16xf32>
          tpu.vector_store %arg9[%parallel_loop3A_2462, %parallel_loop3A_2463, %parallel_loop3A_2464], %parallel_loop3A_2467 {add = true, strides = array<i32>} : memref<3x200x128xf32, #tpu.memory_space<vmem>>, vector<1x1x16xf32>,
          %parallel_loop3A_2468 = arith.constant 1 : i32
          %parallel_loop3A_2469 = arith.addi %parallel_loop3A_2272, %parallel_loop3A_2468 : i32
          %parallel_loop3A_2470 = arith.index_cast %parallel_loop3A_2469 : i32 to index
          %parallel_loop3A_2471 = arith.constant 80 : index
          %parallel_loop3A_2472 = tpu.vector_load %arg8[%parallel_loop3A_2470, %parallel_loop3A_2471] {strides = array<i32>} : memref<200x128xf32, #tpu.memory_space<vmem>>, vector<1x16xf32>,
          %parallel_loop3A_2473 = vector.shape_cast %parallel_loop3A_2472 : vector<1x16xf32> to vector<16xf32>
          %parallel_loop3A_2474 = arith.constant 1 : i32
          %parallel_loop3A_2475 = arith.addi %parallel_loop3A_2272, %parallel_loop3A_2474 : i32
          %parallel_loop3A_2476 = arith.constant 1 : i32
          %parallel_loop3A_2477 = arith.index_cast %parallel_loop3A_2476 : i32 to index
          %parallel_loop3A_2478 = arith.index_cast %parallel_loop3A_2475 : i32 to index
          %parallel_loop3A_2479 = arith.constant 80 : index
          %parallel_loop3A_2480 = tpu.vector_load %arg9[%parallel_loop3A_2477, %parallel_loop3A_2478, %parallel_loop3A_2479] {strides = array<i32>} : memref<3x200x128xf32, #tpu.memory_space<vmem>>, vector<1x1x16xf32>,
          %parallel_loop3A_2481 = vector.shape_cast %parallel_loop3A_2480 : vector<1x1x16xf32> to vector<16xf32>
          %parallel_loop3A_2482 = vector.shape_cast %parallel_loop3A_2473 : vector<16xf32> to vector<1x1x16xf32>
          tpu.vector_store %arg9[%parallel_loop3A_2477, %parallel_loop3A_2478, %parallel_loop3A_2479], %parallel_loop3A_2482 {add = true, strides = array<i32>} : memref<3x200x128xf32, #tpu.memory_space<vmem>>, vector<1x1x16xf32>,
          %parallel_loop3A_2483 = arith.constant 1 : i32
          %parallel_loop3A_2484 = arith.addi %parallel_loop3A_2272, %parallel_loop3A_2483 : i32
          %parallel_loop3A_2485 = arith.index_cast %parallel_loop3A_2484 : i32 to index
          %parallel_loop3A_2486 = arith.constant 96 : index
          %parallel_loop3A_2487 = tpu.vector_load %arg8[%parallel_loop3A_2485, %parallel_loop3A_2486] {strides = array<i32>} : memref<200x128xf32, #tpu.memory_space<vmem>>, vector<1x16xf32>,
          %parallel_loop3A_2488 = vector.shape_cast %parallel_loop3A_2487 : vector<1x16xf32> to vector<16xf32>
          %parallel_loop3A_2489 = arith.constant 1 : i32
          %parallel_loop3A_2490 = arith.addi %parallel_loop3A_2272, %parallel_loop3A_2489 : i32
          %parallel_loop3A_2491 = arith.constant 1 : i32
          %parallel_loop3A_2492 = arith.index_cast %parallel_loop3A_2491 : i32 to index
          %parallel_loop3A_2493 = arith.index_cast %parallel_loop3A_2490 : i32 to index
          %parallel_loop3A_2494 = arith.constant 96 : index
          %parallel_loop3A_2495 = tpu.vector_load %arg9[%parallel_loop3A_2492, %parallel_loop3A_2493, %parallel_loop3A_2494] {strides = array<i32>} : memref<3x200x128xf32, #tpu.memory_space<vmem>>, vector<1x1x16xf32>,
          %parallel_loop3A_2496 = vector.shape_cast %parallel_loop3A_2495 : vector<1x1x16xf32> to vector<16xf32>
          %parallel_loop3A_2497 = vector.shape_cast %parallel_loop3A_2488 : vector<16xf32> to vector<1x1x16xf32>
          tpu.vector_store %arg9[%parallel_loop3A_2492, %parallel_loop3A_2493, %parallel_loop3A_2494], %parallel_loop3A_2497 {add = true, strides = array<i32>} : memref<3x200x128xf32, #tpu.memory_space<vmem>>, vector<1x1x16xf32>,
          %parallel_loop3A_2498 = arith.constant 1 : i32
          %parallel_loop3A_2499 = arith.addi %parallel_loop3A_2272, %parallel_loop3A_2498 : i32
          %parallel_loop3A_2500 = arith.index_cast %parallel_loop3A_2499 : i32 to index
          %parallel_loop3A_2501 = arith.constant 112 : index
          %parallel_loop3A_2502 = tpu.vector_load %arg8[%parallel_loop3A_2500, %parallel_loop3A_2501] {strides = array<i32>} : memref<200x128xf32, #tpu.memory_space<vmem>>, vector<1x16xf32>,
          %parallel_loop3A_2503 = vector.shape_cast %parallel_loop3A_2502 : vector<1x16xf32> to vector<16xf32>
          %parallel_loop3A_2504 = arith.constant 1 : i32
          %parallel_loop3A_2505 = arith.addi %parallel_loop3A_2272, %parallel_loop3A_2504 : i32
          %parallel_loop3A_2506 = arith.constant 1 : i32
          %parallel_loop3A_2507 = arith.index_cast %parallel_loop3A_2506 : i32 to index
          %parallel_loop3A_2508 = arith.index_cast %parallel_loop3A_2505 : i32 to index
          %parallel_loop3A_2509 = arith.constant 112 : index
          %parallel_loop3A_2510 = tpu.vector_load %arg9[%parallel_loop3A_2507, %parallel_loop3A_2508, %parallel_loop3A_2509] {strides = array<i32>} : memref<3x200x128xf32, #tpu.memory_space<vmem>>, vector<1x1x16xf32>,
          %parallel_loop3A_2511 = vector.shape_cast %parallel_loop3A_2510 : vector<1x1x16xf32> to vector<16xf32>
          %parallel_loop3A_2512 = vector.shape_cast %parallel_loop3A_2503 : vector<16xf32> to vector<1x1x16xf32>
          tpu.vector_store %arg9[%parallel_loop3A_2507, %parallel_loop3A_2508, %parallel_loop3A_2509], %parallel_loop3A_2512 {add = true, strides = array<i32>} : memref<3x200x128xf32, #tpu.memory_space<vmem>>, vector<1x1x16xf32>,
        } {sc.loop_unroll_factor = 4 : i64, sc.parallel_access}
        %add3A_2236 = arith.addi %mul3A_2, %add3A_2187 : i32
        %dma_start3A_2237 = arith.constant 1 : i32
        %dma_start3A_2238 = arith.constant 0 : i32
        %dma_start3A_2239 = arith.constant 0 : i32
        %dma_start3A_2240 = tpu.memref_slice %arg9[%dma_start3A_2237, %dma_start3A_2238, %dma_start3A_2239] : memref<3x200x128xf32, #tpu.memory_space<vmem>> -> memref<1x96x128xf32, #tpu.memory_space<vmem>>
        %dma_start3A_2241 = tpu.memref_squeeze %dma_start3A_2240 : memref<1x96x128xf32, #tpu.memory_space<vmem>> -> memref<96x128xf32, #tpu.memory_space<vmem>>
        %dma_start3A_2242 = arith.constant 0 : i32
        %dma_start3A_2243 = arith.constant 0 : i32
        %dma_start3A_2244 = tpu.memref_slice %arg6[%add3A_2236, %dma_start3A_2242, %dma_start3A_2243] : memref<4096x200x128xf32, #tpu.memory_space<hbm>> -> memref<1x96x128xf32, #tpu.memory_space<hbm>>
        %dma_start3A_2245 = tpu.memref_squeeze %dma_start3A_2244 : memref<1x96x128xf32, #tpu.memory_space<hbm>> -> memref<96x128xf32, #tpu.memory_space<hbm>>
        %dma_start3A_2246 = arith.constant 0 : i32
        %dma_start3A_2247 = arith.constant 0 : i32
        %dma_start3A_2248 = tpu.memref_slice %arg6[%add3A_2236, %dma_start3A_2246, %dma_start3A_2247] : memref<4096x200x128xf32, #tpu.memory_space<hbm>> -> memref<1x96x128xf32, #tpu.memory_space<hbm>>
        %dma_start3A_2249 = tpu.memref_squeeze %dma_start3A_2248 : memref<1x96x128xf32, #tpu.memory_space<hbm>> -> memref<96x128xf32, #tpu.memory_space<hbm>>
        %dma_start3A_2250 = arith.constant 0 : i32
        %dma_start3A_2251 = arith.constant 0 : i32
        %dma_start3A_2252 = tpu.memref_slice %arg9[%dma_start3A_2237, %dma_start3A_2250, %dma_start3A_2251] : memref<3x200x128xf32, #tpu.memory_space<vmem>> -> memref<1x96x128xf32, #tpu.memory_space<vmem>>
        %dma_start3A_2253 = tpu.memref_squeeze %dma_start3A_2252 : memref<1x96x128xf32, #tpu.memory_space<vmem>> -> memref<96x128xf32, #tpu.memory_space<vmem>>
        tpu.enqueue_dma source(%dma_start3A_2253 : memref<96x128xf32, #tpu.memory_space<vmem>>) target(%dma_start3A_2249 : memref<96x128xf32, #tpu.memory_space<hbm>>) target_semaphore(%arg14 : memref<!tpu.dma_semaphore, #tpu.memory_space<semaphore_mem>>)
        %add3A_2254 = arith.addi %mul3A_2, %add3A_2187 : i32
        %dma_start3A_2255 = arith.constant 1 : i32
        %dma_start3A_2256 = arith.constant 96 : i32
        %dma_start3A_2257 = arith.constant 0 : i32
        %dma_start3A_2258 = tpu.memref_slice %arg9[%dma_start3A_2255, %dma_start3A_2256, %dma_start3A_2257] : memref<3x200x128xf32, #tpu.memory_space<vmem>> -> memref<1x104x128xf32, #tpu.memory_space<vmem>>
        %dma_start3A_2259 = tpu.memref_squeeze %dma_start3A_2258 : memref<1x104x128xf32, #tpu.memory_space<vmem>> -> memref<104x128xf32, #tpu.memory_space<vmem>>
        %dma_start3A_2260 = arith.constant 96 : i32
        %dma_start3A_2261 = arith.constant 0 : i32
        %dma_start3A_2262 = tpu.memref_slice %arg6[%add3A_2254, %dma_start3A_2260, %dma_start3A_2261] : memref<4096x200x128xf32, #tpu.memory_space<hbm>> -> memref<1x104x128xf32, #tpu.memory_space<hbm>>
        %dma_start3A_2263 = tpu.memref_squeeze %dma_start3A_2262 : memref<1x104x128xf32, #tpu.memory_space<hbm>> -> memref<104x128xf32, #tpu.memory_space<hbm>>
        %dma_start3A_2264 = arith.constant 96 : i32
        %dma_start3A_2265 = arith.constant 0 : i32
        %dma_start3A_2266 = tpu.memref_slice %arg6[%add3A_2254, %dma_start3A_2264, %dma_start3A_2265] : memref<4096x200x128xf32, #tpu.memory_space<hbm>> -> memref<1x104x128xf32, #tpu.memory_space<hbm>>
        %dma_start3A_2267 = tpu.memref_squeeze %dma_start3A_2266 : memref<1x104x128xf32, #tpu.memory_space<hbm>> -> memref<104x128xf32, #tpu.memory_space<hbm>>
        %dma_start3A_2268 = arith.constant 96 : i32
        %dma_start3A_2269 = arith.constant 0 : i32
        %dma_start3A_2270 = tpu.memref_slice %arg9[%dma_start3A_2255, %dma_start3A_2268, %dma_start3A_2269] : memref<3x200x128xf32, #tpu.memory_space<vmem>> -> memref<1x104x128xf32, #tpu.memory_space<vmem>>
        %dma_start3A_2271 = tpu.memref_squeeze %dma_start3A_2270 : memref<1x104x128xf32, #tpu.memory_space<vmem>> -> memref<104x128xf32, #tpu.memory_space<vmem>>
        tpu.enqueue_dma source(%dma_start3A_2271 : memref<104x128xf32, #tpu.memory_space<vmem>>) target(%dma_start3A_2267 : memref<104x128xf32, #tpu.memory_space<hbm>>) target_semaphore(%arg14 : memref<!tpu.dma_semaphore, #tpu.memory_space<semaphore_mem>>)
      } else {
      }
      %mul3A_2200 = arith.constant 3 : i32
      %mul3A_2201 = arith.muli %mul3A_2200, %scan3A_2170 : i32
      %add3A_2202 = arith.constant 2 : i32
      %add3A_2203 = arith.addi %mul3A_2201, %add3A_2202 : i32
      %add3A_2204 = arith.constant 1 : i32
      %add3A_2205 = arith.addi %add3A_2203, %add3A_2204 : i32
      %lt3A_2206 = arith.constant 128 : i32
      %lt3A_2207 = arith.cmpi slt, %add3A_2205, %lt3A_2206 : i32
      %convert_element_type3A_2208 = arith.extui %lt3A_2207 : i1 to i32
      %cond3A_2209 = arith.constant 0 : i32
      %cond3A_2210 = arith.cmpi ne, %convert_element_type3A_2208, %cond3A_2209 : i32
      scf.if %cond3A_2210 {
        %ge3A = arith.constant 3 : i32
        %ge3A_2216 = arith.cmpi sge, %add3A_2205, %ge3A : i32
        %convert_element_type3A_2217 = arith.extui %ge3A_2216 : i1 to i32
        %cond3A_2218 = arith.constant 0 : i32
        %cond3A_2219 = arith.cmpi ne, %convert_element_type3A_2217, %cond3A_2218 : i32
        scf.if %cond3A_2219 {
          %dma_wait3A_2260 = arith.constant 0 : i32
          %dma_wait3A_2261 = arith.constant 0 : i32
          %dma_wait3A_2262 = arith.constant 0 : i32
          %dma_wait3A_2263 = arith.constant 0 : i32
          %dma_wait3A_2264 = tpu.memref_slice %arg9[%dma_wait3A_2260, %dma_wait3A_2262, %dma_wait3A_2263] : memref<3x200x128xf32, #tpu.memory_space<vmem>> -> memref<1x200x128xf32, #tpu.memory_space<vmem>>
          %dma_wait3A_2265 = tpu.memref_squeeze %dma_wait3A_2264 : memref<1x200x128xf32, #tpu.memory_space<vmem>> -> memref<200x128xf32, #tpu.memory_space<vmem>>
          %dma_wait3A_2266 = arith.constant 0 : i32
          %dma_wait3A_2267 = arith.constant 0 : i32
          %dma_wait3A_2268 = tpu.memref_slice %arg6[%dma_wait3A_2261, %dma_wait3A_2266, %dma_wait3A_2267] : memref<4096x200x128xf32, #tpu.memory_space<hbm>> -> memref<1x200x128xf32, #tpu.memory_space<hbm>>
          %dma_wait3A_2269 = tpu.memref_squeeze %dma_wait3A_2268 : memref<1x200x128xf32, #tpu.memory_space<hbm>> -> memref<200x128xf32, #tpu.memory_space<hbm>>
          %dma_wait3A_2270 = arith.constant 0 : i32
          %dma_wait3A_2271 = arith.constant 0 : i32
          %dma_wait3A_2272 = tpu.memref_slice %arg6[%dma_wait3A_2261, %dma_wait3A_2270, %dma_wait3A_2271] : memref<4096x200x128xf32, #tpu.memory_space<hbm>> -> memref<1x200x128xf32, #tpu.memory_space<hbm>>
          %dma_wait3A_2273 = tpu.memref_squeeze %dma_wait3A_2272 : memref<1x200x128xf32, #tpu.memory_space<hbm>> -> memref<200x128xf32, #tpu.memory_space<hbm>>
          %dma_wait3A_2274 = arith.constant 0 : i32
          %dma_wait3A_2275 = arith.constant 0 : i32
          %dma_wait3A_2276 = tpu.memref_slice %arg9[%dma_wait3A_2260, %dma_wait3A_2274, %dma_wait3A_2275] : memref<3x200x128xf32, #tpu.memory_space<vmem>> -> memref<1x200x128xf32, #tpu.memory_space<vmem>>
          %dma_wait3A_2277 = tpu.memref_squeeze %dma_wait3A_2276 : memref<1x200x128xf32, #tpu.memory_space<vmem>> -> memref<200x128xf32, #tpu.memory_space<vmem>>
          tpu.wait_dma2 semaphore(%arg13 : memref<!tpu.dma_semaphore, #tpu.memory_space<semaphore_mem>>) src(%dma_wait3A_2277 : memref<200x128xf32, #tpu.memory_space<vmem>>) dst(%dma_wait3A_2273 : memref<200x128xf32, #tpu.memory_space<hbm>>)
        } else {
        }
        %dma_wait3A_2220 = arith.constant 0 : i32
        %dma_wait3A_2221 = tpu.memref_slice %arg7[%dma_wait3A_2220] : memref<800xi32, #tpu.memory_space<vmem>> -> memref<200xi32, #tpu.memory_space<vmem>>
        %dma_wait3A_2222 = arith.constant 0 : i32
        %dma_wait3A_2223 = tpu.memref_slice %arg2[%dma_wait3A_2222] : memref<819200xi32, #tpu.memory_space<hbm>> -> memref<200xi32, #tpu.memory_space<hbm>>
        %dma_wait3A_2224 = arith.constant 0 : i32
        %dma_wait3A_2225 = tpu.memref_slice %arg7[%dma_wait3A_2224] : memref<800xi32, #tpu.memory_space<vmem>> -> memref<200xi32, #tpu.memory_space<vmem>>
        %dma_wait3A_2226 = arith.constant 0 : i32
        %dma_wait3A_2227 = tpu.memref_slice %arg2[%dma_wait3A_2226] : memref<819200xi32, #tpu.memory_space<hbm>> -> memref<200xi32, #tpu.memory_space<hbm>>
        tpu.wait_dma2 semaphore(%arg16 : memref<!tpu.dma_semaphore, #tpu.memory_space<semaphore_mem>>) src(%dma_wait3A_2227 : memref<200xi32, #tpu.memory_space<hbm>>) dst(%dma_wait3A_2225 : memref<200xi32, #tpu.memory_space<vmem>>)
        %and3A = arith.constant 3 : i32
        %and3A_2228 = arith.andi %add3A_2205, %and3A : i32
        %mul3A_2229 = arith.constant 200 : i32
        %mul3A_2230 = arith.muli %and3A_2228, %mul3A_2229 : i32
        %add3A_2231 = arith.constant 0 : i32
        %add3A_2232 = arith.addi %mul3A_2230, %add3A_2231 : i32
        %dma_start3A_2233 = arith.constant 0 : i32
        %dma_start3A_2234 = arith.constant 0 : i32
        %dma_start3A_2235 = arith.constant 0 : i32
        %dma_start3A_2236 = tpu.memref_slice %arg9[%dma_start3A_2233, %dma_start3A_2234, %dma_start3A_2235] : memref<3x200x128xf32, #tpu.memory_space<vmem>> -> memref<1x104x128xf32, #tpu.memory_space<vmem>>
        %dma_start3A_2237 = tpu.memref_squeeze %dma_start3A_2236 : memref<1x104x128xf32, #tpu.memory_space<vmem>> -> memref<104x128xf32, #tpu.memory_space<vmem>>
        %dma_start3A_2238 = tpu.memref_slice %arg7[%add3A_2232] : memref<800xi32, #tpu.memory_space<vmem>> -> memref<104xi32, #tpu.memory_space<vmem>>
        %dma_start3A_2239 = arith.constant 0 : i32
        %dma_start3A_2240 = arith.constant 0 : i32
        %dma_start3A_2241 = tpu.memref_slice %arg5[%dma_start3A_2239, %dma_start3A_2240] : memref<1000000x128xf32, #tpu.memory_space<hbm>> -> memref<1000000x128xf32, #tpu.memory_space<hbm>>
        tpu.enqueue_indirect_dma source(%dma_start3A_2241 : memref<1000000x128xf32, #tpu.memory_space<hbm>>) target(%dma_start3A_2237 : memref<104x128xf32, #tpu.memory_space<vmem>>) offsets(%dma_start3A_2238 : memref<104xi32, #tpu.memory_space<vmem>>) semaphore(%arg10 : memref<!tpu.dma_semaphore, #tpu.memory_space<semaphore_mem>>)
        %add3A_2242 = arith.constant 104 : i32
        %add3A_2243 = arith.addi %mul3A_2230, %add3A_2242 : i32
        %dma_start3A_2244 = arith.constant 0 : i32
        %dma_start3A_2245 = arith.constant 104 : i32
        %dma_start3A_2246 = arith.constant 0 : i32
        %dma_start3A_2247 = tpu.memref_slice %arg9[%dma_start3A_2244, %dma_start3A_2245, %dma_start3A_2246] : memref<3x200x128xf32, #tpu.memory_space<vmem>> -> memref<1x96x128xf32, #tpu.memory_space<vmem>>
        %dma_start3A_2248 = tpu.memref_squeeze %dma_start3A_2247 : memref<1x96x128xf32, #tpu.memory_space<vmem>> -> memref<96x128xf32, #tpu.memory_space<vmem>>
        %dma_start3A_2249 = tpu.memref_slice %arg7[%add3A_2243] : memref<800xi32, #tpu.memory_space<vmem>> -> memref<96xi32, #tpu.memory_space<vmem>>
        %dma_start3A_2250 = arith.constant 0 : i32
        %dma_start3A_2251 = arith.constant 0 : i32
        %dma_start3A_2252 = tpu.memref_slice %arg5[%dma_start3A_2250, %dma_start3A_2251] : memref<1000000x128xf32, #tpu.memory_space<hbm>> -> memref<1000000x128xf32, #tpu.memory_space<hbm>>
        tpu.enqueue_indirect_dma source(%dma_start3A_2252 : memref<1000000x128xf32, #tpu.memory_space<hbm>>) target(%dma_start3A_2248 : memref<96x128xf32, #tpu.memory_space<vmem>>) offsets(%dma_start3A_2249 : memref<96xi32, #tpu.memory_space<vmem>>) semaphore(%arg10 : memref<!tpu.dma_semaphore, #tpu.memory_space<semaphore_mem>>)
        %add3A_2253 = arith.constant 1 : i32
        %add3A_2254 = arith.addi %add3A_2205, %add3A_2253 : i32
        %lt3A_2255 = arith.constant 128 : i32
        %lt3A_2256 = arith.cmpi slt, %add3A_2254, %lt3A_2255 : i32
        %convert_element_type3A_2257 = arith.extui %lt3A_2256 : i1 to i32
        %cond3A_2258 = arith.constant 0 : i32
        %cond3A_2259 = arith.cmpi ne, %convert_element_type3A_2257, %cond3A_2258 : i32
        scf.if %cond3A_2259 {
          %add3A_2260 = arith.constant 1 : i32
          %add3A_2261 = arith.addi %add3A_2205, %add3A_2260 : i32
          %add3A_2262 = arith.addi %mul3A_2, %add3A_2261 : i32
          %mul3A_2263 = arith.constant 200 : i32
          %mul3A_2264 = arith.muli %add3A_2262, %mul3A_2263 : i32
          %and3A_2265 = arith.constant 3 : i32
          %and3A_2266 = arith.andi %add3A_2261, %and3A_2265 : i32
          %mul3A_2267 = arith.constant 200 : i32
          %mul3A_2268 = arith.muli %and3A_2266, %mul3A_2267 : i32
          %dma_start3A_2269 = tpu.memref_slice %arg7[%mul3A_2268] : memref<800xi32, #tpu.memory_space<vmem>> -> memref<200xi32, #tpu.memory_space<vmem>>
          %dma_start3A_2270 = tpu.memref_slice %arg2[%mul3A_2264] : memref<819200xi32, #tpu.memory_space<hbm>> -> memref<200xi32, #tpu.memory_space<hbm>>
          %dma_start3A_2271 = tpu.memref_slice %arg7[%mul3A_2268] : memref<800xi32, #tpu.memory_space<vmem>> -> memref<200xi32, #tpu.memory_space<vmem>>
          %dma_start3A_2272 = tpu.memref_slice %arg2[%mul3A_2264] : memref<819200xi32, #tpu.memory_space<hbm>> -> memref<200xi32, #tpu.memory_space<hbm>>
          tpu.enqueue_dma source(%dma_start3A_2272 : memref<200xi32, #tpu.memory_space<hbm>>) target(%dma_start3A_2271 : memref<200xi32, #tpu.memory_space<vmem>>) target_semaphore(%arg17 : memref<!tpu.dma_semaphore, #tpu.memory_space<semaphore_mem>>)
        } else {
        }
      } else {
      }
      %lt3A_2211 = arith.constant 128 : i32
      %lt3A_2212 = arith.cmpi slt, %add3A_2203, %lt3A_2211 : i32
      %convert_element_type3A_2213 = arith.extui %lt3A_2212 : i1 to i32
      %cond3A_2214 = arith.constant 0 : i32
      %cond3A_2215 = arith.cmpi ne, %convert_element_type3A_2213, %cond3A_2214 : i32
      scf.if %cond3A_2215 {
        %dma_wait3A_2216 = arith.constant 0 : i32
        %dma_wait3A_2217 = arith.constant 2 : i32
        %dma_wait3A_2218 = arith.constant 0 : i32
        %dma_wait3A_2219 = arith.constant 0 : i32
        %dma_wait3A_2220 = tpu.memref_slice %arg9[%dma_wait3A_2217, %dma_wait3A_2218, %dma_wait3A_2219] : memref<3x200x128xf32, #tpu.memory_space<vmem>> -> memref<1x200x128xf32, #tpu.memory_space<vmem>>
        %dma_wait3A_2221 = tpu.memref_squeeze %dma_wait3A_2220 : memref<1x200x128xf32, #tpu.memory_space<vmem>> -> memref<200x128xf32, #tpu.memory_space<vmem>>
        %dma_wait3A_2222 = arith.constant 0 : i32
        %dma_wait3A_2223 = arith.constant 0 : i32
        %dma_wait3A_2224 = tpu.memref_slice %arg6[%dma_wait3A_2216, %dma_wait3A_2222, %dma_wait3A_2223] : memref<4096x200x128xf32, #tpu.memory_space<hbm>> -> memref<1x200x128xf32, #tpu.memory_space<hbm>>
        %dma_wait3A_2225 = tpu.memref_squeeze %dma_wait3A_2224 : memref<1x200x128xf32, #tpu.memory_space<hbm>> -> memref<200x128xf32, #tpu.memory_space<hbm>>
        %dma_wait3A_2226 = arith.constant 0 : i32
        %dma_wait3A_2227 = arith.constant 0 : i32
        %dma_wait3A_2228 = tpu.memref_slice %arg9[%dma_wait3A_2217, %dma_wait3A_2226, %dma_wait3A_2227] : memref<3x200x128xf32, #tpu.memory_space<vmem>> -> memref<1x200x128xf32, #tpu.memory_space<vmem>>
        %dma_wait3A_2229 = tpu.memref_squeeze %dma_wait3A_2228 : memref<1x200x128xf32, #tpu.memory_space<vmem>> -> memref<200x128xf32, #tpu.memory_space<vmem>>
        %dma_wait3A_2230 = arith.constant 0 : i32
        %dma_wait3A_2231 = arith.constant 0 : i32
        %dma_wait3A_2232 = tpu.memref_slice %arg6[%dma_wait3A_2216, %dma_wait3A_2230, %dma_wait3A_2231] : memref<4096x200x128xf32, #tpu.memory_space<hbm>> -> memref<1x200x128xf32, #tpu.memory_space<hbm>>
        %dma_wait3A_2233 = tpu.memref_squeeze %dma_wait3A_2232 : memref<1x200x128xf32, #tpu.memory_space<hbm>> -> memref<200x128xf32, #tpu.memory_space<hbm>>
        tpu.wait_dma2 semaphore(%arg12 : memref<!tpu.dma_semaphore, #tpu.memory_space<semaphore_mem>>) src(%dma_wait3A_2233 : memref<200x128xf32, #tpu.memory_space<hbm>>) dst(%dma_wait3A_2229 : memref<200x128xf32, #tpu.memory_space<vmem>>)
        %parallel_loop3A = arith.constant 0 : i32
        %parallel_loop3A_2234 = arith.constant 200 : i32
        %parallel_loop3A_2235 = arith.constant 2 : i32
        scf.for %parallel_loop3A_2272 = %parallel_loop3A to %parallel_loop3A_2234 step %parallel_loop3A_2235  : i32 {
          %parallel_loop3A_2273 = arith.constant 0 : i32
          %parallel_loop3A_2274 = arith.addi %parallel_loop3A_2272, %parallel_loop3A_2273 : i32
          %parallel_loop3A_2275 = arith.index_cast %parallel_loop3A_2274 : i32 to index
          %parallel_loop3A_2276 = arith.constant 0 : index
          %parallel_loop3A_2277 = tpu.vector_load %arg8[%parallel_loop3A_2275, %parallel_loop3A_2276] {strides = array<i32>} : memref<200x128xf32, #tpu.memory_space<vmem>>, vector<1x16xf32>,
          %parallel_loop3A_2278 = vector.shape_cast %parallel_loop3A_2277 : vector<1x16xf32> to vector<16xf32>
          %parallel_loop3A_2279 = arith.constant 0 : i32
          %parallel_loop3A_2280 = arith.addi %parallel_loop3A_2272, %parallel_loop3A_2279 : i32
          %parallel_loop3A_2281 = arith.constant 2 : i32
          %parallel_loop3A_2282 = arith.index_cast %parallel_loop3A_2281 : i32 to index
          %parallel_loop3A_2283 = arith.index_cast %parallel_loop3A_2280 : i32 to index
          %parallel_loop3A_2284 = arith.constant 0 : index
          %parallel_loop3A_2285 = tpu.vector_load %arg9[%parallel_loop3A_2282, %parallel_loop3A_2283, %parallel_loop3A_2284] {strides = array<i32>} : memref<3x200x128xf32, #tpu.memory_space<vmem>>, vector<1x1x16xf32>,
          %parallel_loop3A_2286 = vector.shape_cast %parallel_loop3A_2285 : vector<1x1x16xf32> to vector<16xf32>
          %parallel_loop3A_2287 = vector.shape_cast %parallel_loop3A_2278 : vector<16xf32> to vector<1x1x16xf32>
          tpu.vector_store %arg9[%parallel_loop3A_2282, %parallel_loop3A_2283, %parallel_loop3A_2284], %parallel_loop3A_2287 {add = true, strides = array<i32>} : memref<3x200x128xf32, #tpu.memory_space<vmem>>, vector<1x1x16xf32>,
          %parallel_loop3A_2288 = arith.constant 0 : i32
          %parallel_loop3A_2289 = arith.addi %parallel_loop3A_2272, %parallel_loop3A_2288 : i32
          %parallel_loop3A_2290 = arith.index_cast %parallel_loop3A_2289 : i32 to index
          %parallel_loop3A_2291 = arith.constant 16 : index
          %parallel_loop3A_2292 = tpu.vector_load %arg8[%parallel_loop3A_2290, %parallel_loop3A_2291] {strides = array<i32>} : memref<200x128xf32, #tpu.memory_space<vmem>>, vector<1x16xf32>,
          %parallel_loop3A_2293 = vector.shape_cast %parallel_loop3A_2292 : vector<1x16xf32> to vector<16xf32>
          %parallel_loop3A_2294 = arith.constant 0 : i32
          %parallel_loop3A_2295 = arith.addi %parallel_loop3A_2272, %parallel_loop3A_2294 : i32
          %parallel_loop3A_2296 = arith.constant 2 : i32
          %parallel_loop3A_2297 = arith.index_cast %parallel_loop3A_2296 : i32 to index
          %parallel_loop3A_2298 = arith.index_cast %parallel_loop3A_2295 : i32 to index
          %parallel_loop3A_2299 = arith.constant 16 : index
          %parallel_loop3A_2300 = tpu.vector_load %arg9[%parallel_loop3A_2297, %parallel_loop3A_2298, %parallel_loop3A_2299] {strides = array<i32>} : memref<3x200x128xf32, #tpu.memory_space<vmem>>, vector<1x1x16xf32>,
          %parallel_loop3A_2301 = vector.shape_cast %parallel_loop3A_2300 : vector<1x1x16xf32> to vector<16xf32>
          %parallel_loop3A_2302 = vector.shape_cast %parallel_loop3A_2293 : vector<16xf32> to vector<1x1x16xf32>
          tpu.vector_store %arg9[%parallel_loop3A_2297, %parallel_loop3A_2298, %parallel_loop3A_2299], %parallel_loop3A_2302 {add = true, strides = array<i32>} : memref<3x200x128xf32, #tpu.memory_space<vmem>>, vector<1x1x16xf32>,
          %parallel_loop3A_2303 = arith.constant 0 : i32
          %parallel_loop3A_2304 = arith.addi %parallel_loop3A_2272, %parallel_loop3A_2303 : i32
          %parallel_loop3A_2305 = arith.index_cast %parallel_loop3A_2304 : i32 to index
          %parallel_loop3A_2306 = arith.constant 32 : index
          %parallel_loop3A_2307 = tpu.vector_load %arg8[%parallel_loop3A_2305, %parallel_loop3A_2306] {strides = array<i32>} : memref<200x128xf32, #tpu.memory_space<vmem>>, vector<1x16xf32>,
          %parallel_loop3A_2308 = vector.shape_cast %parallel_loop3A_2307 : vector<1x16xf32> to vector<16xf32>
          %parallel_loop3A_2309 = arith.constant 0 : i32
          %parallel_loop3A_2310 = arith.addi %parallel_loop3A_2272, %parallel_loop3A_2309 : i32
          %parallel_loop3A_2311 = arith.constant 2 : i32
          %parallel_loop3A_2312 = arith.index_cast %parallel_loop3A_2311 : i32 to index
          %parallel_loop3A_2313 = arith.index_cast %parallel_loop3A_2310 : i32 to index
          %parallel_loop3A_2314 = arith.constant 32 : index
          %parallel_loop3A_2315 = tpu.vector_load %arg9[%parallel_loop3A_2312, %parallel_loop3A_2313, %parallel_loop3A_2314] {strides = array<i32>} : memref<3x200x128xf32, #tpu.memory_space<vmem>>, vector<1x1x16xf32>,
          %parallel_loop3A_2316 = vector.shape_cast %parallel_loop3A_2315 : vector<1x1x16xf32> to vector<16xf32>
          %parallel_loop3A_2317 = vector.shape_cast %parallel_loop3A_2308 : vector<16xf32> to vector<1x1x16xf32>
          tpu.vector_store %arg9[%parallel_loop3A_2312, %parallel_loop3A_2313, %parallel_loop3A_2314], %parallel_loop3A_2317 {add = true, strides = array<i32>} : memref<3x200x128xf32, #tpu.memory_space<vmem>>, vector<1x1x16xf32>,
          %parallel_loop3A_2318 = arith.constant 0 : i32
          %parallel_loop3A_2319 = arith.addi %parallel_loop3A_2272, %parallel_loop3A_2318 : i32
          %parallel_loop3A_2320 = arith.index_cast %parallel_loop3A_2319 : i32 to index
          %parallel_loop3A_2321 = arith.constant 48 : index
          %parallel_loop3A_2322 = tpu.vector_load %arg8[%parallel_loop3A_2320, %parallel_loop3A_2321] {strides = array<i32>} : memref<200x128xf32, #tpu.memory_space<vmem>>, vector<1x16xf32>,
          %parallel_loop3A_2323 = vector.shape_cast %parallel_loop3A_2322 : vector<1x16xf32> to vector<16xf32>
          %parallel_loop3A_2324 = arith.constant 0 : i32
          %parallel_loop3A_2325 = arith.addi %parallel_loop3A_2272, %parallel_loop3A_2324 : i32
          %parallel_loop3A_2326 = arith.constant 2 : i32
          %parallel_loop3A_2327 = arith.index_cast %parallel_loop3A_2326 : i32 to index
          %parallel_loop3A_2328 = arith.index_cast %parallel_loop3A_2325 : i32 to index
          %parallel_loop3A_2329 = arith.constant 48 : index
          %parallel_loop3A_2330 = tpu.vector_load %arg9[%parallel_loop3A_2327, %parallel_loop3A_2328, %parallel_loop3A_2329] {strides = array<i32>} : memref<3x200x128xf32, #tpu.memory_space<vmem>>, vector<1x1x16xf32>,
          %parallel_loop3A_2331 = vector.shape_cast %parallel_loop3A_2330 : vector<1x1x16xf32> to vector<16xf32>
          %parallel_loop3A_2332 = vector.shape_cast %parallel_loop3A_2323 : vector<16xf32> to vector<1x1x16xf32>
          tpu.vector_store %arg9[%parallel_loop3A_2327, %parallel_loop3A_2328, %parallel_loop3A_2329], %parallel_loop3A_2332 {add = true, strides = array<i32>} : memref<3x200x128xf32, #tpu.memory_space<vmem>>, vector<1x1x16xf32>,
          %parallel_loop3A_2333 = arith.constant 0 : i32
          %parallel_loop3A_2334 = arith.addi %parallel_loop3A_2272, %parallel_loop3A_2333 : i32
          %parallel_loop3A_2335 = arith.index_cast %parallel_loop3A_2334 : i32 to index
          %parallel_loop3A_2336 = arith.constant 64 : index
          %parallel_loop3A_2337 = tpu.vector_load %arg8[%parallel_loop3A_2335, %parallel_loop3A_2336] {strides = array<i32>} : memref<200x128xf32, #tpu.memory_space<vmem>>, vector<1x16xf32>,
          %parallel_loop3A_2338 = vector.shape_cast %parallel_loop3A_2337 : vector<1x16xf32> to vector<16xf32>
          %parallel_loop3A_2339 = arith.constant 0 : i32
          %parallel_loop3A_2340 = arith.addi %parallel_loop3A_2272, %parallel_loop3A_2339 : i32
          %parallel_loop3A_2341 = arith.constant 2 : i32
          %parallel_loop3A_2342 = arith.index_cast %parallel_loop3A_2341 : i32 to index
          %parallel_loop3A_2343 = arith.index_cast %parallel_loop3A_2340 : i32 to index
          %parallel_loop3A_2344 = arith.constant 64 : index
          %parallel_loop3A_2345 = tpu.vector_load %arg9[%parallel_loop3A_2342, %parallel_loop3A_2343, %parallel_loop3A_2344] {strides = array<i32>} : memref<3x200x128xf32, #tpu.memory_space<vmem>>, vector<1x1x16xf32>,
          %parallel_loop3A_2346 = vector.shape_cast %parallel_loop3A_2345 : vector<1x1x16xf32> to vector<16xf32>
          %parallel_loop3A_2347 = vector.shape_cast %parallel_loop3A_2338 : vector<16xf32> to vector<1x1x16xf32>
          tpu.vector_store %arg9[%parallel_loop3A_2342, %parallel_loop3A_2343, %parallel_loop3A_2344], %parallel_loop3A_2347 {add = true, strides = array<i32>} : memref<3x200x128xf32, #tpu.memory_space<vmem>>, vector<1x1x16xf32>,
          %parallel_loop3A_2348 = arith.constant 0 : i32
          %parallel_loop3A_2349 = arith.addi %parallel_loop3A_2272, %parallel_loop3A_2348 : i32
          %parallel_loop3A_2350 = arith.index_cast %parallel_loop3A_2349 : i32 to index
          %parallel_loop3A_2351 = arith.constant 80 : index
          %parallel_loop3A_2352 = tpu.vector_load %arg8[%parallel_loop3A_2350, %parallel_loop3A_2351] {strides = array<i32>} : memref<200x128xf32, #tpu.memory_space<vmem>>, vector<1x16xf32>,
          %parallel_loop3A_2353 = vector.shape_cast %parallel_loop3A_2352 : vector<1x16xf32> to vector<16xf32>
          %parallel_loop3A_2354 = arith.constant 0 : i32
          %parallel_loop3A_2355 = arith.addi %parallel_loop3A_2272, %parallel_loop3A_2354 : i32
          %parallel_loop3A_2356 = arith.constant 2 : i32
          %parallel_loop3A_2357 = arith.index_cast %parallel_loop3A_2356 : i32 to index
          %parallel_loop3A_2358 = arith.index_cast %parallel_loop3A_2355 : i32 to index
          %parallel_loop3A_2359 = arith.constant 80 : index
          %parallel_loop3A_2360 = tpu.vector_load %arg9[%parallel_loop3A_2357, %parallel_loop3A_2358, %parallel_loop3A_2359] {strides = array<i32>} : memref<3x200x128xf32, #tpu.memory_space<vmem>>, vector<1x1x16xf32>,
          %parallel_loop3A_2361 = vector.shape_cast %parallel_loop3A_2360 : vector<1x1x16xf32> to vector<16xf32>
          %parallel_loop3A_2362 = vector.shape_cast %parallel_loop3A_2353 : vector<16xf32> to vector<1x1x16xf32>
          tpu.vector_store %arg9[%parallel_loop3A_2357, %parallel_loop3A_2358, %parallel_loop3A_2359], %parallel_loop3A_2362 {add = true, strides = array<i32>} : memref<3x200x128xf32, #tpu.memory_space<vmem>>, vector<1x1x16xf32>,
          %parallel_loop3A_2363 = arith.constant 0 : i32
          %parallel_loop3A_2364 = arith.addi %parallel_loop3A_2272, %parallel_loop3A_2363 : i32
          %parallel_loop3A_2365 = arith.index_cast %parallel_loop3A_2364 : i32 to index
          %parallel_loop3A_2366 = arith.constant 96 : index
          %parallel_loop3A_2367 = tpu.vector_load %arg8[%parallel_loop3A_2365, %parallel_loop3A_2366] {strides = array<i32>} : memref<200x128xf32, #tpu.memory_space<vmem>>, vector<1x16xf32>,
          %parallel_loop3A_2368 = vector.shape_cast %parallel_loop3A_2367 : vector<1x16xf32> to vector<16xf32>
          %parallel_loop3A_2369 = arith.constant 0 : i32
          %parallel_loop3A_2370 = arith.addi %parallel_loop3A_2272, %parallel_loop3A_2369 : i32
          %parallel_loop3A_2371 = arith.constant 2 : i32
          %parallel_loop3A_2372 = arith.index_cast %parallel_loop3A_2371 : i32 to index
          %parallel_loop3A_2373 = arith.index_cast %parallel_loop3A_2370 : i32 to index
          %parallel_loop3A_2374 = arith.constant 96 : index
          %parallel_loop3A_2375 = tpu.vector_load %arg9[%parallel_loop3A_2372, %parallel_loop3A_2373, %parallel_loop3A_2374] {strides = array<i32>} : memref<3x200x128xf32, #tpu.memory_space<vmem>>, vector<1x1x16xf32>,
          %parallel_loop3A_2376 = vector.shape_cast %parallel_loop3A_2375 : vector<1x1x16xf32> to vector<16xf32>
          %parallel_loop3A_2377 = vector.shape_cast %parallel_loop3A_2368 : vector<16xf32> to vector<1x1x16xf32>
          tpu.vector_store %arg9[%parallel_loop3A_2372, %parallel_loop3A_2373, %parallel_loop3A_2374], %parallel_loop3A_2377 {add = true, strides = array<i32>} : memref<3x200x128xf32, #tpu.memory_space<vmem>>, vector<1x1x16xf32>,
          %parallel_loop3A_2378 = arith.constant 0 : i32
          %parallel_loop3A_2379 = arith.addi %parallel_loop3A_2272, %parallel_loop3A_2378 : i32
          %parallel_loop3A_2380 = arith.index_cast %parallel_loop3A_2379 : i32 to index
          %parallel_loop3A_2381 = arith.constant 112 : index
          %parallel_loop3A_2382 = tpu.vector_load %arg8[%parallel_loop3A_2380, %parallel_loop3A_2381] {strides = array<i32>} : memref<200x128xf32, #tpu.memory_space<vmem>>, vector<1x16xf32>,
          %parallel_loop3A_2383 = vector.shape_cast %parallel_loop3A_2382 : vector<1x16xf32> to vector<16xf32>
          %parallel_loop3A_2384 = arith.constant 0 : i32
          %parallel_loop3A_2385 = arith.addi %parallel_loop3A_2272, %parallel_loop3A_2384 : i32
          %parallel_loop3A_2386 = arith.constant 2 : i32
          %parallel_loop3A_2387 = arith.index_cast %parallel_loop3A_2386 : i32 to index
          %parallel_loop3A_2388 = arith.index_cast %parallel_loop3A_2385 : i32 to index
          %parallel_loop3A_2389 = arith.constant 112 : index
          %parallel_loop3A_2390 = tpu.vector_load %arg9[%parallel_loop3A_2387, %parallel_loop3A_2388, %parallel_loop3A_2389] {strides = array<i32>} : memref<3x200x128xf32, #tpu.memory_space<vmem>>, vector<1x1x16xf32>,
          %parallel_loop3A_2391 = vector.shape_cast %parallel_loop3A_2390 : vector<1x1x16xf32> to vector<16xf32>
          %parallel_loop3A_2392 = vector.shape_cast %parallel_loop3A_2383 : vector<16xf32> to vector<1x1x16xf32>
          tpu.vector_store %arg9[%parallel_loop3A_2387, %parallel_loop3A_2388, %parallel_loop3A_2389], %parallel_loop3A_2392 {add = true, strides = array<i32>} : memref<3x200x128xf32, #tpu.memory_space<vmem>>, vector<1x1x16xf32>,
          %parallel_loop3A_2393 = arith.constant 1 : i32
          %parallel_loop3A_2394 = arith.addi %parallel_loop3A_2272, %parallel_loop3A_2393 : i32
          %parallel_loop3A_2395 = arith.index_cast %parallel_loop3A_2394 : i32 to index
          %parallel_loop3A_2396 = arith.constant 0 : index
          %parallel_loop3A_2397 = tpu.vector_load %arg8[%parallel_loop3A_2395, %parallel_loop3A_2396] {strides = array<i32>} : memref<200x128xf32, #tpu.memory_space<vmem>>, vector<1x16xf32>,
          %parallel_loop3A_2398 = vector.shape_cast %parallel_loop3A_2397 : vector<1x16xf32> to vector<16xf32>
          %parallel_loop3A_2399 = arith.constant 1 : i32
          %parallel_loop3A_2400 = arith.addi %parallel_loop3A_2272, %parallel_loop3A_2399 : i32
          %parallel_loop3A_2401 = arith.constant 2 : i32
          %parallel_loop3A_2402 = arith.index_cast %parallel_loop3A_2401 : i32 to index
          %parallel_loop3A_2403 = arith.index_cast %parallel_loop3A_2400 : i32 to index
          %parallel_loop3A_2404 = arith.constant 0 : index
          %parallel_loop3A_2405 = tpu.vector_load %arg9[%parallel_loop3A_2402, %parallel_loop3A_2403, %parallel_loop3A_2404] {strides = array<i32>} : memref<3x200x128xf32, #tpu.memory_space<vmem>>, vector<1x1x16xf32>,
          %parallel_loop3A_2406 = vector.shape_cast %parallel_loop3A_2405 : vector<1x1x16xf32> to vector<16xf32>
          %parallel_loop3A_2407 = vector.shape_cast %parallel_loop3A_2398 : vector<16xf32> to vector<1x1x16xf32>
          tpu.vector_store %arg9[%parallel_loop3A_2402, %parallel_loop3A_2403, %parallel_loop3A_2404], %parallel_loop3A_2407 {add = true, strides = array<i32>} : memref<3x200x128xf32, #tpu.memory_space<vmem>>, vector<1x1x16xf32>,
          %parallel_loop3A_2408 = arith.constant 1 : i32
          %parallel_loop3A_2409 = arith.addi %parallel_loop3A_2272, %parallel_loop3A_2408 : i32
          %parallel_loop3A_2410 = arith.index_cast %parallel_loop3A_2409 : i32 to index
          %parallel_loop3A_2411 = arith.constant 16 : index
          %parallel_loop3A_2412 = tpu.vector_load %arg8[%parallel_loop3A_2410, %parallel_loop3A_2411] {strides = array<i32>} : memref<200x128xf32, #tpu.memory_space<vmem>>, vector<1x16xf32>,
          %parallel_loop3A_2413 = vector.shape_cast %parallel_loop3A_2412 : vector<1x16xf32> to vector<16xf32>
          %parallel_loop3A_2414 = arith.constant 1 : i32
          %parallel_loop3A_2415 = arith.addi %parallel_loop3A_2272, %parallel_loop3A_2414 : i32
          %parallel_loop3A_2416 = arith.constant 2 : i32
          %parallel_loop3A_2417 = arith.index_cast %parallel_loop3A_2416 : i32 to index
          %parallel_loop3A_2418 = arith.index_cast %parallel_loop3A_2415 : i32 to index
          %parallel_loop3A_2419 = arith.constant 16 : index
          %parallel_loop3A_2420 = tpu.vector_load %arg9[%parallel_loop3A_2417, %parallel_loop3A_2418, %parallel_loop3A_2419] {strides = array<i32>} : memref<3x200x128xf32, #tpu.memory_space<vmem>>, vector<1x1x16xf32>,
          %parallel_loop3A_2421 = vector.shape_cast %parallel_loop3A_2420 : vector<1x1x16xf32> to vector<16xf32>
          %parallel_loop3A_2422 = vector.shape_cast %parallel_loop3A_2413 : vector<16xf32> to vector<1x1x16xf32>
          tpu.vector_store %arg9[%parallel_loop3A_2417, %parallel_loop3A_2418, %parallel_loop3A_2419], %parallel_loop3A_2422 {add = true, strides = array<i32>} : memref<3x200x128xf32, #tpu.memory_space<vmem>>, vector<1x1x16xf32>,
          %parallel_loop3A_2423 = arith.constant 1 : i32
          %parallel_loop3A_2424 = arith.addi %parallel_loop3A_2272, %parallel_loop3A_2423 : i32
          %parallel_loop3A_2425 = arith.index_cast %parallel_loop3A_2424 : i32 to index
          %parallel_loop3A_2426 = arith.constant 32 : index
          %parallel_loop3A_2427 = tpu.vector_load %arg8[%parallel_loop3A_2425, %parallel_loop3A_2426] {strides = array<i32>} : memref<200x128xf32, #tpu.memory_space<vmem>>, vector<1x16xf32>,
          %parallel_loop3A_2428 = vector.shape_cast %parallel_loop3A_2427 : vector<1x16xf32> to vector<16xf32>
          %parallel_loop3A_2429 = arith.constant 1 : i32
          %parallel_loop3A_2430 = arith.addi %parallel_loop3A_2272, %parallel_loop3A_2429 : i32
          %parallel_loop3A_2431 = arith.constant 2 : i32
          %parallel_loop3A_2432 = arith.index_cast %parallel_loop3A_2431 : i32 to index
          %parallel_loop3A_2433 = arith.index_cast %parallel_loop3A_2430 : i32 to index
          %parallel_loop3A_2434 = arith.constant 32 : index
          %parallel_loop3A_2435 = tpu.vector_load %arg9[%parallel_loop3A_2432, %parallel_loop3A_2433, %parallel_loop3A_2434] {strides = array<i32>} : memref<3x200x128xf32, #tpu.memory_space<vmem>>, vector<1x1x16xf32>,
          %parallel_loop3A_2436 = vector.shape_cast %parallel_loop3A_2435 : vector<1x1x16xf32> to vector<16xf32>
          %parallel_loop3A_2437 = vector.shape_cast %parallel_loop3A_2428 : vector<16xf32> to vector<1x1x16xf32>
          tpu.vector_store %arg9[%parallel_loop3A_2432, %parallel_loop3A_2433, %parallel_loop3A_2434], %parallel_loop3A_2437 {add = true, strides = array<i32>} : memref<3x200x128xf32, #tpu.memory_space<vmem>>, vector<1x1x16xf32>,
          %parallel_loop3A_2438 = arith.constant 1 : i32
          %parallel_loop3A_2439 = arith.addi %parallel_loop3A_2272, %parallel_loop3A_2438 : i32
          %parallel_loop3A_2440 = arith.index_cast %parallel_loop3A_2439 : i32 to index
          %parallel_loop3A_2441 = arith.constant 48 : index
          %parallel_loop3A_2442 = tpu.vector_load %arg8[%parallel_loop3A_2440, %parallel_loop3A_2441] {strides = array<i32>} : memref<200x128xf32, #tpu.memory_space<vmem>>, vector<1x16xf32>,
          %parallel_loop3A_2443 = vector.shape_cast %parallel_loop3A_2442 : vector<1x16xf32> to vector<16xf32>
          %parallel_loop3A_2444 = arith.constant 1 : i32
          %parallel_loop3A_2445 = arith.addi %parallel_loop3A_2272, %parallel_loop3A_2444 : i32
          %parallel_loop3A_2446 = arith.constant 2 : i32
          %parallel_loop3A_2447 = arith.index_cast %parallel_loop3A_2446 : i32 to index
          %parallel_loop3A_2448 = arith.index_cast %parallel_loop3A_2445 : i32 to index
          %parallel_loop3A_2449 = arith.constant 48 : index
          %parallel_loop3A_2450 = tpu.vector_load %arg9[%parallel_loop3A_2447, %parallel_loop3A_2448, %parallel_loop3A_2449] {strides = array<i32>} : memref<3x200x128xf32, #tpu.memory_space<vmem>>, vector<1x1x16xf32>,
          %parallel_loop3A_2451 = vector.shape_cast %parallel_loop3A_2450 : vector<1x1x16xf32> to vector<16xf32>
          %parallel_loop3A_2452 = vector.shape_cast %parallel_loop3A_2443 : vector<16xf32> to vector<1x1x16xf32>
          tpu.vector_store %arg9[%parallel_loop3A_2447, %parallel_loop3A_2448, %parallel_loop3A_2449], %parallel_loop3A_2452 {add = true, strides = array<i32>} : memref<3x200x128xf32, #tpu.memory_space<vmem>>, vector<1x1x16xf32>,
          %parallel_loop3A_2453 = arith.constant 1 : i32
          %parallel_loop3A_2454 = arith.addi %parallel_loop3A_2272, %parallel_loop3A_2453 : i32
          %parallel_loop3A_2455 = arith.index_cast %parallel_loop3A_2454 : i32 to index
          %parallel_loop3A_2456 = arith.constant 64 : index
          %parallel_loop3A_2457 = tpu.vector_load %arg8[%parallel_loop3A_2455, %parallel_loop3A_2456] {strides = array<i32>} : memref<200x128xf32, #tpu.memory_space<vmem>>, vector<1x16xf32>,
          %parallel_loop3A_2458 = vector.shape_cast %parallel_loop3A_2457 : vector<1x16xf32> to vector<16xf32>
          %parallel_loop3A_2459 = arith.constant 1 : i32
          %parallel_loop3A_2460 = arith.addi %parallel_loop3A_2272, %parallel_loop3A_2459 : i32
          %parallel_loop3A_2461 = arith.constant 2 : i32
          %parallel_loop3A_2462 = arith.index_cast %parallel_loop3A_2461 : i32 to index
          %parallel_loop3A_2463 = arith.index_cast %parallel_loop3A_2460 : i32 to index
          %parallel_loop3A_2464 = arith.constant 64 : index
          %parallel_loop3A_2465 = tpu.vector_load %arg9[%parallel_loop3A_2462, %parallel_loop3A_2463, %parallel_loop3A_2464] {strides = array<i32>} : memref<3x200x128xf32, #tpu.memory_space<vmem>>, vector<1x1x16xf32>,
          %parallel_loop3A_2466 = vector.shape_cast %parallel_loop3A_2465 : vector<1x1x16xf32> to vector<16xf32>
          %parallel_loop3A_2467 = vector.shape_cast %parallel_loop3A_2458 : vector<16xf32> to vector<1x1x16xf32>
          tpu.vector_store %arg9[%parallel_loop3A_2462, %parallel_loop3A_2463, %parallel_loop3A_2464], %parallel_loop3A_2467 {add = true, strides = array<i32>} : memref<3x200x128xf32, #tpu.memory_space<vmem>>, vector<1x1x16xf32>,
          %parallel_loop3A_2468 = arith.constant 1 : i32
          %parallel_loop3A_2469 = arith.addi %parallel_loop3A_2272, %parallel_loop3A_2468 : i32
          %parallel_loop3A_2470 = arith.index_cast %parallel_loop3A_2469 : i32 to index
          %parallel_loop3A_2471 = arith.constant 80 : index
          %parallel_loop3A_2472 = tpu.vector_load %arg8[%parallel_loop3A_2470, %parallel_loop3A_2471] {strides = array<i32>} : memref<200x128xf32, #tpu.memory_space<vmem>>, vector<1x16xf32>,
          %parallel_loop3A_2473 = vector.shape_cast %parallel_loop3A_2472 : vector<1x16xf32> to vector<16xf32>
          %parallel_loop3A_2474 = arith.constant 1 : i32
          %parallel_loop3A_2475 = arith.addi %parallel_loop3A_2272, %parallel_loop3A_2474 : i32
          %parallel_loop3A_2476 = arith.constant 2 : i32
          %parallel_loop3A_2477 = arith.index_cast %parallel_loop3A_2476 : i32 to index
          %parallel_loop3A_2478 = arith.index_cast %parallel_loop3A_2475 : i32 to index
          %parallel_loop3A_2479 = arith.constant 80 : index
          %parallel_loop3A_2480 = tpu.vector_load %arg9[%parallel_loop3A_2477, %parallel_loop3A_2478, %parallel_loop3A_2479] {strides = array<i32>} : memref<3x200x128xf32, #tpu.memory_space<vmem>>, vector<1x1x16xf32>,
          %parallel_loop3A_2481 = vector.shape_cast %parallel_loop3A_2480 : vector<1x1x16xf32> to vector<16xf32>
          %parallel_loop3A_2482 = vector.shape_cast %parallel_loop3A_2473 : vector<16xf32> to vector<1x1x16xf32>
          tpu.vector_store %arg9[%parallel_loop3A_2477, %parallel_loop3A_2478, %parallel_loop3A_2479], %parallel_loop3A_2482 {add = true, strides = array<i32>} : memref<3x200x128xf32, #tpu.memory_space<vmem>>, vector<1x1x16xf32>,
          %parallel_loop3A_2483 = arith.constant 1 : i32
          %parallel_loop3A_2484 = arith.addi %parallel_loop3A_2272, %parallel_loop3A_2483 : i32
          %parallel_loop3A_2485 = arith.index_cast %parallel_loop3A_2484 : i32 to index
          %parallel_loop3A_2486 = arith.constant 96 : index
          %parallel_loop3A_2487 = tpu.vector_load %arg8[%parallel_loop3A_2485, %parallel_loop3A_2486] {strides = array<i32>} : memref<200x128xf32, #tpu.memory_space<vmem>>, vector<1x16xf32>,
          %parallel_loop3A_2488 = vector.shape_cast %parallel_loop3A_2487 : vector<1x16xf32> to vector<16xf32>
          %parallel_loop3A_2489 = arith.constant 1 : i32
          %parallel_loop3A_2490 = arith.addi %parallel_loop3A_2272, %parallel_loop3A_2489 : i32
          %parallel_loop3A_2491 = arith.constant 2 : i32
          %parallel_loop3A_2492 = arith.index_cast %parallel_loop3A_2491 : i32 to index
          %parallel_loop3A_2493 = arith.index_cast %parallel_loop3A_2490 : i32 to index
          %parallel_loop3A_2494 = arith.constant 96 : index
          %parallel_loop3A_2495 = tpu.vector_load %arg9[%parallel_loop3A_2492, %parallel_loop3A_2493, %parallel_loop3A_2494] {strides = array<i32>} : memref<3x200x128xf32, #tpu.memory_space<vmem>>, vector<1x1x16xf32>,
          %parallel_loop3A_2496 = vector.shape_cast %parallel_loop3A_2495 : vector<1x1x16xf32> to vector<16xf32>
          %parallel_loop3A_2497 = vector.shape_cast %parallel_loop3A_2488 : vector<16xf32> to vector<1x1x16xf32>
          tpu.vector_store %arg9[%parallel_loop3A_2492, %parallel_loop3A_2493, %parallel_loop3A_2494], %parallel_loop3A_2497 {add = true, strides = array<i32>} : memref<3x200x128xf32, #tpu.memory_space<vmem>>, vector<1x1x16xf32>,
          %parallel_loop3A_2498 = arith.constant 1 : i32
          %parallel_loop3A_2499 = arith.addi %parallel_loop3A_2272, %parallel_loop3A_2498 : i32
          %parallel_loop3A_2500 = arith.index_cast %parallel_loop3A_2499 : i32 to index
          %parallel_loop3A_2501 = arith.constant 112 : index
          %parallel_loop3A_2502 = tpu.vector_load %arg8[%parallel_loop3A_2500, %parallel_loop3A_2501] {strides = array<i32>} : memref<200x128xf32, #tpu.memory_space<vmem>>, vector<1x16xf32>,
          %parallel_loop3A_2503 = vector.shape_cast %parallel_loop3A_2502 : vector<1x16xf32> to vector<16xf32>
          %parallel_loop3A_2504 = arith.constant 1 : i32
          %parallel_loop3A_2505 = arith.addi %parallel_loop3A_2272, %parallel_loop3A_2504 : i32
          %parallel_loop3A_2506 = arith.constant 2 : i32
          %parallel_loop3A_2507 = arith.index_cast %parallel_loop3A_2506 : i32 to index
          %parallel_loop3A_2508 = arith.index_cast %parallel_loop3A_2505 : i32 to index
          %parallel_loop3A_2509 = arith.constant 112 : index
          %parallel_loop3A_2510 = tpu.vector_load %arg9[%parallel_loop3A_2507, %parallel_loop3A_2508, %parallel_loop3A_2509] {strides = array<i32>} : memref<3x200x128xf32, #tpu.memory_space<vmem>>, vector<1x1x16xf32>,
          %parallel_loop3A_2511 = vector.shape_cast %parallel_loop3A_2510 : vector<1x1x16xf32> to vector<16xf32>
          %parallel_loop3A_2512 = vector.shape_cast %parallel_loop3A_2503 : vector<16xf32> to vector<1x1x16xf32>
          tpu.vector_store %arg9[%parallel_loop3A_2507, %parallel_loop3A_2508, %parallel_loop3A_2509], %parallel_loop3A_2512 {add = true, strides = array<i32>} : memref<3x200x128xf32, #tpu.memory_space<vmem>>, vector<1x1x16xf32>,
        } {sc.loop_unroll_factor = 4 : i64, sc.parallel_access}
        %add3A_2236 = arith.addi %mul3A_2, %add3A_2203 : i32
        %dma_start3A_2237 = arith.constant 2 : i32
        %dma_start3A_2238 = arith.constant 0 : i32
        %dma_start3A_2239 = arith.constant 0 : i32
        %dma_start3A_2240 = tpu.memref_slice %arg9[%dma_start3A_2237, %dma_start3A_2238, %dma_start3A_2239] : memref<3x200x128xf32, #tpu.memory_space<vmem>> -> memref<1x96x128xf32, #tpu.memory_space<vmem>>
        %dma_start3A_2241 = tpu.memref_squeeze %dma_start3A_2240 : memref<1x96x128xf32, #tpu.memory_space<vmem>> -> memref<96x128xf32, #tpu.memory_space<vmem>>
        %dma_start3A_2242 = arith.constant 0 : i32
        %dma_start3A_2243 = arith.constant 0 : i32
        %dma_start3A_2244 = tpu.memref_slice %arg6[%add3A_2236, %dma_start3A_2242, %dma_start3A_2243] : memref<4096x200x128xf32, #tpu.memory_space<hbm>> -> memref<1x96x128xf32, #tpu.memory_space<hbm>>
        %dma_start3A_2245 = tpu.memref_squeeze %dma_start3A_2244 : memref<1x96x128xf32, #tpu.memory_space<hbm>> -> memref<96x128xf32, #tpu.memory_space<hbm>>
        %dma_start3A_2246 = arith.constant 0 : i32
        %dma_start3A_2247 = arith.constant 0 : i32
        %dma_start3A_2248 = tpu.memref_slice %arg6[%add3A_2236, %dma_start3A_2246, %dma_start3A_2247] : memref<4096x200x128xf32, #tpu.memory_space<hbm>> -> memref<1x96x128xf32, #tpu.memory_space<hbm>>
        %dma_start3A_2249 = tpu.memref_squeeze %dma_start3A_2248 : memref<1x96x128xf32, #tpu.memory_space<hbm>> -> memref<96x128xf32, #tpu.memory_space<hbm>>
        %dma_start3A_2250 = arith.constant 0 : i32
        %dma_start3A_2251 = arith.constant 0 : i32
        %dma_start3A_2252 = tpu.memref_slice %arg9[%dma_start3A_2237, %dma_start3A_2250, %dma_start3A_2251] : memref<3x200x128xf32, #tpu.memory_space<vmem>> -> memref<1x96x128xf32, #tpu.memory_space<vmem>>
        %dma_start3A_2253 = tpu.memref_squeeze %dma_start3A_2252 : memref<1x96x128xf32, #tpu.memory_space<vmem>> -> memref<96x128xf32, #tpu.memory_space<vmem>>
        tpu.enqueue_dma source(%dma_start3A_2253 : memref<96x128xf32, #tpu.memory_space<vmem>>) target(%dma_start3A_2249 : memref<96x128xf32, #tpu.memory_space<hbm>>) target_semaphore(%arg15 : memref<!tpu.dma_semaphore, #tpu.memory_space<semaphore_mem>>)
        %add3A_2254 = arith.addi %mul3A_2, %add3A_2203 : i32
        %dma_start3A_2255 = arith.constant 2 : i32
        %dma_start3A_2256 = arith.constant 96 : i32
        %dma_start3A_2257 = arith.constant 0 : i32
        %dma_start3A_2258 = tpu.memref_slice %arg9[%dma_start3A_2255, %dma_start3A_2256, %dma_start3A_2257] : memref<3x200x128xf32, #tpu.memory_space<vmem>> -> memref<1x104x128xf32, #tpu.memory_space<vmem>>
        %dma_start3A_2259 = tpu.memref_squeeze %dma_start3A_2258 : memref<1x104x128xf32, #tpu.memory_space<vmem>> -> memref<104x128xf32, #tpu.memory_space<vmem>>
        %dma_start3A_2260 = arith.constant 96 : i32
        %dma_start3A_2261 = arith.constant 0 : i32
        %dma_start3A_2262 = tpu.memref_slice %arg6[%add3A_2254, %dma_start3A_2260, %dma_start3A_2261] : memref<4096x200x128xf32, #tpu.memory_space<hbm>> -> memref<1x104x128xf32, #tpu.memory_space<hbm>>
        %dma_start3A_2263 = tpu.memref_squeeze %dma_start3A_2262 : memref<1x104x128xf32, #tpu.memory_space<hbm>> -> memref<104x128xf32, #tpu.memory_space<hbm>>
        %dma_start3A_2264 = arith.constant 96 : i32
        %dma_start3A_2265 = arith.constant 0 : i32
        %dma_start3A_2266 = tpu.memref_slice %arg6[%add3A_2254, %dma_start3A_2264, %dma_start3A_2265] : memref<4096x200x128xf32, #tpu.memory_space<hbm>> -> memref<1x104x128xf32, #tpu.memory_space<hbm>>
        %dma_start3A_2267 = tpu.memref_squeeze %dma_start3A_2266 : memref<1x104x128xf32, #tpu.memory_space<hbm>> -> memref<104x128xf32, #tpu.memory_space<hbm>>
        %dma_start3A_2268 = arith.constant 96 : i32
        %dma_start3A_2269 = arith.constant 0 : i32
        %dma_start3A_2270 = tpu.memref_slice %arg9[%dma_start3A_2255, %dma_start3A_2268, %dma_start3A_2269] : memref<3x200x128xf32, #tpu.memory_space<vmem>> -> memref<1x104x128xf32, #tpu.memory_space<vmem>>
        %dma_start3A_2271 = tpu.memref_squeeze %dma_start3A_2270 : memref<1x104x128xf32, #tpu.memory_space<vmem>> -> memref<104x128xf32, #tpu.memory_space<vmem>>
        tpu.enqueue_dma source(%dma_start3A_2271 : memref<104x128xf32, #tpu.memory_space<vmem>>) target(%dma_start3A_2267 : memref<104x128xf32, #tpu.memory_space<hbm>>) target_semaphore(%arg15 : memref<!tpu.dma_semaphore, #tpu.memory_space<semaphore_mem>>)
      } else {
      }
    }
    %scan3A_2116 = arith.constant 43 : i32
    %dma_wait3A = arith.constant 0 : i32
    %dma_wait3A_2117 = arith.constant 0 : i32
    %dma_wait3A_2118 = arith.constant 0 : i32
    %dma_wait3A_2119 = arith.constant 0 : i32
    %dma_wait3A_2120 = tpu.memref_slice %arg9[%dma_wait3A, %dma_wait3A_2118, %dma_wait3A_2119] : memref<3x200x128xf32, #tpu.memory_space<vmem>> -> memref<1x200x128xf32, #tpu.memory_space<vmem>>
    %dma_wait3A_2121 = tpu.memref_squeeze %dma_wait3A_2120 : memref<1x200x128xf32, #tpu.memory_space<vmem>> -> memref<200x128xf32, #tpu.memory_space<vmem>>
    %dma_wait3A_2122 = arith.constant 0 : i32
    %dma_wait3A_2123 = arith.constant 0 : i32
    %dma_wait3A_2124 = tpu.memref_slice %arg6[%dma_wait3A_2117, %dma_wait3A_2122, %dma_wait3A_2123] : memref<4096x200x128xf32, #tpu.memory_space<hbm>> -> memref<1x200x128xf32, #tpu.memory_space<hbm>>
    %dma_wait3A_2125 = tpu.memref_squeeze %dma_wait3A_2124 : memref<1x200x128xf32, #tpu.memory_space<hbm>> -> memref<200x128xf32, #tpu.memory_space<hbm>>
    %dma_wait3A_2126 = arith.constant 0 : i32
    %dma_wait3A_2127 = arith.constant 0 : i32
    %dma_wait3A_2128 = tpu.memref_slice %arg6[%dma_wait3A_2117, %dma_wait3A_2126, %dma_wait3A_2127] : memref<4096x200x128xf32, #tpu.memory_space<hbm>> -> memref<1x200x128xf32, #tpu.memory_space<hbm>>
    %dma_wait3A_2129 = tpu.memref_squeeze %dma_wait3A_2128 : memref<1x200x128xf32, #tpu.memory_space<hbm>> -> memref<200x128xf32, #tpu.memory_space<hbm>>
    %dma_wait3A_2130 = arith.constant 0 : i32
    %dma_wait3A_2131 = arith.constant 0 : i32
    %dma_wait3A_2132 = tpu.memref_slice %arg9[%dma_wait3A, %dma_wait3A_2130, %dma_wait3A_2131] : memref<3x200x128xf32, #tpu.memory_space<vmem>> -> memref<1x200x128xf32, #tpu.memory_space<vmem>>
    %dma_wait3A_2133 = tpu.memref_squeeze %dma_wait3A_2132 : memref<1x200x128xf32, #tpu.memory_space<vmem>> -> memref<200x128xf32, #tpu.memory_space<vmem>>
    tpu.wait_dma2 semaphore(%arg13 : memref<!tpu.dma_semaphore, #tpu.memory_space<semaphore_mem>>) src(%dma_wait3A_2133 : memref<200x128xf32, #tpu.memory_space<vmem>>) dst(%dma_wait3A_2129 : memref<200x128xf32, #tpu.memory_space<hbm>>)
    %dma_wait3A_2134 = arith.constant 1 : i32
    %dma_wait3A_2135 = arith.constant 0 : i32
    %dma_wait3A_2136 = arith.constant 0 : i32
    %dma_wait3A_2137 = arith.constant 0 : i32
    %dma_wait3A_2138 = tpu.memref_slice %arg9[%dma_wait3A_2134, %dma_wait3A_2136, %dma_wait3A_2137] : memref<3x200x128xf32, #tpu.memory_space<vmem>> -> memref<1x200x128xf32, #tpu.memory_space<vmem>>
    %dma_wait3A_2139 = tpu.memref_squeeze %dma_wait3A_2138 : memref<1x200x128xf32, #tpu.memory_space<vmem>> -> memref<200x128xf32, #tpu.memory_space<vmem>>
    %dma_wait3A_2140 = arith.constant 0 : i32
    %dma_wait3A_2141 = arith.constant 0 : i32
    %dma_wait3A_2142 = tpu.memref_slice %arg6[%dma_wait3A_2135, %dma_wait3A_2140, %dma_wait3A_2141] : memref<4096x200x128xf32, #tpu.memory_space<hbm>> -> memref<1x200x128xf32, #tpu.memory_space<hbm>>
    %dma_wait3A_2143 = tpu.memref_squeeze %dma_wait3A_2142 : memref<1x200x128xf32, #tpu.memory_space<hbm>> -> memref<200x128xf32, #tpu.memory_space<hbm>>
    %dma_wait3A_2144 = arith.constant 0 : i32
    %dma_wait3A_2145 = arith.constant 0 : i32
    %dma_wait3A_2146 = tpu.memref_slice %arg6[%dma_wait3A_2135, %dma_wait3A_2144, %dma_wait3A_2145] : memref<4096x200x128xf32, #tpu.memory_space<hbm>> -> memref<1x200x128xf32, #tpu.memory_space<hbm>>
    %dma_wait3A_2147 = tpu.memref_squeeze %dma_wait3A_2146 : memref<1x200x128xf32, #tpu.memory_space<hbm>> -> memref<200x128xf32, #tpu.memory_space<hbm>>
    %dma_wait3A_2148 = arith.constant 0 : i32
    %dma_wait3A_2149 = arith.constant 0 : i32
    %dma_wait3A_2150 = tpu.memref_slice %arg9[%dma_wait3A_2134, %dma_wait3A_2148, %dma_wait3A_2149] : memref<3x200x128xf32, #tpu.memory_space<vmem>> -> memref<1x200x128xf32, #tpu.memory_space<vmem>>
    %dma_wait3A_2151 = tpu.memref_squeeze %dma_wait3A_2150 : memref<1x200x128xf32, #tpu.memory_space<vmem>> -> memref<200x128xf32, #tpu.memory_space<vmem>>
    tpu.wait_dma2 semaphore(%arg14 : memref<!tpu.dma_semaphore, #tpu.memory_space<semaphore_mem>>) src(%dma_wait3A_2151 : memref<200x128xf32, #tpu.memory_space<vmem>>) dst(%dma_wait3A_2147 : memref<200x128xf32, #tpu.memory_space<hbm>>)
    %dma_wait3A_2152 = arith.constant 2 : i32
    %dma_wait3A_2153 = arith.constant 0 : i32
    %dma_wait3A_2154 = arith.constant 0 : i32
    %dma_wait3A_2155 = arith.constant 0 : i32
    %dma_wait3A_2156 = tpu.memref_slice %arg9[%dma_wait3A_2152, %dma_wait3A_2154, %dma_wait3A_2155] : memref<3x200x128xf32, #tpu.memory_space<vmem>> -> memref<1x200x128xf32, #tpu.memory_space<vmem>>
    %dma_wait3A_2157 = tpu.memref_squeeze %dma_wait3A_2156 : memref<1x200x128xf32, #tpu.memory_space<vmem>> -> memref<200x128xf32, #tpu.memory_space<vmem>>
    %dma_wait3A_2158 = arith.constant 0 : i32
    %dma_wait3A_2159 = arith.constant 0 : i32
    %dma_wait3A_2160 = tpu.memref_slice %arg6[%dma_wait3A_2153, %dma_wait3A_2158, %dma_wait3A_2159] : memref<4096x200x128xf32, #tpu.memory_space<hbm>> -> memref<1x200x128xf32, #tpu.memory_space<hbm>>
    %dma_wait3A_2161 = tpu.memref_squeeze %dma_wait3A_2160 : memref<1x200x128xf32, #tpu.memory_space<hbm>> -> memref<200x128xf32, #tpu.memory_space<hbm>>
    %dma_wait3A_2162 = arith.constant 0 : i32
    %dma_wait3A_2163 = arith.constant 0 : i32
    %dma_wait3A_2164 = tpu.memref_slice %arg6[%dma_wait3A_2153, %dma_wait3A_2162, %dma_wait3A_2163] : memref<4096x200x128xf32, #tpu.memory_space<hbm>> -> memref<1x200x128xf32, #tpu.memory_space<hbm>>
    %dma_wait3A_2165 = tpu.memref_squeeze %dma_wait3A_2164 : memref<1x200x128xf32, #tpu.memory_space<hbm>> -> memref<200x128xf32, #tpu.memory_space<hbm>>
    %dma_wait3A_2166 = arith.constant 0 : i32
    %dma_wait3A_2167 = arith.constant 0 : i32
    %dma_wait3A_2168 = tpu.memref_slice %arg9[%dma_wait3A_2152, %dma_wait3A_2166, %dma_wait3A_2167] : memref<3x200x128xf32, #tpu.memory_space<vmem>> -> memref<1x200x128xf32, #tpu.memory_space<vmem>>
    %dma_wait3A_2169 = tpu.memref_squeeze %dma_wait3A_2168 : memref<1x200x128xf32, #tpu.memory_space<vmem>> -> memref<200x128xf32, #tpu.memory_space<vmem>>
    tpu.wait_dma2 semaphore(%arg15 : memref<!tpu.dma_semaphore, #tpu.memory_space<semaphore_mem>>) src(%dma_wait3A_2169 : memref<200x128xf32, #tpu.memory_space<vmem>>) dst(%dma_wait3A_2165 : memref<200x128xf32, #tpu.memory_space<hbm>>)
    return
  }
}

</mosaic_0001>

<sc_bundles>
// kernel: kernel.3.cloned.1.call-start
scs
__scs_entry_jumppad:
0x0: {  	(pc) =	sbr.rel $0x88, $3  }
0x1: {  	(tag) =	ssettag $0x0;
	lr =	simm.s32 $0x1  }
0x2: {  	[smem:$0x3F9D] =	sst lr;
	_ =	strace $0xD0000000  }
0x3: {  	_ = 	snop  }
0x4: {  	_ = 	snop  }
0x5: {  	_ = 	snop  }
0x6: {  	_ = 	snop  }
0x7: {  	_ = 	snop  }
__scs_overlays_trampoline_lowered:
0x8: {  	[smem:$0x3FAC] =	sst s0  }
0x9: {  	[smem:$0x3FAD] =	sst s1  }
0xa: {  	[smem:$0x3FAE] =	sst s2  }
0xb: {  	[smem:$0x3FAF] =	sst s3  }
0xc: {  	[smem:$0x3FB0] =	sst s4  }
0xd: {  	[smem:$0x3FB1] =	sst s5  }
0xe: {  	[smem:$0x3FB2] =	sst s6  }
0xf: {  	[smem:$0x3FB3] =	sst s7  }
0x10: {  	[smem:$0x3FB4] =	sst s8  }
0x11: {  	[smem:$0x3FB5] =	sst s9;
	s0 =	simm.s32 @!p0 $0x0  }
0x12: {  	s1 =	sld [smem:$0x3F9B];
	s0 =	simm.s32 @p0 $0x1  }
0x13: {  	[smem:$0x3FB6] =	sst s0;
	s0 =	simm.s32 @!p1 $0x0  }
0x14: {  	s2 =	sld [smem:$0x3F9A];
	s0 =	simm.s32 @p1 $0x1  }
0x15: {  	[smem:$0x3FB7] =	sst s0;
	s0 =	simm.s32 @!p2 $0x0  }
0x16: {  	s3 =	sld [smem:$0x3FDB];
	s0 =	simm.s32 @p2 $0x1  }
0x17: {  	s4 =	simm.s32 $0x1BF5;
	[smem:$0x3FB9] =	sst s0  }
0x18: {  	s0 =	sld [smem:$0x3F9C];
	_ =	swait.ge [sflag:s4], $0x0  }
0x19: {  	s7 =	sld [smem:$0x3F9D]  }
0x1a: {  	s8 =	sadd.s32 $0xFFFFE003, lr  }
0x1b: {  	s9 =	sadd.s32 $0xFFFFFEF7, lr;
	s5 =	simm.s32 $0xFFFFFFFF;
	p2 =	slt.u32 s8, $0xFFFFF086  }
0x1c: {  	p1 =	slt.u32 s9, $0xF7A;
	s5 =	simm.s32 @!p2 $0x0  }
0x1d: {  	s5 =	simm.s32 @p1 $0x1;
	p0 =	seq.s32 s7, s2  }
0x1e: {  	s7 =	smul.u32 @!p0 $0xF7A, s2;
	p2 =	seq.s32 @!p0 s5, $0x0  }
0x1f: {  	s9 =	smul.u32 $0xF7A, s1;
	s8 =	simm.s32 @!p0 $0x1BF5;
	p2 =	por !p2, p0  }
0x20: {  	[sflag:s8] =	ssyncset.s32 @!p0 $0xFFFFF086;
	s6 =	sadd.s32 @!p0 s3, s7;
	s7 =	simm.s32 @!p0 $0x108  }
0x21: {  	s3 =	sadd.s32 s3, s9;
	s6 =	sadd.s32 @!p0 $0x88, s6;
	s7 =	simm.s32 @p2 $0x1082  }
0x22: {  	[simem:s7], [sflag:s8] =	dma.local @!p0 [hbm:s6], $0xF7A  }
0x23: {  	s9 =	sor.u32 $0xD0000000, s2;
	s6 =	simm.s32 $0x108;
	_ =	swait.ge @!p0 [sflag:s8], $0x0  }
0x24: {  	s3 =	sadd.s32 $0x88, s3;
	s6 =	simm.s32 @!p1 $0x1082;
	[sflag:s4] =	ssyncset.s32 $0xFFFFF086  }
0x25: {  	[simem:s6], [sflag:s4] =	dma.local [hbm:s3], $0xF7A  }
0x26: {  	[smem:$0x3F9D] =	sst s1;
	(tag) =	ssettag s2;
	_ =	strace s9  }
0x27: {  	s1 =	sld [smem:$0x3FAD]  }
0x28: {  	s2 =	sld [smem:$0x3FAE]  }
0x29: {  	s4 =	sld [smem:$0x3FB0]  }
0x2a: {  	p0 =	seq.s32 s5, $0x0;
	s5 =	sld [smem:$0x3FB1]  }
0x2b: {  	s6 =	sld [smem:$0x3FB2]  }
0x2c: {  	s7 =	sld [smem:$0x3FB3]  }
0x2d: {  	s3 =	simm.s32 $0x108;
	s8 =	sld [smem:$0x3FB4]  }
0x2e: {  	s3 =	simm.s32 @!p0 $0x1082;
	s9 =	sld [smem:$0x3FB5]  }
0x2f: {  	lr =	sadd.s32 s0, s3;
	s0 =	sld [smem:$0x3FAC]  }
0x30: {  	s3 =	sld [smem:$0x3FAF]  }
0x31: {  	[smem:$0x3FB8] =	sst s10  }
0x32: {  	s10 =	sld [smem:$0x3FB6];
	_ =	sdelay $0x3  }
0x33: {  	p0 =	seq.s32 s10, $0x1;
	s10 =	sld [smem:$0x3FB8];
	_ =	sdelay $0x3  }
0x34: {  	[smem:$0x3FB8] =	sst s10  }
0x35: {  	s10 =	sld [smem:$0x3FB7];
	_ =	sdelay $0x3  }
0x36: {  	p1 =	seq.s32 s10, $0x1;
	s10 =	sld [smem:$0x3FB8];
	_ =	sdelay $0x3  }
0x37: {  	[smem:$0x3FB8] =	sst s10  }
0x38: {  	s10 =	sld [smem:$0x3FB9]  }
0x39: {  	_ = 	snop;
	(pc) =	sbr.ind lr, $3  }
0x3a: {  	_ = 	snop  }
0x3b: {  	_ = 	snop  }
0x3c: {  	p2 =	seq.s32 s10, $0x1;
	s10 =	sld [smem:$0x3FB8]  }
0x3d: {  	_ =	shalt  }
0x3e: {  	_ =	shalt  }
0x3f: {  	_ =	shalt  }
0x40: {  	_ =	shalt  }
0x41: {  	_ =	shalt  }
0x42: {  	_ =	shalt  }
0x43: {  	_ =	shalt  }
0x44: {  	_ =	shalt  }
0x45: {  	_ =	shalt  }
0x46: {  	_ =	shalt  }
0x47: {  	_ =	shalt  }
0x48: {  	_ =	shalt  }
0x49: {  	_ =	shalt  }
0x4a: {  	_ =	shalt  }
0x4b: {  	_ =	shalt  }
0x4c: {  	_ =	shalt  }
0x4d: {  	_ =	shalt  }
0x4e: {  	_ =	shalt  }
0x4f: {  	_ =	shalt  }
0x50: {  	_ =	shalt  }
0x51: {  	_ =	shalt  }
0x52: {  	_ =	shalt  }
0x53: {  	_ =	shalt  }
0x54: {  	_ =	shalt  }
0x55: {  	_ =	shalt  }
0x56: {  	_ =	shalt  }
0x57: {  	_ =	shalt  }
0x58: {  	_ =	shalt  }
0x59: {  	_ =	shalt  }
0x5a: {  	_ =	shalt  }
0x5b: {  	_ =	shalt  }
0x5c: {  	_ =	shalt  }
0x5d: {  	_ =	shalt  }
0x5e: {  	_ =	shalt  }
0x5f: {  	_ =	shalt  }
0x60: {  	_ =	shalt  }
0x61: {  	_ =	shalt  }
0x62: {  	_ =	shalt  }
0x63: {  	_ =	shalt  }
0x64: {  	_ =	shalt  }
0x65: {  	_ =	shalt  }
0x66: {  	_ =	shalt  }
0x67: {  	_ =	shalt  }
0x68: {  	_ =	shalt  }
0x69: {  	_ =	shalt  }
0x6a: {  	_ =	shalt  }
0x6b: {  	_ =	shalt  }
0x6c: {  	_ =	shalt  }
0x6d: {  	_ =	shalt  }
0x6e: {  	_ =	shalt  }
0x6f: {  	_ =	shalt  }
0x70: {  	_ =	shalt  }
0x71: {  	_ =	shalt  }
0x72: {  	_ =	shalt  }
0x73: {  	_ =	shalt  }
0x74: {  	_ =	shalt  }
0x75: {  	_ =	shalt  }
0x76: {  	_ =	shalt  }
0x77: {  	_ =	shalt  }
0x78: {  	_ =	shalt  }
0x79: {  	_ =	shalt  }
0x7a: {  	_ =	shalt  }
0x7b: {  	_ =	shalt  }
0x7c: {  	_ =	shalt  }
0x7d: {  	_ =	shalt  }
0x7e: {  	_ =	shalt  }
0x7f: {  	_ =	shalt  }
0x80: {  	_ =	shalt  }
0x81: {  	_ =	shalt  }
0x82: {  	_ =	shalt  }
0x83: {  	_ =	shalt  }
0x84: {  	_ =	shalt  }
0x85: {  	_ =	shalt  }
0x86: {  	_ =	shalt  }
0x87: {  	_ =	shalt  }
.Lfunc_end0:
.L_simem_size_0:
called_computation_lowered:
.L_overlay_start_0:
0x88: {  	s2 =	sld [smem:$0x3FD9]  }
0x89: {  	s3 =	sld [smem:$0x3FFE];
	_ =	sdelay $0x1  }
0x8a: {  	s1 =	srdreg.scid  }
0x8b: {  	s0 =	sand.u32 $0x1, s1  }
0x8c: {  	s17 =	sshll.u32 s0, $0xA;
	s2 =	sadd.s32 s3, s2  }
0x8d: {  	s2 =	sadd.s32 s2, s17  }
0x8e: {  	[smem:$0x3FC4] =	sst s2  }
0x8f: {  	_ = 	snop  }
0x90: {  	s2 =	sld [smem:$0x3FC8]  }
0x91: {  	s18 =	sld [smem:$0x3FC7]  }
0x92: {  	s4 =	sld [smem:$0x3FC6]  }
0x93: {  	s5 =	sld [smem:$0x3FD0];
	(tm) =	ssettm $0x1  }
0x94: {  	s6 =	sld [smem:$0x3FFB];
	_ =	sdelay $0x3  }
0x95: {  	_ =	strace s6  }
0x96: {  	s6 =	sld [smem:$0x3FFC];
	_ =	sdelay $0x3  }
0x97: {  	_ =	strace s6  }
0x98: {  	s6 =	sld [smem:$0x3FFD];
	_ =	sdelay $0x3  }
0x99: {  	_ =	strace s6  }
0x9a: {  	_ =	strace $0x8FFFFFFF  }
0x9b: {  	s19 =	sld [smem:$0x3FDB];
	_ =	sdelay $0x1  }
0x9c: {  	s7 =	simm.s32 $_scs_section_size  }
0x9d: {  	s8 =	simm.s32 $_size__tile_overlayer_lowered;
	s9 =	simm.s32 $_tile_overlayer_lowered  }
0x9e: {  	s22 =	simm.s32 $0x1BFF;
	s21 =	sshll.u32 s9, $0x1;
	s6 =	sadd.s32 s7, s19  }
0x9f: {  	s10 =	simm.s32 $0x0;
	s20 =	sshll.u32 s8, $0x1;
	s8 =	sadd.s32 s21, s6  }
0xa0: {  	[timem:s10], [sflag:s22] =	dma.local [hbm:s8], s20  }
0xa1: {  	_ =	swait.ge [sflag:s22], s20  }
0xa2: {  	s7 =	ssub.s32 $0x0, s20;
	[sflag:s22] =	ssyncset.done $0x0  }
0xa3: {  	[sflag:s22] =	ssyncadd.s32 s7;
	_ =	sdelay $0x1  }
0xa4: {  	s23 =	simm.s32 $0x1B8B  }
0xa5: {  	_ =	swait.ge [sflag:s23], $0x1  }
0xa6: {  	[sflag:s23] =	ssyncset.done $0x0  }
0xa7: {  	s25 =	simm.s32 $0x1B8E;
	s24 =	sld [smem:$0x3FFE];
	[sflag:s23] =	ssyncadd.s32 $0xFFFFFFFF  }
0xa8: {  	s26 =	simm.s32 $execute0_lowered;
	[smem:$0x3FD2] =	sst s25  }
0xa9: {  	s8 =	sshll.u32 s26, $0x1;
	_ =	strace $0x80000046;
	[dreg:$0x1] =	wrdreg $0xFFFFFFFF  }
0xaa: {  	s28 =	simm.s32 $_size_execute0_lowered;
	s6 =	sadd.s32 s6, s8;
	[dreg:$0x0] =	wrdreg $0x0  }
0xab: {  	s8 =	sshll.u32 s28, $0x1;
	[dreg:$0x2] =	wrdreg s6  }
0xac: {  	[dreg:$0x3] =	wrdreg s8  }
0xad: {  	[dreg:$0x4] =	wrdreg $0xC0  }
0xae: {  	_ =	task [dreg:s10], $0x5FFFF  }
0xaf: {  	[dreg:$0x1] =	wrdreg $0xFFFFFFFF  }
0xb0: {  	[dreg:$0x0] =	wrdreg $0x60  }
0xb1: {  	[dreg:$0x2] =	wrdreg s24  }
0xb2: {  	[dreg:$0x3] =	wrdreg s18  }
0xb3: {  	[dreg:$0x4] =	wrdreg s4  }
0xb4: {  	[dreg:$0x5] =	wrdreg s2  }
0xb5: {  	[dreg:$0x6] =	wrdreg s5  }
0xb6: {  	[dreg:$0x7] =	wrdreg $0x9  }
0xb7: {  	_ =	task.clear_ibuf [dreg:s10], $0x8FFFF;
	_ =	strace $0x90000046  }
0xb8: {  	s29 =	simm.s32 $0x9;
	_ =	strace $0x80000048  }
0xb9: {  	_ =	swait.ge [sflag:s29], $0x1  }
0xba: {  	[sflag:s29] =	ssyncadd.s32 $0xFFFFFFFF  }
0xbb: {  	_ =	strace $0x90000048  }
0xbc: {  	_ =	sfence  }
0xbd: {  	s30 =	sld [smem:$0x0];
	_ =	sdelay $0x2  }
0xbe: {  	s31 =	sshll.u32 s1, $0xD;
	s1 =	sshrl.u32 s1, $0x2  }
0xbf: {  	s3 =	sand.u32 $0x4000, s31;
	s1 =	sadd.s32 s1, s30  }
0xc0: {  	s0 =	sor.u32 s3, s0;
	s1 =	sshll.u32 s1, $0x11  }
0xc1: {  	s0 =	sor.u32 s1, s0  }
0xc2: {  	s0 =	sadd.s32 $0x8F2B, s0  }
0xc3: {  	[sflag:s0] =	ssyncadd.remote.s32 $0x1  }
0xc4: {  	_ =	sfence.sel $0xFFFF  }
0xc5: {  	[dreg:$0x0] =	wrdreg $0xFFFFFFFF;
	(pc) =	sbr.abs _section_cstart, $3  }
0xc6: {  	[dreg:$0x1] =	wrdreg $0xFFFFFFFF  }
0xc7: {  	_ =	task.clear_ibuf [dreg:s10], $0x2FFFF;
	_ =	strace $0x9FFFFFFF  }
0xc8: {  	(tm) =	ssettm $0x7FFFFFFF  }
0xc9: {  	_ =	shalt  }
tec
execute0_lowered:
.L_overlay_start_1:
0x0: {  	(tag) =	ssettag $0x1  }
0x1: {  	s0 =	rddreg [dreg:$0x0]  }
0x2: {  	s4 =	rddreg [dreg:$0x3];
	s1 =	srdreg.scid  }
0x3: {  	s2 =	stileid.u32;
	s5 =	rddreg [dreg:$0x4]  }
0x4: {  	s6 =	simm.s32 $0x0;
	s15 =	simm.s32 $0x6780;
	s16 =	simm.s32 $0x68  }
0x5: {  	s17 =	simm.s32 $0x60;
	s18 =	simm.s32 $0x9B80;
	s20 =	simm.s32 $0x8  }
0x6: {  	s21 =	simm.s32 $0xCB80;
	s22 =	simm.s32 $0xFF80;
	s23 =	simm.s32 $0x1  }
0x7: {  	s24 =	simm.s32 $0x9780;
	s25 =	simm.s32 $0x9;
	s29 =	simm.s32 $0x2  }
0x8: {  	s30 =	simm.s32 $0xFB80;
	s31 =	simm.s32 $0x4;
	s9 =	simm.s32 $0x0  }
0x9: {  	s13 =	simm.s32 $0x16380;
	s1 =	sand.u32 $0x1, s1;
	s2 =	sshll.u32 s2, $0x1  }
0xa: {  	[smem:$0x7FF] =	sst s6;
	s7 =	sadd.s32 $0x400, s0;
	s2 =	sor.u32 s1, s2  }
0xb: {  	s1 =	ssub.s32 $0x2, s1;
	_ =	strace $0x80000047;
	s3 =	smul.u32 $0xC80, s2  }
.Ltmp0:
0xc: {  	s26 =	sshrl.u32 s1, $0x1;
	s8 =	sshll.u32 s2, $0x7;
	(pc) =	sbr.rel .LBB2_1-.Ltmp0, $4  }
0xd: {  	s2 =	simm.s32 $0x3;
	s0 =	ssub.s32 s1, s26;
	s28 =	sadd.s32 s7, s3  }
0xe: {  	s11 =	sor.u32 $0x4, s8;
	s0 =	smax.u32 s0, $0x1;
	[dreg:$0x6] =	wrdreg s28  }
0xf: {  	s26 =	simm.s32 $0x12F80;
	s1 =	sadd.s32 $0x19, s28;
	[dreg:$0x8] =	wrdreg s0  }
0x10: {  	s0 =	simm.s32 $0x6;
	[dreg:$0x7] =	wrdreg s1;
	s1 =	simm.s32 $0x7  }
.LBB2_14:
0x11: {  	_ =	swait.ge [sflag:s31], $0x6400  }
0x12: {  	[sflag:s31] =	ssyncset.done $0x0  }
0x13: {  	s3 =	simm.s32 $0x5;
	[sflag:s31] =	ssyncadd.s32 $0xFFFF9C00  }
0x14: {  	_ =	swait.ge [sflag:s3], $0x6400  }
0x15: {  	[sflag:s3] =	ssyncset.done $0x0  }
0x16: {  	[sflag:s3] =	ssyncadd.s32 $0xFFFF9C00  }
0x17: {  	_ =	swait.ge [sflag:s0], $0x6400  }
0x18: {  	s9 =	rddreg [dreg:$0x9]  }
0x19: {  	s28 =	rddreg [dreg:$0x8];
	s9 =	sadd.s32 $0x1, s9  }
0x1a: {  	p0 =	sne.s32 s9, s28  }
.Ltmp1:
0x1b: {  	_ = 	snop;
	(pc) =	sbr.rel @!p0 .LBB2_15-.Ltmp1, $3  }
0x1c: {  	_ =	sdelay $0x1  }
0x1d: {  	[sflag:s0] =	ssyncset.done $0x0  }
0x1e: {  	[sflag:s0] =	ssyncadd.s32 $0xFFFF9C00  }
.LBB2_1:
0x1f: {  	[dreg:$0x9] =	wrdreg s9  }
0x20: {  	s3 =	rddreg [dreg:$0x2];
	s28 =	simm.s32 $0x380;
	s10 =	simm.s32 $0xA  }
0x21: {  	[tilespmem:s28], [sflag:$0xA] =	stream.linear.gather [hbm4b:s3+s6], $0x6400, $0x38;
	[tilespmem:$0x19380] =	vst v63  }
0x22: {  	_ =	swait.ge [sflag:s10], $0x6400  }
0x23: {  	[sflag:s10] =	ssyncset.done $0x0  }
0x24: {  	[sflag:s10] =	ssyncadd.s32 $0xFFFF9C00  }
0x25: {  	s12 =	rddreg [dreg:$0x1]  }
0x26: {  	[tilespmem:s15], [sflag:$0xA] =	stream.linear.gather [hbm4b:s12+s6], $0xC00, $0x38;
	[tilespmem:$0x19380] =	vst v63  }
0x27: {  	_ =	swait.ge [sflag:s10], $0xC00  }
0x28: {  	[sflag:s10] =	ssyncset.done $0x0  }
0x29: {  	[sflag:s10] =	ssyncadd.s32 $0xFFFFF400  }
0x2a: {  	v0 =	vld [tilespmem:$0x6780]  }
0x2b: {  	v1 =	vld [tilespmem:$0x6790]  }
0x2c: {  	v2 =	vld [tilespmem:$0x67A0]  }
0x2d: {  	v3 =	vld [tilespmem:$0x67B0]  }
0x2e: {  	v4 =	vld [tilespmem:$0x67C0]  }
0x2f: {  	v21 =	vld [tilespmem:$0x67D0];
	[tilespmem:$0x380] =	vst v0  }
0x30: {  	v22 =	vld [tilespmem:$0x67E0];
	[tilespmem:$0x390] =	vst v1  }
0x31: {  	v23 =	vld [tilespmem:$0x67F0];
	[tilespmem:$0x3A0] =	vst v2  }
0x32: {  	v24 =	vld [tilespmem:$0x6800];
	[tilespmem:$0x3B0] =	vst v3  }
0x33: {  	v25 =	vld [tilespmem:$0x6810];
	[tilespmem:$0x3C0] =	vst v4  }
0x34: {  	v26 =	vld [tilespmem:$0x6820];
	[tilespmem:$0x3D0] =	vst v21  }
0x35: {  	v27 =	vld [tilespmem:$0x6830];
	[tilespmem:$0x3E0] =	vst v22  }
0x36: {  	v28 =	vld [tilespmem:$0x6840];
	[tilespmem:$0x3F0] =	vst v23  }
0x37: {  	v29 =	vld [tilespmem:$0x6850];
	[tilespmem:$0x400] =	vst v24  }
0x38: {  	v30 =	vld [tilespmem:$0x6860];
	[tilespmem:$0x410] =	vst v25  }
0x39: {  	v31 =	vld [tilespmem:$0x6870];
	[tilespmem:$0x420] =	vst v26  }
0x3a: {  	v32 =	vld [tilespmem:$0x6880];
	[tilespmem:$0x430] =	vst v27  }
0x3b: {  	v33 =	vld [tilespmem:$0x6890];
	[tilespmem:$0x440] =	vst v28  }
0x3c: {  	v34 =	vld [tilespmem:$0x68A0];
	[tilespmem:$0x450] =	vst v29  }
0x3d: {  	v35 =	vld [tilespmem:$0x68B0];
	[tilespmem:$0x460] =	vst v30  }
0x3e: {  	v36 =	vld [tilespmem:$0x68C0];
	[tilespmem:$0x470] =	vst v31  }
0x3f: {  	v37 =	vld [tilespmem:$0x68D0];
	[tilespmem:$0x480] =	vst v32  }
0x40: {  	v38 =	vld [tilespmem:$0x68E0];
	[tilespmem:$0x490] =	vst v33  }
0x41: {  	v39 =	vld [tilespmem:$0x68F0];
	[tilespmem:$0x4A0] =	vst v34  }
0x42: {  	v40 =	vld [tilespmem:$0x6900];
	[tilespmem:$0x4B0] =	vst v35  }
0x43: {  	v41 =	vld [tilespmem:$0x6910];
	[tilespmem:$0x4C0] =	vst v36  }
0x44: {  	v42 =	vld [tilespmem:$0x6920];
	[tilespmem:$0x4D0] =	vst v37  }
0x45: {  	v43 =	vld [tilespmem:$0x6930];
	[tilespmem:$0x4E0] =	vst v38  }
0x46: {  	v44 =	vld [tilespmem:$0x6940];
	[tilespmem:$0x4F0] =	vst v39  }
0x47: {  	v45 =	vld [tilespmem:$0x6950];
	[tilespmem:$0x500] =	vst v40  }
0x48: {  	v46 =	vld [tilespmem:$0x6960];
	[tilespmem:$0x510] =	vst v41  }
0x49: {  	v47 =	vld [tilespmem:$0x6970];
	[tilespmem:$0x520] =	vst v42  }
0x4a: {  	v48 =	vld [tilespmem:$0x6980];
	[tilespmem:$0x530] =	vst v43  }
0x4b: {  	v49 =	vld [tilespmem:$0x6990];
	[tilespmem:$0x540] =	vst v44  }
0x4c: {  	v50 =	vld [tilespmem:$0x69A0];
	[tilespmem:$0x550] =	vst v45  }
0x4d: {  	v51 =	vld [tilespmem:$0x69B0];
	[tilespmem:$0x560] =	vst v46  }
0x4e: {  	v52 =	vld [tilespmem:$0x69C0];
	[tilespmem:$0x570] =	vst v47  }
0x4f: {  	v53 =	vld [tilespmem:$0x69D0];
	[tilespmem:$0x580] =	vst v48  }
0x50: {  	v54 =	vld [tilespmem:$0x69E0];
	[tilespmem:$0x590] =	vst v49  }
0x51: {  	v55 =	vld [tilespmem:$0x69F0];
	[tilespmem:$0x5A0] =	vst v50  }
0x52: {  	v56 =	vld [tilespmem:$0x6A00];
	[tilespmem:$0x5B0] =	vst v51  }
0x53: {  	v57 =	vld [tilespmem:$0x6A10];
	[tilespmem:$0x5C0] =	vst v52  }
0x54: {  	v58 =	vld [tilespmem:$0x6A20];
	[tilespmem:$0x5D0] =	vst v53  }
0x55: {  	v59 =	vld [tilespmem:$0x6A30];
	[tilespmem:$0x5E0] =	vst v54  }
0x56: {  	v60 =	vld [tilespmem:$0x6A40];
	[tilespmem:$0x5F0] =	vst v55  }
0x57: {  	v61 =	vld [tilespmem:$0x6A50];
	[tilespmem:$0x600] =	vst v56  }
0x58: {  	v62 =	vld [tilespmem:$0x6A60];
	[tilespmem:$0x610] =	vst v57  }
0x59: {  	v63 =	vld [tilespmem:$0x6A70];
	[tilespmem:$0x620] =	vst v58  }
0x5a: {  	v8 =	vld [tilespmem:$0x6A80];
	[tilespmem:$0x630] =	vst v59  }
0x5b: {  	v9 =	vld [tilespmem:$0x6A90];
	[tilespmem:$0x640] =	vst v60  }
0x5c: {  	v10 =	vld [tilespmem:$0x6AA0];
	[tilespmem:$0x650] =	vst v61  }
0x5d: {  	v11 =	vld [tilespmem:$0x6AB0];
	[tilespmem:$0x660] =	vst v62  }
0x5e: {  	v12 =	vld [tilespmem:$0x6AC0];
	[tilespmem:$0x670] =	vst v63  }
0x5f: {  	v13 =	vld [tilespmem:$0x6AD0];
	[tilespmem:$0x680] =	vst v8  }
0x60: {  	v14 =	vld [tilespmem:$0x6AE0];
	[tilespmem:$0x690] =	vst v9  }
0x61: {  	v15 =	vld [tilespmem:$0x6AF0];
	[tilespmem:$0x6A0] =	vst v10  }
0x62: {  	v16 =	vld [tilespmem:$0x6B00];
	[tilespmem:$0x6B0] =	vst v11  }
0x63: {  	v17 =	vld [tilespmem:$0x6B10];
	[tilespmem:$0x6C0] =	vst v12  }
0x64: {  	v18 =	vld [tilespmem:$0x6B20];
	[tilespmem:$0x6D0] =	vst v13  }
0x65: {  	v19 =	vld [tilespmem:$0x6B30];
	[tilespmem:$0x6E0] =	vst v14  }
0x66: {  	v20 =	vld [tilespmem:$0x6B40];
	[tilespmem:$0x6F0] =	vst v15  }
0x67: {  	[tilespmem:$0x700] =	vst v16;
	v21 =	vld [tilespmem:$0x6B50]  }
0x68: {  	[tilespmem:$0x710] =	vst v17;
	v22 =	vld [tilespmem:$0x6B60]  }
0x69: {  	[tilespmem:$0x720] =	vst v18;
	v23 =	vld [tilespmem:$0x6B70]  }
0x6a: {  	[tilespmem:$0x730] =	vst v19;
	v24 =	vld [tilespmem:$0x6B80]  }
0x6b: {  	[tilespmem:$0x740] =	vst v20;
	v25 =	vld [tilespmem:$0x6B90]  }
0x6c: {  	v26 =	vld [tilespmem:$0x6BA0];
	[tilespmem:$0x750] =	vst v21  }
0x6d: {  	v27 =	vld [tilespmem:$0x6BB0];
	[tilespmem:$0x760] =	vst v22  }
0x6e: {  	v28 =	vld [tilespmem:$0x6BC0];
	[tilespmem:$0x770] =	vst v23  }
0x6f: {  	v29 =	vld [tilespmem:$0x6BD0];
	[tilespmem:$0x780] =	vst v24  }
0x70: {  	v30 =	vld [tilespmem:$0x6BE0];
	[tilespmem:$0x790] =	vst v25  }
0x71: {  	v31 =	vld [tilespmem:$0x6BF0];
	[tilespmem:$0x7A0] =	vst v26  }
0x72: {  	v32 =	vld [tilespmem:$0x6C00];
	[tilespmem:$0x7B0] =	vst v27  }
0x73: {  	v33 =	vld [tilespmem:$0x6C10];
	[tilespmem:$0x7C0] =	vst v28  }
0x74: {  	v34 =	vld [tilespmem:$0x6C20];
	[tilespmem:$0x7D0] =	vst v29  }
0x75: {  	v35 =	vld [tilespmem:$0x6C30];
	[tilespmem:$0x7E0] =	vst v30  }
0x76: {  	v36 =	vld [tilespmem:$0x6C40];
	[tilespmem:$0x7F0] =	vst v31  }
0x77: {  	v37 =	vld [tilespmem:$0x6C50];
	[tilespmem:$0x800] =	vst v32  }
0x78: {  	v38 =	vld [tilespmem:$0x6C60];
	[tilespmem:$0x810] =	vst v33  }
0x79: {  	v39 =	vld [tilespmem:$0x6C70];
	[tilespmem:$0x820] =	vst v34  }
0x7a: {  	v40 =	vld [tilespmem:$0x6C80];
	[tilespmem:$0x830] =	vst v35  }
0x7b: {  	v41 =	vld [tilespmem:$0x6C90];
	[tilespmem:$0x840] =	vst v36  }
0x7c: {  	v42 =	vld [tilespmem:$0x6CA0];
	[tilespmem:$0x850] =	vst v37  }
0x7d: {  	v43 =	vld [tilespmem:$0x6CB0];
	[tilespmem:$0x860] =	vst v38  }
0x7e: {  	v44 =	vld [tilespmem:$0x6CC0];
	[tilespmem:$0x870] =	vst v39  }
0x7f: {  	v45 =	vld [tilespmem:$0x6CD0];
	[tilespmem:$0x880] =	vst v40  }
0x80: {  	v46 =	vld [tilespmem:$0x6CE0];
	[tilespmem:$0x890] =	vst v41  }
0x81: {  	v47 =	vld [tilespmem:$0x6CF0];
	[tilespmem:$0x8A0] =	vst v42  }
0x82: {  	v48 =	vld [tilespmem:$0x6D00];
	[tilespmem:$0x8B0] =	vst v43  }
0x83: {  	v49 =	vld [tilespmem:$0x6D10];
	[tilespmem:$0x8C0] =	vst v44  }
0x84: {  	v50 =	vld [tilespmem:$0x6D20];
	[tilespmem:$0x8D0] =	vst v45  }
0x85: {  	v51 =	vld [tilespmem:$0x6D30];
	[tilespmem:$0x8E0] =	vst v46  }
0x86: {  	v52 =	vld [tilespmem:$0x6D40];
	[tilespmem:$0x8F0] =	vst v47  }
0x87: {  	v53 =	vld [tilespmem:$0x6D50];
	[tilespmem:$0x900] =	vst v48  }
0x88: {  	v54 =	vld [tilespmem:$0x6D60];
	[tilespmem:$0x910] =	vst v49  }
0x89: {  	v55 =	vld [tilespmem:$0x6D70];
	[tilespmem:$0x920] =	vst v50  }
0x8a: {  	v56 =	vld [tilespmem:$0x6D80];
	[tilespmem:$0x930] =	vst v51  }
0x8b: {  	v57 =	vld [tilespmem:$0x6D90];
	[tilespmem:$0x940] =	vst v52  }
0x8c: {  	v58 =	vld [tilespmem:$0x6DA0];
	[tilespmem:$0x950] =	vst v53  }
0x8d: {  	v59 =	vld [tilespmem:$0x6DB0];
	[tilespmem:$0x960] =	vst v54  }
0x8e: {  	v60 =	vld [tilespmem:$0x6DC0];
	[tilespmem:$0x970] =	vst v55  }
0x8f: {  	v61 =	vld [tilespmem:$0x6DD0];
	[tilespmem:$0x980] =	vst v56  }
0x90: {  	v62 =	vld [tilespmem:$0x6DE0];
	[tilespmem:$0x990] =	vst v57  }
0x91: {  	v63 =	vld [tilespmem:$0x6DF0];
	[tilespmem:$0x9A0] =	vst v58  }
0x92: {  	v8 =	vld [tilespmem:$0x6E00];
	[tilespmem:$0x9B0] =	vst v59  }
0x93: {  	v9 =	vld [tilespmem:$0x6E10];
	[tilespmem:$0x9C0] =	vst v60  }
0x94: {  	v10 =	vld [tilespmem:$0x6E20];
	[tilespmem:$0x9D0] =	vst v61  }
0x95: {  	v11 =	vld [tilespmem:$0x6E30];
	[tilespmem:$0x9E0] =	vst v62  }
0x96: {  	v12 =	vld [tilespmem:$0x6E40];
	[tilespmem:$0x9F0] =	vst v63  }
0x97: {  	v13 =	vld [tilespmem:$0x6E50];
	[tilespmem:$0xA00] =	vst v8  }
0x98: {  	v14 =	vld [tilespmem:$0x6E60];
	[tilespmem:$0xA10] =	vst v9  }
0x99: {  	v15 =	vld [tilespmem:$0x6E70];
	[tilespmem:$0xA20] =	vst v10  }
0x9a: {  	v16 =	vld [tilespmem:$0x6E80];
	[tilespmem:$0xA30] =	vst v11  }
0x9b: {  	v17 =	vld [tilespmem:$0x6E90];
	[tilespmem:$0xA40] =	vst v12  }
0x9c: {  	v18 =	vld [tilespmem:$0x6EA0];
	[tilespmem:$0xA50] =	vst v13  }
0x9d: {  	v19 =	vld [tilespmem:$0x6EB0];
	[tilespmem:$0xA60] =	vst v14  }
0x9e: {  	v20 =	vld [tilespmem:$0x6EC0];
	[tilespmem:$0xA70] =	vst v15  }
0x9f: {  	[tilespmem:$0xA80] =	vst v16;
	v21 =	vld [tilespmem:$0x6ED0]  }
0xa0: {  	[tilespmem:$0xA90] =	vst v17;
	v22 =	vld [tilespmem:$0x6EE0]  }
0xa1: {  	[tilespmem:$0xAA0] =	vst v18;
	v23 =	vld [tilespmem:$0x6EF0]  }
0xa2: {  	[tilespmem:$0xAB0] =	vst v19;
	v24 =	vld [tilespmem:$0x6F00]  }
0xa3: {  	[tilespmem:$0xAC0] =	vst v20;
	v25 =	vld [tilespmem:$0x6F10]  }
0xa4: {  	v26 =	vld [tilespmem:$0x6F20];
	[tilespmem:$0xAD0] =	vst v21  }
0xa5: {  	v27 =	vld [tilespmem:$0x6F30];
	[tilespmem:$0xAE0] =	vst v22  }
0xa6: {  	v28 =	vld [tilespmem:$0x6F40];
	[tilespmem:$0xAF0] =	vst v23  }
0xa7: {  	v29 =	vld [tilespmem:$0x6F50];
	[tilespmem:$0xB00] =	vst v24  }
0xa8: {  	v30 =	vld [tilespmem:$0x6F60];
	[tilespmem:$0xB10] =	vst v25  }
0xa9: {  	v31 =	vld [tilespmem:$0x6F70];
	[tilespmem:$0xB20] =	vst v26  }
0xaa: {  	v32 =	vld [tilespmem:$0x6F80];
	[tilespmem:$0xB30] =	vst v27  }
0xab: {  	v33 =	vld [tilespmem:$0x6F90];
	[tilespmem:$0xB40] =	vst v28  }
0xac: {  	v34 =	vld [tilespmem:$0x6FA0];
	[tilespmem:$0xB50] =	vst v29  }
0xad: {  	v35 =	vld [tilespmem:$0x6FB0];
	[tilespmem:$0xB60] =	vst v30  }
0xae: {  	v36 =	vld [tilespmem:$0x6FC0];
	[tilespmem:$0xB70] =	vst v31  }
0xaf: {  	v37 =	vld [tilespmem:$0x6FD0];
	[tilespmem:$0xB80] =	vst v32  }
0xb0: {  	v38 =	vld [tilespmem:$0x6FE0];
	[tilespmem:$0xB90] =	vst v33  }
0xb1: {  	v39 =	vld [tilespmem:$0x6FF0];
	[tilespmem:$0xBA0] =	vst v34  }
0xb2: {  	v40 =	vld [tilespmem:$0x7000];
	[tilespmem:$0xBB0] =	vst v35  }
0xb3: {  	v41 =	vld [tilespmem:$0x7010];
	[tilespmem:$0xBC0] =	vst v36  }
0xb4: {  	v42 =	vld [tilespmem:$0x7020];
	[tilespmem:$0xBD0] =	vst v37  }
0xb5: {  	v43 =	vld [tilespmem:$0x7030];
	[tilespmem:$0xBE0] =	vst v38  }
0xb6: {  	v44 =	vld [tilespmem:$0x7040];
	[tilespmem:$0xBF0] =	vst v39  }
0xb7: {  	v45 =	vld [tilespmem:$0x7050];
	[tilespmem:$0xC00] =	vst v40  }
0xb8: {  	v46 =	vld [tilespmem:$0x7060];
	[tilespmem:$0xC10] =	vst v41  }
0xb9: {  	v47 =	vld [tilespmem:$0x7070];
	[tilespmem:$0xC20] =	vst v42  }
0xba: {  	v48 =	vld [tilespmem:$0x7080];
	[tilespmem:$0xC30] =	vst v43  }
0xbb: {  	v49 =	vld [tilespmem:$0x7090];
	[tilespmem:$0xC40] =	vst v44  }
0xbc: {  	v50 =	vld [tilespmem:$0x70A0];
	[tilespmem:$0xC50] =	vst v45  }
0xbd: {  	v51 =	vld [tilespmem:$0x70B0];
	[tilespmem:$0xC60] =	vst v46  }
0xbe: {  	v52 =	vld [tilespmem:$0x70C0];
	[tilespmem:$0xC70] =	vst v47  }
0xbf: {  	v53 =	vld [tilespmem:$0x70D0];
	[tilespmem:$0xC80] =	vst v48  }
0xc0: {  	v54 =	vld [tilespmem:$0x70E0];
	[tilespmem:$0xC90] =	vst v49  }
0xc1: {  	v55 =	vld [tilespmem:$0x70F0];
	[tilespmem:$0xCA0] =	vst v50  }
0xc2: {  	v56 =	vld [tilespmem:$0x7100];
	[tilespmem:$0xCB0] =	vst v51  }
0xc3: {  	v57 =	vld [tilespmem:$0x7110];
	[tilespmem:$0xCC0] =	vst v52  }
0xc4: {  	v58 =	vld [tilespmem:$0x7120];
	[tilespmem:$0xCD0] =	vst v53  }
0xc5: {  	v59 =	vld [tilespmem:$0x7130];
	[tilespmem:$0xCE0] =	vst v54  }
0xc6: {  	v60 =	vld [tilespmem:$0x7140];
	[tilespmem:$0xCF0] =	vst v55  }
0xc7: {  	v61 =	vld [tilespmem:$0x7150];
	[tilespmem:$0xD00] =	vst v56  }
0xc8: {  	v62 =	vld [tilespmem:$0x7160];
	[tilespmem:$0xD10] =	vst v57  }
0xc9: {  	v63 =	vld [tilespmem:$0x7170];
	[tilespmem:$0xD20] =	vst v58  }
0xca: {  	[tilespmem:$0xD30] =	vst v59  }
0xcb: {  	[tilespmem:$0xD40] =	vst v60  }
0xcc: {  	[tilespmem:$0xD50] =	vst v61  }
0xcd: {  	[tilespmem:$0xD60] =	vst v62  }
0xce: {  	s14 =	rddreg [dreg:$0x6];
	[tilespmem:$0xD70] =	vst v63  }
0xcf: {  	[tilespmem:s6], [sflag:$0xA] =	stream.linear.gather [hbm4b:s14+s6], $0xC8, $0x38;
	[tilespmem:$0x19380] =	vst v63  }
0xd0: {  	_ =	swait.ge [sflag:s10], $0xC8  }
0xd1: {  	[sflag:s10] =	ssyncset.done $0x0  }
0xd2: {  	[sflag:s10] =	ssyncadd.s32 $0xFFFFFF38  }
0xd3: {  	[tilespmem:s15], [sflag:$0x1] =	stream.indirect.gather [hbm4b:s4+s16], $0x80, s6, s16, $0xb8;
	[tilespmem:$0x19380] =	vst v63  }
0xd4: {  	_ = 	snop  }
0xd5: {  	[tilespmem:s18], [sflag:$0x1] =	stream.indirect.gather [hbm4b:s4+s17], $0x80, s16, s17, $0xb8;
	[tilespmem:$0x19380] =	vst v63  }
0xd6: {  	s28 =	simm.s32 $0xC8;
	s19 =	rddreg [dreg:$0x7];
	s10 =	simm.s32 $0x0  }
0xd7: {  	[tilespmem:s28], [sflag:$0x8] =	stream.linear.gather [hbm4b:s19+s6], $0xC8, $0x38;
	[tilespmem:$0x19380] =	vst v63  }
.LBB2_2:
0xd8: {  	p1 =	seq.s32 s10, $0x0  }
0xd9: {  	s12 =	smul.u32 $0x3, s10;
	s9 =	simm.s32 @!p1 $0x5  }
0xda: {  	_ =	swait.ge @!p1 [sflag:s9], $0x6400  }
0xdb: {  	s3 =	sadd.s32 $0x1, s12;
	[sflag:s9] =	ssyncset.done @!p1 $0x0  }
0xdc: {  	p0 =	seq.s32 s10, $0x2A;
	s28 =	sand.u32 $0x3, s3;
	[sflag:s9] =	ssyncadd.s32 @!p1 $0xFFFF9C00  }
0xdd: {  	s14 =	sadd.s32 @!p0 $0x2, s12;
	s9 =	smul.u32 $0x320, s28;
	_ =	swait.ge [sflag:s20], $0xC8  }
0xde: {  	s19 =	sand.u32 @!p0 $0x3, s14;
	s14 =	sadd.s32 @!p0 s8, s14;
	[sflag:s20] =	ssyncset.done $0x0  }
0xdf: {  	s19 =	smul.u32 @!p0 $0x320, s19;
	s9 =	sshrl.u32 s9, $0x2;
	[sflag:s20] =	ssyncadd.s32 $0xFFFFFF38  }
0xe0: {  	[tilespmem:s21], [sflag:$0x2] =	stream.indirect.gather [hbm4b:s4+s16], $0x80, s9, s16, $0xb8;
	[tilespmem:$0x19380] =	vst v63  }
0xe1: {  	s14 =	smul.u32 @!p0 $0x19, s14;
	s9 =	sadd.s32 $0x68, s9  }
0xe2: {  	[tilespmem:s22], [sflag:$0x2] =	stream.indirect.gather [hbm4b:s4+s17], $0x80, s9, s17, $0xb8;
	[tilespmem:$0x19380] =	vst v63  }
0xe3: {  	s14 =	sadd.s32 @!p0 s7, s14;
	s9 =	sshrl.u32 @!p0 s19, $0x2;
	s19 =	simm.s32 @!p0 $0x0  }
0xe4: {  	[tilespmem:s9], [sflag:$0x9] =	stream.linear.gather @!p0 [hbm4b:s14+s19], $0xC8, $0x38;
	[tilespmem:$0x19380] =	vst v63  }
0xe5: {  	_ =	swait.ge [sflag:s23], $0x6400  }
0xe6: {  	[sflag:s23] =	ssyncset.done $0x0  }
0xe7: {  	s9 =	simm.s32 $0x0;
	[sflag:s23] =	ssyncadd.s32 $0xFFFF9C00  }
0xe8: {  	v0 =	vld [tilespmem:s9+$0x770]  }
0xe9: {  	v1 =	vld [tilespmem:s9+$0x380]  }
0xea: {  	v2 =	vld [tilespmem:s9+$0x390]  }
0xeb: {  	v3 =	vld [tilespmem:s9+$0x3A0]  }
0xec: {  	v4 =	vld [tilespmem:s9+$0x3B0]  }
0xed: {  	v5 =	vld [tilespmem:s9+$0x3C0]  }
0xee: {  	v6 =	vld [tilespmem:s9+$0x3D0]  }
0xef: {  	v7 =	vld [tilespmem:s9+$0x3E0]  }
0xf0: {  	v8 =	vld [tilespmem:s9+$0x3F0]  }
0xf1: {  	v9 =	vld [tilespmem:s9+$0x400]  }
0xf2: {  	v10 =	vld [tilespmem:s9+$0x410]  }
0xf3: {  	v11 =	vld [tilespmem:s9+$0x420]  }
0xf4: {  	v12 =	vld [tilespmem:s9+$0x430]  }
0xf5: {  	v13 =	vld [tilespmem:s9+$0x440]  }
0xf6: {  	v14 =	vld [tilespmem:s9+$0x450]  }
0xf7: {  	v15 =	vld [tilespmem:s9+$0x460]  }
0xf8: {  	v16 =	vld [tilespmem:s9+$0x470]  }
0xf9: {  	v17 =	vld [tilespmem:s9+$0x480]  }
0xfa: {  	v18 =	vld [tilespmem:s9+$0x490]  }
0xfb: {  	v19 =	vld [tilespmem:s9+$0x4A0]  }
0xfc: {  	v20 =	vld [tilespmem:s9+$0x4B0]  }
0xfd: {  	v21 =	vld [tilespmem:s9+$0x4C0]  }
0xfe: {  	v22 =	vld [tilespmem:s9+$0x4D0]  }
0xff: {  	v23 =	vld [tilespmem:s9+$0x4E0]  }
0x100: {  	v24 =	vld [tilespmem:s9+$0x4F0]  }
0x101: {  	v25 =	vld [tilespmem:s9+$0x500]  }
0x102: {  	v26 =	vld [tilespmem:s9+$0x510]  }
0x103: {  	v27 =	vld [tilespmem:s9+$0x520]  }
0x104: {  	v28 =	vld [tilespmem:s9+$0x530]  }
0x105: {  	v29 =	vld [tilespmem:s9+$0x540]  }
0x106: {  	v30 =	vld [tilespmem:s9+$0x550]  }
0x107: {  	v31 =	vld [tilespmem:s9+$0x560]  }
0x108: {  	v32 =	vld [tilespmem:s9+$0x570]  }
0x109: {  	v33 =	vld [tilespmem:s9+$0x580]  }
0x10a: {  	v34 =	vld [tilespmem:s9+$0x590]  }
0x10b: {  	v35 =	vld [tilespmem:s9+$0x5A0]  }
0x10c: {  	v36 =	vld [tilespmem:s9+$0x5B0]  }
0x10d: {  	v37 =	vld [tilespmem:s9+$0x5C0]  }
0x10e: {  	v38 =	vld [tilespmem:s9+$0x5D0]  }
0x10f: {  	v39 =	vld [tilespmem:s9+$0x5E0]  }
0x110: {  	v40 =	vld [tilespmem:s9+$0x5F0]  }
0x111: {  	v41 =	vld [tilespmem:s9+$0x600]  }
0x112: {  	v42 =	vld [tilespmem:s9+$0x610]  }
0x113: {  	v43 =	vld [tilespmem:s9+$0x620]  }
0x114: {  	v44 =	vld [tilespmem:s9+$0x630]  }
0x115: {  	v45 =	vld [tilespmem:s9+$0x640]  }
0x116: {  	v46 =	vld [tilespmem:s9+$0x650]  }
0x117: {  	v47 =	vld [tilespmem:s9+$0x660]  }
0x118: {  	v48 =	vld [tilespmem:s9+$0x670]  }
0x119: {  	v49 =	vld [tilespmem:s9+$0x680]  }
0x11a: {  	v50 =	vld [tilespmem:s9+$0x690]  }
0x11b: {  	v51 =	vld [tilespmem:s9+$0x6A0]  }
0x11c: {  	v52 =	vld [tilespmem:s9+$0x6B0]  }
0x11d: {  	v53 =	vld [tilespmem:s9+$0x6C0]  }
0x11e: {  	v54 =	vld [tilespmem:s9+$0x6D0]  }
0x11f: {  	v55 =	vld [tilespmem:s9+$0x6E0]  }
0x120: {  	v56 =	vld [tilespmem:s9+$0x6F0]  }
0x121: {  	v57 =	vld [tilespmem:s9+$0x700]  }
0x122: {  	v58 =	vld [tilespmem:s9+$0x710]  }
0x123: {  	v59 =	vld [tilespmem:s9+$0x720]  }
0x124: {  	v60 =	vld [tilespmem:s9+$0x730]  }
0x125: {  	v61 =	vld [tilespmem:s9+$0x740]  }
0x126: {  	v62 =	vld [tilespmem:s9+$0x750]  }
0x127: {  	[tilespmem:s9+$0x6B70] =	vst.add.f32.msk $0xffff, v0  }
0x128: {  	v0 =	vld [tilespmem:s9+$0x760]  }
0x129: {  	[tilespmem:s9+$0x6780] =	vst.add.f32.msk $0xffff, v1  }
0x12a: {  	[tilespmem:s9+$0x6790] =	vst.add.f32.msk $0xffff, v2  }
0x12b: {  	[tilespmem:s9+$0x67A0] =	vst.add.f32.msk $0xffff, v3  }
0x12c: {  	[tilespmem:s9+$0x67B0] =	vst.add.f32.msk $0xffff, v4  }
0x12d: {  	[tilespmem:s9+$0x67C0] =	vst.add.f32.msk $0xffff, v5  }
0x12e: {  	[tilespmem:s9+$0x67D0] =	vst.add.f32.msk $0xffff, v6  }
0x12f: {  	[tilespmem:s9+$0x67E0] =	vst.add.f32.msk $0xffff, v7  }
0x130: {  	[tilespmem:s9+$0x67F0] =	vst.add.f32.msk $0xffff, v8  }
0x131: {  	[tilespmem:s9+$0x6800] =	vst.add.f32.msk $0xffff, v9  }
0x132: {  	[tilespmem:s9+$0x6810] =	vst.add.f32.msk $0xffff, v10  }
0x133: {  	[tilespmem:s9+$0x6820] =	vst.add.f32.msk $0xffff, v11  }
0x134: {  	[tilespmem:s9+$0x6830] =	vst.add.f32.msk $0xffff, v12  }
0x135: {  	[tilespmem:s9+$0x6840] =	vst.add.f32.msk $0xffff, v13  }
0x136: {  	[tilespmem:s9+$0x6850] =	vst.add.f32.msk $0xffff, v14  }
0x137: {  	[tilespmem:s9+$0x6860] =	vst.add.f32.msk $0xffff, v15  }
0x138: {  	[tilespmem:s9+$0x6870] =	vst.add.f32.msk $0xffff, v16  }
0x139: {  	[tilespmem:s9+$0x6880] =	vst.add.f32.msk $0xffff, v17  }
0x13a: {  	[tilespmem:s9+$0x6890] =	vst.add.f32.msk $0xffff, v18  }
0x13b: {  	[tilespmem:s9+$0x68A0] =	vst.add.f32.msk $0xffff, v19  }
0x13c: {  	[tilespmem:s9+$0x68B0] =	vst.add.f32.msk $0xffff, v20  }
0x13d: {  	[tilespmem:s9+$0x68C0] =	vst.add.f32.msk $0xffff, v21  }
0x13e: {  	[tilespmem:s9+$0x68D0] =	vst.add.f32.msk $0xffff, v22  }
0x13f: {  	[tilespmem:s9+$0x68E0] =	vst.add.f32.msk $0xffff, v23  }
0x140: {  	[tilespmem:s9+$0x68F0] =	vst.add.f32.msk $0xffff, v24  }
0x141: {  	[tilespmem:s9+$0x6900] =	vst.add.f32.msk $0xffff, v25  }
0x142: {  	[tilespmem:s9+$0x6910] =	vst.add.f32.msk $0xffff, v26  }
0x143: {  	[tilespmem:s9+$0x6920] =	vst.add.f32.msk $0xffff, v27  }
0x144: {  	[tilespmem:s9+$0x6930] =	vst.add.f32.msk $0xffff, v28  }
0x145: {  	[tilespmem:s9+$0x6940] =	vst.add.f32.msk $0xffff, v29  }
0x146: {  	[tilespmem:s9+$0x6950] =	vst.add.f32.msk $0xffff, v30  }
0x147: {  	[tilespmem:s9+$0x6960] =	vst.add.f32.msk $0xffff, v31  }
0x148: {  	[tilespmem:s9+$0x6970] =	vst.add.f32.msk $0xffff, v32  }
0x149: {  	[tilespmem:s9+$0x6980] =	vst.add.f32.msk $0xffff, v33  }
0x14a: {  	[tilespmem:s9+$0x6990] =	vst.add.f32.msk $0xffff, v34  }
0x14b: {  	[tilespmem:s9+$0x69A0] =	vst.add.f32.msk $0xffff, v35  }
0x14c: {  	[tilespmem:s9+$0x69B0] =	vst.add.f32.msk $0xffff, v36  }
0x14d: {  	[tilespmem:s9+$0x69C0] =	vst.add.f32.msk $0xffff, v37  }
0x14e: {  	[tilespmem:s9+$0x69D0] =	vst.add.f32.msk $0xffff, v38  }
0x14f: {  	[tilespmem:s9+$0x69E0] =	vst.add.f32.msk $0xffff, v39  }
0x150: {  	[tilespmem:s9+$0x69F0] =	vst.add.f32.msk $0xffff, v40  }
0x151: {  	[tilespmem:s9+$0x6A00] =	vst.add.f32.msk $0xffff, v41  }
0x152: {  	[tilespmem:s9+$0x6A10] =	vst.add.f32.msk $0xffff, v42  }
0x153: {  	[tilespmem:s9+$0x6A20] =	vst.add.f32.msk $0xffff, v43  }
0x154: {  	[tilespmem:s9+$0x6A30] =	vst.add.f32.msk $0xffff, v44  }
0x155: {  	[tilespmem:s9+$0x6A40] =	vst.add.f32.msk $0xffff, v45  }
0x156: {  	[tilespmem:s9+$0x6A50] =	vst.add.f32.msk $0xffff, v46  }
0x157: {  	[tilespmem:s9+$0x6A60] =	vst.add.f32.msk $0xffff, v47  }
0x158: {  	[tilespmem:s9+$0x6A70] =	vst.add.f32.msk $0xffff, v48  }
0x159: {  	[tilespmem:s9+$0x6A80] =	vst.add.f32.msk $0xffff, v49  }
0x15a: {  	[tilespmem:s9+$0x6A90] =	vst.add.f32.msk $0xffff, v50  }
0x15b: {  	[tilespmem:s9+$0x6AA0] =	vst.add.f32.msk $0xffff, v51  }
0x15c: {  	[tilespmem:s9+$0x6AB0] =	vst.add.f32.msk $0xffff, v52  }
0x15d: {  	[tilespmem:s9+$0x6AC0] =	vst.add.f32.msk $0xffff, v53  }
0x15e: {  	[tilespmem:s9+$0x6AD0] =	vst.add.f32.msk $0xffff, v54  }
0x15f: {  	[tilespmem:s9+$0x6AE0] =	vst.add.f32.msk $0xffff, v55  }
0x160: {  	[tilespmem:s9+$0x6AF0] =	vst.add.f32.msk $0xffff, v56  }
0x161: {  	[tilespmem:s9+$0x6B00] =	vst.add.f32.msk $0xffff, v57  }
0x162: {  	[tilespmem:s9+$0x6B10] =	vst.add.f32.msk $0xffff, v58  }
0x163: {  	[tilespmem:s9+$0x6B20] =	vst.add.f32.msk $0xffff, v59  }
0x164: {  	[tilespmem:s9+$0x6B30] =	vst.add.f32.msk $0xffff, v60  }
0x165: {  	[tilespmem:s9+$0x6B40] =	vst.add.f32.msk $0xffff, v61  }
0x166: {  	s14 =	simm.s32 $0x0;
	s19 =	simm.s32 $0x1000;
	[tilespmem:s9+$0x6B50] =	vst.add.f32.msk $0xffff, v62  }
.LBB2_3:
0x167: {  	s14 =	sadd.s32 $0x8, s14;
	[tilespmem:s9+$0x6B60] =	vst.add.f32.msk $0xffff, v0;
	s9 =	sshra.s32 s19, $0x2  }
0x168: {  	v0 =	vld [tilespmem:s9+$0x770];
	p2 =	slt.u32 s14, $0xC0  }
0x169: {  	v1 =	vld [tilespmem:s9+$0x380]  }
0x16a: {  	v2 =	vld [tilespmem:s9+$0x390]  }
0x16b: {  	v3 =	vld [tilespmem:s9+$0x3A0]  }
0x16c: {  	v4 =	vld [tilespmem:s9+$0x3B0]  }
0x16d: {  	[tilespmem:s9+$0x6B70] =	vst.add.f32.msk $0xffff, v0  }
0x16e: {  	v5 =	vld [tilespmem:s9+$0x3C0]  }
0x16f: {  	v6 =	vld [tilespmem:s9+$0x3D0]  }
0x170: {  	v7 =	vld [tilespmem:s9+$0x3E0]  }
0x171: {  	v8 =	vld [tilespmem:s9+$0x3F0]  }
0x172: {  	v9 =	vld [tilespmem:s9+$0x400]  }
0x173: {  	v10 =	vld [tilespmem:s9+$0x410]  }
0x174: {  	v11 =	vld [tilespmem:s9+$0x420]  }
0x175: {  	v12 =	vld [tilespmem:s9+$0x430]  }
0x176: {  	v13 =	vld [tilespmem:s9+$0x440]  }
0x177: {  	v14 =	vld [tilespmem:s9+$0x450]  }
0x178: {  	v15 =	vld [tilespmem:s9+$0x460]  }
0x179: {  	v16 =	vld [tilespmem:s9+$0x470]  }
0x17a: {  	v17 =	vld [tilespmem:s9+$0x480]  }
0x17b: {  	v18 =	vld [tilespmem:s9+$0x490]  }
0x17c: {  	v19 =	vld [tilespmem:s9+$0x4A0]  }
0x17d: {  	v20 =	vld [tilespmem:s9+$0x4B0]  }
0x17e: {  	v21 =	vld [tilespmem:s9+$0x4C0]  }
0x17f: {  	v22 =	vld [tilespmem:s9+$0x4D0]  }
0x180: {  	v23 =	vld [tilespmem:s9+$0x4E0]  }
0x181: {  	v24 =	vld [tilespmem:s9+$0x4F0]  }
0x182: {  	v25 =	vld [tilespmem:s9+$0x500]  }
0x183: {  	v26 =	vld [tilespmem:s9+$0x510]  }
0x184: {  	v27 =	vld [tilespmem:s9+$0x520]  }
0x185: {  	v28 =	vld [tilespmem:s9+$0x530]  }
0x186: {  	v29 =	vld [tilespmem:s9+$0x540]  }
0x187: {  	v30 =	vld [tilespmem:s9+$0x550]  }
0x188: {  	v31 =	vld [tilespmem:s9+$0x560]  }
0x189: {  	v32 =	vld [tilespmem:s9+$0x570]  }
0x18a: {  	v33 =	vld [tilespmem:s9+$0x580]  }
0x18b: {  	v34 =	vld [tilespmem:s9+$0x590]  }
0x18c: {  	v35 =	vld [tilespmem:s9+$0x5A0]  }
0x18d: {  	v36 =	vld [tilespmem:s9+$0x5B0]  }
0x18e: {  	v37 =	vld [tilespmem:s9+$0x5C0]  }
0x18f: {  	v38 =	vld [tilespmem:s9+$0x5D0]  }
0x190: {  	v39 =	vld [tilespmem:s9+$0x5E0]  }
0x191: {  	v40 =	vld [tilespmem:s9+$0x5F0]  }
0x192: {  	v41 =	vld [tilespmem:s9+$0x600]  }
0x193: {  	v42 =	vld [tilespmem:s9+$0x610]  }
0x194: {  	v43 =	vld [tilespmem:s9+$0x620]  }
0x195: {  	v44 =	vld [tilespmem:s9+$0x630]  }
0x196: {  	v45 =	vld [tilespmem:s9+$0x640]  }
0x197: {  	v46 =	vld [tilespmem:s9+$0x650]  }
0x198: {  	v47 =	vld [tilespmem:s9+$0x660]  }
0x199: {  	v48 =	vld [tilespmem:s9+$0x670]  }
0x19a: {  	v49 =	vld [tilespmem:s9+$0x680]  }
0x19b: {  	v50 =	vld [tilespmem:s9+$0x690]  }
0x19c: {  	v51 =	vld [tilespmem:s9+$0x6A0]  }
0x19d: {  	v52 =	vld [tilespmem:s9+$0x6B0]  }
0x19e: {  	v53 =	vld [tilespmem:s9+$0x6C0]  }
0x19f: {  	v54 =	vld [tilespmem:s9+$0x6D0]  }
0x1a0: {  	v55 =	vld [tilespmem:s9+$0x6E0]  }
0x1a1: {  	v56 =	vld [tilespmem:s9+$0x6F0]  }
0x1a2: {  	v57 =	vld [tilespmem:s9+$0x700]  }
0x1a3: {  	v58 =	vld [tilespmem:s9+$0x710]  }
0x1a4: {  	v59 =	vld [tilespmem:s9+$0x720]  }
0x1a5: {  	v60 =	vld [tilespmem:s9+$0x730]  }
0x1a6: {  	v61 =	vld [tilespmem:s9+$0x740]  }
0x1a7: {  	v62 =	vld [tilespmem:s9+$0x750]  }
0x1a8: {  	v0 =	vld [tilespmem:s9+$0x760]  }
0x1a9: {  	[tilespmem:s9+$0x6780] =	vst.add.f32.msk $0xffff, v1  }
0x1aa: {  	[tilespmem:s9+$0x6790] =	vst.add.f32.msk $0xffff, v2  }
0x1ab: {  	[tilespmem:s9+$0x67A0] =	vst.add.f32.msk $0xffff, v3  }
0x1ac: {  	[tilespmem:s9+$0x67B0] =	vst.add.f32.msk $0xffff, v4  }
0x1ad: {  	[tilespmem:s9+$0x67C0] =	vst.add.f32.msk $0xffff, v5  }
0x1ae: {  	[tilespmem:s9+$0x67D0] =	vst.add.f32.msk $0xffff, v6  }
0x1af: {  	[tilespmem:s9+$0x67E0] =	vst.add.f32.msk $0xffff, v7  }
0x1b0: {  	[tilespmem:s9+$0x67F0] =	vst.add.f32.msk $0xffff, v8  }
0x1b1: {  	[tilespmem:s9+$0x6800] =	vst.add.f32.msk $0xffff, v9  }
0x1b2: {  	[tilespmem:s9+$0x6810] =	vst.add.f32.msk $0xffff, v10  }
0x1b3: {  	[tilespmem:s9+$0x6820] =	vst.add.f32.msk $0xffff, v11  }
0x1b4: {  	[tilespmem:s9+$0x6830] =	vst.add.f32.msk $0xffff, v12  }
0x1b5: {  	[tilespmem:s9+$0x6840] =	vst.add.f32.msk $0xffff, v13  }
0x1b6: {  	[tilespmem:s9+$0x6850] =	vst.add.f32.msk $0xffff, v14  }
0x1b7: {  	[tilespmem:s9+$0x6860] =	vst.add.f32.msk $0xffff, v15  }
0x1b8: {  	[tilespmem:s9+$0x6870] =	vst.add.f32.msk $0xffff, v16  }
0x1b9: {  	[tilespmem:s9+$0x6880] =	vst.add.f32.msk $0xffff, v17  }
0x1ba: {  	[tilespmem:s9+$0x6890] =	vst.add.f32.msk $0xffff, v18  }
0x1bb: {  	[tilespmem:s9+$0x68A0] =	vst.add.f32.msk $0xffff, v19  }
0x1bc: {  	[tilespmem:s9+$0x68B0] =	vst.add.f32.msk $0xffff, v20  }
0x1bd: {  	[tilespmem:s9+$0x68C0] =	vst.add.f32.msk $0xffff, v21  }
0x1be: {  	[tilespmem:s9+$0x68D0] =	vst.add.f32.msk $0xffff, v22  }
0x1bf: {  	[tilespmem:s9+$0x68E0] =	vst.add.f32.msk $0xffff, v23  }
0x1c0: {  	[tilespmem:s9+$0x68F0] =	vst.add.f32.msk $0xffff, v24  }
0x1c1: {  	[tilespmem:s9+$0x6900] =	vst.add.f32.msk $0xffff, v25  }
0x1c2: {  	[tilespmem:s9+$0x6910] =	vst.add.f32.msk $0xffff, v26  }
0x1c3: {  	[tilespmem:s9+$0x6920] =	vst.add.f32.msk $0xffff, v27  }
0x1c4: {  	[tilespmem:s9+$0x6930] =	vst.add.f32.msk $0xffff, v28  }
0x1c5: {  	[tilespmem:s9+$0x6940] =	vst.add.f32.msk $0xffff, v29  }
0x1c6: {  	[tilespmem:s9+$0x6950] =	vst.add.f32.msk $0xffff, v30  }
0x1c7: {  	[tilespmem:s9+$0x6960] =	vst.add.f32.msk $0xffff, v31  }
0x1c8: {  	[tilespmem:s9+$0x6970] =	vst.add.f32.msk $0xffff, v32  }
0x1c9: {  	[tilespmem:s9+$0x6980] =	vst.add.f32.msk $0xffff, v33  }
0x1ca: {  	[tilespmem:s9+$0x6990] =	vst.add.f32.msk $0xffff, v34  }
0x1cb: {  	[tilespmem:s9+$0x69A0] =	vst.add.f32.msk $0xffff, v35  }
0x1cc: {  	[tilespmem:s9+$0x69B0] =	vst.add.f32.msk $0xffff, v36  }
0x1cd: {  	[tilespmem:s9+$0x69C0] =	vst.add.f32.msk $0xffff, v37  }
0x1ce: {  	[tilespmem:s9+$0x69D0] =	vst.add.f32.msk $0xffff, v38  }
0x1cf: {  	[tilespmem:s9+$0x69E0] =	vst.add.f32.msk $0xffff, v39  }
0x1d0: {  	[tilespmem:s9+$0x69F0] =	vst.add.f32.msk $0xffff, v40  }
0x1d1: {  	[tilespmem:s9+$0x6A00] =	vst.add.f32.msk $0xffff, v41  }
0x1d2: {  	[tilespmem:s9+$0x6A10] =	vst.add.f32.msk $0xffff, v42  }
0x1d3: {  	[tilespmem:s9+$0x6A20] =	vst.add.f32.msk $0xffff, v43  }
0x1d4: {  	[tilespmem:s9+$0x6A30] =	vst.add.f32.msk $0xffff, v44  }
0x1d5: {  	[tilespmem:s9+$0x6A40] =	vst.add.f32.msk $0xffff, v45  }
0x1d6: {  	[tilespmem:s9+$0x6A50] =	vst.add.f32.msk $0xffff, v46  }
0x1d7: {  	[tilespmem:s9+$0x6A60] =	vst.add.f32.msk $0xffff, v47  }
0x1d8: {  	[tilespmem:s9+$0x6A70] =	vst.add.f32.msk $0xffff, v48  }
0x1d9: {  	[tilespmem:s9+$0x6A80] =	vst.add.f32.msk $0xffff, v49  }
0x1da: {  	[tilespmem:s9+$0x6A90] =	vst.add.f32.msk $0xffff, v50  }
0x1db: {  	[tilespmem:s9+$0x6AA0] =	vst.add.f32.msk $0xffff, v51  }
0x1dc: {  	[tilespmem:s9+$0x6AB0] =	vst.add.f32.msk $0xffff, v52  }
0x1dd: {  	[tilespmem:s9+$0x6AC0] =	vst.add.f32.msk $0xffff, v53  }
0x1de: {  	[tilespmem:s9+$0x6AD0] =	vst.add.f32.msk $0xffff, v54  }
0x1df: {  	[tilespmem:s9+$0x6AE0] =	vst.add.f32.msk $0xffff, v55  }
0x1e0: {  	[tilespmem:s9+$0x6AF0] =	vst.add.f32.msk $0xffff, v56  }
0x1e1: {  	[tilespmem:s9+$0x6B00] =	vst.add.f32.msk $0xffff, v57  }
.Ltmp2:
0x1e2: {  	[tilespmem:s9+$0x6B10] =	vst.add.f32.msk $0xffff, v58;
	(pc) =	sbr.rel @p2 .LBB2_3-.Ltmp2, $4  }
0x1e3: {  	[tilespmem:s9+$0x6B20] =	vst.add.f32.msk $0xffff, v59  }
0x1e4: {  	[tilespmem:s9+$0x6B30] =	vst.add.f32.msk $0xffff, v60  }
0x1e5: {  	[tilespmem:s9+$0x6B40] =	vst.add.f32.msk $0xffff, v61  }
0x1e6: {  	s19 =	sadd.s32 $0x1000, s19;
	[tilespmem:s9+$0x6B50] =	vst.add.f32.msk $0xffff, v62  }
0x1e7: {  	s14 =	sadd.s32 s8, s12  }
0x1e8: {  	s14 =	smul.u32 $0x6400, s14;
	_ =	sdelay $0x1  }
0x1e9: {  	s14 =	sshrl.u32 s14, $0x3  }
.Ltmp3:
0x1ea: {  	[tilespmem:s9+$0x6B60] =	vst.add.f32.msk $0xffff, v0;
	s28 =	sadd.s32 s5, s14;
	(pc) =	sbr.rel @p1 .LBB2_7-.Ltmp3, $4  }
0x1eb: {  	[hbm4b:s28+s6] =	stream.linear.scatter [tilespmem:s15], [sflag:$0x4], $0x3000, $0x38;
	[tilespmem:$0x19380] =	vst v63  }
0x1ec: {  	s9 =	sadd.s32 $0x600, s28  }
0x1ed: {  	[hbm4b:s9+s6] =	stream.linear.scatter [tilespmem:s24], [sflag:$0x4], $0x3400, $0x38;
	[tilespmem:$0x19380] =	vst v63  }
0x1ee: {  	s9 =	sadd.s32 $0x2, s12  }
.Ltmp4:
0x1ef: {  	(pc) =	sbr.rel @p0 .LBB2_8-.Ltmp4, $1  }
0x1f0: {  	_ =	sdelay $0x3  }
0x1f1: {  	_ =	swait.ge [sflag:s0], $0x6400  }
0x1f2: {  	[sflag:s0] =	ssyncset.done $0x0  }
0x1f3: {  	[sflag:s0] =	ssyncadd.s32 $0xFFFF9C00  }
.LBB2_7:
0x1f4: {  	s14 =	sand.u32 $0x3, s9  }
0x1f5: {  	_ =	swait.ge [sflag:s25], $0xC8;
	s19 =	sadd.s32 $0x3, s12;
	s14 =	smul.u32 $0x320, s14  }
0x1f6: {  	[sflag:s25] =	ssyncset.done $0x0;
	s28 =	sand.u32 $0x3, s19;
	s19 =	sadd.s32 s8, s19  }
0x1f7: {  	[sflag:s25] =	ssyncadd.s32 $0xFFFFFF38;
	s28 =	smul.u32 $0x320, s28;
	s14 =	sshrl.u32 s14, $0x2  }
0x1f8: {  	[tilespmem:s26], [sflag:$0x3] =	stream.indirect.gather [hbm4b:s4+s16], $0x80, s14, s16, $0xb8;
	[tilespmem:$0x19380] =	vst v63  }
0x1f9: {  	s19 =	smul.u32 $0x19, s19;
	s14 =	sadd.s32 $0x68, s14  }
0x1fa: {  	[tilespmem:s13], [sflag:$0x3] =	stream.indirect.gather [hbm4b:s4+s17], $0x80, s14, s17, $0xb8;
	[tilespmem:$0x19380] =	vst v63  }
0x1fb: {  	s28 =	sshrl.u32 s28, $0x2;
	s19 =	sadd.s32 s7, s19  }
0x1fc: {  	[tilespmem:s28], [sflag:$0x7] =	stream.linear.gather [hbm4b:s19+s6], $0xC8, $0x38;
	[tilespmem:$0x19380] =	vst v63  }
.LBB2_8:
0x1fd: {  	_ =	swait.ge [sflag:s29], $0x6400  }
0x1fe: {  	[sflag:s29] =	ssyncset.done $0x0  }
0x1ff: {  	s14 =	simm.s32 $0x0;
	[sflag:s29] =	ssyncadd.s32 $0xFFFF9C00  }
0x200: {  	v0 =	vld [tilespmem:s14+$0x770]  }
0x201: {  	v1 =	vld [tilespmem:s14+$0x380]  }
0x202: {  	v2 =	vld [tilespmem:s14+$0x390]  }
0x203: {  	v3 =	vld [tilespmem:s14+$0x3A0]  }
0x204: {  	v4 =	vld [tilespmem:s14+$0x3B0]  }
0x205: {  	v5 =	vld [tilespmem:s14+$0x3C0]  }
0x206: {  	v6 =	vld [tilespmem:s14+$0x3D0]  }
0x207: {  	v7 =	vld [tilespmem:s14+$0x3E0]  }
0x208: {  	v8 =	vld [tilespmem:s14+$0x3F0]  }
0x209: {  	v9 =	vld [tilespmem:s14+$0x400]  }
0x20a: {  	v10 =	vld [tilespmem:s14+$0x410]  }
0x20b: {  	v11 =	vld [tilespmem:s14+$0x420]  }
0x20c: {  	v12 =	vld [tilespmem:s14+$0x430]  }
0x20d: {  	v13 =	vld [tilespmem:s14+$0x440]  }
0x20e: {  	v14 =	vld [tilespmem:s14+$0x450]  }
0x20f: {  	v15 =	vld [tilespmem:s14+$0x460]  }
0x210: {  	v16 =	vld [tilespmem:s14+$0x470]  }
0x211: {  	v17 =	vld [tilespmem:s14+$0x480]  }
0x212: {  	v18 =	vld [tilespmem:s14+$0x490]  }
0x213: {  	v19 =	vld [tilespmem:s14+$0x4A0]  }
0x214: {  	v20 =	vld [tilespmem:s14+$0x4B0]  }
0x215: {  	v21 =	vld [tilespmem:s14+$0x4C0]  }
0x216: {  	v22 =	vld [tilespmem:s14+$0x4D0]  }
0x217: {  	v23 =	vld [tilespmem:s14+$0x4E0]  }
0x218: {  	v24 =	vld [tilespmem:s14+$0x4F0]  }
0x219: {  	v25 =	vld [tilespmem:s14+$0x500]  }
0x21a: {  	v26 =	vld [tilespmem:s14+$0x510]  }
0x21b: {  	v27 =	vld [tilespmem:s14+$0x520]  }
0x21c: {  	v28 =	vld [tilespmem:s14+$0x530]  }
0x21d: {  	v29 =	vld [tilespmem:s14+$0x540]  }
0x21e: {  	v30 =	vld [tilespmem:s14+$0x550]  }
0x21f: {  	v31 =	vld [tilespmem:s14+$0x560]  }
0x220: {  	v32 =	vld [tilespmem:s14+$0x570]  }
0x221: {  	v33 =	vld [tilespmem:s14+$0x580]  }
0x222: {  	v34 =	vld [tilespmem:s14+$0x590]  }
0x223: {  	v35 =	vld [tilespmem:s14+$0x5A0]  }
0x224: {  	v36 =	vld [tilespmem:s14+$0x5B0]  }
0x225: {  	v37 =	vld [tilespmem:s14+$0x5C0]  }
0x226: {  	v38 =	vld [tilespmem:s14+$0x5D0]  }
0x227: {  	v39 =	vld [tilespmem:s14+$0x5E0]  }
0x228: {  	v40 =	vld [tilespmem:s14+$0x5F0]  }
0x229: {  	v41 =	vld [tilespmem:s14+$0x600]  }
0x22a: {  	v42 =	vld [tilespmem:s14+$0x610]  }
0x22b: {  	v43 =	vld [tilespmem:s14+$0x620]  }
0x22c: {  	v44 =	vld [tilespmem:s14+$0x630]  }
0x22d: {  	v45 =	vld [tilespmem:s14+$0x640]  }
0x22e: {  	v46 =	vld [tilespmem:s14+$0x650]  }
0x22f: {  	v47 =	vld [tilespmem:s14+$0x660]  }
0x230: {  	v48 =	vld [tilespmem:s14+$0x670]  }
0x231: {  	v49 =	vld [tilespmem:s14+$0x680]  }
0x232: {  	v50 =	vld [tilespmem:s14+$0x690]  }
0x233: {  	v51 =	vld [tilespmem:s14+$0x6A0]  }
0x234: {  	v52 =	vld [tilespmem:s14+$0x6B0]  }
0x235: {  	v53 =	vld [tilespmem:s14+$0x6C0]  }
0x236: {  	v54 =	vld [tilespmem:s14+$0x6D0]  }
0x237: {  	v55 =	vld [tilespmem:s14+$0x6E0]  }
0x238: {  	v56 =	vld [tilespmem:s14+$0x6F0]  }
0x239: {  	v57 =	vld [tilespmem:s14+$0x700]  }
0x23a: {  	v58 =	vld [tilespmem:s14+$0x710]  }
0x23b: {  	v59 =	vld [tilespmem:s14+$0x720]  }
0x23c: {  	v60 =	vld [tilespmem:s14+$0x730]  }
0x23d: {  	v61 =	vld [tilespmem:s14+$0x740]  }
0x23e: {  	v62 =	vld [tilespmem:s14+$0x750]  }
0x23f: {  	[tilespmem:s14+$0xCF70] =	vst.add.f32.msk $0xffff, v0  }
0x240: {  	v0 =	vld [tilespmem:s14+$0x760]  }
0x241: {  	[tilespmem:s14+$0xCB80] =	vst.add.f32.msk $0xffff, v1  }
0x242: {  	[tilespmem:s14+$0xCB90] =	vst.add.f32.msk $0xffff, v2  }
0x243: {  	[tilespmem:s14+$0xCBA0] =	vst.add.f32.msk $0xffff, v3  }
0x244: {  	[tilespmem:s14+$0xCBB0] =	vst.add.f32.msk $0xffff, v4  }
0x245: {  	[tilespmem:s14+$0xCBC0] =	vst.add.f32.msk $0xffff, v5  }
0x246: {  	[tilespmem:s14+$0xCBD0] =	vst.add.f32.msk $0xffff, v6  }
0x247: {  	[tilespmem:s14+$0xCBE0] =	vst.add.f32.msk $0xffff, v7  }
0x248: {  	[tilespmem:s14+$0xCBF0] =	vst.add.f32.msk $0xffff, v8  }
0x249: {  	[tilespmem:s14+$0xCC00] =	vst.add.f32.msk $0xffff, v9  }
0x24a: {  	[tilespmem:s14+$0xCC10] =	vst.add.f32.msk $0xffff, v10  }
0x24b: {  	[tilespmem:s14+$0xCC20] =	vst.add.f32.msk $0xffff, v11  }
0x24c: {  	[tilespmem:s14+$0xCC30] =	vst.add.f32.msk $0xffff, v12  }
0x24d: {  	[tilespmem:s14+$0xCC40] =	vst.add.f32.msk $0xffff, v13  }
0x24e: {  	[tilespmem:s14+$0xCC50] =	vst.add.f32.msk $0xffff, v14  }
0x24f: {  	[tilespmem:s14+$0xCC60] =	vst.add.f32.msk $0xffff, v15  }
0x250: {  	[tilespmem:s14+$0xCC70] =	vst.add.f32.msk $0xffff, v16  }
0x251: {  	[tilespmem:s14+$0xCC80] =	vst.add.f32.msk $0xffff, v17  }
0x252: {  	[tilespmem:s14+$0xCC90] =	vst.add.f32.msk $0xffff, v18  }
0x253: {  	[tilespmem:s14+$0xCCA0] =	vst.add.f32.msk $0xffff, v19  }
0x254: {  	[tilespmem:s14+$0xCCB0] =	vst.add.f32.msk $0xffff, v20  }
0x255: {  	[tilespmem:s14+$0xCCC0] =	vst.add.f32.msk $0xffff, v21  }
0x256: {  	[tilespmem:s14+$0xCCD0] =	vst.add.f32.msk $0xffff, v22  }
0x257: {  	[tilespmem:s14+$0xCCE0] =	vst.add.f32.msk $0xffff, v23  }
0x258: {  	[tilespmem:s14+$0xCCF0] =	vst.add.f32.msk $0xffff, v24  }
0x259: {  	[tilespmem:s14+$0xCD00] =	vst.add.f32.msk $0xffff, v25  }
0x25a: {  	[tilespmem:s14+$0xCD10] =	vst.add.f32.msk $0xffff, v26  }
0x25b: {  	[tilespmem:s14+$0xCD20] =	vst.add.f32.msk $0xffff, v27  }
0x25c: {  	[tilespmem:s14+$0xCD30] =	vst.add.f32.msk $0xffff, v28  }
0x25d: {  	[tilespmem:s14+$0xCD40] =	vst.add.f32.msk $0xffff, v29  }
0x25e: {  	[tilespmem:s14+$0xCD50] =	vst.add.f32.msk $0xffff, v30  }
0x25f: {  	[tilespmem:s14+$0xCD60] =	vst.add.f32.msk $0xffff, v31  }
0x260: {  	[tilespmem:s14+$0xCD70] =	vst.add.f32.msk $0xffff, v32  }
0x261: {  	[tilespmem:s14+$0xCD80] =	vst.add.f32.msk $0xffff, v33  }
0x262: {  	[tilespmem:s14+$0xCD90] =	vst.add.f32.msk $0xffff, v34  }
0x263: {  	[tilespmem:s14+$0xCDA0] =	vst.add.f32.msk $0xffff, v35  }
0x264: {  	[tilespmem:s14+$0xCDB0] =	vst.add.f32.msk $0xffff, v36  }
0x265: {  	[tilespmem:s14+$0xCDC0] =	vst.add.f32.msk $0xffff, v37  }
0x266: {  	[tilespmem:s14+$0xCDD0] =	vst.add.f32.msk $0xffff, v38  }
0x267: {  	[tilespmem:s14+$0xCDE0] =	vst.add.f32.msk $0xffff, v39  }
0x268: {  	[tilespmem:s14+$0xCDF0] =	vst.add.f32.msk $0xffff, v40  }
0x269: {  	[tilespmem:s14+$0xCE00] =	vst.add.f32.msk $0xffff, v41  }
0x26a: {  	[tilespmem:s14+$0xCE10] =	vst.add.f32.msk $0xffff, v42  }
0x26b: {  	[tilespmem:s14+$0xCE20] =	vst.add.f32.msk $0xffff, v43  }
0x26c: {  	[tilespmem:s14+$0xCE30] =	vst.add.f32.msk $0xffff, v44  }
0x26d: {  	[tilespmem:s14+$0xCE40] =	vst.add.f32.msk $0xffff, v45  }
0x26e: {  	[tilespmem:s14+$0xCE50] =	vst.add.f32.msk $0xffff, v46  }
0x26f: {  	[tilespmem:s14+$0xCE60] =	vst.add.f32.msk $0xffff, v47  }
0x270: {  	[tilespmem:s14+$0xCE70] =	vst.add.f32.msk $0xffff, v48  }
0x271: {  	[tilespmem:s14+$0xCE80] =	vst.add.f32.msk $0xffff, v49  }
0x272: {  	[tilespmem:s14+$0xCE90] =	vst.add.f32.msk $0xffff, v50  }
0x273: {  	[tilespmem:s14+$0xCEA0] =	vst.add.f32.msk $0xffff, v51  }
0x274: {  	[tilespmem:s14+$0xCEB0] =	vst.add.f32.msk $0xffff, v52  }
0x275: {  	[tilespmem:s14+$0xCEC0] =	vst.add.f32.msk $0xffff, v53  }
0x276: {  	[tilespmem:s14+$0xCED0] =	vst.add.f32.msk $0xffff, v54  }
0x277: {  	[tilespmem:s14+$0xCEE0] =	vst.add.f32.msk $0xffff, v55  }
0x278: {  	[tilespmem:s14+$0xCEF0] =	vst.add.f32.msk $0xffff, v56  }
0x279: {  	[tilespmem:s14+$0xCF00] =	vst.add.f32.msk $0xffff, v57  }
0x27a: {  	[tilespmem:s14+$0xCF10] =	vst.add.f32.msk $0xffff, v58  }
0x27b: {  	[tilespmem:s14+$0xCF20] =	vst.add.f32.msk $0xffff, v59  }
0x27c: {  	[tilespmem:s14+$0xCF30] =	vst.add.f32.msk $0xffff, v60  }
0x27d: {  	[tilespmem:s14+$0xCF40] =	vst.add.f32.msk $0xffff, v61  }
0x27e: {  	s19 =	simm.s32 $0x0;
	s28 =	simm.s32 $0x1000;
	[tilespmem:s14+$0xCF50] =	vst.add.f32.msk $0xffff, v62  }
.LBB2_9:
0x27f: {  	s19 =	sadd.s32 $0x8, s19;
	[tilespmem:s14+$0xCF60] =	vst.add.f32.msk $0xffff, v0;
	s14 =	sshra.s32 s28, $0x2  }
0x280: {  	v0 =	vld [tilespmem:s14+$0x770];
	p1 =	slt.u32 s19, $0xC0  }
0x281: {  	v1 =	vld [tilespmem:s14+$0x380]  }
0x282: {  	v2 =	vld [tilespmem:s14+$0x390]  }
0x283: {  	v3 =	vld [tilespmem:s14+$0x3A0]  }
0x284: {  	v4 =	vld [tilespmem:s14+$0x3B0]  }
0x285: {  	[tilespmem:s14+$0xCF70] =	vst.add.f32.msk $0xffff, v0  }
0x286: {  	v5 =	vld [tilespmem:s14+$0x3C0]  }
0x287: {  	v6 =	vld [tilespmem:s14+$0x3D0]  }
0x288: {  	v7 =	vld [tilespmem:s14+$0x3E0]  }
0x289: {  	v8 =	vld [tilespmem:s14+$0x3F0]  }
0x28a: {  	v9 =	vld [tilespmem:s14+$0x400]  }
0x28b: {  	v10 =	vld [tilespmem:s14+$0x410]  }
0x28c: {  	v11 =	vld [tilespmem:s14+$0x420]  }
0x28d: {  	v12 =	vld [tilespmem:s14+$0x430]  }
0x28e: {  	v13 =	vld [tilespmem:s14+$0x440]  }
0x28f: {  	v14 =	vld [tilespmem:s14+$0x450]  }
0x290: {  	v15 =	vld [tilespmem:s14+$0x460]  }
0x291: {  	v16 =	vld [tilespmem:s14+$0x470]  }
0x292: {  	v17 =	vld [tilespmem:s14+$0x480]  }
0x293: {  	v18 =	vld [tilespmem:s14+$0x490]  }
0x294: {  	v19 =	vld [tilespmem:s14+$0x4A0]  }
0x295: {  	v20 =	vld [tilespmem:s14+$0x4B0]  }
0x296: {  	v21 =	vld [tilespmem:s14+$0x4C0]  }
0x297: {  	v22 =	vld [tilespmem:s14+$0x4D0]  }
0x298: {  	v23 =	vld [tilespmem:s14+$0x4E0]  }
0x299: {  	v24 =	vld [tilespmem:s14+$0x4F0]  }
0x29a: {  	v25 =	vld [tilespmem:s14+$0x500]  }
0x29b: {  	v26 =	vld [tilespmem:s14+$0x510]  }
0x29c: {  	v27 =	vld [tilespmem:s14+$0x520]  }
0x29d: {  	v28 =	vld [tilespmem:s14+$0x530]  }
0x29e: {  	v29 =	vld [tilespmem:s14+$0x540]  }
0x29f: {  	v30 =	vld [tilespmem:s14+$0x550]  }
0x2a0: {  	v31 =	vld [tilespmem:s14+$0x560]  }
0x2a1: {  	v32 =	vld [tilespmem:s14+$0x570]  }
0x2a2: {  	v33 =	vld [tilespmem:s14+$0x580]  }
0x2a3: {  	v34 =	vld [tilespmem:s14+$0x590]  }
0x2a4: {  	v35 =	vld [tilespmem:s14+$0x5A0]  }
0x2a5: {  	v36 =	vld [tilespmem:s14+$0x5B0]  }
0x2a6: {  	v37 =	vld [tilespmem:s14+$0x5C0]  }
0x2a7: {  	v38 =	vld [tilespmem:s14+$0x5D0]  }
0x2a8: {  	v39 =	vld [tilespmem:s14+$0x5E0]  }
0x2a9: {  	v40 =	vld [tilespmem:s14+$0x5F0]  }
0x2aa: {  	v41 =	vld [tilespmem:s14+$0x600]  }
0x2ab: {  	v42 =	vld [tilespmem:s14+$0x610]  }
0x2ac: {  	v43 =	vld [tilespmem:s14+$0x620]  }
0x2ad: {  	v44 =	vld [tilespmem:s14+$0x630]  }
0x2ae: {  	v45 =	vld [tilespmem:s14+$0x640]  }
0x2af: {  	v46 =	vld [tilespmem:s14+$0x650]  }
0x2b0: {  	v47 =	vld [tilespmem:s14+$0x660]  }
0x2b1: {  	v48 =	vld [tilespmem:s14+$0x670]  }
0x2b2: {  	v49 =	vld [tilespmem:s14+$0x680]  }
0x2b3: {  	v50 =	vld [tilespmem:s14+$0x690]  }
0x2b4: {  	v51 =	vld [tilespmem:s14+$0x6A0]  }
0x2b5: {  	v52 =	vld [tilespmem:s14+$0x6B0]  }
0x2b6: {  	v53 =	vld [tilespmem:s14+$0x6C0]  }
0x2b7: {  	v54 =	vld [tilespmem:s14+$0x6D0]  }
0x2b8: {  	v55 =	vld [tilespmem:s14+$0x6E0]  }
0x2b9: {  	v56 =	vld [tilespmem:s14+$0x6F0]  }
0x2ba: {  	v57 =	vld [tilespmem:s14+$0x700]  }
0x2bb: {  	v58 =	vld [tilespmem:s14+$0x710]  }
0x2bc: {  	v59 =	vld [tilespmem:s14+$0x720]  }
0x2bd: {  	v60 =	vld [tilespmem:s14+$0x730]  }
0x2be: {  	v61 =	vld [tilespmem:s14+$0x740]  }
0x2bf: {  	v62 =	vld [tilespmem:s14+$0x750]  }
0x2c0: {  	v0 =	vld [tilespmem:s14+$0x760]  }
0x2c1: {  	[tilespmem:s14+$0xCB80] =	vst.add.f32.msk $0xffff, v1  }
0x2c2: {  	[tilespmem:s14+$0xCB90] =	vst.add.f32.msk $0xffff, v2  }
0x2c3: {  	[tilespmem:s14+$0xCBA0] =	vst.add.f32.msk $0xffff, v3  }
0x2c4: {  	[tilespmem:s14+$0xCBB0] =	vst.add.f32.msk $0xffff, v4  }
0x2c5: {  	[tilespmem:s14+$0xCBC0] =	vst.add.f32.msk $0xffff, v5  }
0x2c6: {  	[tilespmem:s14+$0xCBD0] =	vst.add.f32.msk $0xffff, v6  }
0x2c7: {  	[tilespmem:s14+$0xCBE0] =	vst.add.f32.msk $0xffff, v7  }
0x2c8: {  	[tilespmem:s14+$0xCBF0] =	vst.add.f32.msk $0xffff, v8  }
0x2c9: {  	[tilespmem:s14+$0xCC00] =	vst.add.f32.msk $0xffff, v9  }
0x2ca: {  	[tilespmem:s14+$0xCC10] =	vst.add.f32.msk $0xffff, v10  }
0x2cb: {  	[tilespmem:s14+$0xCC20] =	vst.add.f32.msk $0xffff, v11  }
0x2cc: {  	[tilespmem:s14+$0xCC30] =	vst.add.f32.msk $0xffff, v12  }
0x2cd: {  	[tilespmem:s14+$0xCC40] =	vst.add.f32.msk $0xffff, v13  }
0x2ce: {  	[tilespmem:s14+$0xCC50] =	vst.add.f32.msk $0xffff, v14  }
0x2cf: {  	[tilespmem:s14+$0xCC60] =	vst.add.f32.msk $0xffff, v15  }
0x2d0: {  	[tilespmem:s14+$0xCC70] =	vst.add.f32.msk $0xffff, v16  }
0x2d1: {  	[tilespmem:s14+$0xCC80] =	vst.add.f32.msk $0xffff, v17  }
0x2d2: {  	[tilespmem:s14+$0xCC90] =	vst.add.f32.msk $0xffff, v18  }
0x2d3: {  	[tilespmem:s14+$0xCCA0] =	vst.add.f32.msk $0xffff, v19  }
0x2d4: {  	[tilespmem:s14+$0xCCB0] =	vst.add.f32.msk $0xffff, v20  }
0x2d5: {  	[tilespmem:s14+$0xCCC0] =	vst.add.f32.msk $0xffff, v21  }
0x2d6: {  	[tilespmem:s14+$0xCCD0] =	vst.add.f32.msk $0xffff, v22  }
0x2d7: {  	[tilespmem:s14+$0xCCE0] =	vst.add.f32.msk $0xffff, v23  }
0x2d8: {  	[tilespmem:s14+$0xCCF0] =	vst.add.f32.msk $0xffff, v24  }
0x2d9: {  	[tilespmem:s14+$0xCD00] =	vst.add.f32.msk $0xffff, v25  }
0x2da: {  	[tilespmem:s14+$0xCD10] =	vst.add.f32.msk $0xffff, v26  }
0x2db: {  	[tilespmem:s14+$0xCD20] =	vst.add.f32.msk $0xffff, v27  }
0x2dc: {  	[tilespmem:s14+$0xCD30] =	vst.add.f32.msk $0xffff, v28  }
0x2dd: {  	[tilespmem:s14+$0xCD40] =	vst.add.f32.msk $0xffff, v29  }
0x2de: {  	[tilespmem:s14+$0xCD50] =	vst.add.f32.msk $0xffff, v30  }
0x2df: {  	[tilespmem:s14+$0xCD60] =	vst.add.f32.msk $0xffff, v31  }
0x2e0: {  	[tilespmem:s14+$0xCD70] =	vst.add.f32.msk $0xffff, v32  }
0x2e1: {  	[tilespmem:s14+$0xCD80] =	vst.add.f32.msk $0xffff, v33  }
0x2e2: {  	[tilespmem:s14+$0xCD90] =	vst.add.f32.msk $0xffff, v34  }
0x2e3: {  	[tilespmem:s14+$0xCDA0] =	vst.add.f32.msk $0xffff, v35  }
0x2e4: {  	[tilespmem:s14+$0xCDB0] =	vst.add.f32.msk $0xffff, v36  }
0x2e5: {  	[tilespmem:s14+$0xCDC0] =	vst.add.f32.msk $0xffff, v37  }
0x2e6: {  	[tilespmem:s14+$0xCDD0] =	vst.add.f32.msk $0xffff, v38  }
0x2e7: {  	[tilespmem:s14+$0xCDE0] =	vst.add.f32.msk $0xffff, v39  }
0x2e8: {  	[tilespmem:s14+$0xCDF0] =	vst.add.f32.msk $0xffff, v40  }
0x2e9: {  	[tilespmem:s14+$0xCE00] =	vst.add.f32.msk $0xffff, v41  }
0x2ea: {  	[tilespmem:s14+$0xCE10] =	vst.add.f32.msk $0xffff, v42  }
0x2eb: {  	[tilespmem:s14+$0xCE20] =	vst.add.f32.msk $0xffff, v43  }
0x2ec: {  	[tilespmem:s14+$0xCE30] =	vst.add.f32.msk $0xffff, v44  }
0x2ed: {  	[tilespmem:s14+$0xCE40] =	vst.add.f32.msk $0xffff, v45  }
0x2ee: {  	[tilespmem:s14+$0xCE50] =	vst.add.f32.msk $0xffff, v46  }
0x2ef: {  	[tilespmem:s14+$0xCE60] =	vst.add.f32.msk $0xffff, v47  }
0x2f0: {  	[tilespmem:s14+$0xCE70] =	vst.add.f32.msk $0xffff, v48  }
0x2f1: {  	[tilespmem:s14+$0xCE80] =	vst.add.f32.msk $0xffff, v49  }
0x2f2: {  	[tilespmem:s14+$0xCE90] =	vst.add.f32.msk $0xffff, v50  }
0x2f3: {  	[tilespmem:s14+$0xCEA0] =	vst.add.f32.msk $0xffff, v51  }
0x2f4: {  	[tilespmem:s14+$0xCEB0] =	vst.add.f32.msk $0xffff, v52  }
0x2f5: {  	[tilespmem:s14+$0xCEC0] =	vst.add.f32.msk $0xffff, v53  }
0x2f6: {  	[tilespmem:s14+$0xCED0] =	vst.add.f32.msk $0xffff, v54  }
0x2f7: {  	[tilespmem:s14+$0xCEE0] =	vst.add.f32.msk $0xffff, v55  }
0x2f8: {  	[tilespmem:s14+$0xCEF0] =	vst.add.f32.msk $0xffff, v56  }
0x2f9: {  	[tilespmem:s14+$0xCF00] =	vst.add.f32.msk $0xffff, v57  }
.Ltmp5:
0x2fa: {  	[tilespmem:s14+$0xCF10] =	vst.add.f32.msk $0xffff, v58;
	(pc) =	sbr.rel @p1 .LBB2_9-.Ltmp5, $4  }
0x2fb: {  	[tilespmem:s14+$0xCF20] =	vst.add.f32.msk $0xffff, v59  }
0x2fc: {  	[tilespmem:s14+$0xCF30] =	vst.add.f32.msk $0xffff, v60  }
0x2fd: {  	[tilespmem:s14+$0xCF40] =	vst.add.f32.msk $0xffff, v61  }
0x2fe: {  	s28 =	sadd.s32 $0x1000, s28;
	[tilespmem:s14+$0xCF50] =	vst.add.f32.msk $0xffff, v62  }
0x2ff: {  	s3 =	sadd.s32 s8, s3  }
0x300: {  	s3 =	smul.u32 $0x6400, s3;
	_ =	sdelay $0x1  }
.Ltmp6:
0x301: {  	s3 =	sshrl.u32 s3, $0x3;
	(pc) =	sbr.rel @p0 .LBB2_14-.Ltmp6, $4  }
0x302: {  	[tilespmem:s14+$0xCF60] =	vst.add.f32.msk $0xffff, v0;
	s3 =	sadd.s32 s5, s3  }
0x303: {  	[hbm4b:s3+s6] =	stream.linear.scatter [tilespmem:s21], [sflag:$0x5], $0x3000, $0x38;
	[tilespmem:$0x19380] =	vst v63  }
0x304: {  	s3 =	sadd.s32 $0x600, s3  }
0x305: {  	[hbm4b:s3+s6] =	stream.linear.scatter [tilespmem:s30], [sflag:$0x5], $0x3400, $0x38;
	[tilespmem:$0x19380] =	vst v63  }
0x306: {  	_ =	swait.ge [sflag:s31], $0x6400  }
0x307: {  	s3 =	sadd.s32 $0xFFFFFFFF, s12;
	[sflag:s31] =	ssyncset.done $0x0  }
0x308: {  	s3 =	sand.u32 $0x3, s3;
	[sflag:s31] =	ssyncadd.s32 $0xFFFF9C00  }
0x309: {  	s3 =	smul.u32 $0x320, s3;
	_ =	swait.ge [sflag:s1], $0xC8  }
0x30a: {  	s14 =	sand.u32 $0x3, s12;
	s28 =	sadd.s32 s12, s11;
	[sflag:s1] =	ssyncset.done $0x0  }
0x30b: {  	s14 =	smul.u32 $0x320, s14;
	s3 =	sshrl.u32 s3, $0x2;
	[sflag:s1] =	ssyncadd.s32 $0xFFFFFF38  }
0x30c: {  	[tilespmem:s15], [sflag:$0x1] =	stream.indirect.gather [hbm4b:s4+s16], $0x80, s3, s16, $0xb8;
	[tilespmem:$0x19380] =	vst v63  }
0x30d: {  	s12 =	smul.u32 $0x19, s28;
	s3 =	sadd.s32 $0x68, s3  }
0x30e: {  	[tilespmem:s18], [sflag:$0x1] =	stream.indirect.gather [hbm4b:s4+s17], $0x80, s3, s17, $0xb8;
	[tilespmem:$0x19380] =	vst v63  }
0x30f: {  	s28 =	simm.s32 $0x0;
	s19 =	sshrl.u32 s14, $0x2;
	s12 =	sadd.s32 s7, s12  }
0x310: {  	[tilespmem:s19], [sflag:$0x8] =	stream.linear.gather [hbm4b:s12+s28], $0xC8, $0x38;
	[tilespmem:$0x19380] =	vst v63  }
0x311: {  	_ =	swait.ge [sflag:s2], $0x6400  }
0x312: {  	[sflag:s2] =	ssyncset.done $0x0  }
0x313: {  	s3 =	simm.s32 $0x0;
	[sflag:s2] =	ssyncadd.s32 $0xFFFF9C00  }
0x314: {  	v0 =	vld [tilespmem:s3+$0x770]  }
0x315: {  	v1 =	vld [tilespmem:s3+$0x380]  }
0x316: {  	v2 =	vld [tilespmem:s3+$0x390]  }
0x317: {  	v3 =	vld [tilespmem:s3+$0x3A0]  }
0x318: {  	v4 =	vld [tilespmem:s3+$0x3B0]  }
0x319: {  	v5 =	vld [tilespmem:s3+$0x3C0]  }
0x31a: {  	v6 =	vld [tilespmem:s3+$0x3D0]  }
0x31b: {  	v7 =	vld [tilespmem:s3+$0x3E0]  }
0x31c: {  	v8 =	vld [tilespmem:s3+$0x3F0]  }
0x31d: {  	v9 =	vld [tilespmem:s3+$0x400]  }
0x31e: {  	v10 =	vld [tilespmem:s3+$0x410]  }
0x31f: {  	v11 =	vld [tilespmem:s3+$0x420]  }
0x320: {  	v12 =	vld [tilespmem:s3+$0x430]  }
0x321: {  	v13 =	vld [tilespmem:s3+$0x440]  }
0x322: {  	v14 =	vld [tilespmem:s3+$0x450]  }
0x323: {  	v15 =	vld [tilespmem:s3+$0x460]  }
0x324: {  	v16 =	vld [tilespmem:s3+$0x470]  }
0x325: {  	v17 =	vld [tilespmem:s3+$0x480]  }
0x326: {  	v18 =	vld [tilespmem:s3+$0x490]  }
0x327: {  	v19 =	vld [tilespmem:s3+$0x4A0]  }
0x328: {  	v20 =	vld [tilespmem:s3+$0x4B0]  }
0x329: {  	v21 =	vld [tilespmem:s3+$0x4C0]  }
0x32a: {  	v22 =	vld [tilespmem:s3+$0x4D0]  }
0x32b: {  	v23 =	vld [tilespmem:s3+$0x4E0]  }
0x32c: {  	v24 =	vld [tilespmem:s3+$0x4F0]  }
0x32d: {  	v25 =	vld [tilespmem:s3+$0x500]  }
0x32e: {  	v26 =	vld [tilespmem:s3+$0x510]  }
0x32f: {  	v27 =	vld [tilespmem:s3+$0x520]  }
0x330: {  	v28 =	vld [tilespmem:s3+$0x530]  }
0x331: {  	v29 =	vld [tilespmem:s3+$0x540]  }
0x332: {  	v30 =	vld [tilespmem:s3+$0x550]  }
0x333: {  	v31 =	vld [tilespmem:s3+$0x560]  }
0x334: {  	v32 =	vld [tilespmem:s3+$0x570]  }
0x335: {  	v33 =	vld [tilespmem:s3+$0x580]  }
0x336: {  	v34 =	vld [tilespmem:s3+$0x590]  }
0x337: {  	v35 =	vld [tilespmem:s3+$0x5A0]  }
0x338: {  	v36 =	vld [tilespmem:s3+$0x5B0]  }
0x339: {  	v37 =	vld [tilespmem:s3+$0x5C0]  }
0x33a: {  	v38 =	vld [tilespmem:s3+$0x5D0]  }
0x33b: {  	v39 =	vld [tilespmem:s3+$0x5E0]  }
0x33c: {  	v40 =	vld [tilespmem:s3+$0x5F0]  }
0x33d: {  	v41 =	vld [tilespmem:s3+$0x600]  }
0x33e: {  	v42 =	vld [tilespmem:s3+$0x610]  }
0x33f: {  	v43 =	vld [tilespmem:s3+$0x620]  }
0x340: {  	v44 =	vld [tilespmem:s3+$0x630]  }
0x341: {  	v45 =	vld [tilespmem:s3+$0x640]  }
0x342: {  	v46 =	vld [tilespmem:s3+$0x650]  }
0x343: {  	v47 =	vld [tilespmem:s3+$0x660]  }
0x344: {  	v48 =	vld [tilespmem:s3+$0x670]  }
0x345: {  	v49 =	vld [tilespmem:s3+$0x680]  }
0x346: {  	v50 =	vld [tilespmem:s3+$0x690]  }
0x347: {  	v51 =	vld [tilespmem:s3+$0x6A0]  }
0x348: {  	v52 =	vld [tilespmem:s3+$0x6B0]  }
0x349: {  	v53 =	vld [tilespmem:s3+$0x6C0]  }
0x34a: {  	v54 =	vld [tilespmem:s3+$0x6D0]  }
0x34b: {  	v55 =	vld [tilespmem:s3+$0x6E0]  }
0x34c: {  	v56 =	vld [tilespmem:s3+$0x6F0]  }
0x34d: {  	v57 =	vld [tilespmem:s3+$0x700]  }
0x34e: {  	v58 =	vld [tilespmem:s3+$0x710]  }
0x34f: {  	v59 =	vld [tilespmem:s3+$0x720]  }
0x350: {  	v60 =	vld [tilespmem:s3+$0x730]  }
0x351: {  	v61 =	vld [tilespmem:s3+$0x740]  }
0x352: {  	v62 =	vld [tilespmem:s3+$0x750]  }
0x353: {  	[tilespmem:s3+$0x13370] =	vst.add.f32.msk $0xffff, v0  }
0x354: {  	v0 =	vld [tilespmem:s3+$0x760]  }
0x355: {  	[tilespmem:s3+$0x12F80] =	vst.add.f32.msk $0xffff, v1  }
0x356: {  	[tilespmem:s3+$0x12F90] =	vst.add.f32.msk $0xffff, v2  }
0x357: {  	[tilespmem:s3+$0x12FA0] =	vst.add.f32.msk $0xffff, v3  }
0x358: {  	[tilespmem:s3+$0x12FB0] =	vst.add.f32.msk $0xffff, v4  }
0x359: {  	[tilespmem:s3+$0x12FC0] =	vst.add.f32.msk $0xffff, v5  }
0x35a: {  	[tilespmem:s3+$0x12FD0] =	vst.add.f32.msk $0xffff, v6  }
0x35b: {  	[tilespmem:s3+$0x12FE0] =	vst.add.f32.msk $0xffff, v7  }
0x35c: {  	[tilespmem:s3+$0x12FF0] =	vst.add.f32.msk $0xffff, v8  }
0x35d: {  	[tilespmem:s3+$0x13000] =	vst.add.f32.msk $0xffff, v9  }
0x35e: {  	[tilespmem:s3+$0x13010] =	vst.add.f32.msk $0xffff, v10  }
0x35f: {  	[tilespmem:s3+$0x13020] =	vst.add.f32.msk $0xffff, v11  }
0x360: {  	[tilespmem:s3+$0x13030] =	vst.add.f32.msk $0xffff, v12  }
0x361: {  	[tilespmem:s3+$0x13040] =	vst.add.f32.msk $0xffff, v13  }
0x362: {  	[tilespmem:s3+$0x13050] =	vst.add.f32.msk $0xffff, v14  }
0x363: {  	[tilespmem:s3+$0x13060] =	vst.add.f32.msk $0xffff, v15  }
0x364: {  	[tilespmem:s3+$0x13070] =	vst.add.f32.msk $0xffff, v16  }
0x365: {  	[tilespmem:s3+$0x13080] =	vst.add.f32.msk $0xffff, v17  }
0x366: {  	[tilespmem:s3+$0x13090] =	vst.add.f32.msk $0xffff, v18  }
0x367: {  	[tilespmem:s3+$0x130A0] =	vst.add.f32.msk $0xffff, v19  }
0x368: {  	[tilespmem:s3+$0x130B0] =	vst.add.f32.msk $0xffff, v20  }
0x369: {  	[tilespmem:s3+$0x130C0] =	vst.add.f32.msk $0xffff, v21  }
0x36a: {  	[tilespmem:s3+$0x130D0] =	vst.add.f32.msk $0xffff, v22  }
0x36b: {  	[tilespmem:s3+$0x130E0] =	vst.add.f32.msk $0xffff, v23  }
0x36c: {  	[tilespmem:s3+$0x130F0] =	vst.add.f32.msk $0xffff, v24  }
0x36d: {  	[tilespmem:s3+$0x13100] =	vst.add.f32.msk $0xffff, v25  }
0x36e: {  	[tilespmem:s3+$0x13110] =	vst.add.f32.msk $0xffff, v26  }
0x36f: {  	[tilespmem:s3+$0x13120] =	vst.add.f32.msk $0xffff, v27  }
0x370: {  	[tilespmem:s3+$0x13130] =	vst.add.f32.msk $0xffff, v28  }
0x371: {  	[tilespmem:s3+$0x13140] =	vst.add.f32.msk $0xffff, v29  }
0x372: {  	[tilespmem:s3+$0x13150] =	vst.add.f32.msk $0xffff, v30  }
0x373: {  	[tilespmem:s3+$0x13160] =	vst.add.f32.msk $0xffff, v31  }
0x374: {  	[tilespmem:s3+$0x13170] =	vst.add.f32.msk $0xffff, v32  }
0x375: {  	[tilespmem:s3+$0x13180] =	vst.add.f32.msk $0xffff, v33  }
0x376: {  	[tilespmem:s3+$0x13190] =	vst.add.f32.msk $0xffff, v34  }
0x377: {  	[tilespmem:s3+$0x131A0] =	vst.add.f32.msk $0xffff, v35  }
0x378: {  	[tilespmem:s3+$0x131B0] =	vst.add.f32.msk $0xffff, v36  }
0x379: {  	[tilespmem:s3+$0x131C0] =	vst.add.f32.msk $0xffff, v37  }
0x37a: {  	[tilespmem:s3+$0x131D0] =	vst.add.f32.msk $0xffff, v38  }
0x37b: {  	[tilespmem:s3+$0x131E0] =	vst.add.f32.msk $0xffff, v39  }
0x37c: {  	[tilespmem:s3+$0x131F0] =	vst.add.f32.msk $0xffff, v40  }
0x37d: {  	[tilespmem:s3+$0x13200] =	vst.add.f32.msk $0xffff, v41  }
0x37e: {  	[tilespmem:s3+$0x13210] =	vst.add.f32.msk $0xffff, v42  }
0x37f: {  	[tilespmem:s3+$0x13220] =	vst.add.f32.msk $0xffff, v43  }
0x380: {  	[tilespmem:s3+$0x13230] =	vst.add.f32.msk $0xffff, v44  }
0x381: {  	[tilespmem:s3+$0x13240] =	vst.add.f32.msk $0xffff, v45  }
0x382: {  	[tilespmem:s3+$0x13250] =	vst.add.f32.msk $0xffff, v46  }
0x383: {  	[tilespmem:s3+$0x13260] =	vst.add.f32.msk $0xffff, v47  }
0x384: {  	[tilespmem:s3+$0x13270] =	vst.add.f32.msk $0xffff, v48  }
0x385: {  	[tilespmem:s3+$0x13280] =	vst.add.f32.msk $0xffff, v49  }
0x386: {  	[tilespmem:s3+$0x13290] =	vst.add.f32.msk $0xffff, v50  }
0x387: {  	[tilespmem:s3+$0x132A0] =	vst.add.f32.msk $0xffff, v51  }
0x388: {  	[tilespmem:s3+$0x132B0] =	vst.add.f32.msk $0xffff, v52  }
0x389: {  	[tilespmem:s3+$0x132C0] =	vst.add.f32.msk $0xffff, v53  }
0x38a: {  	[tilespmem:s3+$0x132D0] =	vst.add.f32.msk $0xffff, v54  }
0x38b: {  	[tilespmem:s3+$0x132E0] =	vst.add.f32.msk $0xffff, v55  }
0x38c: {  	[tilespmem:s3+$0x132F0] =	vst.add.f32.msk $0xffff, v56  }
0x38d: {  	[tilespmem:s3+$0x13300] =	vst.add.f32.msk $0xffff, v57  }
0x38e: {  	[tilespmem:s3+$0x13310] =	vst.add.f32.msk $0xffff, v58  }
0x38f: {  	[tilespmem:s3+$0x13320] =	vst.add.f32.msk $0xffff, v59  }
0x390: {  	[tilespmem:s3+$0x13330] =	vst.add.f32.msk $0xffff, v60  }
0x391: {  	[tilespmem:s3+$0x13340] =	vst.add.f32.msk $0xffff, v61  }
0x392: {  	s14 =	simm.s32 $0x1000;
	s12 =	simm.s32 $0x0;
	[tilespmem:s3+$0x13350] =	vst.add.f32.msk $0xffff, v62  }
.LBB2_12:
0x393: {  	s12 =	sadd.s32 $0x8, s12;
	[tilespmem:s3+$0x13360] =	vst.add.f32.msk $0xffff, v0;
	s3 =	sshra.s32 s14, $0x2  }
0x394: {  	v0 =	vld [tilespmem:s3+$0x770];
	p0 =	slt.u32 s12, $0xC0  }
0x395: {  	v1 =	vld [tilespmem:s3+$0x380]  }
0x396: {  	v2 =	vld [tilespmem:s3+$0x390]  }
0x397: {  	v3 =	vld [tilespmem:s3+$0x3A0]  }
0x398: {  	v4 =	vld [tilespmem:s3+$0x3B0]  }
0x399: {  	[tilespmem:s3+$0x13370] =	vst.add.f32.msk $0xffff, v0  }
0x39a: {  	v5 =	vld [tilespmem:s3+$0x3C0]  }
0x39b: {  	v6 =	vld [tilespmem:s3+$0x3D0]  }
0x39c: {  	v7 =	vld [tilespmem:s3+$0x3E0]  }
0x39d: {  	v8 =	vld [tilespmem:s3+$0x3F0]  }
0x39e: {  	v9 =	vld [tilespmem:s3+$0x400]  }
0x39f: {  	v10 =	vld [tilespmem:s3+$0x410]  }
0x3a0: {  	v11 =	vld [tilespmem:s3+$0x420]  }
0x3a1: {  	v12 =	vld [tilespmem:s3+$0x430]  }
0x3a2: {  	v13 =	vld [tilespmem:s3+$0x440]  }
0x3a3: {  	v14 =	vld [tilespmem:s3+$0x450]  }
0x3a4: {  	v15 =	vld [tilespmem:s3+$0x460]  }
0x3a5: {  	v16 =	vld [tilespmem:s3+$0x470]  }
0x3a6: {  	v17 =	vld [tilespmem:s3+$0x480]  }
0x3a7: {  	v18 =	vld [tilespmem:s3+$0x490]  }
0x3a8: {  	v19 =	vld [tilespmem:s3+$0x4A0]  }
0x3a9: {  	v20 =	vld [tilespmem:s3+$0x4B0]  }
0x3aa: {  	v21 =	vld [tilespmem:s3+$0x4C0]  }
0x3ab: {  	v22 =	vld [tilespmem:s3+$0x4D0]  }
0x3ac: {  	v23 =	vld [tilespmem:s3+$0x4E0]  }
0x3ad: {  	v24 =	vld [tilespmem:s3+$0x4F0]  }
0x3ae: {  	v25 =	vld [tilespmem:s3+$0x500]  }
0x3af: {  	v26 =	vld [tilespmem:s3+$0x510]  }
0x3b0: {  	v27 =	vld [tilespmem:s3+$0x520]  }
0x3b1: {  	v28 =	vld [tilespmem:s3+$0x530]  }
0x3b2: {  	v29 =	vld [tilespmem:s3+$0x540]  }
0x3b3: {  	v30 =	vld [tilespmem:s3+$0x550]  }
0x3b4: {  	v31 =	vld [tilespmem:s3+$0x560]  }
0x3b5: {  	v32 =	vld [tilespmem:s3+$0x570]  }
0x3b6: {  	v33 =	vld [tilespmem:s3+$0x580]  }
0x3b7: {  	v34 =	vld [tilespmem:s3+$0x590]  }
0x3b8: {  	v35 =	vld [tilespmem:s3+$0x5A0]  }
0x3b9: {  	v36 =	vld [tilespmem:s3+$0x5B0]  }
0x3ba: {  	v37 =	vld [tilespmem:s3+$0x5C0]  }
0x3bb: {  	v38 =	vld [tilespmem:s3+$0x5D0]  }
0x3bc: {  	v39 =	vld [tilespmem:s3+$0x5E0]  }
0x3bd: {  	v40 =	vld [tilespmem:s3+$0x5F0]  }
0x3be: {  	v41 =	vld [tilespmem:s3+$0x600]  }
0x3bf: {  	v42 =	vld [tilespmem:s3+$0x610]  }
0x3c0: {  	v43 =	vld [tilespmem:s3+$0x620]  }
0x3c1: {  	v44 =	vld [tilespmem:s3+$0x630]  }
0x3c2: {  	v45 =	vld [tilespmem:s3+$0x640]  }
0x3c3: {  	v46 =	vld [tilespmem:s3+$0x650]  }
0x3c4: {  	v47 =	vld [tilespmem:s3+$0x660]  }
0x3c5: {  	v48 =	vld [tilespmem:s3+$0x670]  }
0x3c6: {  	v49 =	vld [tilespmem:s3+$0x680]  }
0x3c7: {  	v50 =	vld [tilespmem:s3+$0x690]  }
0x3c8: {  	v51 =	vld [tilespmem:s3+$0x6A0]  }
0x3c9: {  	v52 =	vld [tilespmem:s3+$0x6B0]  }
0x3ca: {  	v53 =	vld [tilespmem:s3+$0x6C0]  }
0x3cb: {  	v54 =	vld [tilespmem:s3+$0x6D0]  }
0x3cc: {  	v55 =	vld [tilespmem:s3+$0x6E0]  }
0x3cd: {  	v56 =	vld [tilespmem:s3+$0x6F0]  }
0x3ce: {  	v57 =	vld [tilespmem:s3+$0x700]  }
0x3cf: {  	v58 =	vld [tilespmem:s3+$0x710]  }
0x3d0: {  	v59 =	vld [tilespmem:s3+$0x720]  }
0x3d1: {  	v60 =	vld [tilespmem:s3+$0x730]  }
0x3d2: {  	v61 =	vld [tilespmem:s3+$0x740]  }
0x3d3: {  	v62 =	vld [tilespmem:s3+$0x750]  }
0x3d4: {  	v0 =	vld [tilespmem:s3+$0x760]  }
0x3d5: {  	[tilespmem:s3+$0x12F80] =	vst.add.f32.msk $0xffff, v1  }
0x3d6: {  	[tilespmem:s3+$0x12F90] =	vst.add.f32.msk $0xffff, v2  }
0x3d7: {  	[tilespmem:s3+$0x12FA0] =	vst.add.f32.msk $0xffff, v3  }
0x3d8: {  	[tilespmem:s3+$0x12FB0] =	vst.add.f32.msk $0xffff, v4  }
0x3d9: {  	[tilespmem:s3+$0x12FC0] =	vst.add.f32.msk $0xffff, v5  }
0x3da: {  	[tilespmem:s3+$0x12FD0] =	vst.add.f32.msk $0xffff, v6  }
0x3db: {  	[tilespmem:s3+$0x12FE0] =	vst.add.f32.msk $0xffff, v7  }
0x3dc: {  	[tilespmem:s3+$0x12FF0] =	vst.add.f32.msk $0xffff, v8  }
0x3dd: {  	[tilespmem:s3+$0x13000] =	vst.add.f32.msk $0xffff, v9  }
0x3de: {  	[tilespmem:s3+$0x13010] =	vst.add.f32.msk $0xffff, v10  }
0x3df: {  	[tilespmem:s3+$0x13020] =	vst.add.f32.msk $0xffff, v11  }
0x3e0: {  	[tilespmem:s3+$0x13030] =	vst.add.f32.msk $0xffff, v12  }
0x3e1: {  	[tilespmem:s3+$0x13040] =	vst.add.f32.msk $0xffff, v13  }
0x3e2: {  	[tilespmem:s3+$0x13050] =	vst.add.f32.msk $0xffff, v14  }
0x3e3: {  	[tilespmem:s3+$0x13060] =	vst.add.f32.msk $0xffff, v15  }
0x3e4: {  	[tilespmem:s3+$0x13070] =	vst.add.f32.msk $0xffff, v16  }
0x3e5: {  	[tilespmem:s3+$0x13080] =	vst.add.f32.msk $0xffff, v17  }
0x3e6: {  	[tilespmem:s3+$0x13090] =	vst.add.f32.msk $0xffff, v18  }
0x3e7: {  	[tilespmem:s3+$0x130A0] =	vst.add.f32.msk $0xffff, v19  }
0x3e8: {  	[tilespmem:s3+$0x130B0] =	vst.add.f32.msk $0xffff, v20  }
0x3e9: {  	[tilespmem:s3+$0x130C0] =	vst.add.f32.msk $0xffff, v21  }
0x3ea: {  	[tilespmem:s3+$0x130D0] =	vst.add.f32.msk $0xffff, v22  }
0x3eb: {  	[tilespmem:s3+$0x130E0] =	vst.add.f32.msk $0xffff, v23  }
0x3ec: {  	[tilespmem:s3+$0x130F0] =	vst.add.f32.msk $0xffff, v24  }
0x3ed: {  	[tilespmem:s3+$0x13100] =	vst.add.f32.msk $0xffff, v25  }
0x3ee: {  	[tilespmem:s3+$0x13110] =	vst.add.f32.msk $0xffff, v26  }
0x3ef: {  	[tilespmem:s3+$0x13120] =	vst.add.f32.msk $0xffff, v27  }
0x3f0: {  	[tilespmem:s3+$0x13130] =	vst.add.f32.msk $0xffff, v28  }
0x3f1: {  	[tilespmem:s3+$0x13140] =	vst.add.f32.msk $0xffff, v29  }
0x3f2: {  	[tilespmem:s3+$0x13150] =	vst.add.f32.msk $0xffff, v30  }
0x3f3: {  	[tilespmem:s3+$0x13160] =	vst.add.f32.msk $0xffff, v31  }
0x3f4: {  	[tilespmem:s3+$0x13170] =	vst.add.f32.msk $0xffff, v32  }
0x3f5: {  	[tilespmem:s3+$0x13180] =	vst.add.f32.msk $0xffff, v33  }
0x3f6: {  	[tilespmem:s3+$0x13190] =	vst.add.f32.msk $0xffff, v34  }
0x3f7: {  	[tilespmem:s3+$0x131A0] =	vst.add.f32.msk $0xffff, v35  }
0x3f8: {  	[tilespmem:s3+$0x131B0] =	vst.add.f32.msk $0xffff, v36  }
0x3f9: {  	[tilespmem:s3+$0x131C0] =	vst.add.f32.msk $0xffff, v37  }
0x3fa: {  	[tilespmem:s3+$0x131D0] =	vst.add.f32.msk $0xffff, v38  }
0x3fb: {  	[tilespmem:s3+$0x131E0] =	vst.add.f32.msk $0xffff, v39  }
0x3fc: {  	[tilespmem:s3+$0x131F0] =	vst.add.f32.msk $0xffff, v40  }
0x3fd: {  	[tilespmem:s3+$0x13200] =	vst.add.f32.msk $0xffff, v41  }
0x3fe: {  	[tilespmem:s3+$0x13210] =	vst.add.f32.msk $0xffff, v42  }
0x3ff: {  	[tilespmem:s3+$0x13220] =	vst.add.f32.msk $0xffff, v43  }
0x400: {  	[tilespmem:s3+$0x13230] =	vst.add.f32.msk $0xffff, v44  }
0x401: {  	[tilespmem:s3+$0x13240] =	vst.add.f32.msk $0xffff, v45  }
0x402: {  	[tilespmem:s3+$0x13250] =	vst.add.f32.msk $0xffff, v46  }
0x403: {  	[tilespmem:s3+$0x13260] =	vst.add.f32.msk $0xffff, v47  }
0x404: {  	[tilespmem:s3+$0x13270] =	vst.add.f32.msk $0xffff, v48  }
0x405: {  	[tilespmem:s3+$0x13280] =	vst.add.f32.msk $0xffff, v49  }
0x406: {  	[tilespmem:s3+$0x13290] =	vst.add.f32.msk $0xffff, v50  }
0x407: {  	[tilespmem:s3+$0x132A0] =	vst.add.f32.msk $0xffff, v51  }
0x408: {  	[tilespmem:s3+$0x132B0] =	vst.add.f32.msk $0xffff, v52  }
0x409: {  	[tilespmem:s3+$0x132C0] =	vst.add.f32.msk $0xffff, v53  }
0x40a: {  	[tilespmem:s3+$0x132D0] =	vst.add.f32.msk $0xffff, v54  }
0x40b: {  	[tilespmem:s3+$0x132E0] =	vst.add.f32.msk $0xffff, v55  }
0x40c: {  	[tilespmem:s3+$0x132F0] =	vst.add.f32.msk $0xffff, v56  }
0x40d: {  	[tilespmem:s3+$0x13300] =	vst.add.f32.msk $0xffff, v57  }
.Ltmp7:
0x40e: {  	[tilespmem:s3+$0x13310] =	vst.add.f32.msk $0xffff, v58;
	(pc) =	sbr.rel @p0 .LBB2_12-.Ltmp7, $4  }
0x40f: {  	[tilespmem:s3+$0x13320] =	vst.add.f32.msk $0xffff, v59  }
0x410: {  	[tilespmem:s3+$0x13330] =	vst.add.f32.msk $0xffff, v60  }
0x411: {  	[tilespmem:s3+$0x13340] =	vst.add.f32.msk $0xffff, v61  }
0x412: {  	s14 =	sadd.s32 $0x1000, s14;
	[tilespmem:s3+$0x13350] =	vst.add.f32.msk $0xffff, v62  }
0x413: {  	s9 =	sadd.s32 s8, s9  }
0x414: {  	s9 =	smul.u32 $0x6400, s9;
	_ =	sdelay $0x1  }
.Ltmp8:
0x415: {  	s9 =	sshrl.u32 s9, $0x3;
	(pc) =	sbr.rel .LBB2_2-.Ltmp8, $4  }
0x416: {  	[tilespmem:s3+$0x13360] =	vst.add.f32.msk $0xffff, v0;
	s19 =	sadd.s32 s5, s9  }
0x417: {  	[hbm4b:s19+s6] =	stream.linear.scatter [tilespmem:s26], [sflag:$0x6], $0x3000, $0x38;
	[tilespmem:$0x19380] =	vst v63  }
0x418: {  	s28 =	simm.s32 $0x15F80;
	s10 =	sadd.s32 $0x1, s10;
	s3 =	sadd.s32 $0x600, s19  }
0x419: {  	[hbm4b:s3+s6] =	stream.linear.scatter [tilespmem:s28], [sflag:$0x6], $0x3400, $0x38;
	[tilespmem:$0x19380] =	vst v63  }
.LBB2_15:
0x41a: {  	_ =	sfence.sel $0x180000  }
0x41b: {  	[bflag:$0x0] =	sbarrier.arrive $0xFFFF  }
0x41c: {  	_ =	strace $0x90000047  }
0x41d: {  	s0 =	stileid.u32;
	[bflag:$0x2] =	sbarrier.arrive $0xFFFF  }
0x41e: {  	p0 =	sne.s32 s0, $0x0;
	s0 =	rddreg [dreg:$0x5]  }
0x41f: {  	s0 =	sadd.s32 @!p0 $0x100000, s0  }
0x420: {  	[sflag:s0] =	ssyncadd.tile.s32 @!p0 $0x1;
	_ =	shalt  }
.Lfunc_end2:
_tile_overlayer_lowered:
.L_overlay_start_2:
0x421: {  	(tag) =	ssettag $0x2  }
0x422: {  	s0 =	rddreg [dreg:$0x0];
	s2 =	stileid.u32  }
0x423: {  	s1 =	rddreg [dreg:$0x1];
	p0 =	sne.s32 s2, $0x0  }
0x424: {  	s3 =	rddreg [dreg:$0x2];
	[bflag:$0x3] =	sbarrier.arrive $0xFFFF;
	s2 =	simm.s32 @!p0 $0x1C0A  }
0x425: {  	[timem:s3], [sflag:s2] =	dma.local @!p0 [hbm:s0], s1  }
0x426: {  	s0 =	simm.s32 @!p0 $0xA  }
0x427: {  	_ =	swait.ge @!p0 [sflag:s0], s1  }
0x428: {  	s1 =	ssub.s32 @!p0 $0x0, s1;
	[sflag:s0] =	ssyncset.done @!p0 $0x0  }
0x429: {  	[sflag:s0] =	ssyncadd.s32 @!p0 s1  }
0x42a: {  	[bflag:$0x3] =	sbarrier.arrive $0xFFFF  }
0x42b: {  	_ =	shalt  }

</sc_bundles>
